<compile_context>
chip_gen: v7x
topology: tpu7x:2x2x1
jax: 0.10.2.dev20260603
libtpu: 0.0.44.dev20260713+nightly
codegen_flags: <defaults>
</compile_context>

<pallas_src>
import functools

import jax
import jax.numpy as jnp
from jax import lax
from jax.experimental import pallas as pl
from jax.experimental.pallas import tpu as pltpu
from jax.experimental.pallas import tpu_sc as plsc

N_NODES = 10000
FEAT = 128
HF = FEAT // 2
NC = 2
NS = 16
NW = NC * NS
CH = 128
RING = 6
AHEAD = 4

_MESH = plsc.VectorSubcoreMesh(
    core_axis_name="c", subcore_axis_name="s", num_cores=NC, num_subcores=NS)


def _zero_rows(buf, nrows, width):
  zero16 = jnp.zeros((16,), jnp.float32)

  def row(i, _):
    def col(j, _):
      buf[i, pl.ds(j * 16, 16)] = zero16
      return 0
    return lax.fori_loop(0, width // 16, col, 0)

  lax.fori_loop(0, nrows, row, 0)


def _sc_hist(dst):
  e = dst.shape[0]
  ept = e // NW
  n_full = ept // CH
  tail = ept - n_full * CH
  zch = 624

  assert n_full % RING == 0

  @functools.partial(
      pl.kernel,
      out_type=jax.ShapeDtypeStruct((NC * N_NODES,), jnp.float32),
      mesh=_MESH,
      scratch_types=[
          [pltpu.VMEM((CH,), jnp.int32) for _ in range(RING)],
          pltpu.VMEM((tail,), jnp.int32),
          pltpu.VMEM((CH,), jnp.float32),
          pltpu.VMEM((zch,), jnp.float32),
          pltpu.VMEM_SHARED((N_NODES,), jnp.float32),
          [pltpu.SemaphoreType.DMA for _ in range(RING)],
          [pltpu.SemaphoreType.DMA for _ in range(RING)],
      ],
  )
  def hist_kernel(dst_hbm, out_hbm, idxv, tidx_v, ones_v, zbuf, hist_s,
                  ssem, isem):
    cid = lax.axis_index("c")
    sid = lax.axis_index("s")
    wid = sid * NC + cid
    ebase = pl.multiple_of(wid * ept, 8)

    one16 = jnp.ones((16,), jnp.float32)
    zero16 = jnp.zeros((16,), jnp.float32)
    for j in range(CH // 16):
      ones_v[pl.ds(j * 16, 16)] = one16
    def zb(j, _):
      zbuf[pl.ds(j * 16, 16)] = zero16
      return 0
    lax.fori_loop(0, zch // 16, zb, 0)

    pltpu.sync_copy(zbuf, hist_s.at[pl.ds(sid * zch, zch)])
    @pl.when(sid == NS - 1)
    def _():
      pltpu.sync_copy(zbuf.at[pl.ds(0, 16)],
                      hist_s.at[pl.ds(NS * zch, N_NODES - NS * zch)])
    plsc.subcore_barrier()

    def d_start(c, k):
      b = pl.multiple_of(ebase + c * CH, 8)
      pltpu.make_async_copy(dst_hbm.at[pl.ds(b, CH)], idxv[k], isem[k]).start()

    def d_wait(c, k):
      b = pl.multiple_of(ebase + c * CH, 8)
      pltpu.make_async_copy(dst_hbm.at[pl.ds(b, CH)], idxv[k], isem[k]).wait()

    def s_start(k):
      pltpu.make_async_copy(
          ones_v, hist_s.at[idxv[k]], ssem[k]).start(add=True)

    def s_wait(k):
      pltpu.make_async_copy(ones_v, hist_s.at[idxv[k]], ssem[k]).wait()

    for c0 in range(AHEAD):
      d_start(c0, c0)

    def body(o, _):
      for k in range(RING):
        c = RING * o + k
        d_wait(c, k)
        s_start(k)
        kn = (k + AHEAD) % RING
        if k < RING - AHEAD:
          @pl.when(o > 0)
          def _():
            s_wait(kn)
          d_start(c + AHEAD, kn)
        else:
          s_wait(kn)
          @pl.when(o < n_full // RING - 1)
          def _():
            d_start(c + AHEAD, kn)
      return 0
    lax.fori_loop(0, n_full // RING, body, 0)
    s_wait((n_full - 2) % RING)
    s_wait((n_full - 1) % RING)

    if tail:
      base = pl.multiple_of(ebase + n_full * CH, 8)
      pltpu.sync_copy(dst_hbm.at[pl.ds(base, tail)], tidx_v)
      pltpu.sync_copy(ones_v.at[pl.ds(0, tail)], hist_s.at[tidx_v], add=True)

    plsc.subcore_barrier()
    obase = pl.multiple_of(cid * N_NODES + sid * zch, 8)
    pltpu.sync_copy(hist_s.at[pl.ds(sid * zch, zch)], zbuf)
    pltpu.sync_copy(zbuf, out_hbm.at[pl.ds(obase, zch)])
    @pl.when(sid == NS - 1)
    def _():
      tb = pl.multiple_of(cid * N_NODES + NS * zch, 8)
      pltpu.sync_copy(hist_s.at[pl.ds(NS * zch, N_NODES - NS * zch)],
                      ones_v.at[pl.ds(0, N_NODES - NS * zch)])
      pltpu.sync_copy(ones_v.at[pl.ds(0, N_NODES - NS * zch)],
                      out_hbm.at[pl.ds(tb, N_NODES - NS * zch)])

  return hist_kernel(dst)


def _sc_mp(g, src, dst):
  e = src.shape[0]
  ept = e // NS
  n_full = ept // CH
  tail = ept - n_full * CH
  rpt = 624

  assert n_full % RING == 0 and n_full >= 2 * RING
  outer = n_full // RING

  @functools.partial(
      pl.kernel,
      out_type=jax.ShapeDtypeStruct((NC, N_NODES, HF), jnp.float32),
      mesh=_MESH,
      compiler_params=pltpu.CompilerParams(use_tc_tiling_on_sc=False),
      scratch_types=[
          pltpu.VMEM((ept,), jnp.int32),
          [pltpu.VMEM((CH,), jnp.int32) for _ in range(RING)],
          [pltpu.VMEM((CH, HF), jnp.float32) for _ in range(RING)],
          pltpu.VMEM((tail,), jnp.int32),
          pltpu.VMEM_SHARED((N_NODES, HF), jnp.float32),
          [pltpu.SemaphoreType.DMA for _ in range(RING)],
          [pltpu.SemaphoreType.DMA for _ in range(RING)],
          [pltpu.SemaphoreType.DMA for _ in range(RING)],
      ],
  )
  def mp_kernel(g_hbm, src_hbm, dst_hbm, out_hbm,
                srcall, dstv, rows, tdst_v, acc_s, gsem, ssem, isem):
    cid = lax.axis_index("c")
    sid = lax.axis_index("s")
    ebase = pl.multiple_of(sid * ept, 8)
    rows0 = rows[0]

    _zero_rows(rows0, CH, HF)
    r0 = pl.multiple_of(sid * rpt, 8)
    for k in range(rpt // CH):
      pltpu.sync_copy(rows0, acc_s.at[pl.ds(r0 + k * CH, CH)])
    rem = rpt - (rpt // CH) * CH
    if rem:
      pltpu.sync_copy(rows0.at[pl.ds(0, rem)],
                      acc_s.at[pl.ds(r0 + (rpt // CH) * CH, rem)])
    ntail = N_NODES - NS * rpt
    @pl.when(sid == NS - 1)
    def _():
      pltpu.sync_copy(rows0.at[pl.ds(0, ntail)],
                      acc_s.at[pl.ds(NS * rpt, ntail)])

    pltpu.sync_copy(src_hbm.at[pl.ds(ebase, ept)], srcall)
    plsc.subcore_barrier()

    def g_start(c, k):
      pltpu.make_async_copy(
          g_hbm.at[cid].at[srcall.at[pl.ds(pl.multiple_of(c * CH, 8), CH)]],
          rows[k], gsem[k]).start()

    def g_wait(c, k):
      pltpu.make_async_copy(
          g_hbm.at[cid].at[srcall.at[pl.ds(pl.multiple_of(c * CH, 8), CH)]],
          rows[k], gsem[k]).wait()

    def d_start(c, k):
      b = pl.multiple_of(ebase + c * CH, 8)
      pltpu.make_async_copy(dst_hbm.at[pl.ds(b, CH)], dstv[k], isem[k]).start()

    def d_wait(c, k):
      b = pl.multiple_of(ebase + c * CH, 8)
      pltpu.make_async_copy(dst_hbm.at[pl.ds(b, CH)], dstv[k], isem[k]).wait()

    def s_start(k):
      pltpu.make_async_copy(rows[k], acc_s.at[dstv[k]], ssem[k]).start(add=True)

    def s_wait(k):
      pltpu.make_async_copy(rows[k], acc_s.at[dstv[k]], ssem[k]).wait()

    for c0 in range(AHEAD):
      d_start(c0, c0)
      g_start(c0, c0)

    def body(o, _):
      for k in range(RING):
        c = RING * o + k
        g_wait(c, k)
        d_wait(c, k)
        s_start(k)
        kn = (k + AHEAD) % RING
        if k < RING - AHEAD:
          @pl.when(o > 0)
          def _():
            s_wait(kn)
          d_start(c + AHEAD, kn)
          g_start(c + AHEAD, kn)
        else:
          s_wait(kn)
          @pl.when(o < outer - 1)
          def _():
            d_start(c + AHEAD, kn)
            g_start(c + AHEAD, kn)
      return 0
    lax.fori_loop(0, outer, body, 0)
    s_wait((n_full - 2) % RING)
    s_wait((n_full - 1) % RING)

    if tail:
      b = pl.multiple_of(ebase + n_full * CH, 8)
      pltpu.sync_copy(dst_hbm.at[pl.ds(b, tail)], tdst_v)
      pltpu.async_copy(
          g_hbm.at[cid].at[srcall.at[pl.ds(n_full * CH, tail)]],
          rows0.at[pl.ds(0, tail)], gsem[0]).wait()
      pltpu.sync_copy(rows0.at[pl.ds(0, tail)], acc_s.at[tdst_v], add=True)

    plsc.subcore_barrier()
    nw_full = rpt // CH
    rb = pl.multiple_of(r0 + nw_full * CH, 8)
    for k in range(nw_full):
      pltpu.make_async_copy(acc_s.at[pl.ds(r0 + k * CH, CH)], rows[k],
                            gsem[k]).start()
    if rem:
      pltpu.make_async_copy(acc_s.at[pl.ds(rb, rem)],
                            rows[nw_full].at[pl.ds(0, rem)],
                            gsem[nw_full]).start()
    for k in range(nw_full):
      pltpu.make_async_copy(acc_s.at[pl.ds(r0 + k * CH, CH)], rows[k],
                            gsem[k]).wait()
      pltpu.make_async_copy(rows[k], out_hbm.at[cid, pl.ds(r0 + k * CH, CH)],
                            ssem[k]).start()
    if rem:
      pltpu.make_async_copy(acc_s.at[pl.ds(rb, rem)],
                            rows[nw_full].at[pl.ds(0, rem)],
                            gsem[nw_full]).wait()
      pltpu.make_async_copy(rows[nw_full].at[pl.ds(0, rem)],
                            out_hbm.at[cid, pl.ds(rb, rem)],
                            ssem[nw_full]).start()
    @pl.when(sid == NS - 1)
    def _():
      pltpu.sync_copy(acc_s.at[pl.ds(NS * rpt, ntail)],
                      rows[RING - 1].at[pl.ds(0, ntail)])
      pltpu.sync_copy(rows[RING - 1].at[pl.ds(0, ntail)],
                      out_hbm.at[cid, pl.ds(NS * rpt, ntail)])
    for k in range(nw_full):
      pltpu.make_async_copy(rows[k], out_hbm.at[cid, pl.ds(r0 + k * CH, CH)],
                            ssem[k]).wait()
    if rem:
      pltpu.make_async_copy(rows[nw_full].at[pl.ds(0, rem)],
                            out_hbm.at[cid, pl.ds(rb, rem)],
                            ssem[nw_full]).wait()

  return mp_kernel(g, src, dst)


_R = 2000


def _tc_scale_matmul(hist_t, x, W1):
  def body(hist_ref, x_ref, w_ref, g_ref, dinv_ref):
    deg = hist_ref[:, 0:1] + hist_ref[:, 1:2] + 1.0
    dinv = lax.rsqrt(deg)
    dinv_ref[...] = dinv
    t = dinv * jnp.dot(x_ref[...], w_ref[...],
                       preferred_element_type=jnp.float32)
    g_ref[0] = t[:, :HF]
    g_ref[1] = t[:, HF:]

  return pl.pallas_call(
      body,
      grid=(N_NODES // _R,),
      in_specs=[
          pl.BlockSpec((_R, NC), lambda i: (i, 0)),
          pl.BlockSpec((_R, FEAT), lambda i: (i, 0)),
          pl.BlockSpec((FEAT, FEAT), lambda i: (0, 0)),
      ],
      out_specs=[
          pl.BlockSpec((NC, _R, HF), lambda i: (0, i, 0)),
          pl.BlockSpec((_R, 1), lambda i: (i, 0)),
      ],
      out_shape=[
          jax.ShapeDtypeStruct((NC, N_NODES, HF), jnp.float32),
          jax.ShapeDtypeStruct((N_NODES, 1), jnp.float32),
      ],
  )(hist_t, x, W1)


def _tc_layer1_matmul2(acc, g1s, dinv, b1, W2):
  def body(acc_ref, g_ref, dinv_ref, b_ref, w_ref, o_ref):
    m = jnp.concatenate(
        [acc_ref[0] + g_ref[0], acc_ref[1] + g_ref[1]], axis=-1)
    h = jnp.maximum(dinv_ref[...] * m + b_ref[...], 0.0)
    t = dinv_ref[...] * jnp.dot(h, w_ref[...],
                                preferred_element_type=jnp.float32)
    o_ref[0] = t[:, :HF]
    o_ref[1] = t[:, HF:]

  return pl.pallas_call(
      body,
      grid=(N_NODES // _R,),
      in_specs=[
          pl.BlockSpec((NC, _R, HF), lambda i: (0, i, 0)),
          pl.BlockSpec((NC, _R, HF), lambda i: (0, i, 0)),
          pl.BlockSpec((_R, 1), lambda i: (i, 0)),
          pl.BlockSpec((1, FEAT), lambda i: (0, 0)),
          pl.BlockSpec((FEAT, FEAT), lambda i: (0, 0)),
      ],
      out_specs=pl.BlockSpec((NC, _R, HF), lambda i: (0, i, 0)),
      out_shape=jax.ShapeDtypeStruct((NC, N_NODES, HF), jnp.float32),
  )(acc, g1s, dinv, b1, W2)


def _tc_layer2_logsoftmax(acc, g2s, dinv, b2):
  def body(acc_ref, g_ref, dinv_ref, b_ref, o_ref):
    m = jnp.concatenate(
        [acc_ref[0] + g_ref[0], acc_ref[1] + g_ref[1]], axis=-1)
    z = dinv_ref[...] * m + b_ref[...]
    zm = jnp.max(z, axis=-1, keepdims=True)
    ez = jnp.exp(z - zm)
    o_ref[...] = z - zm - jnp.log(jnp.sum(ez, axis=-1, keepdims=True))

  return pl.pallas_call(
      body,
      grid=(N_NODES // _R,),
      in_specs=[
          pl.BlockSpec((NC, _R, HF), lambda i: (0, i, 0)),
          pl.BlockSpec((NC, _R, HF), lambda i: (0, i, 0)),
          pl.BlockSpec((_R, 1), lambda i: (i, 0)),
          pl.BlockSpec((1, FEAT), lambda i: (0, 0)),
      ],
      out_specs=pl.BlockSpec((_R, FEAT), lambda i: (i, 0)),
      out_shape=jax.ShapeDtypeStruct((N_NODES, FEAT), jnp.float32),
  )(acc, g2s, dinv, b2)


def kernel(x, edge_index, W1, b1, W2, b2):
  ei = edge_index.astype(jnp.int32)
  src, dst = ei[0], ei[1]

  hist = _sc_hist(dst).reshape(NC, N_NODES)
  hist_t = hist.T
  g1s, dinv = _tc_scale_matmul(hist_t, x, W1)
  acc1 = _sc_mp(g1s, src, dst)
  g2s = _tc_layer1_matmul2(acc1, g1s, dinv, b1.reshape(1, FEAT), W2)
  acc2 = _sc_mp(g2s, src, dst)
  return _tc_layer2_logsoftmax(acc2, g2s, dinv, b2.reshape(1, FEAT))

# --- scband reference (transcript-rebuilt; emitter-appended) ---
"""Pipeline reference for scband-gcnnet-14551349199045 (READ-ONLY COPY).

The authoritative reference and input builder live on the scoring server;
editing this copy changes nothing except your own understanding.
"""

import jax, jax.numpy as jnp
import numpy as np

N_NODES = 10000

def gcn_conv(x, edge_index, W, b):
    n = x.shape[0]
    h = x @ W
    src = edge_index[0]
    dst = edge_index[1]
    loop = jnp.arange(n, dtype=src.dtype)
    src = jnp.concatenate([src, loop])
    dst = jnp.concatenate([dst, loop])
    deg = jnp.zeros((n,), dtype=h.dtype).at[dst].add(1.0)
    dinv = jnp.where(deg > 0, jax.lax.rsqrt(deg), 0.0)
    norm = dinv[src] * dinv[dst]
    msg = h[src] * norm[:, None]
    out = jnp.zeros_like(h).at[dst].add(msg)
    return out + b


def setup_inputs(seed: int = 0) -> dict:
    key = jax.random.key(seed)
    k1, k2, k3, k4, k5, k6 = jax.random.split(key, 6)
    x = jax.random.normal(k1, (N_NODES, 128), dtype=jnp.float32)
    edge_index = jax.random.randint(k2, (2, 320000), 0, N_NODES, dtype=jnp.int64)
    W1 = jax.random.normal(k3, (128, 128), dtype=jnp.float32) * (1.0 / np.sqrt(128))
    b1 = jnp.zeros((128,), dtype=jnp.float32)
    W2 = jax.random.normal(k4, (128, 128), dtype=jnp.float32) * (1.0 / np.sqrt(128))
    b2 = jnp.zeros((128,), dtype=jnp.float32)
    return {"x": x, "edge_index": edge_index, "W1": W1, "b1": b1, "W2": W2, "b2": b2}


def reference(x, edge_index, W1, b1, W2, b2):
    # GCNNet.forward: conv1 -> relu -> dropout(eval: identity) -> conv2 -> log_softmax
    h = jax.nn.relu(gcn_conv(x, edge_index, W1, b1))
    out = gcn_conv(h, edge_index, W2, b2)
    return jax.nn.log_softmax(out, axis=-1)

if __name__ == "__main__":
    import jax
    _d = setup_inputs()
    print(jax.jit(kernel)(*tuple(_d.values())))

</pallas_src>

<mosaic_0001>
#map = affine_map<(d0, d1) -> (0, 0, 0)>
#map1 = affine_map<(d0, d1) -> (0)>
module attributes {stable_mosaic.version = 14 : i64} {
  func.func @mp_kernel(%arg0: i32, %arg1: i32, %arg2: memref<2x10000x64xf32, #tpu.memory_space<hbm>>, %arg3: memref<320000xi32, #tpu.memory_space<hbm>>, %arg4: memref<320000xi32, #tpu.memory_space<hbm>>, %arg5: memref<2x10000x64xf32, #tpu.memory_space<hbm>>, %arg6: memref<20000xi32, #tpu.memory_space<vmem>>, %arg7: memref<128xi32, #tpu.memory_space<vmem>>, %arg8: memref<128xi32, #tpu.memory_space<vmem>>, %arg9: memref<128xi32, #tpu.memory_space<vmem>>, %arg10: memref<128xi32, #tpu.memory_space<vmem>>, %arg11: memref<128xi32, #tpu.memory_space<vmem>>, %arg12: memref<128xi32, #tpu.memory_space<vmem>>, %arg13: memref<128x64xf32, #tpu.memory_space<vmem>>, %arg14: memref<128x64xf32, #tpu.memory_space<vmem>>, %arg15: memref<128x64xf32, #tpu.memory_space<vmem>>, %arg16: memref<128x64xf32, #tpu.memory_space<vmem>>, %arg17: memref<128x64xf32, #tpu.memory_space<vmem>>, %arg18: memref<128x64xf32, #tpu.memory_space<vmem>>, %arg19: memref<32xi32, #tpu.memory_space<vmem>>, %arg20: memref<10000x64xf32, #tpu.memory_space<vmem_shared>>, %arg21: memref<!tpu.dma_semaphore, #tpu.memory_space<semaphore_mem>>, %arg22: memref<!tpu.dma_semaphore, #tpu.memory_space<semaphore_mem>>, %arg23: memref<!tpu.dma_semaphore, #tpu.memory_space<semaphore_mem>>, %arg24: memref<!tpu.dma_semaphore, #tpu.memory_space<semaphore_mem>>, %arg25: memref<!tpu.dma_semaphore, #tpu.memory_space<semaphore_mem>>, %arg26: memref<!tpu.dma_semaphore, #tpu.memory_space<semaphore_mem>>, %arg27: memref<!tpu.dma_semaphore, #tpu.memory_space<semaphore_mem>>, %arg28: memref<!tpu.dma_semaphore, #tpu.memory_space<semaphore_mem>>, %arg29: memref<!tpu.dma_semaphore, #tpu.memory_space<semaphore_mem>>, %arg30: memref<!tpu.dma_semaphore, #tpu.memory_space<semaphore_mem>>, %arg31: memref<!tpu.dma_semaphore, #tpu.memory_space<semaphore_mem>>, %arg32: memref<!tpu.dma_semaphore, #tpu.memory_space<semaphore_mem>>, %arg33: memref<!tpu.dma_semaphore, #tpu.memory_space<semaphore_mem>>, %arg34: memref<!tpu.dma_semaphore, #tpu.memory_space<semaphore_mem>>, %arg35: memref<!tpu.dma_semaphore, #tpu.memory_space<semaphore_mem>>, %arg36: memref<!tpu.dma_semaphore, #tpu.memory_space<semaphore_mem>>, %arg37: memref<!tpu.dma_semaphore, #tpu.memory_space<semaphore_mem>>, %arg38: memref<!tpu.dma_semaphore, #tpu.memory_space<semaphore_mem>>) attributes {dimension_semantics = [#tpu.dimension_semantics<core_parallel>, #tpu.dimension_semantics<subcore_parallel>], iteration_bounds = array<i64: 2, 16>, scalar_prefetch = 0 : i64, scratch_operands = 33 : i64, tpu.core_type = #tpu.core_type<sc_vector_subcore>, window_params = [{transform_indices = #map}, {transform_indices = #map1}, {transform_indices = #map1}, {transform_indices = #map}]} {
    %mul3A = arith.constant 20000 : i32
    %mul3A_0 = arith.muli %arg1, %mul3A : i32
    %multiple_of3A = tpu.assume_multiple %mul3A_0, 8 : i32
    %broadcast_in_dim3A = arith.constant 0.000000e+00 : f32
    %broadcast_in_dim3A_1 = vector.broadcast %broadcast_in_dim3A : f32 to vector<16xf32>
    %scan3A = arith.constant 0 : i32
    %scan3A_2 = arith.constant 0 : i32
    %scan3A_3 = arith.constant 128 : i32
    %scan3A_4 = arith.addi %scan3A_2, %scan3A_3 : i32
    %scan3A_5 = arith.constant 1 : i32
    %scan3A_6 = scf.for %scan3A_285 = %scan3A_2 to %scan3A_4 step %scan3A_5 iter_args(%scan3A_286 = %scan3A) -> (i32)  : i32 {
      %scan3A_287 = arith.constant 0 : i32
      %scan3A_288 = arith.constant 0 : i32
      %scan3A_289 = arith.constant 4 : i32
      %scan3A_290 = arith.addi %scan3A_288, %scan3A_289 : i32
      %scan3A_291 = arith.constant 1 : i32
      %scan3A_292 = scf.for %scan3A_294 = %scan3A_288 to %scan3A_290 step %scan3A_291 iter_args(%scan3A_295 = %scan3A_287) -> (i32)  : i32 {
        %mul3A_296 = arith.constant 16 : i32
        %mul3A_297 = arith.muli %scan3A_294, %mul3A_296 : i32
        %swap3A = arith.index_cast %scan3A_285 : i32 to index
        %swap3A_298 = arith.index_cast %mul3A_297 : i32 to index
        %swap3A_299 = tpu.vector_load %arg13[%swap3A, %swap3A_298] {strides = array<i32>} : memref<128x64xf32, #tpu.memory_space<vmem>>, vector<1x16xf32>,
        %swap3A_300 = vector.shape_cast %swap3A_299 : vector<1x16xf32> to vector<16xf32>
        %swap3A_301 = vector.shape_cast %broadcast_in_dim3A_1 : vector<16xf32> to vector<1x16xf32>
        tpu.vector_store %arg13[%swap3A, %swap3A_298], %swap3A_301 {strides = array<i32>} : memref<128x64xf32, #tpu.memory_space<vmem>>, vector<1x16xf32>,
        %scan3A_302 = arith.constant 0 : i32
        scf.yield %scan3A_302 : i32
      }
      %scan3A_293 = arith.constant 4 : i32
      scf.yield %scan3A_292 : i32
    }
    %scan3A_7 = arith.constant 128 : i32
    %mul3A_8 = arith.constant 624 : i32
    %mul3A_9 = arith.muli %arg1, %mul3A_8 : i32
    %multiple_of3A_10 = tpu.assume_multiple %mul3A_9, 8 : i32
    %add3A = arith.constant 0 : i32
    %add3A_11 = arith.addi %multiple_of3A_10, %add3A : i32
    "tpu.region"() ({
      %run_scoped3A = tpu.sem_alloc : memref<!tpu.dma_semaphore, #tpu.memory_space<semaphore_mem>>
      %dma_start3A_285 = arith.constant 0 : i32
      %dma_start3A_286 = tpu.memref_slice %arg20[%add3A_11, %dma_start3A_285] : memref<10000x64xf32, #tpu.memory_space<vmem_shared>> -> memref<128x64xf32, #tpu.memory_space<vmem_shared>>
      %dma_start3A_287 = arith.constant 0 : i32
      %dma_start3A_288 = tpu.memref_slice %arg20[%add3A_11, %dma_start3A_287] : memref<10000x64xf32, #tpu.memory_space<vmem_shared>> -> memref<128x64xf32, #tpu.memory_space<vmem_shared>>
      tpu.enqueue_dma source(%arg13 : memref<128x64xf32, #tpu.memory_space<vmem>>) target(%dma_start3A_288 : memref<128x64xf32, #tpu.memory_space<vmem_shared>>) target_semaphore(%run_scoped3A : memref<!tpu.dma_semaphore, #tpu.memory_space<semaphore_mem>>)
      %dma_wait3A_289 = arith.constant 0 : i32
      %dma_wait3A_290 = tpu.memref_slice %arg20[%add3A_11, %dma_wait3A_289] : memref<10000x64xf32, #tpu.memory_space<vmem_shared>> -> memref<128x64xf32, #tpu.memory_space<vmem_shared>>
      %dma_wait3A_291 = arith.constant 0 : i32
      %dma_wait3A_292 = tpu.memref_slice %arg20[%add3A_11, %dma_wait3A_291] : memref<10000x64xf32, #tpu.memory_space<vmem_shared>> -> memref<128x64xf32, #tpu.memory_space<vmem_shared>>
      tpu.wait_dma2 semaphore(%run_scoped3A : memref<!tpu.dma_semaphore, #tpu.memory_space<semaphore_mem>>) src(%arg13 : memref<128x64xf32, #tpu.memory_space<vmem>>) dst(%dma_wait3A_292 : memref<128x64xf32, #tpu.memory_space<vmem_shared>>)
      tpu.yield
    }) : () -> ()
    %add3A_12 = arith.constant 128 : i32
    %add3A_13 = arith.addi %multiple_of3A_10, %add3A_12 : i32
    "tpu.region"() ({
      %run_scoped3A = tpu.sem_alloc : memref<!tpu.dma_semaphore, #tpu.memory_space<semaphore_mem>>
      %dma_start3A_285 = arith.constant 0 : i32
      %dma_start3A_286 = tpu.memref_slice %arg20[%add3A_13, %dma_start3A_285] : memref<10000x64xf32, #tpu.memory_space<vmem_shared>> -> memref<128x64xf32, #tpu.memory_space<vmem_shared>>
      %dma_start3A_287 = arith.constant 0 : i32
      %dma_start3A_288 = tpu.memref_slice %arg20[%add3A_13, %dma_start3A_287] : memref<10000x64xf32, #tpu.memory_space<vmem_shared>> -> memref<128x64xf32, #tpu.memory_space<vmem_shared>>
      tpu.enqueue_dma source(%arg13 : memref<128x64xf32, #tpu.memory_space<vmem>>) target(%dma_start3A_288 : memref<128x64xf32, #tpu.memory_space<vmem_shared>>) target_semaphore(%run_scoped3A : memref<!tpu.dma_semaphore, #tpu.memory_space<semaphore_mem>>)
      %dma_wait3A_289 = arith.constant 0 : i32
      %dma_wait3A_290 = tpu.memref_slice %arg20[%add3A_13, %dma_wait3A_289] : memref<10000x64xf32, #tpu.memory_space<vmem_shared>> -> memref<128x64xf32, #tpu.memory_space<vmem_shared>>
      %dma_wait3A_291 = arith.constant 0 : i32
      %dma_wait3A_292 = tpu.memref_slice %arg20[%add3A_13, %dma_wait3A_291] : memref<10000x64xf32, #tpu.memory_space<vmem_shared>> -> memref<128x64xf32, #tpu.memory_space<vmem_shared>>
      tpu.wait_dma2 semaphore(%run_scoped3A : memref<!tpu.dma_semaphore, #tpu.memory_space<semaphore_mem>>) src(%arg13 : memref<128x64xf32, #tpu.memory_space<vmem>>) dst(%dma_wait3A_292 : memref<128x64xf32, #tpu.memory_space<vmem_shared>>)
      tpu.yield
    }) : () -> ()
    %add3A_14 = arith.constant 256 : i32
    %add3A_15 = arith.addi %multiple_of3A_10, %add3A_14 : i32
    "tpu.region"() ({
      %run_scoped3A = tpu.sem_alloc : memref<!tpu.dma_semaphore, #tpu.memory_space<semaphore_mem>>
      %dma_start3A_285 = arith.constant 0 : i32
      %dma_start3A_286 = tpu.memref_slice %arg20[%add3A_15, %dma_start3A_285] : memref<10000x64xf32, #tpu.memory_space<vmem_shared>> -> memref<128x64xf32, #tpu.memory_space<vmem_shared>>
      %dma_start3A_287 = arith.constant 0 : i32
      %dma_start3A_288 = tpu.memref_slice %arg20[%add3A_15, %dma_start3A_287] : memref<10000x64xf32, #tpu.memory_space<vmem_shared>> -> memref<128x64xf32, #tpu.memory_space<vmem_shared>>
      tpu.enqueue_dma source(%arg13 : memref<128x64xf32, #tpu.memory_space<vmem>>) target(%dma_start3A_288 : memref<128x64xf32, #tpu.memory_space<vmem_shared>>) target_semaphore(%run_scoped3A : memref<!tpu.dma_semaphore, #tpu.memory_space<semaphore_mem>>)
      %dma_wait3A_289 = arith.constant 0 : i32
      %dma_wait3A_290 = tpu.memref_slice %arg20[%add3A_15, %dma_wait3A_289] : memref<10000x64xf32, #tpu.memory_space<vmem_shared>> -> memref<128x64xf32, #tpu.memory_space<vmem_shared>>
      %dma_wait3A_291 = arith.constant 0 : i32
      %dma_wait3A_292 = tpu.memref_slice %arg20[%add3A_15, %dma_wait3A_291] : memref<10000x64xf32, #tpu.memory_space<vmem_shared>> -> memref<128x64xf32, #tpu.memory_space<vmem_shared>>
      tpu.wait_dma2 semaphore(%run_scoped3A : memref<!tpu.dma_semaphore, #tpu.memory_space<semaphore_mem>>) src(%arg13 : memref<128x64xf32, #tpu.memory_space<vmem>>) dst(%dma_wait3A_292 : memref<128x64xf32, #tpu.memory_space<vmem_shared>>)
      tpu.yield
    }) : () -> ()
    %add3A_16 = arith.constant 384 : i32
    %add3A_17 = arith.addi %multiple_of3A_10, %add3A_16 : i32
    "tpu.region"() ({
      %run_scoped3A = tpu.sem_alloc : memref<!tpu.dma_semaphore, #tpu.memory_space<semaphore_mem>>
      %dma_start3A_285 = arith.constant 0 : i32
      %dma_start3A_286 = tpu.memref_slice %arg20[%add3A_17, %dma_start3A_285] : memref<10000x64xf32, #tpu.memory_space<vmem_shared>> -> memref<128x64xf32, #tpu.memory_space<vmem_shared>>
      %dma_start3A_287 = arith.constant 0 : i32
      %dma_start3A_288 = tpu.memref_slice %arg20[%add3A_17, %dma_start3A_287] : memref<10000x64xf32, #tpu.memory_space<vmem_shared>> -> memref<128x64xf32, #tpu.memory_space<vmem_shared>>
      tpu.enqueue_dma source(%arg13 : memref<128x64xf32, #tpu.memory_space<vmem>>) target(%dma_start3A_288 : memref<128x64xf32, #tpu.memory_space<vmem_shared>>) target_semaphore(%run_scoped3A : memref<!tpu.dma_semaphore, #tpu.memory_space<semaphore_mem>>)
      %dma_wait3A_289 = arith.constant 0 : i32
      %dma_wait3A_290 = tpu.memref_slice %arg20[%add3A_17, %dma_wait3A_289] : memref<10000x64xf32, #tpu.memory_space<vmem_shared>> -> memref<128x64xf32, #tpu.memory_space<vmem_shared>>
      %dma_wait3A_291 = arith.constant 0 : i32
      %dma_wait3A_292 = tpu.memref_slice %arg20[%add3A_17, %dma_wait3A_291] : memref<10000x64xf32, #tpu.memory_space<vmem_shared>> -> memref<128x64xf32, #tpu.memory_space<vmem_shared>>
      tpu.wait_dma2 semaphore(%run_scoped3A : memref<!tpu.dma_semaphore, #tpu.memory_space<semaphore_mem>>) src(%arg13 : memref<128x64xf32, #tpu.memory_space<vmem>>) dst(%dma_wait3A_292 : memref<128x64xf32, #tpu.memory_space<vmem_shared>>)
      tpu.yield
    }) : () -> ()
    %add3A_18 = arith.constant 512 : i32
    %add3A_19 = arith.addi %multiple_of3A_10, %add3A_18 : i32
    "tpu.region"() ({
      %run_scoped3A = tpu.sem_alloc : memref<!tpu.dma_semaphore, #tpu.memory_space<semaphore_mem>>
      %dma_start3A_285 = arith.constant 0 : i32
      %dma_start3A_286 = arith.constant 0 : i32
      %dma_start3A_287 = tpu.memref_slice %arg13[%dma_start3A_285, %dma_start3A_286] : memref<128x64xf32, #tpu.memory_space<vmem>> -> memref<112x64xf32, #tpu.memory_space<vmem>>
      %dma_start3A_288 = arith.constant 0 : i32
      %dma_start3A_289 = tpu.memref_slice %arg20[%add3A_19, %dma_start3A_288] : memref<10000x64xf32, #tpu.memory_space<vmem_shared>> -> memref<112x64xf32, #tpu.memory_space<vmem_shared>>
      %dma_start3A_290 = arith.constant 0 : i32
      %dma_start3A_291 = tpu.memref_slice %arg20[%add3A_19, %dma_start3A_290] : memref<10000x64xf32, #tpu.memory_space<vmem_shared>> -> memref<112x64xf32, #tpu.memory_space<vmem_shared>>
      %dma_start3A_292 = arith.constant 0 : i32
      %dma_start3A_293 = arith.constant 0 : i32
      %dma_start3A_294 = tpu.memref_slice %arg13[%dma_start3A_292, %dma_start3A_293] : memref<128x64xf32, #tpu.memory_space<vmem>> -> memref<112x64xf32, #tpu.memory_space<vmem>>
      tpu.enqueue_dma source(%dma_start3A_294 : memref<112x64xf32, #tpu.memory_space<vmem>>) target(%dma_start3A_291 : memref<112x64xf32, #tpu.memory_space<vmem_shared>>) target_semaphore(%run_scoped3A : memref<!tpu.dma_semaphore, #tpu.memory_space<semaphore_mem>>)
      %dma_wait3A_295 = arith.constant 0 : i32
      %dma_wait3A_296 = arith.constant 0 : i32
      %dma_wait3A_297 = tpu.memref_slice %arg13[%dma_wait3A_295, %dma_wait3A_296] : memref<128x64xf32, #tpu.memory_space<vmem>> -> memref<112x64xf32, #tpu.memory_space<vmem>>
      %dma_wait3A_298 = arith.constant 0 : i32
      %dma_wait3A_299 = tpu.memref_slice %arg20[%add3A_19, %dma_wait3A_298] : memref<10000x64xf32, #tpu.memory_space<vmem_shared>> -> memref<112x64xf32, #tpu.memory_space<vmem_shared>>
      %dma_wait3A_300 = arith.constant 0 : i32
      %dma_wait3A_301 = tpu.memref_slice %arg20[%add3A_19, %dma_wait3A_300] : memref<10000x64xf32, #tpu.memory_space<vmem_shared>> -> memref<112x64xf32, #tpu.memory_space<vmem_shared>>
      %dma_wait3A_302 = arith.constant 0 : i32
      %dma_wait3A_303 = arith.constant 0 : i32
      %dma_wait3A_304 = tpu.memref_slice %arg13[%dma_wait3A_302, %dma_wait3A_303] : memref<128x64xf32, #tpu.memory_space<vmem>> -> memref<112x64xf32, #tpu.memory_space<vmem>>
      tpu.wait_dma2 semaphore(%run_scoped3A : memref<!tpu.dma_semaphore, #tpu.memory_space<semaphore_mem>>) src(%dma_wait3A_304 : memref<112x64xf32, #tpu.memory_space<vmem>>) dst(%dma_wait3A_301 : memref<112x64xf32, #tpu.memory_space<vmem_shared>>)
      tpu.yield
    }) : () -> ()
    %eq3A = arith.constant 15 : i32
    %eq3A_20 = arith.cmpi eq, %arg1, %eq3A : i32
    %convert_element_type3A = arith.extui %eq3A_20 : i1 to i32
    %cond3A = arith.constant 0 : i32
    %cond3A_21 = arith.cmpi ne, %convert_element_type3A, %cond3A : i32
    scf.if %cond3A_21 {
      "tpu.region"() ({
        %run_scoped3A = tpu.sem_alloc : memref<!tpu.dma_semaphore, #tpu.memory_space<semaphore_mem>>
        %dma_start3A_285 = arith.constant 0 : i32
        %dma_start3A_286 = arith.constant 0 : i32
        %dma_start3A_287 = tpu.memref_slice %arg13[%dma_start3A_285, %dma_start3A_286] : memref<128x64xf32, #tpu.memory_space<vmem>> -> memref<16x64xf32, #tpu.memory_space<vmem>>
        %dma_start3A_288 = arith.constant 9984 : i32
        %dma_start3A_289 = arith.constant 0 : i32
        %dma_start3A_290 = tpu.memref_slice %arg20[%dma_start3A_288, %dma_start3A_289] : memref<10000x64xf32, #tpu.memory_space<vmem_shared>> -> memref<16x64xf32, #tpu.memory_space<vmem_shared>>
        %dma_start3A_291 = arith.constant 9984 : i32
        %dma_start3A_292 = arith.constant 0 : i32
        %dma_start3A_293 = tpu.memref_slice %arg20[%dma_start3A_291, %dma_start3A_292] : memref<10000x64xf32, #tpu.memory_space<vmem_shared>> -> memref<16x64xf32, #tpu.memory_space<vmem_shared>>
        %dma_start3A_294 = arith.constant 0 : i32
        %dma_start3A_295 = arith.constant 0 : i32
        %dma_start3A_296 = tpu.memref_slice %arg13[%dma_start3A_294, %dma_start3A_295] : memref<128x64xf32, #tpu.memory_space<vmem>> -> memref<16x64xf32, #tpu.memory_space<vmem>>
        tpu.enqueue_dma source(%dma_start3A_296 : memref<16x64xf32, #tpu.memory_space<vmem>>) target(%dma_start3A_293 : memref<16x64xf32, #tpu.memory_space<vmem_shared>>) target_semaphore(%run_scoped3A : memref<!tpu.dma_semaphore, #tpu.memory_space<semaphore_mem>>)
        %dma_wait3A_297 = arith.constant 0 : i32
        %dma_wait3A_298 = arith.constant 0 : i32
        %dma_wait3A_299 = tpu.memref_slice %arg13[%dma_wait3A_297, %dma_wait3A_298] : memref<128x64xf32, #tpu.memory_space<vmem>> -> memref<16x64xf32, #tpu.memory_space<vmem>>
        %dma_wait3A_300 = arith.constant 9984 : i32
        %dma_wait3A_301 = arith.constant 0 : i32
        %dma_wait3A_302 = tpu.memref_slice %arg20[%dma_wait3A_300, %dma_wait3A_301] : memref<10000x64xf32, #tpu.memory_space<vmem_shared>> -> memref<16x64xf32, #tpu.memory_space<vmem_shared>>
        %dma_wait3A_303 = arith.constant 9984 : i32
        %dma_wait3A_304 = arith.constant 0 : i32
        %dma_wait3A_305 = tpu.memref_slice %arg20[%dma_wait3A_303, %dma_wait3A_304] : memref<10000x64xf32, #tpu.memory_space<vmem_shared>> -> memref<16x64xf32, #tpu.memory_space<vmem_shared>>
        %dma_wait3A_306 = arith.constant 0 : i32
        %dma_wait3A_307 = arith.constant 0 : i32
        %dma_wait3A_308 = tpu.memref_slice %arg13[%dma_wait3A_306, %dma_wait3A_307] : memref<128x64xf32, #tpu.memory_space<vmem>> -> memref<16x64xf32, #tpu.memory_space<vmem>>
        tpu.wait_dma2 semaphore(%run_scoped3A : memref<!tpu.dma_semaphore, #tpu.memory_space<semaphore_mem>>) src(%dma_wait3A_308 : memref<16x64xf32, #tpu.memory_space<vmem>>) dst(%dma_wait3A_305 : memref<16x64xf32, #tpu.memory_space<vmem_shared>>)
        tpu.yield
      }) : () -> ()
    } else {
    }
    "tpu.region"() ({
      %run_scoped3A = tpu.sem_alloc : memref<!tpu.dma_semaphore, #tpu.memory_space<semaphore_mem>>
      %dma_start3A_285 = tpu.memref_slice %arg3[%multiple_of3A] : memref<320000xi32, #tpu.memory_space<hbm>> -> memref<20000xi32, #tpu.memory_space<hbm>>
      %dma_start3A_286 = tpu.memref_slice %arg3[%multiple_of3A] : memref<320000xi32, #tpu.memory_space<hbm>> -> memref<20000xi32, #tpu.memory_space<hbm>>
      tpu.enqueue_dma source(%dma_start3A_286 : memref<20000xi32, #tpu.memory_space<hbm>>) target(%arg6 : memref<20000xi32, #tpu.memory_space<vmem>>) target_semaphore(%run_scoped3A : memref<!tpu.dma_semaphore, #tpu.memory_space<semaphore_mem>>)
      %dma_wait3A_287 = tpu.memref_slice %arg3[%multiple_of3A] : memref<320000xi32, #tpu.memory_space<hbm>> -> memref<20000xi32, #tpu.memory_space<hbm>>
      %dma_wait3A_288 = tpu.memref_slice %arg3[%multiple_of3A] : memref<320000xi32, #tpu.memory_space<hbm>> -> memref<20000xi32, #tpu.memory_space<hbm>>
      tpu.wait_dma2 semaphore(%run_scoped3A : memref<!tpu.dma_semaphore, #tpu.memory_space<semaphore_mem>>) src(%dma_wait3A_288 : memref<20000xi32, #tpu.memory_space<hbm>>) dst(%arg6 : memref<20000xi32, #tpu.memory_space<vmem>>)
      tpu.yield
    }) : () -> ()
    %barrier3A = arith.constant 0 : index
    tpu.barrier barrier_id(%barrier3A)
    %add3A_22 = arith.constant 0 : i32
    %add3A_23 = arith.addi %multiple_of3A, %add3A_22 : i32
    %multiple_of3A_24 = tpu.assume_multiple %add3A_23, 8 : i32
    %dma_start3A = tpu.memref_slice %arg4[%multiple_of3A_24] : memref<320000xi32, #tpu.memory_space<hbm>> -> memref<128xi32, #tpu.memory_space<hbm>>
    %dma_start3A_25 = tpu.memref_slice %arg4[%multiple_of3A_24] : memref<320000xi32, #tpu.memory_space<hbm>> -> memref<128xi32, #tpu.memory_space<hbm>>
    tpu.enqueue_dma source(%dma_start3A_25 : memref<128xi32, #tpu.memory_space<hbm>>) target(%arg7 : memref<128xi32, #tpu.memory_space<vmem>>) target_semaphore(%arg33 : memref<!tpu.dma_semaphore, #tpu.memory_space<semaphore_mem>>)
    %multiple_of3A_26 = arith.constant 0 : i32
    %multiple_of3A_27 = tpu.assume_multiple %multiple_of3A_26, 8 : i32
    %dma_start3A_28 = tpu.memref_slice %arg6[%multiple_of3A_27] : memref<20000xi32, #tpu.memory_space<vmem>> -> memref<128xi32, #tpu.memory_space<vmem>>
    %dma_start3A_29 = arith.constant 0 : i32
    %dma_start3A_30 = arith.constant 0 : i32
    %dma_start3A_31 = tpu.memref_slice %arg2[%arg0, %dma_start3A_29, %dma_start3A_30] : memref<2x10000x64xf32, #tpu.memory_space<hbm>> -> memref<1x10000x64xf32, #tpu.memory_space<hbm>>
    %dma_start3A_32 = tpu.memref_squeeze %dma_start3A_31 : memref<1x10000x64xf32, #tpu.memory_space<hbm>> -> memref<10000x64xf32, #tpu.memory_space<hbm>>
    %dma_start3A_33 = arith.constant 0 : i32
    %dma_start3A_34 = arith.constant 0 : i32
    %dma_start3A_35 = tpu.memref_slice %dma_start3A_32[%dma_start3A_33, %dma_start3A_34] : memref<10000x64xf32, #tpu.memory_space<hbm>> -> memref<10000x64xf32, #tpu.memory_space<hbm>>
    tpu.enqueue_indirect_dma source(%dma_start3A_35 : memref<10000x64xf32, #tpu.memory_space<hbm>>) target(%arg13 : memref<128x64xf32, #tpu.memory_space<vmem>>) offsets(%dma_start3A_28 : memref<128xi32, #tpu.memory_space<vmem>>) semaphore(%arg21 : memref<!tpu.dma_semaphore, #tpu.memory_space<semaphore_mem>>)
    %add3A_36 = arith.constant 128 : i32
    %add3A_37 = arith.addi %multiple_of3A, %add3A_36 : i32
    %multiple_of3A_38 = tpu.assume_multiple %add3A_37, 8 : i32
    %dma_start3A_39 = tpu.memref_slice %arg4[%multiple_of3A_38] : memref<320000xi32, #tpu.memory_space<hbm>> -> memref<128xi32, #tpu.memory_space<hbm>>
    %dma_start3A_40 = tpu.memref_slice %arg4[%multiple_of3A_38] : memref<320000xi32, #tpu.memory_space<hbm>> -> memref<128xi32, #tpu.memory_space<hbm>>
    tpu.enqueue_dma source(%dma_start3A_40 : memref<128xi32, #tpu.memory_space<hbm>>) target(%arg8 : memref<128xi32, #tpu.memory_space<vmem>>) target_semaphore(%arg34 : memref<!tpu.dma_semaphore, #tpu.memory_space<semaphore_mem>>)
    %multiple_of3A_41 = arith.constant 128 : i32
    %multiple_of3A_42 = tpu.assume_multiple %multiple_of3A_41, 8 : i32
    %dma_start3A_43 = tpu.memref_slice %arg6[%multiple_of3A_42] : memref<20000xi32, #tpu.memory_space<vmem>> -> memref<128xi32, #tpu.memory_space<vmem>>
    %dma_start3A_44 = arith.constant 0 : i32
    %dma_start3A_45 = arith.constant 0 : i32
    %dma_start3A_46 = tpu.memref_slice %arg2[%arg0, %dma_start3A_44, %dma_start3A_45] : memref<2x10000x64xf32, #tpu.memory_space<hbm>> -> memref<1x10000x64xf32, #tpu.memory_space<hbm>>
    %dma_start3A_47 = tpu.memref_squeeze %dma_start3A_46 : memref<1x10000x64xf32, #tpu.memory_space<hbm>> -> memref<10000x64xf32, #tpu.memory_space<hbm>>
    %dma_start3A_48 = arith.constant 0 : i32
    %dma_start3A_49 = arith.constant 0 : i32
    %dma_start3A_50 = tpu.memref_slice %dma_start3A_47[%dma_start3A_48, %dma_start3A_49] : memref<10000x64xf32, #tpu.memory_space<hbm>> -> memref<10000x64xf32, #tpu.memory_space<hbm>>
    tpu.enqueue_indirect_dma source(%dma_start3A_50 : memref<10000x64xf32, #tpu.memory_space<hbm>>) target(%arg14 : memref<128x64xf32, #tpu.memory_space<vmem>>) offsets(%dma_start3A_43 : memref<128xi32, #tpu.memory_space<vmem>>) semaphore(%arg22 : memref<!tpu.dma_semaphore, #tpu.memory_space<semaphore_mem>>)
    %add3A_51 = arith.constant 256 : i32
    %add3A_52 = arith.addi %multiple_of3A, %add3A_51 : i32
    %multiple_of3A_53 = tpu.assume_multiple %add3A_52, 8 : i32
    %dma_start3A_54 = tpu.memref_slice %arg4[%multiple_of3A_53] : memref<320000xi32, #tpu.memory_space<hbm>> -> memref<128xi32, #tpu.memory_space<hbm>>
    %dma_start3A_55 = tpu.memref_slice %arg4[%multiple_of3A_53] : memref<320000xi32, #tpu.memory_space<hbm>> -> memref<128xi32, #tpu.memory_space<hbm>>
    tpu.enqueue_dma source(%dma_start3A_55 : memref<128xi32, #tpu.memory_space<hbm>>) target(%arg9 : memref<128xi32, #tpu.memory_space<vmem>>) target_semaphore(%arg35 : memref<!tpu.dma_semaphore, #tpu.memory_space<semaphore_mem>>)
    %multiple_of3A_56 = arith.constant 256 : i32
    %multiple_of3A_57 = tpu.assume_multiple %multiple_of3A_56, 8 : i32
    %dma_start3A_58 = tpu.memref_slice %arg6[%multiple_of3A_57] : memref<20000xi32, #tpu.memory_space<vmem>> -> memref<128xi32, #tpu.memory_space<vmem>>
    %dma_start3A_59 = arith.constant 0 : i32
    %dma_start3A_60 = arith.constant 0 : i32
    %dma_start3A_61 = tpu.memref_slice %arg2[%arg0, %dma_start3A_59, %dma_start3A_60] : memref<2x10000x64xf32, #tpu.memory_space<hbm>> -> memref<1x10000x64xf32, #tpu.memory_space<hbm>>
    %dma_start3A_62 = tpu.memref_squeeze %dma_start3A_61 : memref<1x10000x64xf32, #tpu.memory_space<hbm>> -> memref<10000x64xf32, #tpu.memory_space<hbm>>
    %dma_start3A_63 = arith.constant 0 : i32
    %dma_start3A_64 = arith.constant 0 : i32
    %dma_start3A_65 = tpu.memref_slice %dma_start3A_62[%dma_start3A_63, %dma_start3A_64] : memref<10000x64xf32, #tpu.memory_space<hbm>> -> memref<10000x64xf32, #tpu.memory_space<hbm>>
    tpu.enqueue_indirect_dma source(%dma_start3A_65 : memref<10000x64xf32, #tpu.memory_space<hbm>>) target(%arg15 : memref<128x64xf32, #tpu.memory_space<vmem>>) offsets(%dma_start3A_58 : memref<128xi32, #tpu.memory_space<vmem>>) semaphore(%arg23 : memref<!tpu.dma_semaphore, #tpu.memory_space<semaphore_mem>>)
    %add3A_66 = arith.constant 384 : i32
    %add3A_67 = arith.addi %multiple_of3A, %add3A_66 : i32
    %multiple_of3A_68 = tpu.assume_multiple %add3A_67, 8 : i32
    %dma_start3A_69 = tpu.memref_slice %arg4[%multiple_of3A_68] : memref<320000xi32, #tpu.memory_space<hbm>> -> memref<128xi32, #tpu.memory_space<hbm>>
    %dma_start3A_70 = tpu.memref_slice %arg4[%multiple_of3A_68] : memref<320000xi32, #tpu.memory_space<hbm>> -> memref<128xi32, #tpu.memory_space<hbm>>
    tpu.enqueue_dma source(%dma_start3A_70 : memref<128xi32, #tpu.memory_space<hbm>>) target(%arg10 : memref<128xi32, #tpu.memory_space<vmem>>) target_semaphore(%arg36 : memref<!tpu.dma_semaphore, #tpu.memory_space<semaphore_mem>>)
    %multiple_of3A_71 = arith.constant 384 : i32
    %multiple_of3A_72 = tpu.assume_multiple %multiple_of3A_71, 8 : i32
    %dma_start3A_73 = tpu.memref_slice %arg6[%multiple_of3A_72] : memref<20000xi32, #tpu.memory_space<vmem>> -> memref<128xi32, #tpu.memory_space<vmem>>
    %dma_start3A_74 = arith.constant 0 : i32
    %dma_start3A_75 = arith.constant 0 : i32
    %dma_start3A_76 = tpu.memref_slice %arg2[%arg0, %dma_start3A_74, %dma_start3A_75] : memref<2x10000x64xf32, #tpu.memory_space<hbm>> -> memref<1x10000x64xf32, #tpu.memory_space<hbm>>
    %dma_start3A_77 = tpu.memref_squeeze %dma_start3A_76 : memref<1x10000x64xf32, #tpu.memory_space<hbm>> -> memref<10000x64xf32, #tpu.memory_space<hbm>>
    %dma_start3A_78 = arith.constant 0 : i32
    %dma_start3A_79 = arith.constant 0 : i32
    %dma_start3A_80 = tpu.memref_slice %dma_start3A_77[%dma_start3A_78, %dma_start3A_79] : memref<10000x64xf32, #tpu.memory_space<hbm>> -> memref<10000x64xf32, #tpu.memory_space<hbm>>
    tpu.enqueue_indirect_dma source(%dma_start3A_80 : memref<10000x64xf32, #tpu.memory_space<hbm>>) target(%arg16 : memref<128x64xf32, #tpu.memory_space<vmem>>) offsets(%dma_start3A_73 : memref<128xi32, #tpu.memory_space<vmem>>) semaphore(%arg24 : memref<!tpu.dma_semaphore, #tpu.memory_space<semaphore_mem>>)
    %scan3A_81 = arith.constant 0 : i32
    %scan3A_82 = arith.constant 0 : i32
    %scan3A_83 = arith.constant 26 : i32
    %scan3A_84 = arith.addi %scan3A_82, %scan3A_83 : i32
    %scan3A_85 = arith.constant 1 : i32
    %scan3A_86 = scf.for %scan3A_285 = %scan3A_82 to %scan3A_84 step %scan3A_85 iter_args(%scan3A_286 = %scan3A_81) -> (i32)  : i32 {
      %mul3A_287 = arith.constant 6 : i32
      %mul3A_288 = arith.muli %mul3A_287, %scan3A_285 : i32
      %add3A_289 = arith.constant 0 : i32
      %add3A_290 = arith.addi %mul3A_288, %add3A_289 : i32
      %mul3A_291 = arith.constant 128 : i32
      %mul3A_292 = arith.muli %add3A_290, %mul3A_291 : i32
      %multiple_of3A_293 = tpu.assume_multiple %mul3A_292, 8 : i32
      %dma_wait3A_294 = tpu.memref_slice %arg6[%multiple_of3A_293] : memref<20000xi32, #tpu.memory_space<vmem>> -> memref<128xi32, #tpu.memory_space<vmem>>
      %dma_wait3A_295 = arith.constant 0 : i32
      %dma_wait3A_296 = arith.constant 0 : i32
      %dma_wait3A_297 = tpu.memref_slice %arg2[%arg0, %dma_wait3A_295, %dma_wait3A_296] : memref<2x10000x64xf32, #tpu.memory_space<hbm>> -> memref<1x10000x64xf32, #tpu.memory_space<hbm>>
      %dma_wait3A_298 = tpu.memref_squeeze %dma_wait3A_297 : memref<1x10000x64xf32, #tpu.memory_space<hbm>> -> memref<10000x64xf32, #tpu.memory_space<hbm>>
      %dma_wait3A_299 = arith.constant 0 : i32
      %dma_wait3A_300 = arith.constant 0 : i32
      %dma_wait3A_301 = tpu.memref_slice %dma_wait3A_298[%dma_wait3A_299, %dma_wait3A_300] : memref<10000x64xf32, #tpu.memory_space<hbm>> -> memref<10000x64xf32, #tpu.memory_space<hbm>>
      tpu.wait_indirect_dma semaphore(%arg21 : memref<!tpu.dma_semaphore, #tpu.memory_space<semaphore_mem>>) src(%dma_wait3A_301 : memref<10000x64xf32, #tpu.memory_space<hbm>>) dst(%arg13 : memref<128x64xf32, #tpu.memory_space<vmem>>)
      %mul3A_302 = arith.constant 128 : i32
      %mul3A_303 = arith.muli %add3A_290, %mul3A_302 : i32
      %add3A_304 = arith.addi %multiple_of3A, %mul3A_303 : i32
      %multiple_of3A_305 = tpu.assume_multiple %add3A_304, 8 : i32
      %dma_wait3A_306 = tpu.memref_slice %arg4[%multiple_of3A_305] : memref<320000xi32, #tpu.memory_space<hbm>> -> memref<128xi32, #tpu.memory_space<hbm>>
      %dma_wait3A_307 = tpu.memref_slice %arg4[%multiple_of3A_305] : memref<320000xi32, #tpu.memory_space<hbm>> -> memref<128xi32, #tpu.memory_space<hbm>>
      tpu.wait_dma2 semaphore(%arg33 : memref<!tpu.dma_semaphore, #tpu.memory_space<semaphore_mem>>) src(%dma_wait3A_307 : memref<128xi32, #tpu.memory_space<hbm>>) dst(%arg7 : memref<128xi32, #tpu.memory_space<vmem>>)
      %dma_start3A_308 = arith.constant 0 : i32
      %dma_start3A_309 = arith.constant 0 : i32
      %dma_start3A_310 = tpu.memref_slice %arg20[%dma_start3A_308, %dma_start3A_309] : memref<10000x64xf32, #tpu.memory_space<vmem_shared>> -> memref<10000x64xf32, #tpu.memory_space<vmem_shared>>
      tpu.enqueue_indirect_dma source(%arg13 : memref<128x64xf32, #tpu.memory_space<vmem>>) target(%dma_start3A_310 : memref<10000x64xf32, #tpu.memory_space<vmem_shared>>) offsets(%arg7 : memref<128xi32, #tpu.memory_space<vmem>>) semaphore(%arg27 : memref<!tpu.dma_semaphore, #tpu.memory_space<semaphore_mem>>) {add = true}
      %gt3A = arith.constant 0 : i32
      %gt3A_311 = arith.cmpi sgt, %scan3A_285, %gt3A : i32
      %convert_element_type3A_312 = arith.extui %gt3A_311 : i1 to i32
      %cond3A_313 = arith.constant 0 : i32
      %cond3A_314 = arith.cmpi ne, %convert_element_type3A_312, %cond3A_313 : i32
      scf.if %cond3A_314 {
        %dma_wait3A_514 = arith.constant 0 : i32
        %dma_wait3A_515 = arith.constant 0 : i32
        %dma_wait3A_516 = tpu.memref_slice %arg20[%dma_wait3A_514, %dma_wait3A_515] : memref<10000x64xf32, #tpu.memory_space<vmem_shared>> -> memref<10000x64xf32, #tpu.memory_space<vmem_shared>>
        tpu.wait_indirect_dma semaphore(%arg31 : memref<!tpu.dma_semaphore, #tpu.memory_space<semaphore_mem>>) src(%arg17 : memref<128x64xf32, #tpu.memory_space<vmem>>) dst(%dma_wait3A_516 : memref<10000x64xf32, #tpu.memory_space<vmem_shared>>)
      } else {
      }
      %add3A_315 = arith.constant 4 : i32
      %add3A_316 = arith.addi %add3A_290, %add3A_315 : i32
      %mul3A_317 = arith.constant 128 : i32
      %mul3A_318 = arith.muli %add3A_316, %mul3A_317 : i32
      %add3A_319 = arith.addi %multiple_of3A, %mul3A_318 : i32
      %multiple_of3A_320 = tpu.assume_multiple %add3A_319, 8 : i32
      %dma_start3A_321 = tpu.memref_slice %arg4[%multiple_of3A_320] : memref<320000xi32, #tpu.memory_space<hbm>> -> memref<128xi32, #tpu.memory_space<hbm>>
      %dma_start3A_322 = tpu.memref_slice %arg4[%multiple_of3A_320] : memref<320000xi32, #tpu.memory_space<hbm>> -> memref<128xi32, #tpu.memory_space<hbm>>
      tpu.enqueue_dma source(%dma_start3A_322 : memref<128xi32, #tpu.memory_space<hbm>>) target(%arg11 : memref<128xi32, #tpu.memory_space<vmem>>) target_semaphore(%arg37 : memref<!tpu.dma_semaphore, #tpu.memory_space<semaphore_mem>>)
      %add3A_323 = arith.constant 4 : i32
      %add3A_324 = arith.addi %add3A_290, %add3A_323 : i32
      %mul3A_325 = arith.constant 128 : i32
      %mul3A_326 = arith.muli %add3A_324, %mul3A_325 : i32
      %multiple_of3A_327 = tpu.assume_multiple %mul3A_326, 8 : i32
      %dma_start3A_328 = tpu.memref_slice %arg6[%multiple_of3A_327] : memref<20000xi32, #tpu.memory_space<vmem>> -> memref<128xi32, #tpu.memory_space<vmem>>
      %dma_start3A_329 = arith.constant 0 : i32
      %dma_start3A_330 = arith.constant 0 : i32
      %dma_start3A_331 = tpu.memref_slice %arg2[%arg0, %dma_start3A_329, %dma_start3A_330] : memref<2x10000x64xf32, #tpu.memory_space<hbm>> -> memref<1x10000x64xf32, #tpu.memory_space<hbm>>
      %dma_start3A_332 = tpu.memref_squeeze %dma_start3A_331 : memref<1x10000x64xf32, #tpu.memory_space<hbm>> -> memref<10000x64xf32, #tpu.memory_space<hbm>>
      %dma_start3A_333 = arith.constant 0 : i32
      %dma_start3A_334 = arith.constant 0 : i32
      %dma_start3A_335 = tpu.memref_slice %dma_start3A_332[%dma_start3A_333, %dma_start3A_334] : memref<10000x64xf32, #tpu.memory_space<hbm>> -> memref<10000x64xf32, #tpu.memory_space<hbm>>
      tpu.enqueue_indirect_dma source(%dma_start3A_335 : memref<10000x64xf32, #tpu.memory_space<hbm>>) target(%arg17 : memref<128x64xf32, #tpu.memory_space<vmem>>) offsets(%dma_start3A_328 : memref<128xi32, #tpu.memory_space<vmem>>) semaphore(%arg25 : memref<!tpu.dma_semaphore, #tpu.memory_space<semaphore_mem>>)
      %mul3A_336 = arith.constant 6 : i32
      %mul3A_337 = arith.muli %mul3A_336, %scan3A_285 : i32
      %add3A_338 = arith.constant 1 : i32
      %add3A_339 = arith.addi %mul3A_337, %add3A_338 : i32
      %mul3A_340 = arith.constant 128 : i32
      %mul3A_341 = arith.muli %add3A_339, %mul3A_340 : i32
      %multiple_of3A_342 = tpu.assume_multiple %mul3A_341, 8 : i32
      %dma_wait3A_343 = tpu.memref_slice %arg6[%multiple_of3A_342] : memref<20000xi32, #tpu.memory_space<vmem>> -> memref<128xi32, #tpu.memory_space<vmem>>
      %dma_wait3A_344 = arith.constant 0 : i32
      %dma_wait3A_345 = arith.constant 0 : i32
      %dma_wait3A_346 = tpu.memref_slice %arg2[%arg0, %dma_wait3A_344, %dma_wait3A_345] : memref<2x10000x64xf32, #tpu.memory_space<hbm>> -> memref<1x10000x64xf32, #tpu.memory_space<hbm>>
      %dma_wait3A_347 = tpu.memref_squeeze %dma_wait3A_346 : memref<1x10000x64xf32, #tpu.memory_space<hbm>> -> memref<10000x64xf32, #tpu.memory_space<hbm>>
      %dma_wait3A_348 = arith.constant 0 : i32
      %dma_wait3A_349 = arith.constant 0 : i32
      %dma_wait3A_350 = tpu.memref_slice %dma_wait3A_347[%dma_wait3A_348, %dma_wait3A_349] : memref<10000x64xf32, #tpu.memory_space<hbm>> -> memref<10000x64xf32, #tpu.memory_space<hbm>>
      tpu.wait_indirect_dma semaphore(%arg22 : memref<!tpu.dma_semaphore, #tpu.memory_space<semaphore_mem>>) src(%dma_wait3A_350 : memref<10000x64xf32, #tpu.memory_space<hbm>>) dst(%arg14 : memref<128x64xf32, #tpu.memory_space<vmem>>)
      %mul3A_351 = arith.constant 128 : i32
      %mul3A_352 = arith.muli %add3A_339, %mul3A_351 : i32
      %add3A_353 = arith.addi %multiple_of3A, %mul3A_352 : i32
      %multiple_of3A_354 = tpu.assume_multiple %add3A_353, 8 : i32
      %dma_wait3A_355 = tpu.memref_slice %arg4[%multiple_of3A_354] : memref<320000xi32, #tpu.memory_space<hbm>> -> memref<128xi32, #tpu.memory_space<hbm>>
      %dma_wait3A_356 = tpu.memref_slice %arg4[%multiple_of3A_354] : memref<320000xi32, #tpu.memory_space<hbm>> -> memref<128xi32, #tpu.memory_space<hbm>>
      tpu.wait_dma2 semaphore(%arg34 : memref<!tpu.dma_semaphore, #tpu.memory_space<semaphore_mem>>) src(%dma_wait3A_356 : memref<128xi32, #tpu.memory_space<hbm>>) dst(%arg8 : memref<128xi32, #tpu.memory_space<vmem>>)
      %dma_start3A_357 = arith.constant 0 : i32
      %dma_start3A_358 = arith.constant 0 : i32
      %dma_start3A_359 = tpu.memref_slice %arg20[%dma_start3A_357, %dma_start3A_358] : memref<10000x64xf32, #tpu.memory_space<vmem_shared>> -> memref<10000x64xf32, #tpu.memory_space<vmem_shared>>
      tpu.enqueue_indirect_dma source(%arg14 : memref<128x64xf32, #tpu.memory_space<vmem>>) target(%dma_start3A_359 : memref<10000x64xf32, #tpu.memory_space<vmem_shared>>) offsets(%arg8 : memref<128xi32, #tpu.memory_space<vmem>>) semaphore(%arg28 : memref<!tpu.dma_semaphore, #tpu.memory_space<semaphore_mem>>) {add = true}
      %gt3A_360 = arith.constant 0 : i32
      %gt3A_361 = arith.cmpi sgt, %scan3A_285, %gt3A_360 : i32
      %convert_element_type3A_362 = arith.extui %gt3A_361 : i1 to i32
      %cond3A_363 = arith.constant 0 : i32
      %cond3A_364 = arith.cmpi ne, %convert_element_type3A_362, %cond3A_363 : i32
      scf.if %cond3A_364 {
        %dma_wait3A_514 = arith.constant 0 : i32
        %dma_wait3A_515 = arith.constant 0 : i32
        %dma_wait3A_516 = tpu.memref_slice %arg20[%dma_wait3A_514, %dma_wait3A_515] : memref<10000x64xf32, #tpu.memory_space<vmem_shared>> -> memref<10000x64xf32, #tpu.memory_space<vmem_shared>>
        tpu.wait_indirect_dma semaphore(%arg32 : memref<!tpu.dma_semaphore, #tpu.memory_space<semaphore_mem>>) src(%arg18 : memref<128x64xf32, #tpu.memory_space<vmem>>) dst(%dma_wait3A_516 : memref<10000x64xf32, #tpu.memory_space<vmem_shared>>)
      } else {
      }
      %add3A_365 = arith.constant 4 : i32
      %add3A_366 = arith.addi %add3A_339, %add3A_365 : i32
      %mul3A_367 = arith.constant 128 : i32
      %mul3A_368 = arith.muli %add3A_366, %mul3A_367 : i32
      %add3A_369 = arith.addi %multiple_of3A, %mul3A_368 : i32
      %multiple_of3A_370 = tpu.assume_multiple %add3A_369, 8 : i32
      %dma_start3A_371 = tpu.memref_slice %arg4[%multiple_of3A_370] : memref<320000xi32, #tpu.memory_space<hbm>> -> memref<128xi32, #tpu.memory_space<hbm>>
      %dma_start3A_372 = tpu.memref_slice %arg4[%multiple_of3A_370] : memref<320000xi32, #tpu.memory_space<hbm>> -> memref<128xi32, #tpu.memory_space<hbm>>
      tpu.enqueue_dma source(%dma_start3A_372 : memref<128xi32, #tpu.memory_space<hbm>>) target(%arg12 : memref<128xi32, #tpu.memory_space<vmem>>) target_semaphore(%arg38 : memref<!tpu.dma_semaphore, #tpu.memory_space<semaphore_mem>>)
      %add3A_373 = arith.constant 4 : i32
      %add3A_374 = arith.addi %add3A_339, %add3A_373 : i32
      %mul3A_375 = arith.constant 128 : i32
      %mul3A_376 = arith.muli %add3A_374, %mul3A_375 : i32
      %multiple_of3A_377 = tpu.assume_multiple %mul3A_376, 8 : i32
      %dma_start3A_378 = tpu.memref_slice %arg6[%multiple_of3A_377] : memref<20000xi32, #tpu.memory_space<vmem>> -> memref<128xi32, #tpu.memory_space<vmem>>
      %dma_start3A_379 = arith.constant 0 : i32
      %dma_start3A_380 = arith.constant 0 : i32
      %dma_start3A_381 = tpu.memref_slice %arg2[%arg0, %dma_start3A_379, %dma_start3A_380] : memref<2x10000x64xf32, #tpu.memory_space<hbm>> -> memref<1x10000x64xf32, #tpu.memory_space<hbm>>
      %dma_start3A_382 = tpu.memref_squeeze %dma_start3A_381 : memref<1x10000x64xf32, #tpu.memory_space<hbm>> -> memref<10000x64xf32, #tpu.memory_space<hbm>>
      %dma_start3A_383 = arith.constant 0 : i32
      %dma_start3A_384 = arith.constant 0 : i32
      %dma_start3A_385 = tpu.memref_slice %dma_start3A_382[%dma_start3A_383, %dma_start3A_384] : memref<10000x64xf32, #tpu.memory_space<hbm>> -> memref<10000x64xf32, #tpu.memory_space<hbm>>
      tpu.enqueue_indirect_dma source(%dma_start3A_385 : memref<10000x64xf32, #tpu.memory_space<hbm>>) target(%arg18 : memref<128x64xf32, #tpu.memory_space<vmem>>) offsets(%dma_start3A_378 : memref<128xi32, #tpu.memory_space<vmem>>) semaphore(%arg26 : memref<!tpu.dma_semaphore, #tpu.memory_space<semaphore_mem>>)
      %mul3A_386 = arith.constant 6 : i32
      %mul3A_387 = arith.muli %mul3A_386, %scan3A_285 : i32
      %add3A_388 = arith.constant 2 : i32
      %add3A_389 = arith.addi %mul3A_387, %add3A_388 : i32
      %mul3A_390 = arith.constant 128 : i32
      %mul3A_391 = arith.muli %add3A_389, %mul3A_390 : i32
      %multiple_of3A_392 = tpu.assume_multiple %mul3A_391, 8 : i32
      %dma_wait3A_393 = tpu.memref_slice %arg6[%multiple_of3A_392] : memref<20000xi32, #tpu.memory_space<vmem>> -> memref<128xi32, #tpu.memory_space<vmem>>
      %dma_wait3A_394 = arith.constant 0 : i32
      %dma_wait3A_395 = arith.constant 0 : i32
      %dma_wait3A_396 = tpu.memref_slice %arg2[%arg0, %dma_wait3A_394, %dma_wait3A_395] : memref<2x10000x64xf32, #tpu.memory_space<hbm>> -> memref<1x10000x64xf32, #tpu.memory_space<hbm>>
      %dma_wait3A_397 = tpu.memref_squeeze %dma_wait3A_396 : memref<1x10000x64xf32, #tpu.memory_space<hbm>> -> memref<10000x64xf32, #tpu.memory_space<hbm>>
      %dma_wait3A_398 = arith.constant 0 : i32
      %dma_wait3A_399 = arith.constant 0 : i32
      %dma_wait3A_400 = tpu.memref_slice %dma_wait3A_397[%dma_wait3A_398, %dma_wait3A_399] : memref<10000x64xf32, #tpu.memory_space<hbm>> -> memref<10000x64xf32, #tpu.memory_space<hbm>>
      tpu.wait_indirect_dma semaphore(%arg23 : memref<!tpu.dma_semaphore, #tpu.memory_space<semaphore_mem>>) src(%dma_wait3A_400 : memref<10000x64xf32, #tpu.memory_space<hbm>>) dst(%arg15 : memref<128x64xf32, #tpu.memory_space<vmem>>)
      %mul3A_401 = arith.constant 128 : i32
      %mul3A_402 = arith.muli %add3A_389, %mul3A_401 : i32
      %add3A_403 = arith.addi %multiple_of3A, %mul3A_402 : i32
      %multiple_of3A_404 = tpu.assume_multiple %add3A_403, 8 : i32
      %dma_wait3A_405 = tpu.memref_slice %arg4[%multiple_of3A_404] : memref<320000xi32, #tpu.memory_space<hbm>> -> memref<128xi32, #tpu.memory_space<hbm>>
      %dma_wait3A_406 = tpu.memref_slice %arg4[%multiple_of3A_404] : memref<320000xi32, #tpu.memory_space<hbm>> -> memref<128xi32, #tpu.memory_space<hbm>>
      tpu.wait_dma2 semaphore(%arg35 : memref<!tpu.dma_semaphore, #tpu.memory_space<semaphore_mem>>) src(%dma_wait3A_406 : memref<128xi32, #tpu.memory_space<hbm>>) dst(%arg9 : memref<128xi32, #tpu.memory_space<vmem>>)
      %dma_start3A_407 = arith.constant 0 : i32
      %dma_start3A_408 = arith.constant 0 : i32
      %dma_start3A_409 = tpu.memref_slice %arg20[%dma_start3A_407, %dma_start3A_408] : memref<10000x64xf32, #tpu.memory_space<vmem_shared>> -> memref<10000x64xf32, #tpu.memory_space<vmem_shared>>
      tpu.enqueue_indirect_dma source(%arg15 : memref<128x64xf32, #tpu.memory_space<vmem>>) target(%dma_start3A_409 : memref<10000x64xf32, #tpu.memory_space<vmem_shared>>) offsets(%arg9 : memref<128xi32, #tpu.memory_space<vmem>>) semaphore(%arg29 : memref<!tpu.dma_semaphore, #tpu.memory_space<semaphore_mem>>) {add = true}
      %dma_wait3A_410 = arith.constant 0 : i32
      %dma_wait3A_411 = arith.constant 0 : i32
      %dma_wait3A_412 = tpu.memref_slice %arg20[%dma_wait3A_410, %dma_wait3A_411] : memref<10000x64xf32, #tpu.memory_space<vmem_shared>> -> memref<10000x64xf32, #tpu.memory_space<vmem_shared>>
      tpu.wait_indirect_dma semaphore(%arg27 : memref<!tpu.dma_semaphore, #tpu.memory_space<semaphore_mem>>) src(%arg13 : memref<128x64xf32, #tpu.memory_space<vmem>>) dst(%dma_wait3A_412 : memref<10000x64xf32, #tpu.memory_space<vmem_shared>>)
      %lt3A = arith.constant 25 : i32
      %lt3A_413 = arith.cmpi slt, %scan3A_285, %lt3A : i32
      %convert_element_type3A_414 = arith.extui %lt3A_413 : i1 to i32
      %cond3A_415 = arith.constant 0 : i32
      %cond3A_416 = arith.cmpi ne, %convert_element_type3A_414, %cond3A_415 : i32
      scf.if %cond3A_416 {
        %add3A_514 = arith.constant 4 : i32
        %add3A_515 = arith.addi %add3A_389, %add3A_514 : i32
        %mul3A_516 = arith.constant 128 : i32
        %mul3A_517 = arith.muli %add3A_515, %mul3A_516 : i32
        %add3A_518 = arith.addi %multiple_of3A, %mul3A_517 : i32
        %multiple_of3A_519 = tpu.assume_multiple %add3A_518, 8 : i32
        %dma_start3A_520 = tpu.memref_slice %arg4[%multiple_of3A_519] : memref<320000xi32, #tpu.memory_space<hbm>> -> memref<128xi32, #tpu.memory_space<hbm>>
        %dma_start3A_521 = tpu.memref_slice %arg4[%multiple_of3A_519] : memref<320000xi32, #tpu.memory_space<hbm>> -> memref<128xi32, #tpu.memory_space<hbm>>
        tpu.enqueue_dma source(%dma_start3A_521 : memref<128xi32, #tpu.memory_space<hbm>>) target(%arg7 : memref<128xi32, #tpu.memory_space<vmem>>) target_semaphore(%arg33 : memref<!tpu.dma_semaphore, #tpu.memory_space<semaphore_mem>>)
        %add3A_522 = arith.constant 4 : i32
        %add3A_523 = arith.addi %add3A_389, %add3A_522 : i32
        %mul3A_524 = arith.constant 128 : i32
        %mul3A_525 = arith.muli %add3A_523, %mul3A_524 : i32
        %multiple_of3A_526 = tpu.assume_multiple %mul3A_525, 8 : i32
        %dma_start3A_527 = tpu.memref_slice %arg6[%multiple_of3A_526] : memref<20000xi32, #tpu.memory_space<vmem>> -> memref<128xi32, #tpu.memory_space<vmem>>
        %dma_start3A_528 = arith.constant 0 : i32
        %dma_start3A_529 = arith.constant 0 : i32
        %dma_start3A_530 = tpu.memref_slice %arg2[%arg0, %dma_start3A_528, %dma_start3A_529] : memref<2x10000x64xf32, #tpu.memory_space<hbm>> -> memref<1x10000x64xf32, #tpu.memory_space<hbm>>
        %dma_start3A_531 = tpu.memref_squeeze %dma_start3A_530 : memref<1x10000x64xf32, #tpu.memory_space<hbm>> -> memref<10000x64xf32, #tpu.memory_space<hbm>>
        %dma_start3A_532 = arith.constant 0 : i32
        %dma_start3A_533 = arith.constant 0 : i32
        %dma_start3A_534 = tpu.memref_slice %dma_start3A_531[%dma_start3A_532, %dma_start3A_533] : memref<10000x64xf32, #tpu.memory_space<hbm>> -> memref<10000x64xf32, #tpu.memory_space<hbm>>
        tpu.enqueue_indirect_dma source(%dma_start3A_534 : memref<10000x64xf32, #tpu.memory_space<hbm>>) target(%arg13 : memref<128x64xf32, #tpu.memory_space<vmem>>) offsets(%dma_start3A_527 : memref<128xi32, #tpu.memory_space<vmem>>) semaphore(%arg21 : memref<!tpu.dma_semaphore, #tpu.memory_space<semaphore_mem>>)
      } else {
      }
      %mul3A_417 = arith.constant 6 : i32
      %mul3A_418 = arith.muli %mul3A_417, %scan3A_285 : i32
      %add3A_419 = arith.constant 3 : i32
      %add3A_420 = arith.addi %mul3A_418, %add3A_419 : i32
      %mul3A_421 = arith.constant 128 : i32
      %mul3A_422 = arith.muli %add3A_420, %mul3A_421 : i32
      %multiple_of3A_423 = tpu.assume_multiple %mul3A_422, 8 : i32
      %dma_wait3A_424 = tpu.memref_slice %arg6[%multiple_of3A_423] : memref<20000xi32, #tpu.memory_space<vmem>> -> memref<128xi32, #tpu.memory_space<vmem>>
      %dma_wait3A_425 = arith.constant 0 : i32
      %dma_wait3A_426 = arith.constant 0 : i32
      %dma_wait3A_427 = tpu.memref_slice %arg2[%arg0, %dma_wait3A_425, %dma_wait3A_426] : memref<2x10000x64xf32, #tpu.memory_space<hbm>> -> memref<1x10000x64xf32, #tpu.memory_space<hbm>>
      %dma_wait3A_428 = tpu.memref_squeeze %dma_wait3A_427 : memref<1x10000x64xf32, #tpu.memory_space<hbm>> -> memref<10000x64xf32, #tpu.memory_space<hbm>>
      %dma_wait3A_429 = arith.constant 0 : i32
      %dma_wait3A_430 = arith.constant 0 : i32
      %dma_wait3A_431 = tpu.memref_slice %dma_wait3A_428[%dma_wait3A_429, %dma_wait3A_430] : memref<10000x64xf32, #tpu.memory_space<hbm>> -> memref<10000x64xf32, #tpu.memory_space<hbm>>
      tpu.wait_indirect_dma semaphore(%arg24 : memref<!tpu.dma_semaphore, #tpu.memory_space<semaphore_mem>>) src(%dma_wait3A_431 : memref<10000x64xf32, #tpu.memory_space<hbm>>) dst(%arg16 : memref<128x64xf32, #tpu.memory_space<vmem>>)
      %mul3A_432 = arith.constant 128 : i32
      %mul3A_433 = arith.muli %add3A_420, %mul3A_432 : i32
      %add3A_434 = arith.addi %multiple_of3A, %mul3A_433 : i32
      %multiple_of3A_435 = tpu.assume_multiple %add3A_434, 8 : i32
      %dma_wait3A_436 = tpu.memref_slice %arg4[%multiple_of3A_435] : memref<320000xi32, #tpu.memory_space<hbm>> -> memref<128xi32, #tpu.memory_space<hbm>>
      %dma_wait3A_437 = tpu.memref_slice %arg4[%multiple_of3A_435] : memref<320000xi32, #tpu.memory_space<hbm>> -> memref<128xi32, #tpu.memory_space<hbm>>
      tpu.wait_dma2 semaphore(%arg36 : memref<!tpu.dma_semaphore, #tpu.memory_space<semaphore_mem>>) src(%dma_wait3A_437 : memref<128xi32, #tpu.memory_space<hbm>>) dst(%arg10 : memref<128xi32, #tpu.memory_space<vmem>>)
      %dma_start3A_438 = arith.constant 0 : i32
      %dma_start3A_439 = arith.constant 0 : i32
      %dma_start3A_440 = tpu.memref_slice %arg20[%dma_start3A_438, %dma_start3A_439] : memref<10000x64xf32, #tpu.memory_space<vmem_shared>> -> memref<10000x64xf32, #tpu.memory_space<vmem_shared>>
      tpu.enqueue_indirect_dma source(%arg16 : memref<128x64xf32, #tpu.memory_space<vmem>>) target(%dma_start3A_440 : memref<10000x64xf32, #tpu.memory_space<vmem_shared>>) offsets(%arg10 : memref<128xi32, #tpu.memory_space<vmem>>) semaphore(%arg30 : memref<!tpu.dma_semaphore, #tpu.memory_space<semaphore_mem>>) {add = true}
      %dma_wait3A_441 = arith.constant 0 : i32
      %dma_wait3A_442 = arith.constant 0 : i32
      %dma_wait3A_443 = tpu.memref_slice %arg20[%dma_wait3A_441, %dma_wait3A_442] : memref<10000x64xf32, #tpu.memory_space<vmem_shared>> -> memref<10000x64xf32, #tpu.memory_space<vmem_shared>>
      tpu.wait_indirect_dma semaphore(%arg28 : memref<!tpu.dma_semaphore, #tpu.memory_space<semaphore_mem>>) src(%arg14 : memref<128x64xf32, #tpu.memory_space<vmem>>) dst(%dma_wait3A_443 : memref<10000x64xf32, #tpu.memory_space<vmem_shared>>)
      %lt3A_444 = arith.constant 25 : i32
      %lt3A_445 = arith.cmpi slt, %scan3A_285, %lt3A_444 : i32
      %convert_element_type3A_446 = arith.extui %lt3A_445 : i1 to i32
      %cond3A_447 = arith.constant 0 : i32
      %cond3A_448 = arith.cmpi ne, %convert_element_type3A_446, %cond3A_447 : i32
      scf.if %cond3A_448 {
        %add3A_514 = arith.constant 4 : i32
        %add3A_515 = arith.addi %add3A_420, %add3A_514 : i32
        %mul3A_516 = arith.constant 128 : i32
        %mul3A_517 = arith.muli %add3A_515, %mul3A_516 : i32
        %add3A_518 = arith.addi %multiple_of3A, %mul3A_517 : i32
        %multiple_of3A_519 = tpu.assume_multiple %add3A_518, 8 : i32
        %dma_start3A_520 = tpu.memref_slice %arg4[%multiple_of3A_519] : memref<320000xi32, #tpu.memory_space<hbm>> -> memref<128xi32, #tpu.memory_space<hbm>>
        %dma_start3A_521 = tpu.memref_slice %arg4[%multiple_of3A_519] : memref<320000xi32, #tpu.memory_space<hbm>> -> memref<128xi32, #tpu.memory_space<hbm>>
        tpu.enqueue_dma source(%dma_start3A_521 : memref<128xi32, #tpu.memory_space<hbm>>) target(%arg8 : memref<128xi32, #tpu.memory_space<vmem>>) target_semaphore(%arg34 : memref<!tpu.dma_semaphore, #tpu.memory_space<semaphore_mem>>)
        %add3A_522 = arith.constant 4 : i32
        %add3A_523 = arith.addi %add3A_420, %add3A_522 : i32
        %mul3A_524 = arith.constant 128 : i32
        %mul3A_525 = arith.muli %add3A_523, %mul3A_524 : i32
        %multiple_of3A_526 = tpu.assume_multiple %mul3A_525, 8 : i32
        %dma_start3A_527 = tpu.memref_slice %arg6[%multiple_of3A_526] : memref<20000xi32, #tpu.memory_space<vmem>> -> memref<128xi32, #tpu.memory_space<vmem>>
        %dma_start3A_528 = arith.constant 0 : i32
        %dma_start3A_529 = arith.constant 0 : i32
        %dma_start3A_530 = tpu.memref_slice %arg2[%arg0, %dma_start3A_528, %dma_start3A_529] : memref<2x10000x64xf32, #tpu.memory_space<hbm>> -> memref<1x10000x64xf32, #tpu.memory_space<hbm>>
        %dma_start3A_531 = tpu.memref_squeeze %dma_start3A_530 : memref<1x10000x64xf32, #tpu.memory_space<hbm>> -> memref<10000x64xf32, #tpu.memory_space<hbm>>
        %dma_start3A_532 = arith.constant 0 : i32
        %dma_start3A_533 = arith.constant 0 : i32
        %dma_start3A_534 = tpu.memref_slice %dma_start3A_531[%dma_start3A_532, %dma_start3A_533] : memref<10000x64xf32, #tpu.memory_space<hbm>> -> memref<10000x64xf32, #tpu.memory_space<hbm>>
        tpu.enqueue_indirect_dma source(%dma_start3A_534 : memref<10000x64xf32, #tpu.memory_space<hbm>>) target(%arg14 : memref<128x64xf32, #tpu.memory_space<vmem>>) offsets(%dma_start3A_527 : memref<128xi32, #tpu.memory_space<vmem>>) semaphore(%arg22 : memref<!tpu.dma_semaphore, #tpu.memory_space<semaphore_mem>>)
      } else {
      }
      %mul3A_449 = arith.constant 6 : i32
      %mul3A_450 = arith.muli %mul3A_449, %scan3A_285 : i32
      %add3A_451 = arith.constant 4 : i32
      %add3A_452 = arith.addi %mul3A_450, %add3A_451 : i32
      %mul3A_453 = arith.constant 128 : i32
      %mul3A_454 = arith.muli %add3A_452, %mul3A_453 : i32
      %multiple_of3A_455 = tpu.assume_multiple %mul3A_454, 8 : i32
      %dma_wait3A_456 = tpu.memref_slice %arg6[%multiple_of3A_455] : memref<20000xi32, #tpu.memory_space<vmem>> -> memref<128xi32, #tpu.memory_space<vmem>>
      %dma_wait3A_457 = arith.constant 0 : i32
      %dma_wait3A_458 = arith.constant 0 : i32
      %dma_wait3A_459 = tpu.memref_slice %arg2[%arg0, %dma_wait3A_457, %dma_wait3A_458] : memref<2x10000x64xf32, #tpu.memory_space<hbm>> -> memref<1x10000x64xf32, #tpu.memory_space<hbm>>
      %dma_wait3A_460 = tpu.memref_squeeze %dma_wait3A_459 : memref<1x10000x64xf32, #tpu.memory_space<hbm>> -> memref<10000x64xf32, #tpu.memory_space<hbm>>
      %dma_wait3A_461 = arith.constant 0 : i32
      %dma_wait3A_462 = arith.constant 0 : i32
      %dma_wait3A_463 = tpu.memref_slice %dma_wait3A_460[%dma_wait3A_461, %dma_wait3A_462] : memref<10000x64xf32, #tpu.memory_space<hbm>> -> memref<10000x64xf32, #tpu.memory_space<hbm>>
      tpu.wait_indirect_dma semaphore(%arg25 : memref<!tpu.dma_semaphore, #tpu.memory_space<semaphore_mem>>) src(%dma_wait3A_463 : memref<10000x64xf32, #tpu.memory_space<hbm>>) dst(%arg17 : memref<128x64xf32, #tpu.memory_space<vmem>>)
      %mul3A_464 = arith.constant 128 : i32
      %mul3A_465 = arith.muli %add3A_452, %mul3A_464 : i32
      %add3A_466 = arith.addi %multiple_of3A, %mul3A_465 : i32
      %multiple_of3A_467 = tpu.assume_multiple %add3A_466, 8 : i32
      %dma_wait3A_468 = tpu.memref_slice %arg4[%multiple_of3A_467] : memref<320000xi32, #tpu.memory_space<hbm>> -> memref<128xi32, #tpu.memory_space<hbm>>
      %dma_wait3A_469 = tpu.memref_slice %arg4[%multiple_of3A_467] : memref<320000xi32, #tpu.memory_space<hbm>> -> memref<128xi32, #tpu.memory_space<hbm>>
      tpu.wait_dma2 semaphore(%arg37 : memref<!tpu.dma_semaphore, #tpu.memory_space<semaphore_mem>>) src(%dma_wait3A_469 : memref<128xi32, #tpu.memory_space<hbm>>) dst(%arg11 : memref<128xi32, #tpu.memory_space<vmem>>)
      %dma_start3A_470 = arith.constant 0 : i32
      %dma_start3A_471 = arith.constant 0 : i32
      %dma_start3A_472 = tpu.memref_slice %arg20[%dma_start3A_470, %dma_start3A_471] : memref<10000x64xf32, #tpu.memory_space<vmem_shared>> -> memref<10000x64xf32, #tpu.memory_space<vmem_shared>>
      tpu.enqueue_indirect_dma source(%arg17 : memref<128x64xf32, #tpu.memory_space<vmem>>) target(%dma_start3A_472 : memref<10000x64xf32, #tpu.memory_space<vmem_shared>>) offsets(%arg11 : memref<128xi32, #tpu.memory_space<vmem>>) semaphore(%arg31 : memref<!tpu.dma_semaphore, #tpu.memory_space<semaphore_mem>>) {add = true}
      %dma_wait3A_473 = arith.constant 0 : i32
      %dma_wait3A_474 = arith.constant 0 : i32
      %dma_wait3A_475 = tpu.memref_slice %arg20[%dma_wait3A_473, %dma_wait3A_474] : memref<10000x64xf32, #tpu.memory_space<vmem_shared>> -> memref<10000x64xf32, #tpu.memory_space<vmem_shared>>
      tpu.wait_indirect_dma semaphore(%arg29 : memref<!tpu.dma_semaphore, #tpu.memory_space<semaphore_mem>>) src(%arg15 : memref<128x64xf32, #tpu.memory_space<vmem>>) dst(%dma_wait3A_475 : memref<10000x64xf32, #tpu.memory_space<vmem_shared>>)
      %lt3A_476 = arith.constant 25 : i32
      %lt3A_477 = arith.cmpi slt, %scan3A_285, %lt3A_476 : i32
      %convert_element_type3A_478 = arith.extui %lt3A_477 : i1 to i32
      %cond3A_479 = arith.constant 0 : i32
      %cond3A_480 = arith.cmpi ne, %convert_element_type3A_478, %cond3A_479 : i32
      scf.if %cond3A_480 {
        %add3A_514 = arith.constant 4 : i32
        %add3A_515 = arith.addi %add3A_452, %add3A_514 : i32
        %mul3A_516 = arith.constant 128 : i32
        %mul3A_517 = arith.muli %add3A_515, %mul3A_516 : i32
        %add3A_518 = arith.addi %multiple_of3A, %mul3A_517 : i32
        %multiple_of3A_519 = tpu.assume_multiple %add3A_518, 8 : i32
        %dma_start3A_520 = tpu.memref_slice %arg4[%multiple_of3A_519] : memref<320000xi32, #tpu.memory_space<hbm>> -> memref<128xi32, #tpu.memory_space<hbm>>
        %dma_start3A_521 = tpu.memref_slice %arg4[%multiple_of3A_519] : memref<320000xi32, #tpu.memory_space<hbm>> -> memref<128xi32, #tpu.memory_space<hbm>>
        tpu.enqueue_dma source(%dma_start3A_521 : memref<128xi32, #tpu.memory_space<hbm>>) target(%arg9 : memref<128xi32, #tpu.memory_space<vmem>>) target_semaphore(%arg35 : memref<!tpu.dma_semaphore, #tpu.memory_space<semaphore_mem>>)
        %add3A_522 = arith.constant 4 : i32
        %add3A_523 = arith.addi %add3A_452, %add3A_522 : i32
        %mul3A_524 = arith.constant 128 : i32
        %mul3A_525 = arith.muli %add3A_523, %mul3A_524 : i32
        %multiple_of3A_526 = tpu.assume_multiple %mul3A_525, 8 : i32
        %dma_start3A_527 = tpu.memref_slice %arg6[%multiple_of3A_526] : memref<20000xi32, #tpu.memory_space<vmem>> -> memref<128xi32, #tpu.memory_space<vmem>>
        %dma_start3A_528 = arith.constant 0 : i32
        %dma_start3A_529 = arith.constant 0 : i32
        %dma_start3A_530 = tpu.memref_slice %arg2[%arg0, %dma_start3A_528, %dma_start3A_529] : memref<2x10000x64xf32, #tpu.memory_space<hbm>> -> memref<1x10000x64xf32, #tpu.memory_space<hbm>>
        %dma_start3A_531 = tpu.memref_squeeze %dma_start3A_530 : memref<1x10000x64xf32, #tpu.memory_space<hbm>> -> memref<10000x64xf32, #tpu.memory_space<hbm>>
        %dma_start3A_532 = arith.constant 0 : i32
        %dma_start3A_533 = arith.constant 0 : i32
        %dma_start3A_534 = tpu.memref_slice %dma_start3A_531[%dma_start3A_532, %dma_start3A_533] : memref<10000x64xf32, #tpu.memory_space<hbm>> -> memref<10000x64xf32, #tpu.memory_space<hbm>>
        tpu.enqueue_indirect_dma source(%dma_start3A_534 : memref<10000x64xf32, #tpu.memory_space<hbm>>) target(%arg15 : memref<128x64xf32, #tpu.memory_space<vmem>>) offsets(%dma_start3A_527 : memref<128xi32, #tpu.memory_space<vmem>>) semaphore(%arg23 : memref<!tpu.dma_semaphore, #tpu.memory_space<semaphore_mem>>)
      } else {
      }
      %mul3A_481 = arith.constant 6 : i32
      %mul3A_482 = arith.muli %mul3A_481, %scan3A_285 : i32
      %add3A_483 = arith.constant 5 : i32
      %add3A_484 = arith.addi %mul3A_482, %add3A_483 : i32
      %mul3A_485 = arith.constant 128 : i32
      %mul3A_486 = arith.muli %add3A_484, %mul3A_485 : i32
      %multiple_of3A_487 = tpu.assume_multiple %mul3A_486, 8 : i32
      %dma_wait3A_488 = tpu.memref_slice %arg6[%multiple_of3A_487] : memref<20000xi32, #tpu.memory_space<vmem>> -> memref<128xi32, #tpu.memory_space<vmem>>
      %dma_wait3A_489 = arith.constant 0 : i32
      %dma_wait3A_490 = arith.constant 0 : i32
      %dma_wait3A_491 = tpu.memref_slice %arg2[%arg0, %dma_wait3A_489, %dma_wait3A_490] : memref<2x10000x64xf32, #tpu.memory_space<hbm>> -> memref<1x10000x64xf32, #tpu.memory_space<hbm>>
      %dma_wait3A_492 = tpu.memref_squeeze %dma_wait3A_491 : memref<1x10000x64xf32, #tpu.memory_space<hbm>> -> memref<10000x64xf32, #tpu.memory_space<hbm>>
      %dma_wait3A_493 = arith.constant 0 : i32
      %dma_wait3A_494 = arith.constant 0 : i32
      %dma_wait3A_495 = tpu.memref_slice %dma_wait3A_492[%dma_wait3A_493, %dma_wait3A_494] : memref<10000x64xf32, #tpu.memory_space<hbm>> -> memref<10000x64xf32, #tpu.memory_space<hbm>>
      tpu.wait_indirect_dma semaphore(%arg26 : memref<!tpu.dma_semaphore, #tpu.memory_space<semaphore_mem>>) src(%dma_wait3A_495 : memref<10000x64xf32, #tpu.memory_space<hbm>>) dst(%arg18 : memref<128x64xf32, #tpu.memory_space<vmem>>)
      %mul3A_496 = arith.constant 128 : i32
      %mul3A_497 = arith.muli %add3A_484, %mul3A_496 : i32
      %add3A_498 = arith.addi %multiple_of3A, %mul3A_497 : i32
      %multiple_of3A_499 = tpu.assume_multiple %add3A_498, 8 : i32
      %dma_wait3A_500 = tpu.memref_slice %arg4[%multiple_of3A_499] : memref<320000xi32, #tpu.memory_space<hbm>> -> memref<128xi32, #tpu.memory_space<hbm>>
      %dma_wait3A_501 = tpu.memref_slice %arg4[%multiple_of3A_499] : memref<320000xi32, #tpu.memory_space<hbm>> -> memref<128xi32, #tpu.memory_space<hbm>>
      tpu.wait_dma2 semaphore(%arg38 : memref<!tpu.dma_semaphore, #tpu.memory_space<semaphore_mem>>) src(%dma_wait3A_501 : memref<128xi32, #tpu.memory_space<hbm>>) dst(%arg12 : memref<128xi32, #tpu.memory_space<vmem>>)
      %dma_start3A_502 = arith.constant 0 : i32
      %dma_start3A_503 = arith.constant 0 : i32
      %dma_start3A_504 = tpu.memref_slice %arg20[%dma_start3A_502, %dma_start3A_503] : memref<10000x64xf32, #tpu.memory_space<vmem_shared>> -> memref<10000x64xf32, #tpu.memory_space<vmem_shared>>
      tpu.enqueue_indirect_dma source(%arg18 : memref<128x64xf32, #tpu.memory_space<vmem>>) target(%dma_start3A_504 : memref<10000x64xf32, #tpu.memory_space<vmem_shared>>) offsets(%arg12 : memref<128xi32, #tpu.memory_space<vmem>>) semaphore(%arg32 : memref<!tpu.dma_semaphore, #tpu.memory_space<semaphore_mem>>) {add = true}
      %dma_wait3A_505 = arith.constant 0 : i32
      %dma_wait3A_506 = arith.constant 0 : i32
      %dma_wait3A_507 = tpu.memref_slice %arg20[%dma_wait3A_505, %dma_wait3A_506] : memref<10000x64xf32, #tpu.memory_space<vmem_shared>> -> memref<10000x64xf32, #tpu.memory_space<vmem_shared>>
      tpu.wait_indirect_dma semaphore(%arg30 : memref<!tpu.dma_semaphore, #tpu.memory_space<semaphore_mem>>) src(%arg16 : memref<128x64xf32, #tpu.memory_space<vmem>>) dst(%dma_wait3A_507 : memref<10000x64xf32, #tpu.memory_space<vmem_shared>>)
      %lt3A_508 = arith.constant 25 : i32
      %lt3A_509 = arith.cmpi slt, %scan3A_285, %lt3A_508 : i32
      %convert_element_type3A_510 = arith.extui %lt3A_509 : i1 to i32
      %cond3A_511 = arith.constant 0 : i32
      %cond3A_512 = arith.cmpi ne, %convert_element_type3A_510, %cond3A_511 : i32
      scf.if %cond3A_512 {
        %add3A_514 = arith.constant 4 : i32
        %add3A_515 = arith.addi %add3A_484, %add3A_514 : i32
        %mul3A_516 = arith.constant 128 : i32
        %mul3A_517 = arith.muli %add3A_515, %mul3A_516 : i32
        %add3A_518 = arith.addi %multiple_of3A, %mul3A_517 : i32
        %multiple_of3A_519 = tpu.assume_multiple %add3A_518, 8 : i32
        %dma_start3A_520 = tpu.memref_slice %arg4[%multiple_of3A_519] : memref<320000xi32, #tpu.memory_space<hbm>> -> memref<128xi32, #tpu.memory_space<hbm>>
        %dma_start3A_521 = tpu.memref_slice %arg4[%multiple_of3A_519] : memref<320000xi32, #tpu.memory_space<hbm>> -> memref<128xi32, #tpu.memory_space<hbm>>
        tpu.enqueue_dma source(%dma_start3A_521 : memref<128xi32, #tpu.memory_space<hbm>>) target(%arg10 : memref<128xi32, #tpu.memory_space<vmem>>) target_semaphore(%arg36 : memref<!tpu.dma_semaphore, #tpu.memory_space<semaphore_mem>>)
        %add3A_522 = arith.constant 4 : i32
        %add3A_523 = arith.addi %add3A_484, %add3A_522 : i32
        %mul3A_524 = arith.constant 128 : i32
        %mul3A_525 = arith.muli %add3A_523, %mul3A_524 : i32
        %multiple_of3A_526 = tpu.assume_multiple %mul3A_525, 8 : i32
        %dma_start3A_527 = tpu.memref_slice %arg6[%multiple_of3A_526] : memref<20000xi32, #tpu.memory_space<vmem>> -> memref<128xi32, #tpu.memory_space<vmem>>
        %dma_start3A_528 = arith.constant 0 : i32
        %dma_start3A_529 = arith.constant 0 : i32
        %dma_start3A_530 = tpu.memref_slice %arg2[%arg0, %dma_start3A_528, %dma_start3A_529] : memref<2x10000x64xf32, #tpu.memory_space<hbm>> -> memref<1x10000x64xf32, #tpu.memory_space<hbm>>
        %dma_start3A_531 = tpu.memref_squeeze %dma_start3A_530 : memref<1x10000x64xf32, #tpu.memory_space<hbm>> -> memref<10000x64xf32, #tpu.memory_space<hbm>>
        %dma_start3A_532 = arith.constant 0 : i32
        %dma_start3A_533 = arith.constant 0 : i32
        %dma_start3A_534 = tpu.memref_slice %dma_start3A_531[%dma_start3A_532, %dma_start3A_533] : memref<10000x64xf32, #tpu.memory_space<hbm>> -> memref<10000x64xf32, #tpu.memory_space<hbm>>
        tpu.enqueue_indirect_dma source(%dma_start3A_534 : memref<10000x64xf32, #tpu.memory_space<hbm>>) target(%arg16 : memref<128x64xf32, #tpu.memory_space<vmem>>) offsets(%dma_start3A_527 : memref<128xi32, #tpu.memory_space<vmem>>) semaphore(%arg24 : memref<!tpu.dma_semaphore, #tpu.memory_space<semaphore_mem>>)
      } else {
      }
      %scan3A_513 = arith.constant 0 : i32
      scf.yield %scan3A_513 : i32
    }
    %scan3A_87 = arith.constant 26 : i32
    %dma_wait3A = arith.constant 0 : i32
    %dma_wait3A_88 = arith.constant 0 : i32
    %dma_wait3A_89 = tpu.memref_slice %arg20[%dma_wait3A, %dma_wait3A_88] : memref<10000x64xf32, #tpu.memory_space<vmem_shared>> -> memref<10000x64xf32, #tpu.memory_space<vmem_shared>>
    tpu.wait_indirect_dma semaphore(%arg31 : memref<!tpu.dma_semaphore, #tpu.memory_space<semaphore_mem>>) src(%arg17 : memref<128x64xf32, #tpu.memory_space<vmem>>) dst(%dma_wait3A_89 : memref<10000x64xf32, #tpu.memory_space<vmem_shared>>)
    %dma_wait3A_90 = arith.constant 0 : i32
    %dma_wait3A_91 = arith.constant 0 : i32
    %dma_wait3A_92 = tpu.memref_slice %arg20[%dma_wait3A_90, %dma_wait3A_91] : memref<10000x64xf32, #tpu.memory_space<vmem_shared>> -> memref<10000x64xf32, #tpu.memory_space<vmem_shared>>
    tpu.wait_indirect_dma semaphore(%arg32 : memref<!tpu.dma_semaphore, #tpu.memory_space<semaphore_mem>>) src(%arg18 : memref<128x64xf32, #tpu.memory_space<vmem>>) dst(%dma_wait3A_92 : memref<10000x64xf32, #tpu.memory_space<vmem_shared>>)
    %add3A_93 = arith.constant 19968 : i32
    %add3A_94 = arith.addi %multiple_of3A, %add3A_93 : i32
    %multiple_of3A_95 = tpu.assume_multiple %add3A_94, 8 : i32
    "tpu.region"() ({
      %run_scoped3A = tpu.sem_alloc : memref<!tpu.dma_semaphore, #tpu.memory_space<semaphore_mem>>
      %dma_start3A_285 = tpu.memref_slice %arg4[%multiple_of3A_95] : memref<320000xi32, #tpu.memory_space<hbm>> -> memref<32xi32, #tpu.memory_space<hbm>>
      %dma_start3A_286 = tpu.memref_slice %arg4[%multiple_of3A_95] : memref<320000xi32, #tpu.memory_space<hbm>> -> memref<32xi32, #tpu.memory_space<hbm>>
      tpu.enqueue_dma source(%dma_start3A_286 : memref<32xi32, #tpu.memory_space<hbm>>) target(%arg19 : memref<32xi32, #tpu.memory_space<vmem>>) target_semaphore(%run_scoped3A : memref<!tpu.dma_semaphore, #tpu.memory_space<semaphore_mem>>)
      %dma_wait3A_287 = tpu.memref_slice %arg4[%multiple_of3A_95] : memref<320000xi32, #tpu.memory_space<hbm>> -> memref<32xi32, #tpu.memory_space<hbm>>
      %dma_wait3A_288 = tpu.memref_slice %arg4[%multiple_of3A_95] : memref<320000xi32, #tpu.memory_space<hbm>> -> memref<32xi32, #tpu.memory_space<hbm>>
      tpu.wait_dma2 semaphore(%run_scoped3A : memref<!tpu.dma_semaphore, #tpu.memory_space<semaphore_mem>>) src(%dma_wait3A_288 : memref<32xi32, #tpu.memory_space<hbm>>) dst(%arg19 : memref<32xi32, #tpu.memory_space<vmem>>)
      tpu.yield
    }) : () -> ()
    %dma_start3A_96 = arith.constant 0 : i32
    %dma_start3A_97 = arith.constant 0 : i32
    %dma_start3A_98 = tpu.memref_slice %arg13[%dma_start3A_96, %dma_start3A_97] : memref<128x64xf32, #tpu.memory_space<vmem>> -> memref<32x64xf32, #tpu.memory_space<vmem>>
    %dma_start3A_99 = arith.constant 19968 : i32
    %dma_start3A_100 = tpu.memref_slice %arg6[%dma_start3A_99] : memref<20000xi32, #tpu.memory_space<vmem>> -> memref<32xi32, #tpu.memory_space<vmem>>
    %dma_start3A_101 = arith.constant 0 : i32
    %dma_start3A_102 = arith.constant 0 : i32
    %dma_start3A_103 = tpu.memref_slice %arg2[%arg0, %dma_start3A_101, %dma_start3A_102] : memref<2x10000x64xf32, #tpu.memory_space<hbm>> -> memref<1x10000x64xf32, #tpu.memory_space<hbm>>
    %dma_start3A_104 = tpu.memref_squeeze %dma_start3A_103 : memref<1x10000x64xf32, #tpu.memory_space<hbm>> -> memref<10000x64xf32, #tpu.memory_space<hbm>>
    %dma_start3A_105 = arith.constant 0 : i32
    %dma_start3A_106 = arith.constant 0 : i32
    %dma_start3A_107 = tpu.memref_slice %dma_start3A_104[%dma_start3A_105, %dma_start3A_106] : memref<10000x64xf32, #tpu.memory_space<hbm>> -> memref<10000x64xf32, #tpu.memory_space<hbm>>
    tpu.enqueue_indirect_dma source(%dma_start3A_107 : memref<10000x64xf32, #tpu.memory_space<hbm>>) target(%dma_start3A_98 : memref<32x64xf32, #tpu.memory_space<vmem>>) offsets(%dma_start3A_100 : memref<32xi32, #tpu.memory_space<vmem>>) semaphore(%arg21 : memref<!tpu.dma_semaphore, #tpu.memory_space<semaphore_mem>>)
    %dma_wait3A_108 = arith.constant 0 : i32
    %dma_wait3A_109 = arith.constant 0 : i32
    %dma_wait3A_110 = tpu.memref_slice %arg13[%dma_wait3A_108, %dma_wait3A_109] : memref<128x64xf32, #tpu.memory_space<vmem>> -> memref<32x64xf32, #tpu.memory_space<vmem>>
    %dma_wait3A_111 = arith.constant 19968 : i32
    %dma_wait3A_112 = tpu.memref_slice %arg6[%dma_wait3A_111] : memref<20000xi32, #tpu.memory_space<vmem>> -> memref<32xi32, #tpu.memory_space<vmem>>
    %dma_wait3A_113 = arith.constant 0 : i32
    %dma_wait3A_114 = arith.constant 0 : i32
    %dma_wait3A_115 = tpu.memref_slice %arg2[%arg0, %dma_wait3A_113, %dma_wait3A_114] : memref<2x10000x64xf32, #tpu.memory_space<hbm>> -> memref<1x10000x64xf32, #tpu.memory_space<hbm>>
    %dma_wait3A_116 = tpu.memref_squeeze %dma_wait3A_115 : memref<1x10000x64xf32, #tpu.memory_space<hbm>> -> memref<10000x64xf32, #tpu.memory_space<hbm>>
    %dma_wait3A_117 = arith.constant 0 : i32
    %dma_wait3A_118 = arith.constant 0 : i32
    %dma_wait3A_119 = tpu.memref_slice %dma_wait3A_116[%dma_wait3A_117, %dma_wait3A_118] : memref<10000x64xf32, #tpu.memory_space<hbm>> -> memref<10000x64xf32, #tpu.memory_space<hbm>>
    tpu.wait_indirect_dma semaphore(%arg21 : memref<!tpu.dma_semaphore, #tpu.memory_space<semaphore_mem>>) src(%dma_wait3A_119 : memref<10000x64xf32, #tpu.memory_space<hbm>>) dst(%dma_wait3A_110 : memref<32x64xf32, #tpu.memory_space<vmem>>)
    "tpu.region"() ({
      %run_scoped3A = tpu.sem_alloc : memref<!tpu.dma_semaphore, #tpu.memory_space<semaphore_mem>>
      %dma_start3A_285 = arith.constant 0 : i32
      %dma_start3A_286 = arith.constant 0 : i32
      %dma_start3A_287 = tpu.memref_slice %arg13[%dma_start3A_285, %dma_start3A_286] : memref<128x64xf32, #tpu.memory_space<vmem>> -> memref<32x64xf32, #tpu.memory_space<vmem>>
      %dma_start3A_288 = arith.constant 0 : i32
      %dma_start3A_289 = arith.constant 0 : i32
      %dma_start3A_290 = tpu.memref_slice %arg20[%dma_start3A_288, %dma_start3A_289] : memref<10000x64xf32, #tpu.memory_space<vmem_shared>> -> memref<10000x64xf32, #tpu.memory_space<vmem_shared>>
      tpu.enqueue_indirect_dma source(%dma_start3A_287 : memref<32x64xf32, #tpu.memory_space<vmem>>) target(%dma_start3A_290 : memref<10000x64xf32, #tpu.memory_space<vmem_shared>>) offsets(%arg19 : memref<32xi32, #tpu.memory_space<vmem>>) semaphore(%run_scoped3A : memref<!tpu.dma_semaphore, #tpu.memory_space<semaphore_mem>>) {add = true}
      %dma_wait3A_291 = arith.constant 0 : i32
      %dma_wait3A_292 = arith.constant 0 : i32
      %dma_wait3A_293 = tpu.memref_slice %arg13[%dma_wait3A_291, %dma_wait3A_292] : memref<128x64xf32, #tpu.memory_space<vmem>> -> memref<32x64xf32, #tpu.memory_space<vmem>>
      %dma_wait3A_294 = arith.constant 0 : i32
      %dma_wait3A_295 = arith.constant 0 : i32
      %dma_wait3A_296 = tpu.memref_slice %arg20[%dma_wait3A_294, %dma_wait3A_295] : memref<10000x64xf32, #tpu.memory_space<vmem_shared>> -> memref<10000x64xf32, #tpu.memory_space<vmem_shared>>
      tpu.wait_indirect_dma semaphore(%run_scoped3A : memref<!tpu.dma_semaphore, #tpu.memory_space<semaphore_mem>>) src(%dma_wait3A_293 : memref<32x64xf32, #tpu.memory_space<vmem>>) dst(%dma_wait3A_296 : memref<10000x64xf32, #tpu.memory_space<vmem_shared>>)
      tpu.yield
    }) : () -> ()
    %barrier3A_120 = arith.constant 0 : index
    tpu.barrier barrier_id(%barrier3A_120)
    %add3A_121 = arith.constant 512 : i32
    %add3A_122 = arith.addi %multiple_of3A_10, %add3A_121 : i32
    %multiple_of3A_123 = tpu.assume_multiple %add3A_122, 8 : i32
    %add3A_124 = arith.constant 0 : i32
    %add3A_125 = arith.addi %multiple_of3A_10, %add3A_124 : i32
    %dma_start3A_126 = arith.constant 0 : i32
    %dma_start3A_127 = tpu.memref_slice %arg20[%add3A_125, %dma_start3A_126] : memref<10000x64xf32, #tpu.memory_space<vmem_shared>> -> memref<128x64xf32, #tpu.memory_space<vmem_shared>>
    %dma_start3A_128 = arith.constant 0 : i32
    %dma_start3A_129 = tpu.memref_slice %arg20[%add3A_125, %dma_start3A_128] : memref<10000x64xf32, #tpu.memory_space<vmem_shared>> -> memref<128x64xf32, #tpu.memory_space<vmem_shared>>
    tpu.enqueue_dma source(%dma_start3A_129 : memref<128x64xf32, #tpu.memory_space<vmem_shared>>) target(%arg13 : memref<128x64xf32, #tpu.memory_space<vmem>>) target_semaphore(%arg21 : memref<!tpu.dma_semaphore, #tpu.memory_space<semaphore_mem>>)
    %add3A_130 = arith.constant 128 : i32
    %add3A_131 = arith.addi %multiple_of3A_10, %add3A_130 : i32
    %dma_start3A_132 = arith.constant 0 : i32
    %dma_start3A_133 = tpu.memref_slice %arg20[%add3A_131, %dma_start3A_132] : memref<10000x64xf32, #tpu.memory_space<vmem_shared>> -> memref<128x64xf32, #tpu.memory_space<vmem_shared>>
    %dma_start3A_134 = arith.constant 0 : i32
    %dma_start3A_135 = tpu.memref_slice %arg20[%add3A_131, %dma_start3A_134] : memref<10000x64xf32, #tpu.memory_space<vmem_shared>> -> memref<128x64xf32, #tpu.memory_space<vmem_shared>>
    tpu.enqueue_dma source(%dma_start3A_135 : memref<128x64xf32, #tpu.memory_space<vmem_shared>>) target(%arg14 : memref<128x64xf32, #tpu.memory_space<vmem>>) target_semaphore(%arg22 : memref<!tpu.dma_semaphore, #tpu.memory_space<semaphore_mem>>)
    %add3A_136 = arith.constant 256 : i32
    %add3A_137 = arith.addi %multiple_of3A_10, %add3A_136 : i32
    %dma_start3A_138 = arith.constant 0 : i32
    %dma_start3A_139 = tpu.memref_slice %arg20[%add3A_137, %dma_start3A_138] : memref<10000x64xf32, #tpu.memory_space<vmem_shared>> -> memref<128x64xf32, #tpu.memory_space<vmem_shared>>
    %dma_start3A_140 = arith.constant 0 : i32
    %dma_start3A_141 = tpu.memref_slice %arg20[%add3A_137, %dma_start3A_140] : memref<10000x64xf32, #tpu.memory_space<vmem_shared>> -> memref<128x64xf32, #tpu.memory_space<vmem_shared>>
    tpu.enqueue_dma source(%dma_start3A_141 : memref<128x64xf32, #tpu.memory_space<vmem_shared>>) target(%arg15 : memref<128x64xf32, #tpu.memory_space<vmem>>) target_semaphore(%arg23 : memref<!tpu.dma_semaphore, #tpu.memory_space<semaphore_mem>>)
    %add3A_142 = arith.constant 384 : i32
    %add3A_143 = arith.addi %multiple_of3A_10, %add3A_142 : i32
    %dma_start3A_144 = arith.constant 0 : i32
    %dma_start3A_145 = tpu.memref_slice %arg20[%add3A_143, %dma_start3A_144] : memref<10000x64xf32, #tpu.memory_space<vmem_shared>> -> memref<128x64xf32, #tpu.memory_space<vmem_shared>>
    %dma_start3A_146 = arith.constant 0 : i32
    %dma_start3A_147 = tpu.memref_slice %arg20[%add3A_143, %dma_start3A_146] : memref<10000x64xf32, #tpu.memory_space<vmem_shared>> -> memref<128x64xf32, #tpu.memory_space<vmem_shared>>
    tpu.enqueue_dma source(%dma_start3A_147 : memref<128x64xf32, #tpu.memory_space<vmem_shared>>) target(%arg16 : memref<128x64xf32, #tpu.memory_space<vmem>>) target_semaphore(%arg24 : memref<!tpu.dma_semaphore, #tpu.memory_space<semaphore_mem>>)
    %dma_start3A_148 = arith.constant 0 : i32
    %dma_start3A_149 = arith.constant 0 : i32
    %dma_start3A_150 = tpu.memref_slice %arg17[%dma_start3A_148, %dma_start3A_149] : memref<128x64xf32, #tpu.memory_space<vmem>> -> memref<112x64xf32, #tpu.memory_space<vmem>>
    %dma_start3A_151 = arith.constant 0 : i32
    %dma_start3A_152 = tpu.memref_slice %arg20[%multiple_of3A_123, %dma_start3A_151] : memref<10000x64xf32, #tpu.memory_space<vmem_shared>> -> memref<112x64xf32, #tpu.memory_space<vmem_shared>>
    %dma_start3A_153 = arith.constant 0 : i32
    %dma_start3A_154 = arith.constant 0 : i32
    %dma_start3A_155 = tpu.memref_slice %arg17[%dma_start3A_153, %dma_start3A_154] : memref<128x64xf32, #tpu.memory_space<vmem>> -> memref<112x64xf32, #tpu.memory_space<vmem>>
    %dma_start3A_156 = arith.constant 0 : i32
    %dma_start3A_157 = tpu.memref_slice %arg20[%multiple_of3A_123, %dma_start3A_156] : memref<10000x64xf32, #tpu.memory_space<vmem_shared>> -> memref<112x64xf32, #tpu.memory_space<vmem_shared>>
    tpu.enqueue_dma source(%dma_start3A_157 : memref<112x64xf32, #tpu.memory_space<vmem_shared>>) target(%dma_start3A_155 : memref<112x64xf32, #tpu.memory_space<vmem>>) target_semaphore(%arg25 : memref<!tpu.dma_semaphore, #tpu.memory_space<semaphore_mem>>)
    %add3A_158 = arith.constant 0 : i32
    %add3A_159 = arith.addi %multiple_of3A_10, %add3A_158 : i32
    %dma_wait3A_160 = arith.constant 0 : i32
    %dma_wait3A_161 = tpu.memref_slice %arg20[%add3A_159, %dma_wait3A_160] : memref<10000x64xf32, #tpu.memory_space<vmem_shared>> -> memref<128x64xf32, #tpu.memory_space<vmem_shared>>
    %dma_wait3A_162 = arith.constant 0 : i32
    %dma_wait3A_163 = tpu.memref_slice %arg20[%add3A_159, %dma_wait3A_162] : memref<10000x64xf32, #tpu.memory_space<vmem_shared>> -> memref<128x64xf32, #tpu.memory_space<vmem_shared>>
    tpu.wait_dma2 semaphore(%arg21 : memref<!tpu.dma_semaphore, #tpu.memory_space<semaphore_mem>>) src(%dma_wait3A_163 : memref<128x64xf32, #tpu.memory_space<vmem_shared>>) dst(%arg13 : memref<128x64xf32, #tpu.memory_space<vmem>>)
    %add3A_164 = arith.constant 0 : i32
    %add3A_165 = arith.addi %multiple_of3A_10, %add3A_164 : i32
    %dma_start3A_166 = arith.constant 0 : i32
    %dma_start3A_167 = tpu.memref_slice %arg5[%arg0, %add3A_165, %dma_start3A_166] : memref<2x10000x64xf32, #tpu.memory_space<hbm>> -> memref<1x128x64xf32, #tpu.memory_space<hbm>>
    %dma_start3A_168 = tpu.memref_squeeze %dma_start3A_167 : memref<1x128x64xf32, #tpu.memory_space<hbm>> -> memref<128x64xf32, #tpu.memory_space<hbm>>
    %dma_start3A_169 = arith.constant 0 : i32
    %dma_start3A_170 = tpu.memref_slice %arg5[%arg0, %add3A_165, %dma_start3A_169] : memref<2x10000x64xf32, #tpu.memory_space<hbm>> -> memref<1x128x64xf32, #tpu.memory_space<hbm>>
    %dma_start3A_171 = tpu.memref_squeeze %dma_start3A_170 : memref<1x128x64xf32, #tpu.memory_space<hbm>> -> memref<128x64xf32, #tpu.memory_space<hbm>>
    tpu.enqueue_dma source(%arg13 : memref<128x64xf32, #tpu.memory_space<vmem>>) target(%dma_start3A_171 : memref<128x64xf32, #tpu.memory_space<hbm>>) target_semaphore(%arg27 : memref<!tpu.dma_semaphore, #tpu.memory_space<semaphore_mem>>)
    %add3A_172 = arith.constant 128 : i32
    %add3A_173 = arith.addi %multiple_of3A_10, %add3A_172 : i32
    %dma_wait3A_174 = arith.constant 0 : i32
    %dma_wait3A_175 = tpu.memref_slice %arg20[%add3A_173, %dma_wait3A_174] : memref<10000x64xf32, #tpu.memory_space<vmem_shared>> -> memref<128x64xf32, #tpu.memory_space<vmem_shared>>
    %dma_wait3A_176 = arith.constant 0 : i32
    %dma_wait3A_177 = tpu.memref_slice %arg20[%add3A_173, %dma_wait3A_176] : memref<10000x64xf32, #tpu.memory_space<vmem_shared>> -> memref<128x64xf32, #tpu.memory_space<vmem_shared>>
    tpu.wait_dma2 semaphore(%arg22 : memref<!tpu.dma_semaphore, #tpu.memory_space<semaphore_mem>>) src(%dma_wait3A_177 : memref<128x64xf32, #tpu.memory_space<vmem_shared>>) dst(%arg14 : memref<128x64xf32, #tpu.memory_space<vmem>>)
    %add3A_178 = arith.constant 128 : i32
    %add3A_179 = arith.addi %multiple_of3A_10, %add3A_178 : i32
    %dma_start3A_180 = arith.constant 0 : i32
    %dma_start3A_181 = tpu.memref_slice %arg5[%arg0, %add3A_179, %dma_start3A_180] : memref<2x10000x64xf32, #tpu.memory_space<hbm>> -> memref<1x128x64xf32, #tpu.memory_space<hbm>>
    %dma_start3A_182 = tpu.memref_squeeze %dma_start3A_181 : memref<1x128x64xf32, #tpu.memory_space<hbm>> -> memref<128x64xf32, #tpu.memory_space<hbm>>
    %dma_start3A_183 = arith.constant 0 : i32
    %dma_start3A_184 = tpu.memref_slice %arg5[%arg0, %add3A_179, %dma_start3A_183] : memref<2x10000x64xf32, #tpu.memory_space<hbm>> -> memref<1x128x64xf32, #tpu.memory_space<hbm>>
    %dma_start3A_185 = tpu.memref_squeeze %dma_start3A_184 : memref<1x128x64xf32, #tpu.memory_space<hbm>> -> memref<128x64xf32, #tpu.memory_space<hbm>>
    tpu.enqueue_dma source(%arg14 : memref<128x64xf32, #tpu.memory_space<vmem>>) target(%dma_start3A_185 : memref<128x64xf32, #tpu.memory_space<hbm>>) target_semaphore(%arg28 : memref<!tpu.dma_semaphore, #tpu.memory_space<semaphore_mem>>)
    %add3A_186 = arith.constant 256 : i32
    %add3A_187 = arith.addi %multiple_of3A_10, %add3A_186 : i32
    %dma_wait3A_188 = arith.constant 0 : i32
    %dma_wait3A_189 = tpu.memref_slice %arg20[%add3A_187, %dma_wait3A_188] : memref<10000x64xf32, #tpu.memory_space<vmem_shared>> -> memref<128x64xf32, #tpu.memory_space<vmem_shared>>
    %dma_wait3A_190 = arith.constant 0 : i32
    %dma_wait3A_191 = tpu.memref_slice %arg20[%add3A_187, %dma_wait3A_190] : memref<10000x64xf32, #tpu.memory_space<vmem_shared>> -> memref<128x64xf32, #tpu.memory_space<vmem_shared>>
    tpu.wait_dma2 semaphore(%arg23 : memref<!tpu.dma_semaphore, #tpu.memory_space<semaphore_mem>>) src(%dma_wait3A_191 : memref<128x64xf32, #tpu.memory_space<vmem_shared>>) dst(%arg15 : memref<128x64xf32, #tpu.memory_space<vmem>>)
    %add3A_192 = arith.constant 256 : i32
    %add3A_193 = arith.addi %multiple_of3A_10, %add3A_192 : i32
    %dma_start3A_194 = arith.constant 0 : i32
    %dma_start3A_195 = tpu.memref_slice %arg5[%arg0, %add3A_193, %dma_start3A_194] : memref<2x10000x64xf32, #tpu.memory_space<hbm>> -> memref<1x128x64xf32, #tpu.memory_space<hbm>>
    %dma_start3A_196 = tpu.memref_squeeze %dma_start3A_195 : memref<1x128x64xf32, #tpu.memory_space<hbm>> -> memref<128x64xf32, #tpu.memory_space<hbm>>
    %dma_start3A_197 = arith.constant 0 : i32
    %dma_start3A_198 = tpu.memref_slice %arg5[%arg0, %add3A_193, %dma_start3A_197] : memref<2x10000x64xf32, #tpu.memory_space<hbm>> -> memref<1x128x64xf32, #tpu.memory_space<hbm>>
    %dma_start3A_199 = tpu.memref_squeeze %dma_start3A_198 : memref<1x128x64xf32, #tpu.memory_space<hbm>> -> memref<128x64xf32, #tpu.memory_space<hbm>>
    tpu.enqueue_dma source(%arg15 : memref<128x64xf32, #tpu.memory_space<vmem>>) target(%dma_start3A_199 : memref<128x64xf32, #tpu.memory_space<hbm>>) target_semaphore(%arg29 : memref<!tpu.dma_semaphore, #tpu.memory_space<semaphore_mem>>)
    %add3A_200 = arith.constant 384 : i32
    %add3A_201 = arith.addi %multiple_of3A_10, %add3A_200 : i32
    %dma_wait3A_202 = arith.constant 0 : i32
    %dma_wait3A_203 = tpu.memref_slice %arg20[%add3A_201, %dma_wait3A_202] : memref<10000x64xf32, #tpu.memory_space<vmem_shared>> -> memref<128x64xf32, #tpu.memory_space<vmem_shared>>
    %dma_wait3A_204 = arith.constant 0 : i32
    %dma_wait3A_205 = tpu.memref_slice %arg20[%add3A_201, %dma_wait3A_204] : memref<10000x64xf32, #tpu.memory_space<vmem_shared>> -> memref<128x64xf32, #tpu.memory_space<vmem_shared>>
    tpu.wait_dma2 semaphore(%arg24 : memref<!tpu.dma_semaphore, #tpu.memory_space<semaphore_mem>>) src(%dma_wait3A_205 : memref<128x64xf32, #tpu.memory_space<vmem_shared>>) dst(%arg16 : memref<128x64xf32, #tpu.memory_space<vmem>>)
    %add3A_206 = arith.constant 384 : i32
    %add3A_207 = arith.addi %multiple_of3A_10, %add3A_206 : i32
    %dma_start3A_208 = arith.constant 0 : i32
    %dma_start3A_209 = tpu.memref_slice %arg5[%arg0, %add3A_207, %dma_start3A_208] : memref<2x10000x64xf32, #tpu.memory_space<hbm>> -> memref<1x128x64xf32, #tpu.memory_space<hbm>>
    %dma_start3A_210 = tpu.memref_squeeze %dma_start3A_209 : memref<1x128x64xf32, #tpu.memory_space<hbm>> -> memref<128x64xf32, #tpu.memory_space<hbm>>
    %dma_start3A_211 = arith.constant 0 : i32
    %dma_start3A_212 = tpu.memref_slice %arg5[%arg0, %add3A_207, %dma_start3A_211] : memref<2x10000x64xf32, #tpu.memory_space<hbm>> -> memref<1x128x64xf32, #tpu.memory_space<hbm>>
    %dma_start3A_213 = tpu.memref_squeeze %dma_start3A_212 : memref<1x128x64xf32, #tpu.memory_space<hbm>> -> memref<128x64xf32, #tpu.memory_space<hbm>>
    tpu.enqueue_dma source(%arg16 : memref<128x64xf32, #tpu.memory_space<vmem>>) target(%dma_start3A_213 : memref<128x64xf32, #tpu.memory_space<hbm>>) target_semaphore(%arg30 : memref<!tpu.dma_semaphore, #tpu.memory_space<semaphore_mem>>)
    %dma_wait3A_214 = arith.constant 0 : i32
    %dma_wait3A_215 = arith.constant 0 : i32
    %dma_wait3A_216 = tpu.memref_slice %arg17[%dma_wait3A_214, %dma_wait3A_215] : memref<128x64xf32, #tpu.memory_space<vmem>> -> memref<112x64xf32, #tpu.memory_space<vmem>>
    %dma_wait3A_217 = arith.constant 0 : i32
    %dma_wait3A_218 = tpu.memref_slice %arg20[%multiple_of3A_123, %dma_wait3A_217] : memref<10000x64xf32, #tpu.memory_space<vmem_shared>> -> memref<112x64xf32, #tpu.memory_space<vmem_shared>>
    %dma_wait3A_219 = arith.constant 0 : i32
    %dma_wait3A_220 = arith.constant 0 : i32
    %dma_wait3A_221 = tpu.memref_slice %arg17[%dma_wait3A_219, %dma_wait3A_220] : memref<128x64xf32, #tpu.memory_space<vmem>> -> memref<112x64xf32, #tpu.memory_space<vmem>>
    %dma_wait3A_222 = arith.constant 0 : i32
    %dma_wait3A_223 = tpu.memref_slice %arg20[%multiple_of3A_123, %dma_wait3A_222] : memref<10000x64xf32, #tpu.memory_space<vmem_shared>> -> memref<112x64xf32, #tpu.memory_space<vmem_shared>>
    tpu.wait_dma2 semaphore(%arg25 : memref<!tpu.dma_semaphore, #tpu.memory_space<semaphore_mem>>) src(%dma_wait3A_223 : memref<112x64xf32, #tpu.memory_space<vmem_shared>>) dst(%dma_wait3A_221 : memref<112x64xf32, #tpu.memory_space<vmem>>)
    %dma_start3A_224 = arith.constant 0 : i32
    %dma_start3A_225 = arith.constant 0 : i32
    %dma_start3A_226 = tpu.memref_slice %arg17[%dma_start3A_224, %dma_start3A_225] : memref<128x64xf32, #tpu.memory_space<vmem>> -> memref<112x64xf32, #tpu.memory_space<vmem>>
    %dma_start3A_227 = arith.constant 0 : i32
    %dma_start3A_228 = tpu.memref_slice %arg5[%arg0, %multiple_of3A_123, %dma_start3A_227] : memref<2x10000x64xf32, #tpu.memory_space<hbm>> -> memref<1x112x64xf32, #tpu.memory_space<hbm>>
    %dma_start3A_229 = tpu.memref_squeeze %dma_start3A_228 : memref<1x112x64xf32, #tpu.memory_space<hbm>> -> memref<112x64xf32, #tpu.memory_space<hbm>>
    %dma_start3A_230 = arith.constant 0 : i32
    %dma_start3A_231 = tpu.memref_slice %arg5[%arg0, %multiple_of3A_123, %dma_start3A_230] : memref<2x10000x64xf32, #tpu.memory_space<hbm>> -> memref<1x112x64xf32, #tpu.memory_space<hbm>>
    %dma_start3A_232 = tpu.memref_squeeze %dma_start3A_231 : memref<1x112x64xf32, #tpu.memory_space<hbm>> -> memref<112x64xf32, #tpu.memory_space<hbm>>
    %dma_start3A_233 = arith.constant 0 : i32
    %dma_start3A_234 = arith.constant 0 : i32
    %dma_start3A_235 = tpu.memref_slice %arg17[%dma_start3A_233, %dma_start3A_234] : memref<128x64xf32, #tpu.memory_space<vmem>> -> memref<112x64xf32, #tpu.memory_space<vmem>>
    tpu.enqueue_dma source(%dma_start3A_235 : memref<112x64xf32, #tpu.memory_space<vmem>>) target(%dma_start3A_232 : memref<112x64xf32, #tpu.memory_space<hbm>>) target_semaphore(%arg31 : memref<!tpu.dma_semaphore, #tpu.memory_space<semaphore_mem>>)
    %eq3A_236 = arith.constant 15 : i32
    %eq3A_237 = arith.cmpi eq, %arg1, %eq3A_236 : i32
    %convert_element_type3A_238 = arith.extui %eq3A_237 : i1 to i32
    %cond3A_239 = arith.constant 0 : i32
    %cond3A_240 = arith.cmpi ne, %convert_element_type3A_238, %cond3A_239 : i32
    scf.if %cond3A_240 {
      "tpu.region"() ({
        %run_scoped3A = tpu.sem_alloc : memref<!tpu.dma_semaphore, #tpu.memory_space<semaphore_mem>>
        %dma_start3A_285 = arith.constant 0 : i32
        %dma_start3A_286 = arith.constant 0 : i32
        %dma_start3A_287 = tpu.memref_slice %arg18[%dma_start3A_285, %dma_start3A_286] : memref<128x64xf32, #tpu.memory_space<vmem>> -> memref<16x64xf32, #tpu.memory_space<vmem>>
        %dma_start3A_288 = arith.constant 9984 : i32
        %dma_start3A_289 = arith.constant 0 : i32
        %dma_start3A_290 = tpu.memref_slice %arg20[%dma_start3A_288, %dma_start3A_289] : memref<10000x64xf32, #tpu.memory_space<vmem_shared>> -> memref<16x64xf32, #tpu.memory_space<vmem_shared>>
        %dma_start3A_291 = arith.constant 0 : i32
        %dma_start3A_292 = arith.constant 0 : i32
        %dma_start3A_293 = tpu.memref_slice %arg18[%dma_start3A_291, %dma_start3A_292] : memref<128x64xf32, #tpu.memory_space<vmem>> -> memref<16x64xf32, #tpu.memory_space<vmem>>
        %dma_start3A_294 = arith.constant 9984 : i32
        %dma_start3A_295 = arith.constant 0 : i32
        %dma_start3A_296 = tpu.memref_slice %arg20[%dma_start3A_294, %dma_start3A_295] : memref<10000x64xf32, #tpu.memory_space<vmem_shared>> -> memref<16x64xf32, #tpu.memory_space<vmem_shared>>
        tpu.enqueue_dma source(%dma_start3A_296 : memref<16x64xf32, #tpu.memory_space<vmem_shared>>) target(%dma_start3A_293 : memref<16x64xf32, #tpu.memory_space<vmem>>) target_semaphore(%run_scoped3A : memref<!tpu.dma_semaphore, #tpu.memory_space<semaphore_mem>>)
        %dma_wait3A_297 = arith.constant 0 : i32
        %dma_wait3A_298 = arith.constant 0 : i32
        %dma_wait3A_299 = tpu.memref_slice %arg18[%dma_wait3A_297, %dma_wait3A_298] : memref<128x64xf32, #tpu.memory_space<vmem>> -> memref<16x64xf32, #tpu.memory_space<vmem>>
        %dma_wait3A_300 = arith.constant 9984 : i32
        %dma_wait3A_301 = arith.constant 0 : i32
        %dma_wait3A_302 = tpu.memref_slice %arg20[%dma_wait3A_300, %dma_wait3A_301] : memref<10000x64xf32, #tpu.memory_space<vmem_shared>> -> memref<16x64xf32, #tpu.memory_space<vmem_shared>>
        %dma_wait3A_303 = arith.constant 0 : i32
        %dma_wait3A_304 = arith.constant 0 : i32
        %dma_wait3A_305 = tpu.memref_slice %arg18[%dma_wait3A_303, %dma_wait3A_304] : memref<128x64xf32, #tpu.memory_space<vmem>> -> memref<16x64xf32, #tpu.memory_space<vmem>>
        %dma_wait3A_306 = arith.constant 9984 : i32
        %dma_wait3A_307 = arith.constant 0 : i32
        %dma_wait3A_308 = tpu.memref_slice %arg20[%dma_wait3A_306, %dma_wait3A_307] : memref<10000x64xf32, #tpu.memory_space<vmem_shared>> -> memref<16x64xf32, #tpu.memory_space<vmem_shared>>
        tpu.wait_dma2 semaphore(%run_scoped3A : memref<!tpu.dma_semaphore, #tpu.memory_space<semaphore_mem>>) src(%dma_wait3A_308 : memref<16x64xf32, #tpu.memory_space<vmem_shared>>) dst(%dma_wait3A_305 : memref<16x64xf32, #tpu.memory_space<vmem>>)
        tpu.yield
      }) : () -> ()
      "tpu.region"() ({
        %run_scoped3A = tpu.sem_alloc : memref<!tpu.dma_semaphore, #tpu.memory_space<semaphore_mem>>
        %dma_start3A_285 = arith.constant 0 : i32
        %dma_start3A_286 = arith.constant 0 : i32
        %dma_start3A_287 = tpu.memref_slice %arg18[%dma_start3A_285, %dma_start3A_286] : memref<128x64xf32, #tpu.memory_space<vmem>> -> memref<16x64xf32, #tpu.memory_space<vmem>>
        %dma_start3A_288 = arith.constant 9984 : i32
        %dma_start3A_289 = arith.constant 0 : i32
        %dma_start3A_290 = tpu.memref_slice %arg5[%arg0, %dma_start3A_288, %dma_start3A_289] : memref<2x10000x64xf32, #tpu.memory_space<hbm>> -> memref<1x16x64xf32, #tpu.memory_space<hbm>>
        %dma_start3A_291 = tpu.memref_squeeze %dma_start3A_290 : memref<1x16x64xf32, #tpu.memory_space<hbm>> -> memref<16x64xf32, #tpu.memory_space<hbm>>
        %dma_start3A_292 = arith.constant 9984 : i32
        %dma_start3A_293 = arith.constant 0 : i32
        %dma_start3A_294 = tpu.memref_slice %arg5[%arg0, %dma_start3A_292, %dma_start3A_293] : memref<2x10000x64xf32, #tpu.memory_space<hbm>> -> memref<1x16x64xf32, #tpu.memory_space<hbm>>
        %dma_start3A_295 = tpu.memref_squeeze %dma_start3A_294 : memref<1x16x64xf32, #tpu.memory_space<hbm>> -> memref<16x64xf32, #tpu.memory_space<hbm>>
        %dma_start3A_296 = arith.constant 0 : i32
        %dma_start3A_297 = arith.constant 0 : i32
        %dma_start3A_298 = tpu.memref_slice %arg18[%dma_start3A_296, %dma_start3A_297] : memref<128x64xf32, #tpu.memory_space<vmem>> -> memref<16x64xf32, #tpu.memory_space<vmem>>
        tpu.enqueue_dma source(%dma_start3A_298 : memref<16x64xf32, #tpu.memory_space<vmem>>) target(%dma_start3A_295 : memref<16x64xf32, #tpu.memory_space<hbm>>) target_semaphore(%run_scoped3A : memref<!tpu.dma_semaphore, #tpu.memory_space<semaphore_mem>>)
        %dma_wait3A_299 = arith.constant 0 : i32
        %dma_wait3A_300 = arith.constant 0 : i32
        %dma_wait3A_301 = tpu.memref_slice %arg18[%dma_wait3A_299, %dma_wait3A_300] : memref<128x64xf32, #tpu.memory_space<vmem>> -> memref<16x64xf32, #tpu.memory_space<vmem>>
        %dma_wait3A_302 = arith.constant 9984 : i32
        %dma_wait3A_303 = arith.constant 0 : i32
        %dma_wait3A_304 = tpu.memref_slice %arg5[%arg0, %dma_wait3A_302, %dma_wait3A_303] : memref<2x10000x64xf32, #tpu.memory_space<hbm>> -> memref<1x16x64xf32, #tpu.memory_space<hbm>>
        %dma_wait3A_305 = tpu.memref_squeeze %dma_wait3A_304 : memref<1x16x64xf32, #tpu.memory_space<hbm>> -> memref<16x64xf32, #tpu.memory_space<hbm>>
        %dma_wait3A_306 = arith.constant 9984 : i32
        %dma_wait3A_307 = arith.constant 0 : i32
        %dma_wait3A_308 = tpu.memref_slice %arg5[%arg0, %dma_wait3A_306, %dma_wait3A_307] : memref<2x10000x64xf32, #tpu.memory_space<hbm>> -> memref<1x16x64xf32, #tpu.memory_space<hbm>>
        %dma_wait3A_309 = tpu.memref_squeeze %dma_wait3A_308 : memref<1x16x64xf32, #tpu.memory_space<hbm>> -> memref<16x64xf32, #tpu.memory_space<hbm>>
        %dma_wait3A_310 = arith.constant 0 : i32
        %dma_wait3A_311 = arith.constant 0 : i32
        %dma_wait3A_312 = tpu.memref_slice %arg18[%dma_wait3A_310, %dma_wait3A_311] : memref<128x64xf32, #tpu.memory_space<vmem>> -> memref<16x64xf32, #tpu.memory_space<vmem>>
        tpu.wait_dma2 semaphore(%run_scoped3A : memref<!tpu.dma_semaphore, #tpu.memory_space<semaphore_mem>>) src(%dma_wait3A_312 : memref<16x64xf32, #tpu.memory_space<vmem>>) dst(%dma_wait3A_309 : memref<16x64xf32, #tpu.memory_space<hbm>>)
        tpu.yield
      }) : () -> ()
    } else {
    }
    %add3A_241 = arith.constant 0 : i32
    %add3A_242 = arith.addi %multiple_of3A_10, %add3A_241 : i32
    %dma_wait3A_243 = arith.constant 0 : i32
    %dma_wait3A_244 = tpu.memref_slice %arg5[%arg0, %add3A_242, %dma_wait3A_243] : memref<2x10000x64xf32, #tpu.memory_space<hbm>> -> memref<1x128x64xf32, #tpu.memory_space<hbm>>
    %dma_wait3A_245 = tpu.memref_squeeze %dma_wait3A_244 : memref<1x128x64xf32, #tpu.memory_space<hbm>> -> memref<128x64xf32, #tpu.memory_space<hbm>>
    %dma_wait3A_246 = arith.constant 0 : i32
    %dma_wait3A_247 = tpu.memref_slice %arg5[%arg0, %add3A_242, %dma_wait3A_246] : memref<2x10000x64xf32, #tpu.memory_space<hbm>> -> memref<1x128x64xf32, #tpu.memory_space<hbm>>
    %dma_wait3A_248 = tpu.memref_squeeze %dma_wait3A_247 : memref<1x128x64xf32, #tpu.memory_space<hbm>> -> memref<128x64xf32, #tpu.memory_space<hbm>>
    tpu.wait_dma2 semaphore(%arg27 : memref<!tpu.dma_semaphore, #tpu.memory_space<semaphore_mem>>) src(%arg13 : memref<128x64xf32, #tpu.memory_space<vmem>>) dst(%dma_wait3A_248 : memref<128x64xf32, #tpu.memory_space<hbm>>)
    %add3A_249 = arith.constant 128 : i32
    %add3A_250 = arith.addi %multiple_of3A_10, %add3A_249 : i32
    %dma_wait3A_251 = arith.constant 0 : i32
    %dma_wait3A_252 = tpu.memref_slice %arg5[%arg0, %add3A_250, %dma_wait3A_251] : memref<2x10000x64xf32, #tpu.memory_space<hbm>> -> memref<1x128x64xf32, #tpu.memory_space<hbm>>
    %dma_wait3A_253 = tpu.memref_squeeze %dma_wait3A_252 : memref<1x128x64xf32, #tpu.memory_space<hbm>> -> memref<128x64xf32, #tpu.memory_space<hbm>>
    %dma_wait3A_254 = arith.constant 0 : i32
    %dma_wait3A_255 = tpu.memref_slice %arg5[%arg0, %add3A_250, %dma_wait3A_254] : memref<2x10000x64xf32, #tpu.memory_space<hbm>> -> memref<1x128x64xf32, #tpu.memory_space<hbm>>
    %dma_wait3A_256 = tpu.memref_squeeze %dma_wait3A_255 : memref<1x128x64xf32, #tpu.memory_space<hbm>> -> memref<128x64xf32, #tpu.memory_space<hbm>>
    tpu.wait_dma2 semaphore(%arg28 : memref<!tpu.dma_semaphore, #tpu.memory_space<semaphore_mem>>) src(%arg14 : memref<128x64xf32, #tpu.memory_space<vmem>>) dst(%dma_wait3A_256 : memref<128x64xf32, #tpu.memory_space<hbm>>)
    %add3A_257 = arith.constant 256 : i32
    %add3A_258 = arith.addi %multiple_of3A_10, %add3A_257 : i32
    %dma_wait3A_259 = arith.constant 0 : i32
    %dma_wait3A_260 = tpu.memref_slice %arg5[%arg0, %add3A_258, %dma_wait3A_259] : memref<2x10000x64xf32, #tpu.memory_space<hbm>> -> memref<1x128x64xf32, #tpu.memory_space<hbm>>
    %dma_wait3A_261 = tpu.memref_squeeze %dma_wait3A_260 : memref<1x128x64xf32, #tpu.memory_space<hbm>> -> memref<128x64xf32, #tpu.memory_space<hbm>>
    %dma_wait3A_262 = arith.constant 0 : i32
    %dma_wait3A_263 = tpu.memref_slice %arg5[%arg0, %add3A_258, %dma_wait3A_262] : memref<2x10000x64xf32, #tpu.memory_space<hbm>> -> memref<1x128x64xf32, #tpu.memory_space<hbm>>
    %dma_wait3A_264 = tpu.memref_squeeze %dma_wait3A_263 : memref<1x128x64xf32, #tpu.memory_space<hbm>> -> memref<128x64xf32, #tpu.memory_space<hbm>>
    tpu.wait_dma2 semaphore(%arg29 : memref<!tpu.dma_semaphore, #tpu.memory_space<semaphore_mem>>) src(%arg15 : memref<128x64xf32, #tpu.memory_space<vmem>>) dst(%dma_wait3A_264 : memref<128x64xf32, #tpu.memory_space<hbm>>)
    %add3A_265 = arith.constant 384 : i32
    %add3A_266 = arith.addi %multiple_of3A_10, %add3A_265 : i32
    %dma_wait3A_267 = arith.constant 0 : i32
    %dma_wait3A_268 = tpu.memref_slice %arg5[%arg0, %add3A_266, %dma_wait3A_267] : memref<2x10000x64xf32, #tpu.memory_space<hbm>> -> memref<1x128x64xf32, #tpu.memory_space<hbm>>
    %dma_wait3A_269 = tpu.memref_squeeze %dma_wait3A_268 : memref<1x128x64xf32, #tpu.memory_space<hbm>> -> memref<128x64xf32, #tpu.memory_space<hbm>>
    %dma_wait3A_270 = arith.constant 0 : i32
    %dma_wait3A_271 = tpu.memref_slice %arg5[%arg0, %add3A_266, %dma_wait3A_270] : memref<2x10000x64xf32, #tpu.memory_space<hbm>> -> memref<1x128x64xf32, #tpu.memory_space<hbm>>
    %dma_wait3A_272 = tpu.memref_squeeze %dma_wait3A_271 : memref<1x128x64xf32, #tpu.memory_space<hbm>> -> memref<128x64xf32, #tpu.memory_space<hbm>>
    tpu.wait_dma2 semaphore(%arg30 : memref<!tpu.dma_semaphore, #tpu.memory_space<semaphore_mem>>) src(%arg16 : memref<128x64xf32, #tpu.memory_space<vmem>>) dst(%dma_wait3A_272 : memref<128x64xf32, #tpu.memory_space<hbm>>)
    %dma_wait3A_273 = arith.constant 0 : i32
    %dma_wait3A_274 = arith.constant 0 : i32
    %dma_wait3A_275 = tpu.memref_slice %arg17[%dma_wait3A_273, %dma_wait3A_274] : memref<128x64xf32, #tpu.memory_space<vmem>> -> memref<112x64xf32, #tpu.memory_space<vmem>>
    %dma_wait3A_276 = arith.constant 0 : i32
    %dma_wait3A_277 = tpu.memref_slice %arg5[%arg0, %multiple_of3A_123, %dma_wait3A_276] : memref<2x10000x64xf32, #tpu.memory_space<hbm>> -> memref<1x112x64xf32, #tpu.memory_space<hbm>>
    %dma_wait3A_278 = tpu.memref_squeeze %dma_wait3A_277 : memref<1x112x64xf32, #tpu.memory_space<hbm>> -> memref<112x64xf32, #tpu.memory_space<hbm>>
    %dma_wait3A_279 = arith.constant 0 : i32
    %dma_wait3A_280 = tpu.memref_slice %arg5[%arg0, %multiple_of3A_123, %dma_wait3A_279] : memref<2x10000x64xf32, #tpu.memory_space<hbm>> -> memref<1x112x64xf32, #tpu.memory_space<hbm>>
    %dma_wait3A_281 = tpu.memref_squeeze %dma_wait3A_280 : memref<1x112x64xf32, #tpu.memory_space<hbm>> -> memref<112x64xf32, #tpu.memory_space<hbm>>
    %dma_wait3A_282 = arith.constant 0 : i32
    %dma_wait3A_283 = arith.constant 0 : i32
    %dma_wait3A_284 = tpu.memref_slice %arg17[%dma_wait3A_282, %dma_wait3A_283] : memref<128x64xf32, #tpu.memory_space<vmem>> -> memref<112x64xf32, #tpu.memory_space<vmem>>
    tpu.wait_dma2 semaphore(%arg31 : memref<!tpu.dma_semaphore, #tpu.memory_space<semaphore_mem>>) src(%dma_wait3A_284 : memref<112x64xf32, #tpu.memory_space<vmem>>) dst(%dma_wait3A_281 : memref<112x64xf32, #tpu.memory_space<hbm>>)
    return
  }
}

#map = affine_map<(d0, d1) -> (0)>
module attributes {stable_mosaic.version = 14 : i64} {
  func.func @hist_kernel(%arg0: i32, %arg1: i32, %arg2: memref<320000xi32, #tpu.memory_space<hbm>>, %arg3: memref<20000xf32, #tpu.memory_space<hbm>>, %arg4: memref<128xi32, #tpu.memory_space<vmem>>, %arg5: memref<128xi32, #tpu.memory_space<vmem>>, %arg6: memref<128xi32, #tpu.memory_space<vmem>>, %arg7: memref<128xi32, #tpu.memory_space<vmem>>, %arg8: memref<128xi32, #tpu.memory_space<vmem>>, %arg9: memref<128xi32, #tpu.memory_space<vmem>>, %arg10: memref<16xi32, #tpu.memory_space<vmem>>, %arg11: memref<128xf32, #tpu.memory_space<vmem>>, %arg12: memref<624xf32, #tpu.memory_space<vmem>>, %arg13: memref<10000xf32, #tpu.memory_space<vmem_shared>>, %arg14: memref<!tpu.dma_semaphore, #tpu.memory_space<semaphore_mem>>, %arg15: memref<!tpu.dma_semaphore, #tpu.memory_space<semaphore_mem>>, %arg16: memref<!tpu.dma_semaphore, #tpu.memory_space<semaphore_mem>>, %arg17: memref<!tpu.dma_semaphore, #tpu.memory_space<semaphore_mem>>, %arg18: memref<!tpu.dma_semaphore, #tpu.memory_space<semaphore_mem>>, %arg19: memref<!tpu.dma_semaphore, #tpu.memory_space<semaphore_mem>>, %arg20: memref<!tpu.dma_semaphore, #tpu.memory_space<semaphore_mem>>, %arg21: memref<!tpu.dma_semaphore, #tpu.memory_space<semaphore_mem>>, %arg22: memref<!tpu.dma_semaphore, #tpu.memory_space<semaphore_mem>>, %arg23: memref<!tpu.dma_semaphore, #tpu.memory_space<semaphore_mem>>, %arg24: memref<!tpu.dma_semaphore, #tpu.memory_space<semaphore_mem>>, %arg25: memref<!tpu.dma_semaphore, #tpu.memory_space<semaphore_mem>>) attributes {dimension_semantics = [#tpu.dimension_semantics<core_parallel>, #tpu.dimension_semantics<subcore_parallel>], iteration_bounds = array<i64: 2, 16>, scalar_prefetch = 0 : i64, scratch_operands = 22 : i64, tpu.core_type = #tpu.core_type<sc_vector_subcore>, window_params = [{transform_indices = #map}, {transform_indices = #map}]} {
    %mul3A = arith.constant 2 : i32
    %mul3A_0 = arith.muli %arg1, %mul3A : i32
    %add3A = arith.addi %mul3A_0, %arg0 : i32
    %mul3A_1 = arith.constant 10000 : i32
    %mul3A_2 = arith.muli %add3A, %mul3A_1 : i32
    %multiple_of3A = tpu.assume_multiple %mul3A_2, 8 : i32
    %broadcast_in_dim3A = arith.constant 1.000000e+00 : f32
    %broadcast_in_dim3A_3 = vector.broadcast %broadcast_in_dim3A : f32 to vector<16xf32>
    %broadcast_in_dim3A_4 = arith.constant 0.000000e+00 : f32
    %broadcast_in_dim3A_5 = vector.broadcast %broadcast_in_dim3A_4 : f32 to vector<16xf32>
    %swap3A = arith.constant 0 : index
    %swap3A_6 = tpu.vector_load %arg11[%swap3A] {strides = array<i32>} : memref<128xf32, #tpu.memory_space<vmem>>, vector<16xf32>,
    %swap3A_7 = vector.shape_cast %swap3A_6 : vector<16xf32> to vector<16xf32>
    %swap3A_8 = vector.shape_cast %broadcast_in_dim3A_3 : vector<16xf32> to vector<16xf32>
    tpu.vector_store %arg11[%swap3A], %swap3A_8 {strides = array<i32>} : memref<128xf32, #tpu.memory_space<vmem>>, vector<16xf32>,
    %swap3A_9 = arith.constant 16 : index
    %swap3A_10 = tpu.vector_load %arg11[%swap3A_9] {strides = array<i32>} : memref<128xf32, #tpu.memory_space<vmem>>, vector<16xf32>,
    %swap3A_11 = vector.shape_cast %swap3A_10 : vector<16xf32> to vector<16xf32>
    %swap3A_12 = vector.shape_cast %broadcast_in_dim3A_3 : vector<16xf32> to vector<16xf32>
    tpu.vector_store %arg11[%swap3A_9], %swap3A_12 {strides = array<i32>} : memref<128xf32, #tpu.memory_space<vmem>>, vector<16xf32>,
    %swap3A_13 = arith.constant 32 : index
    %swap3A_14 = tpu.vector_load %arg11[%swap3A_13] {strides = array<i32>} : memref<128xf32, #tpu.memory_space<vmem>>, vector<16xf32>,
    %swap3A_15 = vector.shape_cast %swap3A_14 : vector<16xf32> to vector<16xf32>
    %swap3A_16 = vector.shape_cast %broadcast_in_dim3A_3 : vector<16xf32> to vector<16xf32>
    tpu.vector_store %arg11[%swap3A_13], %swap3A_16 {strides = array<i32>} : memref<128xf32, #tpu.memory_space<vmem>>, vector<16xf32>,
    %swap3A_17 = arith.constant 48 : index
    %swap3A_18 = tpu.vector_load %arg11[%swap3A_17] {strides = array<i32>} : memref<128xf32, #tpu.memory_space<vmem>>, vector<16xf32>,
    %swap3A_19 = vector.shape_cast %swap3A_18 : vector<16xf32> to vector<16xf32>
    %swap3A_20 = vector.shape_cast %broadcast_in_dim3A_3 : vector<16xf32> to vector<16xf32>
    tpu.vector_store %arg11[%swap3A_17], %swap3A_20 {strides = array<i32>} : memref<128xf32, #tpu.memory_space<vmem>>, vector<16xf32>,
    %swap3A_21 = arith.constant 64 : index
    %swap3A_22 = tpu.vector_load %arg11[%swap3A_21] {strides = array<i32>} : memref<128xf32, #tpu.memory_space<vmem>>, vector<16xf32>,
    %swap3A_23 = vector.shape_cast %swap3A_22 : vector<16xf32> to vector<16xf32>
    %swap3A_24 = vector.shape_cast %broadcast_in_dim3A_3 : vector<16xf32> to vector<16xf32>
    tpu.vector_store %arg11[%swap3A_21], %swap3A_24 {strides = array<i32>} : memref<128xf32, #tpu.memory_space<vmem>>, vector<16xf32>,
    %swap3A_25 = arith.constant 80 : index
    %swap3A_26 = tpu.vector_load %arg11[%swap3A_25] {strides = array<i32>} : memref<128xf32, #tpu.memory_space<vmem>>, vector<16xf32>,
    %swap3A_27 = vector.shape_cast %swap3A_26 : vector<16xf32> to vector<16xf32>
    %swap3A_28 = vector.shape_cast %broadcast_in_dim3A_3 : vector<16xf32> to vector<16xf32>
    tpu.vector_store %arg11[%swap3A_25], %swap3A_28 {strides = array<i32>} : memref<128xf32, #tpu.memory_space<vmem>>, vector<16xf32>,
    %swap3A_29 = arith.constant 96 : index
    %swap3A_30 = tpu.vector_load %arg11[%swap3A_29] {strides = array<i32>} : memref<128xf32, #tpu.memory_space<vmem>>, vector<16xf32>,
    %swap3A_31 = vector.shape_cast %swap3A_30 : vector<16xf32> to vector<16xf32>
    %swap3A_32 = vector.shape_cast %broadcast_in_dim3A_3 : vector<16xf32> to vector<16xf32>
    tpu.vector_store %arg11[%swap3A_29], %swap3A_32 {strides = array<i32>} : memref<128xf32, #tpu.memory_space<vmem>>, vector<16xf32>,
    %swap3A_33 = arith.constant 112 : index
    %swap3A_34 = tpu.vector_load %arg11[%swap3A_33] {strides = array<i32>} : memref<128xf32, #tpu.memory_space<vmem>>, vector<16xf32>,
    %swap3A_35 = vector.shape_cast %swap3A_34 : vector<16xf32> to vector<16xf32>
    %swap3A_36 = vector.shape_cast %broadcast_in_dim3A_3 : vector<16xf32> to vector<16xf32>
    tpu.vector_store %arg11[%swap3A_33], %swap3A_36 {strides = array<i32>} : memref<128xf32, #tpu.memory_space<vmem>>, vector<16xf32>,
    %scan3A = arith.constant 0 : i32
    %scan3A_37 = arith.constant 0 : i32
    %scan3A_38 = arith.constant 39 : i32
    %scan3A_39 = arith.addi %scan3A_37, %scan3A_38 : i32
    %scan3A_40 = arith.constant 1 : i32
    %scan3A_41 = scf.for %scan3A_93 = %scan3A_37 to %scan3A_39 step %scan3A_40 iter_args(%scan3A_94 = %scan3A) -> (i32)  : i32 {
      %mul3A_95 = arith.constant 16 : i32
      %mul3A_96 = arith.muli %scan3A_93, %mul3A_95 : i32
      %swap3A_97 = arith.index_cast %mul3A_96 : i32 to index
      %swap3A_98 = tpu.vector_load %arg12[%swap3A_97] {strides = array<i32>} : memref<624xf32, #tpu.memory_space<vmem>>, vector<16xf32>,
      %swap3A_99 = vector.shape_cast %swap3A_98 : vector<16xf32> to vector<16xf32>
      %swap3A_100 = vector.shape_cast %broadcast_in_dim3A_5 : vector<16xf32> to vector<16xf32>
      tpu.vector_store %arg12[%swap3A_97], %swap3A_100 {strides = array<i32>} : memref<624xf32, #tpu.memory_space<vmem>>, vector<16xf32>,
      %scan3A_101 = arith.constant 0 : i32
      scf.yield %scan3A_101 : i32
    }
    %scan3A_42 = arith.constant 39 : i32
    %mul3A_43 = arith.constant 624 : i32
    %mul3A_44 = arith.muli %arg1, %mul3A_43 : i32
    "tpu.region"() ({
      %run_scoped3A = tpu.sem_alloc : memref<!tpu.dma_semaphore, #tpu.memory_space<semaphore_mem>>
      %dma_start3A_93 = tpu.memref_slice %arg13[%mul3A_44] : memref<10000xf32, #tpu.memory_space<vmem_shared>> -> memref<624xf32, #tpu.memory_space<vmem_shared>>
      %dma_start3A_94 = tpu.memref_slice %arg13[%mul3A_44] : memref<10000xf32, #tpu.memory_space<vmem_shared>> -> memref<624xf32, #tpu.memory_space<vmem_shared>>
      tpu.enqueue_dma source(%arg12 : memref<624xf32, #tpu.memory_space<vmem>>) target(%dma_start3A_94 : memref<624xf32, #tpu.memory_space<vmem_shared>>) target_semaphore(%run_scoped3A : memref<!tpu.dma_semaphore, #tpu.memory_space<semaphore_mem>>)
      %dma_wait3A_95 = tpu.memref_slice %arg13[%mul3A_44] : memref<10000xf32, #tpu.memory_space<vmem_shared>> -> memref<624xf32, #tpu.memory_space<vmem_shared>>
      %dma_wait3A_96 = tpu.memref_slice %arg13[%mul3A_44] : memref<10000xf32, #tpu.memory_space<vmem_shared>> -> memref<624xf32, #tpu.memory_space<vmem_shared>>
      tpu.wait_dma2 semaphore(%run_scoped3A : memref<!tpu.dma_semaphore, #tpu.memory_space<semaphore_mem>>) src(%arg12 : memref<624xf32, #tpu.memory_space<vmem>>) dst(%dma_wait3A_96 : memref<624xf32, #tpu.memory_space<vmem_shared>>)
      tpu.yield
    }) : () -> ()
    %eq3A = arith.constant 15 : i32
    %eq3A_45 = arith.cmpi eq, %arg1, %eq3A : i32
    %convert_element_type3A = arith.extui %eq3A_45 : i1 to i32
    %cond3A = arith.constant 0 : i32
    %cond3A_46 = arith.cmpi ne, %convert_element_type3A, %cond3A : i32
    scf.if %cond3A_46 {
      "tpu.region"() ({
        %run_scoped3A = tpu.sem_alloc : memref<!tpu.dma_semaphore, #tpu.memory_space<semaphore_mem>>
        %dma_start3A_93 = arith.constant 0 : i32
        %dma_start3A_94 = tpu.memref_slice %arg12[%dma_start3A_93] : memref<624xf32, #tpu.memory_space<vmem>> -> memref<16xf32, #tpu.memory_space<vmem>>
        %dma_start3A_95 = arith.constant 9984 : i32
        %dma_start3A_96 = tpu.memref_slice %arg13[%dma_start3A_95] : memref<10000xf32, #tpu.memory_space<vmem_shared>> -> memref<16xf32, #tpu.memory_space<vmem_shared>>
        %dma_start3A_97 = arith.constant 9984 : i32
        %dma_start3A_98 = tpu.memref_slice %arg13[%dma_start3A_97] : memref<10000xf32, #tpu.memory_space<vmem_shared>> -> memref<16xf32, #tpu.memory_space<vmem_shared>>
        %dma_start3A_99 = arith.constant 0 : i32
        %dma_start3A_100 = tpu.memref_slice %arg12[%dma_start3A_99] : memref<624xf32, #tpu.memory_space<vmem>> -> memref<16xf32, #tpu.memory_space<vmem>>
        tpu.enqueue_dma source(%dma_start3A_100 : memref<16xf32, #tpu.memory_space<vmem>>) target(%dma_start3A_98 : memref<16xf32, #tpu.memory_space<vmem_shared>>) target_semaphore(%run_scoped3A : memref<!tpu.dma_semaphore, #tpu.memory_space<semaphore_mem>>)
        %dma_wait3A_101 = arith.constant 0 : i32
        %dma_wait3A_102 = tpu.memref_slice %arg12[%dma_wait3A_101] : memref<624xf32, #tpu.memory_space<vmem>> -> memref<16xf32, #tpu.memory_space<vmem>>
        %dma_wait3A_103 = arith.constant 9984 : i32
        %dma_wait3A_104 = tpu.memref_slice %arg13[%dma_wait3A_103] : memref<10000xf32, #tpu.memory_space<vmem_shared>> -> memref<16xf32, #tpu.memory_space<vmem_shared>>
        %dma_wait3A_105 = arith.constant 9984 : i32
        %dma_wait3A_106 = tpu.memref_slice %arg13[%dma_wait3A_105] : memref<10000xf32, #tpu.memory_space<vmem_shared>> -> memref<16xf32, #tpu.memory_space<vmem_shared>>
        %dma_wait3A_107 = arith.constant 0 : i32
        %dma_wait3A_108 = tpu.memref_slice %arg12[%dma_wait3A_107] : memref<624xf32, #tpu.memory_space<vmem>> -> memref<16xf32, #tpu.memory_space<vmem>>
        tpu.wait_dma2 semaphore(%run_scoped3A : memref<!tpu.dma_semaphore, #tpu.memory_space<semaphore_mem>>) src(%dma_wait3A_108 : memref<16xf32, #tpu.memory_space<vmem>>) dst(%dma_wait3A_106 : memref<16xf32, #tpu.memory_space<vmem_shared>>)
        tpu.yield
      }) : () -> ()
    } else {
    }
    %barrier3A = arith.constant 0 : index
    tpu.barrier barrier_id(%barrier3A)
    %add3A_47 = arith.constant 0 : i32
    %add3A_48 = arith.addi %multiple_of3A, %add3A_47 : i32
    %multiple_of3A_49 = tpu.assume_multiple %add3A_48, 8 : i32
    %dma_start3A = tpu.memref_slice %arg2[%multiple_of3A_49] : memref<320000xi32, #tpu.memory_space<hbm>> -> memref<128xi32, #tpu.memory_space<hbm>>
    %dma_start3A_50 = tpu.memref_slice %arg2[%multiple_of3A_49] : memref<320000xi32, #tpu.memory_space<hbm>> -> memref<128xi32, #tpu.memory_space<hbm>>
    tpu.enqueue_dma source(%dma_start3A_50 : memref<128xi32, #tpu.memory_space<hbm>>) target(%arg4 : memref<128xi32, #tpu.memory_space<vmem>>) target_semaphore(%arg20 : memref<!tpu.dma_semaphore, #tpu.memory_space<semaphore_mem>>)
    %add3A_51 = arith.constant 128 : i32
    %add3A_52 = arith.addi %multiple_of3A, %add3A_51 : i32
    %multiple_of3A_53 = tpu.assume_multiple %add3A_52, 8 : i32
    %dma_start3A_54 = tpu.memref_slice %arg2[%multiple_of3A_53] : memref<320000xi32, #tpu.memory_space<hbm>> -> memref<128xi32, #tpu.memory_space<hbm>>
    %dma_start3A_55 = tpu.memref_slice %arg2[%multiple_of3A_53] : memref<320000xi32, #tpu.memory_space<hbm>> -> memref<128xi32, #tpu.memory_space<hbm>>
    tpu.enqueue_dma source(%dma_start3A_55 : memref<128xi32, #tpu.memory_space<hbm>>) target(%arg5 : memref<128xi32, #tpu.memory_space<vmem>>) target_semaphore(%arg21 : memref<!tpu.dma_semaphore, #tpu.memory_space<semaphore_mem>>)
    %add3A_56 = arith.constant 256 : i32
    %add3A_57 = arith.addi %multiple_of3A, %add3A_56 : i32
    %multiple_of3A_58 = tpu.assume_multiple %add3A_57, 8 : i32
    %dma_start3A_59 = tpu.memref_slice %arg2[%multiple_of3A_58] : memref<320000xi32, #tpu.memory_space<hbm>> -> memref<128xi32, #tpu.memory_space<hbm>>
    %dma_start3A_60 = tpu.memref_slice %arg2[%multiple_of3A_58] : memref<320000xi32, #tpu.memory_space<hbm>> -> memref<128xi32, #tpu.memory_space<hbm>>
    tpu.enqueue_dma source(%dma_start3A_60 : memref<128xi32, #tpu.memory_space<hbm>>) target(%arg6 : memref<128xi32, #tpu.memory_space<vmem>>) target_semaphore(%arg22 : memref<!tpu.dma_semaphore, #tpu.memory_space<semaphore_mem>>)
    %add3A_61 = arith.constant 384 : i32
    %add3A_62 = arith.addi %multiple_of3A, %add3A_61 : i32
    %multiple_of3A_63 = tpu.assume_multiple %add3A_62, 8 : i32
    %dma_start3A_64 = tpu.memref_slice %arg2[%multiple_of3A_63] : memref<320000xi32, #tpu.memory_space<hbm>> -> memref<128xi32, #tpu.memory_space<hbm>>
    %dma_start3A_65 = tpu.memref_slice %arg2[%multiple_of3A_63] : memref<320000xi32, #tpu.memory_space<hbm>> -> memref<128xi32, #tpu.memory_space<hbm>>
    tpu.enqueue_dma source(%dma_start3A_65 : memref<128xi32, #tpu.memory_space<hbm>>) target(%arg7 : memref<128xi32, #tpu.memory_space<vmem>>) target_semaphore(%arg23 : memref<!tpu.dma_semaphore, #tpu.memory_space<semaphore_mem>>)
    %scan3A_66 = arith.constant 0 : i32
    %scan3A_67 = arith.constant 0 : i32
    %scan3A_68 = arith.constant 13 : i32
    %scan3A_69 = arith.addi %scan3A_67, %scan3A_68 : i32
    %scan3A_70 = arith.constant 1 : i32
    %scan3A_71 = scf.for %scan3A_93 = %scan3A_67 to %scan3A_69 step %scan3A_70 iter_args(%scan3A_94 = %scan3A_66) -> (i32)  : i32 {
      %mul3A_95 = arith.constant 6 : i32
      %mul3A_96 = arith.muli %mul3A_95, %scan3A_93 : i32
      %add3A_97 = arith.constant 0 : i32
      %add3A_98 = arith.addi %mul3A_96, %add3A_97 : i32
      %mul3A_99 = arith.constant 128 : i32
      %mul3A_100 = arith.muli %add3A_98, %mul3A_99 : i32
      %add3A_101 = arith.addi %multiple_of3A, %mul3A_100 : i32
      %multiple_of3A_102 = tpu.assume_multiple %add3A_101, 8 : i32
      %dma_wait3A_103 = tpu.memref_slice %arg2[%multiple_of3A_102] : memref<320000xi32, #tpu.memory_space<hbm>> -> memref<128xi32, #tpu.memory_space<hbm>>
      %dma_wait3A_104 = tpu.memref_slice %arg2[%multiple_of3A_102] : memref<320000xi32, #tpu.memory_space<hbm>> -> memref<128xi32, #tpu.memory_space<hbm>>
      tpu.wait_dma2 semaphore(%arg20 : memref<!tpu.dma_semaphore, #tpu.memory_space<semaphore_mem>>) src(%dma_wait3A_104 : memref<128xi32, #tpu.memory_space<hbm>>) dst(%arg4 : memref<128xi32, #tpu.memory_space<vmem>>)
      %dma_start3A_105 = arith.constant 0 : i32
      %dma_start3A_106 = tpu.memref_slice %arg13[%dma_start3A_105] : memref<10000xf32, #tpu.memory_space<vmem_shared>> -> memref<10000xf32, #tpu.memory_space<vmem_shared>>
      tpu.enqueue_indirect_dma source(%arg11 : memref<128xf32, #tpu.memory_space<vmem>>) target(%dma_start3A_106 : memref<10000xf32, #tpu.memory_space<vmem_shared>>) offsets(%arg4 : memref<128xi32, #tpu.memory_space<vmem>>) semaphore(%arg14 : memref<!tpu.dma_semaphore, #tpu.memory_space<semaphore_mem>>) {add = true}
      %gt3A = arith.constant 0 : i32
      %gt3A_107 = arith.cmpi sgt, %scan3A_93, %gt3A : i32
      %convert_element_type3A_108 = arith.extui %gt3A_107 : i1 to i32
      %cond3A_109 = arith.constant 0 : i32
      %cond3A_110 = arith.cmpi ne, %convert_element_type3A_108, %cond3A_109 : i32
      scf.if %cond3A_110 {
        %dma_wait3A_220 = arith.constant 0 : i32
        %dma_wait3A_221 = tpu.memref_slice %arg13[%dma_wait3A_220] : memref<10000xf32, #tpu.memory_space<vmem_shared>> -> memref<10000xf32, #tpu.memory_space<vmem_shared>>
        tpu.wait_indirect_dma semaphore(%arg18 : memref<!tpu.dma_semaphore, #tpu.memory_space<semaphore_mem>>) src(%arg11 : memref<128xf32, #tpu.memory_space<vmem>>) dst(%dma_wait3A_221 : memref<10000xf32, #tpu.memory_space<vmem_shared>>)
      } else {
      }
      %add3A_111 = arith.constant 4 : i32
      %add3A_112 = arith.addi %add3A_98, %add3A_111 : i32
      %mul3A_113 = arith.constant 128 : i32
      %mul3A_114 = arith.muli %add3A_112, %mul3A_113 : i32
      %add3A_115 = arith.addi %multiple_of3A, %mul3A_114 : i32
      %multiple_of3A_116 = tpu.assume_multiple %add3A_115, 8 : i32
      %dma_start3A_117 = tpu.memref_slice %arg2[%multiple_of3A_116] : memref<320000xi32, #tpu.memory_space<hbm>> -> memref<128xi32, #tpu.memory_space<hbm>>
      %dma_start3A_118 = tpu.memref_slice %arg2[%multiple_of3A_116] : memref<320000xi32, #tpu.memory_space<hbm>> -> memref<128xi32, #tpu.memory_space<hbm>>
      tpu.enqueue_dma source(%dma_start3A_118 : memref<128xi32, #tpu.memory_space<hbm>>) target(%arg8 : memref<128xi32, #tpu.memory_space<vmem>>) target_semaphore(%arg24 : memref<!tpu.dma_semaphore, #tpu.memory_space<semaphore_mem>>)
      %mul3A_119 = arith.constant 6 : i32
      %mul3A_120 = arith.muli %mul3A_119, %scan3A_93 : i32
      %add3A_121 = arith.constant 1 : i32
      %add3A_122 = arith.addi %mul3A_120, %add3A_121 : i32
      %mul3A_123 = arith.constant 128 : i32
      %mul3A_124 = arith.muli %add3A_122, %mul3A_123 : i32
      %add3A_125 = arith.addi %multiple_of3A, %mul3A_124 : i32
      %multiple_of3A_126 = tpu.assume_multiple %add3A_125, 8 : i32
      %dma_wait3A_127 = tpu.memref_slice %arg2[%multiple_of3A_126] : memref<320000xi32, #tpu.memory_space<hbm>> -> memref<128xi32, #tpu.memory_space<hbm>>
      %dma_wait3A_128 = tpu.memref_slice %arg2[%multiple_of3A_126] : memref<320000xi32, #tpu.memory_space<hbm>> -> memref<128xi32, #tpu.memory_space<hbm>>
      tpu.wait_dma2 semaphore(%arg21 : memref<!tpu.dma_semaphore, #tpu.memory_space<semaphore_mem>>) src(%dma_wait3A_128 : memref<128xi32, #tpu.memory_space<hbm>>) dst(%arg5 : memref<128xi32, #tpu.memory_space<vmem>>)
      %dma_start3A_129 = arith.constant 0 : i32
      %dma_start3A_130 = tpu.memref_slice %arg13[%dma_start3A_129] : memref<10000xf32, #tpu.memory_space<vmem_shared>> -> memref<10000xf32, #tpu.memory_space<vmem_shared>>
      tpu.enqueue_indirect_dma source(%arg11 : memref<128xf32, #tpu.memory_space<vmem>>) target(%dma_start3A_130 : memref<10000xf32, #tpu.memory_space<vmem_shared>>) offsets(%arg5 : memref<128xi32, #tpu.memory_space<vmem>>) semaphore(%arg15 : memref<!tpu.dma_semaphore, #tpu.memory_space<semaphore_mem>>) {add = true}
      %gt3A_131 = arith.constant 0 : i32
      %gt3A_132 = arith.cmpi sgt, %scan3A_93, %gt3A_131 : i32
      %convert_element_type3A_133 = arith.extui %gt3A_132 : i1 to i32
      %cond3A_134 = arith.constant 0 : i32
      %cond3A_135 = arith.cmpi ne, %convert_element_type3A_133, %cond3A_134 : i32
      scf.if %cond3A_135 {
        %dma_wait3A_220 = arith.constant 0 : i32
        %dma_wait3A_221 = tpu.memref_slice %arg13[%dma_wait3A_220] : memref<10000xf32, #tpu.memory_space<vmem_shared>> -> memref<10000xf32, #tpu.memory_space<vmem_shared>>
        tpu.wait_indirect_dma semaphore(%arg19 : memref<!tpu.dma_semaphore, #tpu.memory_space<semaphore_mem>>) src(%arg11 : memref<128xf32, #tpu.memory_space<vmem>>) dst(%dma_wait3A_221 : memref<10000xf32, #tpu.memory_space<vmem_shared>>)
      } else {
      }
      %add3A_136 = arith.constant 4 : i32
      %add3A_137 = arith.addi %add3A_122, %add3A_136 : i32
      %mul3A_138 = arith.constant 128 : i32
      %mul3A_139 = arith.muli %add3A_137, %mul3A_138 : i32
      %add3A_140 = arith.addi %multiple_of3A, %mul3A_139 : i32
      %multiple_of3A_141 = tpu.assume_multiple %add3A_140, 8 : i32
      %dma_start3A_142 = tpu.memref_slice %arg2[%multiple_of3A_141] : memref<320000xi32, #tpu.memory_space<hbm>> -> memref<128xi32, #tpu.memory_space<hbm>>
      %dma_start3A_143 = tpu.memref_slice %arg2[%multiple_of3A_141] : memref<320000xi32, #tpu.memory_space<hbm>> -> memref<128xi32, #tpu.memory_space<hbm>>
      tpu.enqueue_dma source(%dma_start3A_143 : memref<128xi32, #tpu.memory_space<hbm>>) target(%arg9 : memref<128xi32, #tpu.memory_space<vmem>>) target_semaphore(%arg25 : memref<!tpu.dma_semaphore, #tpu.memory_space<semaphore_mem>>)
      %mul3A_144 = arith.constant 6 : i32
      %mul3A_145 = arith.muli %mul3A_144, %scan3A_93 : i32
      %add3A_146 = arith.constant 2 : i32
      %add3A_147 = arith.addi %mul3A_145, %add3A_146 : i32
      %mul3A_148 = arith.constant 128 : i32
      %mul3A_149 = arith.muli %add3A_147, %mul3A_148 : i32
      %add3A_150 = arith.addi %multiple_of3A, %mul3A_149 : i32
      %multiple_of3A_151 = tpu.assume_multiple %add3A_150, 8 : i32
      %dma_wait3A_152 = tpu.memref_slice %arg2[%multiple_of3A_151] : memref<320000xi32, #tpu.memory_space<hbm>> -> memref<128xi32, #tpu.memory_space<hbm>>
      %dma_wait3A_153 = tpu.memref_slice %arg2[%multiple_of3A_151] : memref<320000xi32, #tpu.memory_space<hbm>> -> memref<128xi32, #tpu.memory_space<hbm>>
      tpu.wait_dma2 semaphore(%arg22 : memref<!tpu.dma_semaphore, #tpu.memory_space<semaphore_mem>>) src(%dma_wait3A_153 : memref<128xi32, #tpu.memory_space<hbm>>) dst(%arg6 : memref<128xi32, #tpu.memory_space<vmem>>)
      %dma_start3A_154 = arith.constant 0 : i32
      %dma_start3A_155 = tpu.memref_slice %arg13[%dma_start3A_154] : memref<10000xf32, #tpu.memory_space<vmem_shared>> -> memref<10000xf32, #tpu.memory_space<vmem_shared>>
      tpu.enqueue_indirect_dma source(%arg11 : memref<128xf32, #tpu.memory_space<vmem>>) target(%dma_start3A_155 : memref<10000xf32, #tpu.memory_space<vmem_shared>>) offsets(%arg6 : memref<128xi32, #tpu.memory_space<vmem>>) semaphore(%arg16 : memref<!tpu.dma_semaphore, #tpu.memory_space<semaphore_mem>>) {add = true}
      %dma_wait3A_156 = arith.constant 0 : i32
      %dma_wait3A_157 = tpu.memref_slice %arg13[%dma_wait3A_156] : memref<10000xf32, #tpu.memory_space<vmem_shared>> -> memref<10000xf32, #tpu.memory_space<vmem_shared>>
      tpu.wait_indirect_dma semaphore(%arg14 : memref<!tpu.dma_semaphore, #tpu.memory_space<semaphore_mem>>) src(%arg11 : memref<128xf32, #tpu.memory_space<vmem>>) dst(%dma_wait3A_157 : memref<10000xf32, #tpu.memory_space<vmem_shared>>)
      %lt3A = arith.constant 12 : i32
      %lt3A_158 = arith.cmpi slt, %scan3A_93, %lt3A : i32
      %convert_element_type3A_159 = arith.extui %lt3A_158 : i1 to i32
      %cond3A_160 = arith.constant 0 : i32
      %cond3A_161 = arith.cmpi ne, %convert_element_type3A_159, %cond3A_160 : i32
      scf.if %cond3A_161 {
        %add3A_220 = arith.constant 4 : i32
        %add3A_221 = arith.addi %add3A_147, %add3A_220 : i32
        %mul3A_222 = arith.constant 128 : i32
        %mul3A_223 = arith.muli %add3A_221, %mul3A_222 : i32
        %add3A_224 = arith.addi %multiple_of3A, %mul3A_223 : i32
        %multiple_of3A_225 = tpu.assume_multiple %add3A_224, 8 : i32
        %dma_start3A_226 = tpu.memref_slice %arg2[%multiple_of3A_225] : memref<320000xi32, #tpu.memory_space<hbm>> -> memref<128xi32, #tpu.memory_space<hbm>>
        %dma_start3A_227 = tpu.memref_slice %arg2[%multiple_of3A_225] : memref<320000xi32, #tpu.memory_space<hbm>> -> memref<128xi32, #tpu.memory_space<hbm>>
        tpu.enqueue_dma source(%dma_start3A_227 : memref<128xi32, #tpu.memory_space<hbm>>) target(%arg4 : memref<128xi32, #tpu.memory_space<vmem>>) target_semaphore(%arg20 : memref<!tpu.dma_semaphore, #tpu.memory_space<semaphore_mem>>)
      } else {
      }
      %mul3A_162 = arith.constant 6 : i32
      %mul3A_163 = arith.muli %mul3A_162, %scan3A_93 : i32
      %add3A_164 = arith.constant 3 : i32
      %add3A_165 = arith.addi %mul3A_163, %add3A_164 : i32
      %mul3A_166 = arith.constant 128 : i32
      %mul3A_167 = arith.muli %add3A_165, %mul3A_166 : i32
      %add3A_168 = arith.addi %multiple_of3A, %mul3A_167 : i32
      %multiple_of3A_169 = tpu.assume_multiple %add3A_168, 8 : i32
      %dma_wait3A_170 = tpu.memref_slice %arg2[%multiple_of3A_169] : memref<320000xi32, #tpu.memory_space<hbm>> -> memref<128xi32, #tpu.memory_space<hbm>>
      %dma_wait3A_171 = tpu.memref_slice %arg2[%multiple_of3A_169] : memref<320000xi32, #tpu.memory_space<hbm>> -> memref<128xi32, #tpu.memory_space<hbm>>
      tpu.wait_dma2 semaphore(%arg23 : memref<!tpu.dma_semaphore, #tpu.memory_space<semaphore_mem>>) src(%dma_wait3A_171 : memref<128xi32, #tpu.memory_space<hbm>>) dst(%arg7 : memref<128xi32, #tpu.memory_space<vmem>>)
      %dma_start3A_172 = arith.constant 0 : i32
      %dma_start3A_173 = tpu.memref_slice %arg13[%dma_start3A_172] : memref<10000xf32, #tpu.memory_space<vmem_shared>> -> memref<10000xf32, #tpu.memory_space<vmem_shared>>
      tpu.enqueue_indirect_dma source(%arg11 : memref<128xf32, #tpu.memory_space<vmem>>) target(%dma_start3A_173 : memref<10000xf32, #tpu.memory_space<vmem_shared>>) offsets(%arg7 : memref<128xi32, #tpu.memory_space<vmem>>) semaphore(%arg17 : memref<!tpu.dma_semaphore, #tpu.memory_space<semaphore_mem>>) {add = true}
      %dma_wait3A_174 = arith.constant 0 : i32
      %dma_wait3A_175 = tpu.memref_slice %arg13[%dma_wait3A_174] : memref<10000xf32, #tpu.memory_space<vmem_shared>> -> memref<10000xf32, #tpu.memory_space<vmem_shared>>
      tpu.wait_indirect_dma semaphore(%arg15 : memref<!tpu.dma_semaphore, #tpu.memory_space<semaphore_mem>>) src(%arg11 : memref<128xf32, #tpu.memory_space<vmem>>) dst(%dma_wait3A_175 : memref<10000xf32, #tpu.memory_space<vmem_shared>>)
      %lt3A_176 = arith.constant 12 : i32
      %lt3A_177 = arith.cmpi slt, %scan3A_93, %lt3A_176 : i32
      %convert_element_type3A_178 = arith.extui %lt3A_177 : i1 to i32
      %cond3A_179 = arith.constant 0 : i32
      %cond3A_180 = arith.cmpi ne, %convert_element_type3A_178, %cond3A_179 : i32
      scf.if %cond3A_180 {
        %add3A_220 = arith.constant 4 : i32
        %add3A_221 = arith.addi %add3A_165, %add3A_220 : i32
        %mul3A_222 = arith.constant 128 : i32
        %mul3A_223 = arith.muli %add3A_221, %mul3A_222 : i32
        %add3A_224 = arith.addi %multiple_of3A, %mul3A_223 : i32
        %multiple_of3A_225 = tpu.assume_multiple %add3A_224, 8 : i32
        %dma_start3A_226 = tpu.memref_slice %arg2[%multiple_of3A_225] : memref<320000xi32, #tpu.memory_space<hbm>> -> memref<128xi32, #tpu.memory_space<hbm>>
        %dma_start3A_227 = tpu.memref_slice %arg2[%multiple_of3A_225] : memref<320000xi32, #tpu.memory_space<hbm>> -> memref<128xi32, #tpu.memory_space<hbm>>
        tpu.enqueue_dma source(%dma_start3A_227 : memref<128xi32, #tpu.memory_space<hbm>>) target(%arg5 : memref<128xi32, #tpu.memory_space<vmem>>) target_semaphore(%arg21 : memref<!tpu.dma_semaphore, #tpu.memory_space<semaphore_mem>>)
      } else {
      }
      %mul3A_181 = arith.constant 6 : i32
      %mul3A_182 = arith.muli %mul3A_181, %scan3A_93 : i32
      %add3A_183 = arith.constant 4 : i32
      %add3A_184 = arith.addi %mul3A_182, %add3A_183 : i32
      %mul3A_185 = arith.constant 128 : i32
      %mul3A_186 = arith.muli %add3A_184, %mul3A_185 : i32
      %add3A_187 = arith.addi %multiple_of3A, %mul3A_186 : i32
      %multiple_of3A_188 = tpu.assume_multiple %add3A_187, 8 : i32
      %dma_wait3A_189 = tpu.memref_slice %arg2[%multiple_of3A_188] : memref<320000xi32, #tpu.memory_space<hbm>> -> memref<128xi32, #tpu.memory_space<hbm>>
      %dma_wait3A_190 = tpu.memref_slice %arg2[%multiple_of3A_188] : memref<320000xi32, #tpu.memory_space<hbm>> -> memref<128xi32, #tpu.memory_space<hbm>>
      tpu.wait_dma2 semaphore(%arg24 : memref<!tpu.dma_semaphore, #tpu.memory_space<semaphore_mem>>) src(%dma_wait3A_190 : memref<128xi32, #tpu.memory_space<hbm>>) dst(%arg8 : memref<128xi32, #tpu.memory_space<vmem>>)
      %dma_start3A_191 = arith.constant 0 : i32
      %dma_start3A_192 = tpu.memref_slice %arg13[%dma_start3A_191] : memref<10000xf32, #tpu.memory_space<vmem_shared>> -> memref<10000xf32, #tpu.memory_space<vmem_shared>>
      tpu.enqueue_indirect_dma source(%arg11 : memref<128xf32, #tpu.memory_space<vmem>>) target(%dma_start3A_192 : memref<10000xf32, #tpu.memory_space<vmem_shared>>) offsets(%arg8 : memref<128xi32, #tpu.memory_space<vmem>>) semaphore(%arg18 : memref<!tpu.dma_semaphore, #tpu.memory_space<semaphore_mem>>) {add = true}
      %dma_wait3A_193 = arith.constant 0 : i32
      %dma_wait3A_194 = tpu.memref_slice %arg13[%dma_wait3A_193] : memref<10000xf32, #tpu.memory_space<vmem_shared>> -> memref<10000xf32, #tpu.memory_space<vmem_shared>>
      tpu.wait_indirect_dma semaphore(%arg16 : memref<!tpu.dma_semaphore, #tpu.memory_space<semaphore_mem>>) src(%arg11 : memref<128xf32, #tpu.memory_space<vmem>>) dst(%dma_wait3A_194 : memref<10000xf32, #tpu.memory_space<vmem_shared>>)
      %lt3A_195 = arith.constant 12 : i32
      %lt3A_196 = arith.cmpi slt, %scan3A_93, %lt3A_195 : i32
      %convert_element_type3A_197 = arith.extui %lt3A_196 : i1 to i32
      %cond3A_198 = arith.constant 0 : i32
      %cond3A_199 = arith.cmpi ne, %convert_element_type3A_197, %cond3A_198 : i32
      scf.if %cond3A_199 {
        %add3A_220 = arith.constant 4 : i32
        %add3A_221 = arith.addi %add3A_184, %add3A_220 : i32
        %mul3A_222 = arith.constant 128 : i32
        %mul3A_223 = arith.muli %add3A_221, %mul3A_222 : i32
        %add3A_224 = arith.addi %multiple_of3A, %mul3A_223 : i32
        %multiple_of3A_225 = tpu.assume_multiple %add3A_224, 8 : i32
        %dma_start3A_226 = tpu.memref_slice %arg2[%multiple_of3A_225] : memref<320000xi32, #tpu.memory_space<hbm>> -> memref<128xi32, #tpu.memory_space<hbm>>
        %dma_start3A_227 = tpu.memref_slice %arg2[%multiple_of3A_225] : memref<320000xi32, #tpu.memory_space<hbm>> -> memref<128xi32, #tpu.memory_space<hbm>>
        tpu.enqueue_dma source(%dma_start3A_227 : memref<128xi32, #tpu.memory_space<hbm>>) target(%arg6 : memref<128xi32, #tpu.memory_space<vmem>>) target_semaphore(%arg22 : memref<!tpu.dma_semaphore, #tpu.memory_space<semaphore_mem>>)
      } else {
      }
      %mul3A_200 = arith.constant 6 : i32
      %mul3A_201 = arith.muli %mul3A_200, %scan3A_93 : i32
      %add3A_202 = arith.constant 5 : i32
      %add3A_203 = arith.addi %mul3A_201, %add3A_202 : i32
      %mul3A_204 = arith.constant 128 : i32
      %mul3A_205 = arith.muli %add3A_203, %mul3A_204 : i32
      %add3A_206 = arith.addi %multiple_of3A, %mul3A_205 : i32
      %multiple_of3A_207 = tpu.assume_multiple %add3A_206, 8 : i32
      %dma_wait3A_208 = tpu.memref_slice %arg2[%multiple_of3A_207] : memref<320000xi32, #tpu.memory_space<hbm>> -> memref<128xi32, #tpu.memory_space<hbm>>
      %dma_wait3A_209 = tpu.memref_slice %arg2[%multiple_of3A_207] : memref<320000xi32, #tpu.memory_space<hbm>> -> memref<128xi32, #tpu.memory_space<hbm>>
      tpu.wait_dma2 semaphore(%arg25 : memref<!tpu.dma_semaphore, #tpu.memory_space<semaphore_mem>>) src(%dma_wait3A_209 : memref<128xi32, #tpu.memory_space<hbm>>) dst(%arg9 : memref<128xi32, #tpu.memory_space<vmem>>)
      %dma_start3A_210 = arith.constant 0 : i32
      %dma_start3A_211 = tpu.memref_slice %arg13[%dma_start3A_210] : memref<10000xf32, #tpu.memory_space<vmem_shared>> -> memref<10000xf32, #tpu.memory_space<vmem_shared>>
      tpu.enqueue_indirect_dma source(%arg11 : memref<128xf32, #tpu.memory_space<vmem>>) target(%dma_start3A_211 : memref<10000xf32, #tpu.memory_space<vmem_shared>>) offsets(%arg9 : memref<128xi32, #tpu.memory_space<vmem>>) semaphore(%arg19 : memref<!tpu.dma_semaphore, #tpu.memory_space<semaphore_mem>>) {add = true}
      %dma_wait3A_212 = arith.constant 0 : i32
      %dma_wait3A_213 = tpu.memref_slice %arg13[%dma_wait3A_212] : memref<10000xf32, #tpu.memory_space<vmem_shared>> -> memref<10000xf32, #tpu.memory_space<vmem_shared>>
      tpu.wait_indirect_dma semaphore(%arg17 : memref<!tpu.dma_semaphore, #tpu.memory_space<semaphore_mem>>) src(%arg11 : memref<128xf32, #tpu.memory_space<vmem>>) dst(%dma_wait3A_213 : memref<10000xf32, #tpu.memory_space<vmem_shared>>)
      %lt3A_214 = arith.constant 12 : i32
      %lt3A_215 = arith.cmpi slt, %scan3A_93, %lt3A_214 : i32
      %convert_element_type3A_216 = arith.extui %lt3A_215 : i1 to i32
      %cond3A_217 = arith.constant 0 : i32
      %cond3A_218 = arith.cmpi ne, %convert_element_type3A_216, %cond3A_217 : i32
      scf.if %cond3A_218 {
        %add3A_220 = arith.constant 4 : i32
        %add3A_221 = arith.addi %add3A_203, %add3A_220 : i32
        %mul3A_222 = arith.constant 128 : i32
        %mul3A_223 = arith.muli %add3A_221, %mul3A_222 : i32
        %add3A_224 = arith.addi %multiple_of3A, %mul3A_223 : i32
        %multiple_of3A_225 = tpu.assume_multiple %add3A_224, 8 : i32
        %dma_start3A_226 = tpu.memref_slice %arg2[%multiple_of3A_225] : memref<320000xi32, #tpu.memory_space<hbm>> -> memref<128xi32, #tpu.memory_space<hbm>>
        %dma_start3A_227 = tpu.memref_slice %arg2[%multiple_of3A_225] : memref<320000xi32, #tpu.memory_space<hbm>> -> memref<128xi32, #tpu.memory_space<hbm>>
        tpu.enqueue_dma source(%dma_start3A_227 : memref<128xi32, #tpu.memory_space<hbm>>) target(%arg7 : memref<128xi32, #tpu.memory_space<vmem>>) target_semaphore(%arg23 : memref<!tpu.dma_semaphore, #tpu.memory_space<semaphore_mem>>)
      } else {
      }
      %scan3A_219 = arith.constant 0 : i32
      scf.yield %scan3A_219 : i32
    }
    %scan3A_72 = arith.constant 13 : i32
    %dma_wait3A = arith.constant 0 : i32
    %dma_wait3A_73 = tpu.memref_slice %arg13[%dma_wait3A] : memref<10000xf32, #tpu.memory_space<vmem_shared>> -> memref<10000xf32, #tpu.memory_space<vmem_shared>>
    tpu.wait_indirect_dma semaphore(%arg18 : memref<!tpu.dma_semaphore, #tpu.memory_space<semaphore_mem>>) src(%arg11 : memref<128xf32, #tpu.memory_space<vmem>>) dst(%dma_wait3A_73 : memref<10000xf32, #tpu.memory_space<vmem_shared>>)
    %dma_wait3A_74 = arith.constant 0 : i32
    %dma_wait3A_75 = tpu.memref_slice %arg13[%dma_wait3A_74] : memref<10000xf32, #tpu.memory_space<vmem_shared>> -> memref<10000xf32, #tpu.memory_space<vmem_shared>>
    tpu.wait_indirect_dma semaphore(%arg19 : memref<!tpu.dma_semaphore, #tpu.memory_space<semaphore_mem>>) src(%arg11 : memref<128xf32, #tpu.memory_space<vmem>>) dst(%dma_wait3A_75 : memref<10000xf32, #tpu.memory_space<vmem_shared>>)
    %add3A_76 = arith.constant 9984 : i32
    %add3A_77 = arith.addi %multiple_of3A, %add3A_76 : i32
    %multiple_of3A_78 = tpu.assume_multiple %add3A_77, 8 : i32
    "tpu.region"() ({
      %run_scoped3A = tpu.sem_alloc : memref<!tpu.dma_semaphore, #tpu.memory_space<semaphore_mem>>
      %dma_start3A_93 = tpu.memref_slice %arg2[%multiple_of3A_78] : memref<320000xi32, #tpu.memory_space<hbm>> -> memref<16xi32, #tpu.memory_space<hbm>>
      %dma_start3A_94 = tpu.memref_slice %arg2[%multiple_of3A_78] : memref<320000xi32, #tpu.memory_space<hbm>> -> memref<16xi32, #tpu.memory_space<hbm>>
      tpu.enqueue_dma source(%dma_start3A_94 : memref<16xi32, #tpu.memory_space<hbm>>) target(%arg10 : memref<16xi32, #tpu.memory_space<vmem>>) target_semaphore(%run_scoped3A : memref<!tpu.dma_semaphore, #tpu.memory_space<semaphore_mem>>)
      %dma_wait3A_95 = tpu.memref_slice %arg2[%multiple_of3A_78] : memref<320000xi32, #tpu.memory_space<hbm>> -> memref<16xi32, #tpu.memory_space<hbm>>
      %dma_wait3A_96 = tpu.memref_slice %arg2[%multiple_of3A_78] : memref<320000xi32, #tpu.memory_space<hbm>> -> memref<16xi32, #tpu.memory_space<hbm>>
      tpu.wait_dma2 semaphore(%run_scoped3A : memref<!tpu.dma_semaphore, #tpu.memory_space<semaphore_mem>>) src(%dma_wait3A_96 : memref<16xi32, #tpu.memory_space<hbm>>) dst(%arg10 : memref<16xi32, #tpu.memory_space<vmem>>)
      tpu.yield
    }) : () -> ()
    "tpu.region"() ({
      %run_scoped3A = tpu.sem_alloc : memref<!tpu.dma_semaphore, #tpu.memory_space<semaphore_mem>>
      %dma_start3A_93 = arith.constant 0 : i32
      %dma_start3A_94 = tpu.memref_slice %arg11[%dma_start3A_93] : memref<128xf32, #tpu.memory_space<vmem>> -> memref<16xf32, #tpu.memory_space<vmem>>
      %dma_start3A_95 = arith.constant 0 : i32
      %dma_start3A_96 = tpu.memref_slice %arg13[%dma_start3A_95] : memref<10000xf32, #tpu.memory_space<vmem_shared>> -> memref<10000xf32, #tpu.memory_space<vmem_shared>>
      tpu.enqueue_indirect_dma source(%dma_start3A_94 : memref<16xf32, #tpu.memory_space<vmem>>) target(%dma_start3A_96 : memref<10000xf32, #tpu.memory_space<vmem_shared>>) offsets(%arg10 : memref<16xi32, #tpu.memory_space<vmem>>) semaphore(%run_scoped3A : memref<!tpu.dma_semaphore, #tpu.memory_space<semaphore_mem>>) {add = true}
      %dma_wait3A_97 = arith.constant 0 : i32
      %dma_wait3A_98 = tpu.memref_slice %arg11[%dma_wait3A_97] : memref<128xf32, #tpu.memory_space<vmem>> -> memref<16xf32, #tpu.memory_space<vmem>>
      %dma_wait3A_99 = arith.constant 0 : i32
      %dma_wait3A_100 = tpu.memref_slice %arg13[%dma_wait3A_99] : memref<10000xf32, #tpu.memory_space<vmem_shared>> -> memref<10000xf32, #tpu.memory_space<vmem_shared>>
      tpu.wait_indirect_dma semaphore(%run_scoped3A : memref<!tpu.dma_semaphore, #tpu.memory_space<semaphore_mem>>) src(%dma_wait3A_98 : memref<16xf32, #tpu.memory_space<vmem>>) dst(%dma_wait3A_100 : memref<10000xf32, #tpu.memory_space<vmem_shared>>)
      tpu.yield
    }) : () -> ()
    %barrier3A_79 = arith.constant 0 : index
    tpu.barrier barrier_id(%barrier3A_79)
    %mul3A_80 = arith.constant 10000 : i32
    %mul3A_81 = arith.muli %arg0, %mul3A_80 : i32
    %mul3A_82 = arith.constant 624 : i32
    %mul3A_83 = arith.muli %arg1, %mul3A_82 : i32
    %add3A_84 = arith.addi %mul3A_81, %mul3A_83 : i32
    %multiple_of3A_85 = tpu.assume_multiple %add3A_84, 8 : i32
    %mul3A_86 = arith.constant 624 : i32
    %mul3A_87 = arith.muli %arg1, %mul3A_86 : i32
    "tpu.region"() ({
      %run_scoped3A = tpu.sem_alloc : memref<!tpu.dma_semaphore, #tpu.memory_space<semaphore_mem>>
      %dma_start3A_93 = tpu.memref_slice %arg13[%mul3A_87] : memref<10000xf32, #tpu.memory_space<vmem_shared>> -> memref<624xf32, #tpu.memory_space<vmem_shared>>
      %dma_start3A_94 = tpu.memref_slice %arg13[%mul3A_87] : memref<10000xf32, #tpu.memory_space<vmem_shared>> -> memref<624xf32, #tpu.memory_space<vmem_shared>>
      tpu.enqueue_dma source(%dma_start3A_94 : memref<624xf32, #tpu.memory_space<vmem_shared>>) target(%arg12 : memref<624xf32, #tpu.memory_space<vmem>>) target_semaphore(%run_scoped3A : memref<!tpu.dma_semaphore, #tpu.memory_space<semaphore_mem>>)
      %dma_wait3A_95 = tpu.memref_slice %arg13[%mul3A_87] : memref<10000xf32, #tpu.memory_space<vmem_shared>> -> memref<624xf32, #tpu.memory_space<vmem_shared>>
      %dma_wait3A_96 = tpu.memref_slice %arg13[%mul3A_87] : memref<10000xf32, #tpu.memory_space<vmem_shared>> -> memref<624xf32, #tpu.memory_space<vmem_shared>>
      tpu.wait_dma2 semaphore(%run_scoped3A : memref<!tpu.dma_semaphore, #tpu.memory_space<semaphore_mem>>) src(%dma_wait3A_96 : memref<624xf32, #tpu.memory_space<vmem_shared>>) dst(%arg12 : memref<624xf32, #tpu.memory_space<vmem>>)
      tpu.yield
    }) : () -> ()
    "tpu.region"() ({
      %run_scoped3A = tpu.sem_alloc : memref<!tpu.dma_semaphore, #tpu.memory_space<semaphore_mem>>
      %dma_start3A_93 = tpu.memref_slice %arg3[%multiple_of3A_85] : memref<20000xf32, #tpu.memory_space<hbm>> -> memref<624xf32, #tpu.memory_space<hbm>>
      %dma_start3A_94 = tpu.memref_slice %arg3[%multiple_of3A_85] : memref<20000xf32, #tpu.memory_space<hbm>> -> memref<624xf32, #tpu.memory_space<hbm>>
      tpu.enqueue_dma source(%arg12 : memref<624xf32, #tpu.memory_space<vmem>>) target(%dma_start3A_94 : memref<624xf32, #tpu.memory_space<hbm>>) target_semaphore(%run_scoped3A : memref<!tpu.dma_semaphore, #tpu.memory_space<semaphore_mem>>)
      %dma_wait3A_95 = tpu.memref_slice %arg3[%multiple_of3A_85] : memref<20000xf32, #tpu.memory_space<hbm>> -> memref<624xf32, #tpu.memory_space<hbm>>
      %dma_wait3A_96 = tpu.memref_slice %arg3[%multiple_of3A_85] : memref<20000xf32, #tpu.memory_space<hbm>> -> memref<624xf32, #tpu.memory_space<hbm>>
      tpu.wait_dma2 semaphore(%run_scoped3A : memref<!tpu.dma_semaphore, #tpu.memory_space<semaphore_mem>>) src(%arg12 : memref<624xf32, #tpu.memory_space<vmem>>) dst(%dma_wait3A_96 : memref<624xf32, #tpu.memory_space<hbm>>)
      tpu.yield
    }) : () -> ()
    %eq3A_88 = arith.constant 15 : i32
    %eq3A_89 = arith.cmpi eq, %arg1, %eq3A_88 : i32
    %convert_element_type3A_90 = arith.extui %eq3A_89 : i1 to i32
    %cond3A_91 = arith.constant 0 : i32
    %cond3A_92 = arith.cmpi ne, %convert_element_type3A_90, %cond3A_91 : i32
    scf.if %cond3A_92 {
      %mul3A_93 = arith.constant 10000 : i32
      %mul3A_94 = arith.muli %arg0, %mul3A_93 : i32
      %add3A_95 = arith.constant 9984 : i32
      %add3A_96 = arith.addi %mul3A_94, %add3A_95 : i32
      %multiple_of3A_97 = tpu.assume_multiple %add3A_96, 8 : i32
      "tpu.region"() ({
        %run_scoped3A = tpu.sem_alloc : memref<!tpu.dma_semaphore, #tpu.memory_space<semaphore_mem>>
        %dma_start3A_98 = arith.constant 0 : i32
        %dma_start3A_99 = tpu.memref_slice %arg11[%dma_start3A_98] : memref<128xf32, #tpu.memory_space<vmem>> -> memref<16xf32, #tpu.memory_space<vmem>>
        %dma_start3A_100 = arith.constant 9984 : i32
        %dma_start3A_101 = tpu.memref_slice %arg13[%dma_start3A_100] : memref<10000xf32, #tpu.memory_space<vmem_shared>> -> memref<16xf32, #tpu.memory_space<vmem_shared>>
        %dma_start3A_102 = arith.constant 0 : i32
        %dma_start3A_103 = tpu.memref_slice %arg11[%dma_start3A_102] : memref<128xf32, #tpu.memory_space<vmem>> -> memref<16xf32, #tpu.memory_space<vmem>>
        %dma_start3A_104 = arith.constant 9984 : i32
        %dma_start3A_105 = tpu.memref_slice %arg13[%dma_start3A_104] : memref<10000xf32, #tpu.memory_space<vmem_shared>> -> memref<16xf32, #tpu.memory_space<vmem_shared>>
        tpu.enqueue_dma source(%dma_start3A_105 : memref<16xf32, #tpu.memory_space<vmem_shared>>) target(%dma_start3A_103 : memref<16xf32, #tpu.memory_space<vmem>>) target_semaphore(%run_scoped3A : memref<!tpu.dma_semaphore, #tpu.memory_space<semaphore_mem>>)
        %dma_wait3A_106 = arith.constant 0 : i32
        %dma_wait3A_107 = tpu.memref_slice %arg11[%dma_wait3A_106] : memref<128xf32, #tpu.memory_space<vmem>> -> memref<16xf32, #tpu.memory_space<vmem>>
        %dma_wait3A_108 = arith.constant 9984 : i32
        %dma_wait3A_109 = tpu.memref_slice %arg13[%dma_wait3A_108] : memref<10000xf32, #tpu.memory_space<vmem_shared>> -> memref<16xf32, #tpu.memory_space<vmem_shared>>
        %dma_wait3A_110 = arith.constant 0 : i32
        %dma_wait3A_111 = tpu.memref_slice %arg11[%dma_wait3A_110] : memref<128xf32, #tpu.memory_space<vmem>> -> memref<16xf32, #tpu.memory_space<vmem>>
        %dma_wait3A_112 = arith.constant 9984 : i32
        %dma_wait3A_113 = tpu.memref_slice %arg13[%dma_wait3A_112] : memref<10000xf32, #tpu.memory_space<vmem_shared>> -> memref<16xf32, #tpu.memory_space<vmem_shared>>
        tpu.wait_dma2 semaphore(%run_scoped3A : memref<!tpu.dma_semaphore, #tpu.memory_space<semaphore_mem>>) src(%dma_wait3A_113 : memref<16xf32, #tpu.memory_space<vmem_shared>>) dst(%dma_wait3A_111 : memref<16xf32, #tpu.memory_space<vmem>>)
        tpu.yield
      }) : () -> ()
      "tpu.region"() ({
        %run_scoped3A = tpu.sem_alloc : memref<!tpu.dma_semaphore, #tpu.memory_space<semaphore_mem>>
        %dma_start3A_98 = arith.constant 0 : i32
        %dma_start3A_99 = tpu.memref_slice %arg11[%dma_start3A_98] : memref<128xf32, #tpu.memory_space<vmem>> -> memref<16xf32, #tpu.memory_space<vmem>>
        %dma_start3A_100 = tpu.memref_slice %arg3[%multiple_of3A_97] : memref<20000xf32, #tpu.memory_space<hbm>> -> memref<16xf32, #tpu.memory_space<hbm>>
        %dma_start3A_101 = tpu.memref_slice %arg3[%multiple_of3A_97] : memref<20000xf32, #tpu.memory_space<hbm>> -> memref<16xf32, #tpu.memory_space<hbm>>
        %dma_start3A_102 = arith.constant 0 : i32
        %dma_start3A_103 = tpu.memref_slice %arg11[%dma_start3A_102] : memref<128xf32, #tpu.memory_space<vmem>> -> memref<16xf32, #tpu.memory_space<vmem>>
        tpu.enqueue_dma source(%dma_start3A_103 : memref<16xf32, #tpu.memory_space<vmem>>) target(%dma_start3A_101 : memref<16xf32, #tpu.memory_space<hbm>>) target_semaphore(%run_scoped3A : memref<!tpu.dma_semaphore, #tpu.memory_space<semaphore_mem>>)
        %dma_wait3A_104 = arith.constant 0 : i32
        %dma_wait3A_105 = tpu.memref_slice %arg11[%dma_wait3A_104] : memref<128xf32, #tpu.memory_space<vmem>> -> memref<16xf32, #tpu.memory_space<vmem>>
        %dma_wait3A_106 = tpu.memref_slice %arg3[%multiple_of3A_97] : memref<20000xf32, #tpu.memory_space<hbm>> -> memref<16xf32, #tpu.memory_space<hbm>>
        %dma_wait3A_107 = tpu.memref_slice %arg3[%multiple_of3A_97] : memref<20000xf32, #tpu.memory_space<hbm>> -> memref<16xf32, #tpu.memory_space<hbm>>
        %dma_wait3A_108 = arith.constant 0 : i32
        %dma_wait3A_109 = tpu.memref_slice %arg11[%dma_wait3A_108] : memref<128xf32, #tpu.memory_space<vmem>> -> memref<16xf32, #tpu.memory_space<vmem>>
        tpu.wait_dma2 semaphore(%run_scoped3A : memref<!tpu.dma_semaphore, #tpu.memory_space<semaphore_mem>>) src(%dma_wait3A_109 : memref<16xf32, #tpu.memory_space<vmem>>) dst(%dma_wait3A_107 : memref<16xf32, #tpu.memory_space<hbm>>)
        tpu.yield
      }) : () -> ()
    } else {
    }
    return
  }
}

#map = affine_map<(d0, d1) -> (0, 0, 0)>
#map1 = affine_map<(d0, d1) -> (0)>
module attributes {stable_mosaic.version = 14 : i64} {
  func.func @mp_kernel(%arg0: i32, %arg1: i32, %arg2: memref<2x10000x64xf32, #tpu.memory_space<hbm>>, %arg3: memref<320000xi32, #tpu.memory_space<hbm>>, %arg4: memref<320000xi32, #tpu.memory_space<hbm>>, %arg5: memref<2x10000x64xf32, #tpu.memory_space<hbm>>, %arg6: memref<20000xi32, #tpu.memory_space<vmem>>, %arg7: memref<128xi32, #tpu.memory_space<vmem>>, %arg8: memref<128xi32, #tpu.memory_space<vmem>>, %arg9: memref<128xi32, #tpu.memory_space<vmem>>, %arg10: memref<128xi32, #tpu.memory_space<vmem>>, %arg11: memref<128xi32, #tpu.memory_space<vmem>>, %arg12: memref<128xi32, #tpu.memory_space<vmem>>, %arg13: memref<128x64xf32, #tpu.memory_space<vmem>>, %arg14: memref<128x64xf32, #tpu.memory_space<vmem>>, %arg15: memref<128x64xf32, #tpu.memory_space<vmem>>, %arg16: memref<128x64xf32, #tpu.memory_space<vmem>>, %arg17: memref<128x64xf32, #tpu.memory_space<vmem>>, %arg18: memref<128x64xf32, #tpu.memory_space<vmem>>, %arg19: memref<32xi32, #tpu.memory_space<vmem>>, %arg20: memref<10000x64xf32, #tpu.memory_space<vmem_shared>>, %arg21: memref<!tpu.dma_semaphore, #tpu.memory_space<semaphore_mem>>, %arg22: memref<!tpu.dma_semaphore, #tpu.memory_space<semaphore_mem>>, %arg23: memref<!tpu.dma_semaphore, #tpu.memory_space<semaphore_mem>>, %arg24: memref<!tpu.dma_semaphore, #tpu.memory_space<semaphore_mem>>, %arg25: memref<!tpu.dma_semaphore, #tpu.memory_space<semaphore_mem>>, %arg26: memref<!tpu.dma_semaphore, #tpu.memory_space<semaphore_mem>>, %arg27: memref<!tpu.dma_semaphore, #tpu.memory_space<semaphore_mem>>, %arg28: memref<!tpu.dma_semaphore, #tpu.memory_space<semaphore_mem>>, %arg29: memref<!tpu.dma_semaphore, #tpu.memory_space<semaphore_mem>>, %arg30: memref<!tpu.dma_semaphore, #tpu.memory_space<semaphore_mem>>, %arg31: memref<!tpu.dma_semaphore, #tpu.memory_space<semaphore_mem>>, %arg32: memref<!tpu.dma_semaphore, #tpu.memory_space<semaphore_mem>>, %arg33: memref<!tpu.dma_semaphore, #tpu.memory_space<semaphore_mem>>, %arg34: memref<!tpu.dma_semaphore, #tpu.memory_space<semaphore_mem>>, %arg35: memref<!tpu.dma_semaphore, #tpu.memory_space<semaphore_mem>>, %arg36: memref<!tpu.dma_semaphore, #tpu.memory_space<semaphore_mem>>, %arg37: memref<!tpu.dma_semaphore, #tpu.memory_space<semaphore_mem>>, %arg38: memref<!tpu.dma_semaphore, #tpu.memory_space<semaphore_mem>>) attributes {dimension_semantics = [#tpu.dimension_semantics<core_parallel>, #tpu.dimension_semantics<subcore_parallel>], iteration_bounds = array<i64: 2, 16>, scalar_prefetch = 0 : i64, scratch_operands = 33 : i64, tpu.core_type = #tpu.core_type<sc_vector_subcore>, window_params = [{transform_indices = #map}, {transform_indices = #map1}, {transform_indices = #map1}, {transform_indices = #map}]} {
    %mul3A = arith.constant 20000 : i32
    %mul3A_0 = arith.muli %arg1, %mul3A : i32
    %multiple_of3A = tpu.assume_multiple %mul3A_0, 8 : i32
    %broadcast_in_dim3A = arith.constant 0.000000e+00 : f32
    %broadcast_in_dim3A_1 = vector.broadcast %broadcast_in_dim3A : f32 to vector<16xf32>
    %scan3A = arith.constant 0 : i32
    %scan3A_2 = arith.constant 0 : i32
    %scan3A_3 = arith.constant 128 : i32
    %scan3A_4 = arith.addi %scan3A_2, %scan3A_3 : i32
    %scan3A_5 = arith.constant 1 : i32
    %scan3A_6 = scf.for %scan3A_285 = %scan3A_2 to %scan3A_4 step %scan3A_5 iter_args(%scan3A_286 = %scan3A) -> (i32)  : i32 {
      %scan3A_287 = arith.constant 0 : i32
      %scan3A_288 = arith.constant 0 : i32
      %scan3A_289 = arith.constant 4 : i32
      %scan3A_290 = arith.addi %scan3A_288, %scan3A_289 : i32
      %scan3A_291 = arith.constant 1 : i32
      %scan3A_292 = scf.for %scan3A_294 = %scan3A_288 to %scan3A_290 step %scan3A_291 iter_args(%scan3A_295 = %scan3A_287) -> (i32)  : i32 {
        %mul3A_296 = arith.constant 16 : i32
        %mul3A_297 = arith.muli %scan3A_294, %mul3A_296 : i32
        %swap3A = arith.index_cast %scan3A_285 : i32 to index
        %swap3A_298 = arith.index_cast %mul3A_297 : i32 to index
        %swap3A_299 = tpu.vector_load %arg13[%swap3A, %swap3A_298] {strides = array<i32>} : memref<128x64xf32, #tpu.memory_space<vmem>>, vector<1x16xf32>,
        %swap3A_300 = vector.shape_cast %swap3A_299 : vector<1x16xf32> to vector<16xf32>
        %swap3A_301 = vector.shape_cast %broadcast_in_dim3A_1 : vector<16xf32> to vector<1x16xf32>
        tpu.vector_store %arg13[%swap3A, %swap3A_298], %swap3A_301 {strides = array<i32>} : memref<128x64xf32, #tpu.memory_space<vmem>>, vector<1x16xf32>,
        %scan3A_302 = arith.constant 0 : i32
        scf.yield %scan3A_302 : i32
      }
      %scan3A_293 = arith.constant 4 : i32
      scf.yield %scan3A_292 : i32
    }
    %scan3A_7 = arith.constant 128 : i32
    %mul3A_8 = arith.constant 624 : i32
    %mul3A_9 = arith.muli %arg1, %mul3A_8 : i32
    %multiple_of3A_10 = tpu.assume_multiple %mul3A_9, 8 : i32
    %add3A = arith.constant 0 : i32
    %add3A_11 = arith.addi %multiple_of3A_10, %add3A : i32
    "tpu.region"() ({
      %run_scoped3A = tpu.sem_alloc : memref<!tpu.dma_semaphore, #tpu.memory_space<semaphore_mem>>
      %dma_start3A_285 = arith.constant 0 : i32
      %dma_start3A_286 = tpu.memref_slice %arg20[%add3A_11, %dma_start3A_285] : memref<10000x64xf32, #tpu.memory_space<vmem_shared>> -> memref<128x64xf32, #tpu.memory_space<vmem_shared>>
      %dma_start3A_287 = arith.constant 0 : i32
      %dma_start3A_288 = tpu.memref_slice %arg20[%add3A_11, %dma_start3A_287] : memref<10000x64xf32, #tpu.memory_space<vmem_shared>> -> memref<128x64xf32, #tpu.memory_space<vmem_shared>>
      tpu.enqueue_dma source(%arg13 : memref<128x64xf32, #tpu.memory_space<vmem>>) target(%dma_start3A_288 : memref<128x64xf32, #tpu.memory_space<vmem_shared>>) target_semaphore(%run_scoped3A : memref<!tpu.dma_semaphore, #tpu.memory_space<semaphore_mem>>)
      %dma_wait3A_289 = arith.constant 0 : i32
      %dma_wait3A_290 = tpu.memref_slice %arg20[%add3A_11, %dma_wait3A_289] : memref<10000x64xf32, #tpu.memory_space<vmem_shared>> -> memref<128x64xf32, #tpu.memory_space<vmem_shared>>
      %dma_wait3A_291 = arith.constant 0 : i32
      %dma_wait3A_292 = tpu.memref_slice %arg20[%add3A_11, %dma_wait3A_291] : memref<10000x64xf32, #tpu.memory_space<vmem_shared>> -> memref<128x64xf32, #tpu.memory_space<vmem_shared>>
      tpu.wait_dma2 semaphore(%run_scoped3A : memref<!tpu.dma_semaphore, #tpu.memory_space<semaphore_mem>>) src(%arg13 : memref<128x64xf32, #tpu.memory_space<vmem>>) dst(%dma_wait3A_292 : memref<128x64xf32, #tpu.memory_space<vmem_shared>>)
      tpu.yield
    }) : () -> ()
    %add3A_12 = arith.constant 128 : i32
    %add3A_13 = arith.addi %multiple_of3A_10, %add3A_12 : i32
    "tpu.region"() ({
      %run_scoped3A = tpu.sem_alloc : memref<!tpu.dma_semaphore, #tpu.memory_space<semaphore_mem>>
      %dma_start3A_285 = arith.constant 0 : i32
      %dma_start3A_286 = tpu.memref_slice %arg20[%add3A_13, %dma_start3A_285] : memref<10000x64xf32, #tpu.memory_space<vmem_shared>> -> memref<128x64xf32, #tpu.memory_space<vmem_shared>>
      %dma_start3A_287 = arith.constant 0 : i32
      %dma_start3A_288 = tpu.memref_slice %arg20[%add3A_13, %dma_start3A_287] : memref<10000x64xf32, #tpu.memory_space<vmem_shared>> -> memref<128x64xf32, #tpu.memory_space<vmem_shared>>
      tpu.enqueue_dma source(%arg13 : memref<128x64xf32, #tpu.memory_space<vmem>>) target(%dma_start3A_288 : memref<128x64xf32, #tpu.memory_space<vmem_shared>>) target_semaphore(%run_scoped3A : memref<!tpu.dma_semaphore, #tpu.memory_space<semaphore_mem>>)
      %dma_wait3A_289 = arith.constant 0 : i32
      %dma_wait3A_290 = tpu.memref_slice %arg20[%add3A_13, %dma_wait3A_289] : memref<10000x64xf32, #tpu.memory_space<vmem_shared>> -> memref<128x64xf32, #tpu.memory_space<vmem_shared>>
      %dma_wait3A_291 = arith.constant 0 : i32
      %dma_wait3A_292 = tpu.memref_slice %arg20[%add3A_13, %dma_wait3A_291] : memref<10000x64xf32, #tpu.memory_space<vmem_shared>> -> memref<128x64xf32, #tpu.memory_space<vmem_shared>>
      tpu.wait_dma2 semaphore(%run_scoped3A : memref<!tpu.dma_semaphore, #tpu.memory_space<semaphore_mem>>) src(%arg13 : memref<128x64xf32, #tpu.memory_space<vmem>>) dst(%dma_wait3A_292 : memref<128x64xf32, #tpu.memory_space<vmem_shared>>)
      tpu.yield
    }) : () -> ()
    %add3A_14 = arith.constant 256 : i32
    %add3A_15 = arith.addi %multiple_of3A_10, %add3A_14 : i32
    "tpu.region"() ({
      %run_scoped3A = tpu.sem_alloc : memref<!tpu.dma_semaphore, #tpu.memory_space<semaphore_mem>>
      %dma_start3A_285 = arith.constant 0 : i32
      %dma_start3A_286 = tpu.memref_slice %arg20[%add3A_15, %dma_start3A_285] : memref<10000x64xf32, #tpu.memory_space<vmem_shared>> -> memref<128x64xf32, #tpu.memory_space<vmem_shared>>
      %dma_start3A_287 = arith.constant 0 : i32
      %dma_start3A_288 = tpu.memref_slice %arg20[%add3A_15, %dma_start3A_287] : memref<10000x64xf32, #tpu.memory_space<vmem_shared>> -> memref<128x64xf32, #tpu.memory_space<vmem_shared>>
      tpu.enqueue_dma source(%arg13 : memref<128x64xf32, #tpu.memory_space<vmem>>) target(%dma_start3A_288 : memref<128x64xf32, #tpu.memory_space<vmem_shared>>) target_semaphore(%run_scoped3A : memref<!tpu.dma_semaphore, #tpu.memory_space<semaphore_mem>>)
      %dma_wait3A_289 = arith.constant 0 : i32
      %dma_wait3A_290 = tpu.memref_slice %arg20[%add3A_15, %dma_wait3A_289] : memref<10000x64xf32, #tpu.memory_space<vmem_shared>> -> memref<128x64xf32, #tpu.memory_space<vmem_shared>>
      %dma_wait3A_291 = arith.constant 0 : i32
      %dma_wait3A_292 = tpu.memref_slice %arg20[%add3A_15, %dma_wait3A_291] : memref<10000x64xf32, #tpu.memory_space<vmem_shared>> -> memref<128x64xf32, #tpu.memory_space<vmem_shared>>
      tpu.wait_dma2 semaphore(%run_scoped3A : memref<!tpu.dma_semaphore, #tpu.memory_space<semaphore_mem>>) src(%arg13 : memref<128x64xf32, #tpu.memory_space<vmem>>) dst(%dma_wait3A_292 : memref<128x64xf32, #tpu.memory_space<vmem_shared>>)
      tpu.yield
    }) : () -> ()
    %add3A_16 = arith.constant 384 : i32
    %add3A_17 = arith.addi %multiple_of3A_10, %add3A_16 : i32
    "tpu.region"() ({
      %run_scoped3A = tpu.sem_alloc : memref<!tpu.dma_semaphore, #tpu.memory_space<semaphore_mem>>
      %dma_start3A_285 = arith.constant 0 : i32
      %dma_start3A_286 = tpu.memref_slice %arg20[%add3A_17, %dma_start3A_285] : memref<10000x64xf32, #tpu.memory_space<vmem_shared>> -> memref<128x64xf32, #tpu.memory_space<vmem_shared>>
      %dma_start3A_287 = arith.constant 0 : i32
      %dma_start3A_288 = tpu.memref_slice %arg20[%add3A_17, %dma_start3A_287] : memref<10000x64xf32, #tpu.memory_space<vmem_shared>> -> memref<128x64xf32, #tpu.memory_space<vmem_shared>>
      tpu.enqueue_dma source(%arg13 : memref<128x64xf32, #tpu.memory_space<vmem>>) target(%dma_start3A_288 : memref<128x64xf32, #tpu.memory_space<vmem_shared>>) target_semaphore(%run_scoped3A : memref<!tpu.dma_semaphore, #tpu.memory_space<semaphore_mem>>)
      %dma_wait3A_289 = arith.constant 0 : i32
      %dma_wait3A_290 = tpu.memref_slice %arg20[%add3A_17, %dma_wait3A_289] : memref<10000x64xf32, #tpu.memory_space<vmem_shared>> -> memref<128x64xf32, #tpu.memory_space<vmem_shared>>
      %dma_wait3A_291 = arith.constant 0 : i32
      %dma_wait3A_292 = tpu.memref_slice %arg20[%add3A_17, %dma_wait3A_291] : memref<10000x64xf32, #tpu.memory_space<vmem_shared>> -> memref<128x64xf32, #tpu.memory_space<vmem_shared>>
      tpu.wait_dma2 semaphore(%run_scoped3A : memref<!tpu.dma_semaphore, #tpu.memory_space<semaphore_mem>>) src(%arg13 : memref<128x64xf32, #tpu.memory_space<vmem>>) dst(%dma_wait3A_292 : memref<128x64xf32, #tpu.memory_space<vmem_shared>>)
      tpu.yield
    }) : () -> ()
    %add3A_18 = arith.constant 512 : i32
    %add3A_19 = arith.addi %multiple_of3A_10, %add3A_18 : i32
    "tpu.region"() ({
      %run_scoped3A = tpu.sem_alloc : memref<!tpu.dma_semaphore, #tpu.memory_space<semaphore_mem>>
      %dma_start3A_285 = arith.constant 0 : i32
      %dma_start3A_286 = arith.constant 0 : i32
      %dma_start3A_287 = tpu.memref_slice %arg13[%dma_start3A_285, %dma_start3A_286] : memref<128x64xf32, #tpu.memory_space<vmem>> -> memref<112x64xf32, #tpu.memory_space<vmem>>
      %dma_start3A_288 = arith.constant 0 : i32
      %dma_start3A_289 = tpu.memref_slice %arg20[%add3A_19, %dma_start3A_288] : memref<10000x64xf32, #tpu.memory_space<vmem_shared>> -> memref<112x64xf32, #tpu.memory_space<vmem_shared>>
      %dma_start3A_290 = arith.constant 0 : i32
      %dma_start3A_291 = tpu.memref_slice %arg20[%add3A_19, %dma_start3A_290] : memref<10000x64xf32, #tpu.memory_space<vmem_shared>> -> memref<112x64xf32, #tpu.memory_space<vmem_shared>>
      %dma_start3A_292 = arith.constant 0 : i32
      %dma_start3A_293 = arith.constant 0 : i32
      %dma_start3A_294 = tpu.memref_slice %arg13[%dma_start3A_292, %dma_start3A_293] : memref<128x64xf32, #tpu.memory_space<vmem>> -> memref<112x64xf32, #tpu.memory_space<vmem>>
      tpu.enqueue_dma source(%dma_start3A_294 : memref<112x64xf32, #tpu.memory_space<vmem>>) target(%dma_start3A_291 : memref<112x64xf32, #tpu.memory_space<vmem_shared>>) target_semaphore(%run_scoped3A : memref<!tpu.dma_semaphore, #tpu.memory_space<semaphore_mem>>)
      %dma_wait3A_295 = arith.constant 0 : i32
      %dma_wait3A_296 = arith.constant 0 : i32
      %dma_wait3A_297 = tpu.memref_slice %arg13[%dma_wait3A_295, %dma_wait3A_296] : memref<128x64xf32, #tpu.memory_space<vmem>> -> memref<112x64xf32, #tpu.memory_space<vmem>>
      %dma_wait3A_298 = arith.constant 0 : i32
      %dma_wait3A_299 = tpu.memref_slice %arg20[%add3A_19, %dma_wait3A_298] : memref<10000x64xf32, #tpu.memory_space<vmem_shared>> -> memref<112x64xf32, #tpu.memory_space<vmem_shared>>
      %dma_wait3A_300 = arith.constant 0 : i32
      %dma_wait3A_301 = tpu.memref_slice %arg20[%add3A_19, %dma_wait3A_300] : memref<10000x64xf32, #tpu.memory_space<vmem_shared>> -> memref<112x64xf32, #tpu.memory_space<vmem_shared>>
      %dma_wait3A_302 = arith.constant 0 : i32
      %dma_wait3A_303 = arith.constant 0 : i32
      %dma_wait3A_304 = tpu.memref_slice %arg13[%dma_wait3A_302, %dma_wait3A_303] : memref<128x64xf32, #tpu.memory_space<vmem>> -> memref<112x64xf32, #tpu.memory_space<vmem>>
      tpu.wait_dma2 semaphore(%run_scoped3A : memref<!tpu.dma_semaphore, #tpu.memory_space<semaphore_mem>>) src(%dma_wait3A_304 : memref<112x64xf32, #tpu.memory_space<vmem>>) dst(%dma_wait3A_301 : memref<112x64xf32, #tpu.memory_space<vmem_shared>>)
      tpu.yield
    }) : () -> ()
    %eq3A = arith.constant 15 : i32
    %eq3A_20 = arith.cmpi eq, %arg1, %eq3A : i32
    %convert_element_type3A = arith.extui %eq3A_20 : i1 to i32
    %cond3A = arith.constant 0 : i32
    %cond3A_21 = arith.cmpi ne, %convert_element_type3A, %cond3A : i32
    scf.if %cond3A_21 {
      "tpu.region"() ({
        %run_scoped3A = tpu.sem_alloc : memref<!tpu.dma_semaphore, #tpu.memory_space<semaphore_mem>>
        %dma_start3A_285 = arith.constant 0 : i32
        %dma_start3A_286 = arith.constant 0 : i32
        %dma_start3A_287 = tpu.memref_slice %arg13[%dma_start3A_285, %dma_start3A_286] : memref<128x64xf32, #tpu.memory_space<vmem>> -> memref<16x64xf32, #tpu.memory_space<vmem>>
        %dma_start3A_288 = arith.constant 9984 : i32
        %dma_start3A_289 = arith.constant 0 : i32
        %dma_start3A_290 = tpu.memref_slice %arg20[%dma_start3A_288, %dma_start3A_289] : memref<10000x64xf32, #tpu.memory_space<vmem_shared>> -> memref<16x64xf32, #tpu.memory_space<vmem_shared>>
        %dma_start3A_291 = arith.constant 9984 : i32
        %dma_start3A_292 = arith.constant 0 : i32
        %dma_start3A_293 = tpu.memref_slice %arg20[%dma_start3A_291, %dma_start3A_292] : memref<10000x64xf32, #tpu.memory_space<vmem_shared>> -> memref<16x64xf32, #tpu.memory_space<vmem_shared>>
        %dma_start3A_294 = arith.constant 0 : i32
        %dma_start3A_295 = arith.constant 0 : i32
        %dma_start3A_296 = tpu.memref_slice %arg13[%dma_start3A_294, %dma_start3A_295] : memref<128x64xf32, #tpu.memory_space<vmem>> -> memref<16x64xf32, #tpu.memory_space<vmem>>
        tpu.enqueue_dma source(%dma_start3A_296 : memref<16x64xf32, #tpu.memory_space<vmem>>) target(%dma_start3A_293 : memref<16x64xf32, #tpu.memory_space<vmem_shared>>) target_semaphore(%run_scoped3A : memref<!tpu.dma_semaphore, #tpu.memory_space<semaphore_mem>>)
        %dma_wait3A_297 = arith.constant 0 : i32
        %dma_wait3A_298 = arith.constant 0 : i32
        %dma_wait3A_299 = tpu.memref_slice %arg13[%dma_wait3A_297, %dma_wait3A_298] : memref<128x64xf32, #tpu.memory_space<vmem>> -> memref<16x64xf32, #tpu.memory_space<vmem>>
        %dma_wait3A_300 = arith.constant 9984 : i32
        %dma_wait3A_301 = arith.constant 0 : i32
        %dma_wait3A_302 = tpu.memref_slice %arg20[%dma_wait3A_300, %dma_wait3A_301] : memref<10000x64xf32, #tpu.memory_space<vmem_shared>> -> memref<16x64xf32, #tpu.memory_space<vmem_shared>>
        %dma_wait3A_303 = arith.constant 9984 : i32
        %dma_wait3A_304 = arith.constant 0 : i32
        %dma_wait3A_305 = tpu.memref_slice %arg20[%dma_wait3A_303, %dma_wait3A_304] : memref<10000x64xf32, #tpu.memory_space<vmem_shared>> -> memref<16x64xf32, #tpu.memory_space<vmem_shared>>
        %dma_wait3A_306 = arith.constant 0 : i32
        %dma_wait3A_307 = arith.constant 0 : i32
        %dma_wait3A_308 = tpu.memref_slice %arg13[%dma_wait3A_306, %dma_wait3A_307] : memref<128x64xf32, #tpu.memory_space<vmem>> -> memref<16x64xf32, #tpu.memory_space<vmem>>
        tpu.wait_dma2 semaphore(%run_scoped3A : memref<!tpu.dma_semaphore, #tpu.memory_space<semaphore_mem>>) src(%dma_wait3A_308 : memref<16x64xf32, #tpu.memory_space<vmem>>) dst(%dma_wait3A_305 : memref<16x64xf32, #tpu.memory_space<vmem_shared>>)
        tpu.yield
      }) : () -> ()
    } else {
    }
    "tpu.region"() ({
      %run_scoped3A = tpu.sem_alloc : memref<!tpu.dma_semaphore, #tpu.memory_space<semaphore_mem>>
      %dma_start3A_285 = tpu.memref_slice %arg3[%multiple_of3A] : memref<320000xi32, #tpu.memory_space<hbm>> -> memref<20000xi32, #tpu.memory_space<hbm>>
      %dma_start3A_286 = tpu.memref_slice %arg3[%multiple_of3A] : memref<320000xi32, #tpu.memory_space<hbm>> -> memref<20000xi32, #tpu.memory_space<hbm>>
      tpu.enqueue_dma source(%dma_start3A_286 : memref<20000xi32, #tpu.memory_space<hbm>>) target(%arg6 : memref<20000xi32, #tpu.memory_space<vmem>>) target_semaphore(%run_scoped3A : memref<!tpu.dma_semaphore, #tpu.memory_space<semaphore_mem>>)
      %dma_wait3A_287 = tpu.memref_slice %arg3[%multiple_of3A] : memref<320000xi32, #tpu.memory_space<hbm>> -> memref<20000xi32, #tpu.memory_space<hbm>>
      %dma_wait3A_288 = tpu.memref_slice %arg3[%multiple_of3A] : memref<320000xi32, #tpu.memory_space<hbm>> -> memref<20000xi32, #tpu.memory_space<hbm>>
      tpu.wait_dma2 semaphore(%run_scoped3A : memref<!tpu.dma_semaphore, #tpu.memory_space<semaphore_mem>>) src(%dma_wait3A_288 : memref<20000xi32, #tpu.memory_space<hbm>>) dst(%arg6 : memref<20000xi32, #tpu.memory_space<vmem>>)
      tpu.yield
    }) : () -> ()
    %barrier3A = arith.constant 0 : index
    tpu.barrier barrier_id(%barrier3A)
    %add3A_22 = arith.constant 0 : i32
    %add3A_23 = arith.addi %multiple_of3A, %add3A_22 : i32
    %multiple_of3A_24 = tpu.assume_multiple %add3A_23, 8 : i32
    %dma_start3A = tpu.memref_slice %arg4[%multiple_of3A_24] : memref<320000xi32, #tpu.memory_space<hbm>> -> memref<128xi32, #tpu.memory_space<hbm>>
    %dma_start3A_25 = tpu.memref_slice %arg4[%multiple_of3A_24] : memref<320000xi32, #tpu.memory_space<hbm>> -> memref<128xi32, #tpu.memory_space<hbm>>
    tpu.enqueue_dma source(%dma_start3A_25 : memref<128xi32, #tpu.memory_space<hbm>>) target(%arg7 : memref<128xi32, #tpu.memory_space<vmem>>) target_semaphore(%arg33 : memref<!tpu.dma_semaphore, #tpu.memory_space<semaphore_mem>>)
    %multiple_of3A_26 = arith.constant 0 : i32
    %multiple_of3A_27 = tpu.assume_multiple %multiple_of3A_26, 8 : i32
    %dma_start3A_28 = tpu.memref_slice %arg6[%multiple_of3A_27] : memref<20000xi32, #tpu.memory_space<vmem>> -> memref<128xi32, #tpu.memory_space<vmem>>
    %dma_start3A_29 = arith.constant 0 : i32
    %dma_start3A_30 = arith.constant 0 : i32
    %dma_start3A_31 = tpu.memref_slice %arg2[%arg0, %dma_start3A_29, %dma_start3A_30] : memref<2x10000x64xf32, #tpu.memory_space<hbm>> -> memref<1x10000x64xf32, #tpu.memory_space<hbm>>
    %dma_start3A_32 = tpu.memref_squeeze %dma_start3A_31 : memref<1x10000x64xf32, #tpu.memory_space<hbm>> -> memref<10000x64xf32, #tpu.memory_space<hbm>>
    %dma_start3A_33 = arith.constant 0 : i32
    %dma_start3A_34 = arith.constant 0 : i32
    %dma_start3A_35 = tpu.memref_slice %dma_start3A_32[%dma_start3A_33, %dma_start3A_34] : memref<10000x64xf32, #tpu.memory_space<hbm>> -> memref<10000x64xf32, #tpu.memory_space<hbm>>
    tpu.enqueue_indirect_dma source(%dma_start3A_35 : memref<10000x64xf32, #tpu.memory_space<hbm>>) target(%arg13 : memref<128x64xf32, #tpu.memory_space<vmem>>) offsets(%dma_start3A_28 : memref<128xi32, #tpu.memory_space<vmem>>) semaphore(%arg21 : memref<!tpu.dma_semaphore, #tpu.memory_space<semaphore_mem>>)
    %add3A_36 = arith.constant 128 : i32
    %add3A_37 = arith.addi %multiple_of3A, %add3A_36 : i32
    %multiple_of3A_38 = tpu.assume_multiple %add3A_37, 8 : i32
    %dma_start3A_39 = tpu.memref_slice %arg4[%multiple_of3A_38] : memref<320000xi32, #tpu.memory_space<hbm>> -> memref<128xi32, #tpu.memory_space<hbm>>
    %dma_start3A_40 = tpu.memref_slice %arg4[%multiple_of3A_38] : memref<320000xi32, #tpu.memory_space<hbm>> -> memref<128xi32, #tpu.memory_space<hbm>>
    tpu.enqueue_dma source(%dma_start3A_40 : memref<128xi32, #tpu.memory_space<hbm>>) target(%arg8 : memref<128xi32, #tpu.memory_space<vmem>>) target_semaphore(%arg34 : memref<!tpu.dma_semaphore, #tpu.memory_space<semaphore_mem>>)
    %multiple_of3A_41 = arith.constant 128 : i32
    %multiple_of3A_42 = tpu.assume_multiple %multiple_of3A_41, 8 : i32
    %dma_start3A_43 = tpu.memref_slice %arg6[%multiple_of3A_42] : memref<20000xi32, #tpu.memory_space<vmem>> -> memref<128xi32, #tpu.memory_space<vmem>>
    %dma_start3A_44 = arith.constant 0 : i32
    %dma_start3A_45 = arith.constant 0 : i32
    %dma_start3A_46 = tpu.memref_slice %arg2[%arg0, %dma_start3A_44, %dma_start3A_45] : memref<2x10000x64xf32, #tpu.memory_space<hbm>> -> memref<1x10000x64xf32, #tpu.memory_space<hbm>>
    %dma_start3A_47 = tpu.memref_squeeze %dma_start3A_46 : memref<1x10000x64xf32, #tpu.memory_space<hbm>> -> memref<10000x64xf32, #tpu.memory_space<hbm>>
    %dma_start3A_48 = arith.constant 0 : i32
    %dma_start3A_49 = arith.constant 0 : i32
    %dma_start3A_50 = tpu.memref_slice %dma_start3A_47[%dma_start3A_48, %dma_start3A_49] : memref<10000x64xf32, #tpu.memory_space<hbm>> -> memref<10000x64xf32, #tpu.memory_space<hbm>>
    tpu.enqueue_indirect_dma source(%dma_start3A_50 : memref<10000x64xf32, #tpu.memory_space<hbm>>) target(%arg14 : memref<128x64xf32, #tpu.memory_space<vmem>>) offsets(%dma_start3A_43 : memref<128xi32, #tpu.memory_space<vmem>>) semaphore(%arg22 : memref<!tpu.dma_semaphore, #tpu.memory_space<semaphore_mem>>)
    %add3A_51 = arith.constant 256 : i32
    %add3A_52 = arith.addi %multiple_of3A, %add3A_51 : i32
    %multiple_of3A_53 = tpu.assume_multiple %add3A_52, 8 : i32
    %dma_start3A_54 = tpu.memref_slice %arg4[%multiple_of3A_53] : memref<320000xi32, #tpu.memory_space<hbm>> -> memref<128xi32, #tpu.memory_space<hbm>>
    %dma_start3A_55 = tpu.memref_slice %arg4[%multiple_of3A_53] : memref<320000xi32, #tpu.memory_space<hbm>> -> memref<128xi32, #tpu.memory_space<hbm>>
    tpu.enqueue_dma source(%dma_start3A_55 : memref<128xi32, #tpu.memory_space<hbm>>) target(%arg9 : memref<128xi32, #tpu.memory_space<vmem>>) target_semaphore(%arg35 : memref<!tpu.dma_semaphore, #tpu.memory_space<semaphore_mem>>)
    %multiple_of3A_56 = arith.constant 256 : i32
    %multiple_of3A_57 = tpu.assume_multiple %multiple_of3A_56, 8 : i32
    %dma_start3A_58 = tpu.memref_slice %arg6[%multiple_of3A_57] : memref<20000xi32, #tpu.memory_space<vmem>> -> memref<128xi32, #tpu.memory_space<vmem>>
    %dma_start3A_59 = arith.constant 0 : i32
    %dma_start3A_60 = arith.constant 0 : i32
    %dma_start3A_61 = tpu.memref_slice %arg2[%arg0, %dma_start3A_59, %dma_start3A_60] : memref<2x10000x64xf32, #tpu.memory_space<hbm>> -> memref<1x10000x64xf32, #tpu.memory_space<hbm>>
    %dma_start3A_62 = tpu.memref_squeeze %dma_start3A_61 : memref<1x10000x64xf32, #tpu.memory_space<hbm>> -> memref<10000x64xf32, #tpu.memory_space<hbm>>
    %dma_start3A_63 = arith.constant 0 : i32
    %dma_start3A_64 = arith.constant 0 : i32
    %dma_start3A_65 = tpu.memref_slice %dma_start3A_62[%dma_start3A_63, %dma_start3A_64] : memref<10000x64xf32, #tpu.memory_space<hbm>> -> memref<10000x64xf32, #tpu.memory_space<hbm>>
    tpu.enqueue_indirect_dma source(%dma_start3A_65 : memref<10000x64xf32, #tpu.memory_space<hbm>>) target(%arg15 : memref<128x64xf32, #tpu.memory_space<vmem>>) offsets(%dma_start3A_58 : memref<128xi32, #tpu.memory_space<vmem>>) semaphore(%arg23 : memref<!tpu.dma_semaphore, #tpu.memory_space<semaphore_mem>>)
    %add3A_66 = arith.constant 384 : i32
    %add3A_67 = arith.addi %multiple_of3A, %add3A_66 : i32
    %multiple_of3A_68 = tpu.assume_multiple %add3A_67, 8 : i32
    %dma_start3A_69 = tpu.memref_slice %arg4[%multiple_of3A_68] : memref<320000xi32, #tpu.memory_space<hbm>> -> memref<128xi32, #tpu.memory_space<hbm>>
    %dma_start3A_70 = tpu.memref_slice %arg4[%multiple_of3A_68] : memref<320000xi32, #tpu.memory_space<hbm>> -> memref<128xi32, #tpu.memory_space<hbm>>
    tpu.enqueue_dma source(%dma_start3A_70 : memref<128xi32, #tpu.memory_space<hbm>>) target(%arg10 : memref<128xi32, #tpu.memory_space<vmem>>) target_semaphore(%arg36 : memref<!tpu.dma_semaphore, #tpu.memory_space<semaphore_mem>>)
    %multiple_of3A_71 = arith.constant 384 : i32
    %multiple_of3A_72 = tpu.assume_multiple %multiple_of3A_71, 8 : i32
    %dma_start3A_73 = tpu.memref_slice %arg6[%multiple_of3A_72] : memref<20000xi32, #tpu.memory_space<vmem>> -> memref<128xi32, #tpu.memory_space<vmem>>
    %dma_start3A_74 = arith.constant 0 : i32
    %dma_start3A_75 = arith.constant 0 : i32
    %dma_start3A_76 = tpu.memref_slice %arg2[%arg0, %dma_start3A_74, %dma_start3A_75] : memref<2x10000x64xf32, #tpu.memory_space<hbm>> -> memref<1x10000x64xf32, #tpu.memory_space<hbm>>
    %dma_start3A_77 = tpu.memref_squeeze %dma_start3A_76 : memref<1x10000x64xf32, #tpu.memory_space<hbm>> -> memref<10000x64xf32, #tpu.memory_space<hbm>>
    %dma_start3A_78 = arith.constant 0 : i32
    %dma_start3A_79 = arith.constant 0 : i32
    %dma_start3A_80 = tpu.memref_slice %dma_start3A_77[%dma_start3A_78, %dma_start3A_79] : memref<10000x64xf32, #tpu.memory_space<hbm>> -> memref<10000x64xf32, #tpu.memory_space<hbm>>
    tpu.enqueue_indirect_dma source(%dma_start3A_80 : memref<10000x64xf32, #tpu.memory_space<hbm>>) target(%arg16 : memref<128x64xf32, #tpu.memory_space<vmem>>) offsets(%dma_start3A_73 : memref<128xi32, #tpu.memory_space<vmem>>) semaphore(%arg24 : memref<!tpu.dma_semaphore, #tpu.memory_space<semaphore_mem>>)
    %scan3A_81 = arith.constant 0 : i32
    %scan3A_82 = arith.constant 0 : i32
    %scan3A_83 = arith.constant 26 : i32
    %scan3A_84 = arith.addi %scan3A_82, %scan3A_83 : i32
    %scan3A_85 = arith.constant 1 : i32
    %scan3A_86 = scf.for %scan3A_285 = %scan3A_82 to %scan3A_84 step %scan3A_85 iter_args(%scan3A_286 = %scan3A_81) -> (i32)  : i32 {
      %mul3A_287 = arith.constant 6 : i32
      %mul3A_288 = arith.muli %mul3A_287, %scan3A_285 : i32
      %add3A_289 = arith.constant 0 : i32
      %add3A_290 = arith.addi %mul3A_288, %add3A_289 : i32
      %mul3A_291 = arith.constant 128 : i32
      %mul3A_292 = arith.muli %add3A_290, %mul3A_291 : i32
      %multiple_of3A_293 = tpu.assume_multiple %mul3A_292, 8 : i32
      %dma_wait3A_294 = tpu.memref_slice %arg6[%multiple_of3A_293] : memref<20000xi32, #tpu.memory_space<vmem>> -> memref<128xi32, #tpu.memory_space<vmem>>
      %dma_wait3A_295 = arith.constant 0 : i32
      %dma_wait3A_296 = arith.constant 0 : i32
      %dma_wait3A_297 = tpu.memref_slice %arg2[%arg0, %dma_wait3A_295, %dma_wait3A_296] : memref<2x10000x64xf32, #tpu.memory_space<hbm>> -> memref<1x10000x64xf32, #tpu.memory_space<hbm>>
      %dma_wait3A_298 = tpu.memref_squeeze %dma_wait3A_297 : memref<1x10000x64xf32, #tpu.memory_space<hbm>> -> memref<10000x64xf32, #tpu.memory_space<hbm>>
      %dma_wait3A_299 = arith.constant 0 : i32
      %dma_wait3A_300 = arith.constant 0 : i32
      %dma_wait3A_301 = tpu.memref_slice %dma_wait3A_298[%dma_wait3A_299, %dma_wait3A_300] : memref<10000x64xf32, #tpu.memory_space<hbm>> -> memref<10000x64xf32, #tpu.memory_space<hbm>>
      tpu.wait_indirect_dma semaphore(%arg21 : memref<!tpu.dma_semaphore, #tpu.memory_space<semaphore_mem>>) src(%dma_wait3A_301 : memref<10000x64xf32, #tpu.memory_space<hbm>>) dst(%arg13 : memref<128x64xf32, #tpu.memory_space<vmem>>)
      %mul3A_302 = arith.constant 128 : i32
      %mul3A_303 = arith.muli %add3A_290, %mul3A_302 : i32
      %add3A_304 = arith.addi %multiple_of3A, %mul3A_303 : i32
      %multiple_of3A_305 = tpu.assume_multiple %add3A_304, 8 : i32
      %dma_wait3A_306 = tpu.memref_slice %arg4[%multiple_of3A_305] : memref<320000xi32, #tpu.memory_space<hbm>> -> memref<128xi32, #tpu.memory_space<hbm>>
      %dma_wait3A_307 = tpu.memref_slice %arg4[%multiple_of3A_305] : memref<320000xi32, #tpu.memory_space<hbm>> -> memref<128xi32, #tpu.memory_space<hbm>>
      tpu.wait_dma2 semaphore(%arg33 : memref<!tpu.dma_semaphore, #tpu.memory_space<semaphore_mem>>) src(%dma_wait3A_307 : memref<128xi32, #tpu.memory_space<hbm>>) dst(%arg7 : memref<128xi32, #tpu.memory_space<vmem>>)
      %dma_start3A_308 = arith.constant 0 : i32
      %dma_start3A_309 = arith.constant 0 : i32
      %dma_start3A_310 = tpu.memref_slice %arg20[%dma_start3A_308, %dma_start3A_309] : memref<10000x64xf32, #tpu.memory_space<vmem_shared>> -> memref<10000x64xf32, #tpu.memory_space<vmem_shared>>
      tpu.enqueue_indirect_dma source(%arg13 : memref<128x64xf32, #tpu.memory_space<vmem>>) target(%dma_start3A_310 : memref<10000x64xf32, #tpu.memory_space<vmem_shared>>) offsets(%arg7 : memref<128xi32, #tpu.memory_space<vmem>>) semaphore(%arg27 : memref<!tpu.dma_semaphore, #tpu.memory_space<semaphore_mem>>) {add = true}
      %gt3A = arith.constant 0 : i32
      %gt3A_311 = arith.cmpi sgt, %scan3A_285, %gt3A : i32
      %convert_element_type3A_312 = arith.extui %gt3A_311 : i1 to i32
      %cond3A_313 = arith.constant 0 : i32
      %cond3A_314 = arith.cmpi ne, %convert_element_type3A_312, %cond3A_313 : i32
      scf.if %cond3A_314 {
        %dma_wait3A_514 = arith.constant 0 : i32
        %dma_wait3A_515 = arith.constant 0 : i32
        %dma_wait3A_516 = tpu.memref_slice %arg20[%dma_wait3A_514, %dma_wait3A_515] : memref<10000x64xf32, #tpu.memory_space<vmem_shared>> -> memref<10000x64xf32, #tpu.memory_space<vmem_shared>>
        tpu.wait_indirect_dma semaphore(%arg31 : memref<!tpu.dma_semaphore, #tpu.memory_space<semaphore_mem>>) src(%arg17 : memref<128x64xf32, #tpu.memory_space<vmem>>) dst(%dma_wait3A_516 : memref<10000x64xf32, #tpu.memory_space<vmem_shared>>)
      } else {
      }
      %add3A_315 = arith.constant 4 : i32
      %add3A_316 = arith.addi %add3A_290, %add3A_315 : i32
      %mul3A_317 = arith.constant 128 : i32
      %mul3A_318 = arith.muli %add3A_316, %mul3A_317 : i32
      %add3A_319 = arith.addi %multiple_of3A, %mul3A_318 : i32
      %multiple_of3A_320 = tpu.assume_multiple %add3A_319, 8 : i32
      %dma_start3A_321 = tpu.memref_slice %arg4[%multiple_of3A_320] : memref<320000xi32, #tpu.memory_space<hbm>> -> memref<128xi32, #tpu.memory_space<hbm>>
      %dma_start3A_322 = tpu.memref_slice %arg4[%multiple_of3A_320] : memref<320000xi32, #tpu.memory_space<hbm>> -> memref<128xi32, #tpu.memory_space<hbm>>
      tpu.enqueue_dma source(%dma_start3A_322 : memref<128xi32, #tpu.memory_space<hbm>>) target(%arg11 : memref<128xi32, #tpu.memory_space<vmem>>) target_semaphore(%arg37 : memref<!tpu.dma_semaphore, #tpu.memory_space<semaphore_mem>>)
      %add3A_323 = arith.constant 4 : i32
      %add3A_324 = arith.addi %add3A_290, %add3A_323 : i32
      %mul3A_325 = arith.constant 128 : i32
      %mul3A_326 = arith.muli %add3A_324, %mul3A_325 : i32
      %multiple_of3A_327 = tpu.assume_multiple %mul3A_326, 8 : i32
      %dma_start3A_328 = tpu.memref_slice %arg6[%multiple_of3A_327] : memref<20000xi32, #tpu.memory_space<vmem>> -> memref<128xi32, #tpu.memory_space<vmem>>
      %dma_start3A_329 = arith.constant 0 : i32
      %dma_start3A_330 = arith.constant 0 : i32
      %dma_start3A_331 = tpu.memref_slice %arg2[%arg0, %dma_start3A_329, %dma_start3A_330] : memref<2x10000x64xf32, #tpu.memory_space<hbm>> -> memref<1x10000x64xf32, #tpu.memory_space<hbm>>
      %dma_start3A_332 = tpu.memref_squeeze %dma_start3A_331 : memref<1x10000x64xf32, #tpu.memory_space<hbm>> -> memref<10000x64xf32, #tpu.memory_space<hbm>>
      %dma_start3A_333 = arith.constant 0 : i32
      %dma_start3A_334 = arith.constant 0 : i32
      %dma_start3A_335 = tpu.memref_slice %dma_start3A_332[%dma_start3A_333, %dma_start3A_334] : memref<10000x64xf32, #tpu.memory_space<hbm>> -> memref<10000x64xf32, #tpu.memory_space<hbm>>
      tpu.enqueue_indirect_dma source(%dma_start3A_335 : memref<10000x64xf32, #tpu.memory_space<hbm>>) target(%arg17 : memref<128x64xf32, #tpu.memory_space<vmem>>) offsets(%dma_start3A_328 : memref<128xi32, #tpu.memory_space<vmem>>) semaphore(%arg25 : memref<!tpu.dma_semaphore, #tpu.memory_space<semaphore_mem>>)
      %mul3A_336 = arith.constant 6 : i32
      %mul3A_337 = arith.muli %mul3A_336, %scan3A_285 : i32
      %add3A_338 = arith.constant 1 : i32
      %add3A_339 = arith.addi %mul3A_337, %add3A_338 : i32
      %mul3A_340 = arith.constant 128 : i32
      %mul3A_341 = arith.muli %add3A_339, %mul3A_340 : i32
      %multiple_of3A_342 = tpu.assume_multiple %mul3A_341, 8 : i32
      %dma_wait3A_343 = tpu.memref_slice %arg6[%multiple_of3A_342] : memref<20000xi32, #tpu.memory_space<vmem>> -> memref<128xi32, #tpu.memory_space<vmem>>
      %dma_wait3A_344 = arith.constant 0 : i32
      %dma_wait3A_345 = arith.constant 0 : i32
      %dma_wait3A_346 = tpu.memref_slice %arg2[%arg0, %dma_wait3A_344, %dma_wait3A_345] : memref<2x10000x64xf32, #tpu.memory_space<hbm>> -> memref<1x10000x64xf32, #tpu.memory_space<hbm>>
      %dma_wait3A_347 = tpu.memref_squeeze %dma_wait3A_346 : memref<1x10000x64xf32, #tpu.memory_space<hbm>> -> memref<10000x64xf32, #tpu.memory_space<hbm>>
      %dma_wait3A_348 = arith.constant 0 : i32
      %dma_wait3A_349 = arith.constant 0 : i32
      %dma_wait3A_350 = tpu.memref_slice %dma_wait3A_347[%dma_wait3A_348, %dma_wait3A_349] : memref<10000x64xf32, #tpu.memory_space<hbm>> -> memref<10000x64xf32, #tpu.memory_space<hbm>>
      tpu.wait_indirect_dma semaphore(%arg22 : memref<!tpu.dma_semaphore, #tpu.memory_space<semaphore_mem>>) src(%dma_wait3A_350 : memref<10000x64xf32, #tpu.memory_space<hbm>>) dst(%arg14 : memref<128x64xf32, #tpu.memory_space<vmem>>)
      %mul3A_351 = arith.constant 128 : i32
      %mul3A_352 = arith.muli %add3A_339, %mul3A_351 : i32
      %add3A_353 = arith.addi %multiple_of3A, %mul3A_352 : i32
      %multiple_of3A_354 = tpu.assume_multiple %add3A_353, 8 : i32
      %dma_wait3A_355 = tpu.memref_slice %arg4[%multiple_of3A_354] : memref<320000xi32, #tpu.memory_space<hbm>> -> memref<128xi32, #tpu.memory_space<hbm>>
      %dma_wait3A_356 = tpu.memref_slice %arg4[%multiple_of3A_354] : memref<320000xi32, #tpu.memory_space<hbm>> -> memref<128xi32, #tpu.memory_space<hbm>>
      tpu.wait_dma2 semaphore(%arg34 : memref<!tpu.dma_semaphore, #tpu.memory_space<semaphore_mem>>) src(%dma_wait3A_356 : memref<128xi32, #tpu.memory_space<hbm>>) dst(%arg8 : memref<128xi32, #tpu.memory_space<vmem>>)
      %dma_start3A_357 = arith.constant 0 : i32
      %dma_start3A_358 = arith.constant 0 : i32
      %dma_start3A_359 = tpu.memref_slice %arg20[%dma_start3A_357, %dma_start3A_358] : memref<10000x64xf32, #tpu.memory_space<vmem_shared>> -> memref<10000x64xf32, #tpu.memory_space<vmem_shared>>
      tpu.enqueue_indirect_dma source(%arg14 : memref<128x64xf32, #tpu.memory_space<vmem>>) target(%dma_start3A_359 : memref<10000x64xf32, #tpu.memory_space<vmem_shared>>) offsets(%arg8 : memref<128xi32, #tpu.memory_space<vmem>>) semaphore(%arg28 : memref<!tpu.dma_semaphore, #tpu.memory_space<semaphore_mem>>) {add = true}
      %gt3A_360 = arith.constant 0 : i32
      %gt3A_361 = arith.cmpi sgt, %scan3A_285, %gt3A_360 : i32
      %convert_element_type3A_362 = arith.extui %gt3A_361 : i1 to i32
      %cond3A_363 = arith.constant 0 : i32
      %cond3A_364 = arith.cmpi ne, %convert_element_type3A_362, %cond3A_363 : i32
      scf.if %cond3A_364 {
        %dma_wait3A_514 = arith.constant 0 : i32
        %dma_wait3A_515 = arith.constant 0 : i32
        %dma_wait3A_516 = tpu.memref_slice %arg20[%dma_wait3A_514, %dma_wait3A_515] : memref<10000x64xf32, #tpu.memory_space<vmem_shared>> -> memref<10000x64xf32, #tpu.memory_space<vmem_shared>>
        tpu.wait_indirect_dma semaphore(%arg32 : memref<!tpu.dma_semaphore, #tpu.memory_space<semaphore_mem>>) src(%arg18 : memref<128x64xf32, #tpu.memory_space<vmem>>) dst(%dma_wait3A_516 : memref<10000x64xf32, #tpu.memory_space<vmem_shared>>)
      } else {
      }
      %add3A_365 = arith.constant 4 : i32
      %add3A_366 = arith.addi %add3A_339, %add3A_365 : i32
      %mul3A_367 = arith.constant 128 : i32
      %mul3A_368 = arith.muli %add3A_366, %mul3A_367 : i32
      %add3A_369 = arith.addi %multiple_of3A, %mul3A_368 : i32
      %multiple_of3A_370 = tpu.assume_multiple %add3A_369, 8 : i32
      %dma_start3A_371 = tpu.memref_slice %arg4[%multiple_of3A_370] : memref<320000xi32, #tpu.memory_space<hbm>> -> memref<128xi32, #tpu.memory_space<hbm>>
      %dma_start3A_372 = tpu.memref_slice %arg4[%multiple_of3A_370] : memref<320000xi32, #tpu.memory_space<hbm>> -> memref<128xi32, #tpu.memory_space<hbm>>
      tpu.enqueue_dma source(%dma_start3A_372 : memref<128xi32, #tpu.memory_space<hbm>>) target(%arg12 : memref<128xi32, #tpu.memory_space<vmem>>) target_semaphore(%arg38 : memref<!tpu.dma_semaphore, #tpu.memory_space<semaphore_mem>>)
      %add3A_373 = arith.constant 4 : i32
      %add3A_374 = arith.addi %add3A_339, %add3A_373 : i32
      %mul3A_375 = arith.constant 128 : i32
      %mul3A_376 = arith.muli %add3A_374, %mul3A_375 : i32
      %multiple_of3A_377 = tpu.assume_multiple %mul3A_376, 8 : i32
      %dma_start3A_378 = tpu.memref_slice %arg6[%multiple_of3A_377] : memref<20000xi32, #tpu.memory_space<vmem>> -> memref<128xi32, #tpu.memory_space<vmem>>
      %dma_start3A_379 = arith.constant 0 : i32
      %dma_start3A_380 = arith.constant 0 : i32
      %dma_start3A_381 = tpu.memref_slice %arg2[%arg0, %dma_start3A_379, %dma_start3A_380] : memref<2x10000x64xf32, #tpu.memory_space<hbm>> -> memref<1x10000x64xf32, #tpu.memory_space<hbm>>
      %dma_start3A_382 = tpu.memref_squeeze %dma_start3A_381 : memref<1x10000x64xf32, #tpu.memory_space<hbm>> -> memref<10000x64xf32, #tpu.memory_space<hbm>>
      %dma_start3A_383 = arith.constant 0 : i32
      %dma_start3A_384 = arith.constant 0 : i32
      %dma_start3A_385 = tpu.memref_slice %dma_start3A_382[%dma_start3A_383, %dma_start3A_384] : memref<10000x64xf32, #tpu.memory_space<hbm>> -> memref<10000x64xf32, #tpu.memory_space<hbm>>
      tpu.enqueue_indirect_dma source(%dma_start3A_385 : memref<10000x64xf32, #tpu.memory_space<hbm>>) target(%arg18 : memref<128x64xf32, #tpu.memory_space<vmem>>) offsets(%dma_start3A_378 : memref<128xi32, #tpu.memory_space<vmem>>) semaphore(%arg26 : memref<!tpu.dma_semaphore, #tpu.memory_space<semaphore_mem>>)
      %mul3A_386 = arith.constant 6 : i32
      %mul3A_387 = arith.muli %mul3A_386, %scan3A_285 : i32
      %add3A_388 = arith.constant 2 : i32
      %add3A_389 = arith.addi %mul3A_387, %add3A_388 : i32
      %mul3A_390 = arith.constant 128 : i32
      %mul3A_391 = arith.muli %add3A_389, %mul3A_390 : i32
      %multiple_of3A_392 = tpu.assume_multiple %mul3A_391, 8 : i32
      %dma_wait3A_393 = tpu.memref_slice %arg6[%multiple_of3A_392] : memref<20000xi32, #tpu.memory_space<vmem>> -> memref<128xi32, #tpu.memory_space<vmem>>
      %dma_wait3A_394 = arith.constant 0 : i32
      %dma_wait3A_395 = arith.constant 0 : i32
      %dma_wait3A_396 = tpu.memref_slice %arg2[%arg0, %dma_wait3A_394, %dma_wait3A_395] : memref<2x10000x64xf32, #tpu.memory_space<hbm>> -> memref<1x10000x64xf32, #tpu.memory_space<hbm>>
      %dma_wait3A_397 = tpu.memref_squeeze %dma_wait3A_396 : memref<1x10000x64xf32, #tpu.memory_space<hbm>> -> memref<10000x64xf32, #tpu.memory_space<hbm>>
      %dma_wait3A_398 = arith.constant 0 : i32
      %dma_wait3A_399 = arith.constant 0 : i32
      %dma_wait3A_400 = tpu.memref_slice %dma_wait3A_397[%dma_wait3A_398, %dma_wait3A_399] : memref<10000x64xf32, #tpu.memory_space<hbm>> -> memref<10000x64xf32, #tpu.memory_space<hbm>>
      tpu.wait_indirect_dma semaphore(%arg23 : memref<!tpu.dma_semaphore, #tpu.memory_space<semaphore_mem>>) src(%dma_wait3A_400 : memref<10000x64xf32, #tpu.memory_space<hbm>>) dst(%arg15 : memref<128x64xf32, #tpu.memory_space<vmem>>)
      %mul3A_401 = arith.constant 128 : i32
      %mul3A_402 = arith.muli %add3A_389, %mul3A_401 : i32
      %add3A_403 = arith.addi %multiple_of3A, %mul3A_402 : i32
      %multiple_of3A_404 = tpu.assume_multiple %add3A_403, 8 : i32
      %dma_wait3A_405 = tpu.memref_slice %arg4[%multiple_of3A_404] : memref<320000xi32, #tpu.memory_space<hbm>> -> memref<128xi32, #tpu.memory_space<hbm>>
      %dma_wait3A_406 = tpu.memref_slice %arg4[%multiple_of3A_404] : memref<320000xi32, #tpu.memory_space<hbm>> -> memref<128xi32, #tpu.memory_space<hbm>>
      tpu.wait_dma2 semaphore(%arg35 : memref<!tpu.dma_semaphore, #tpu.memory_space<semaphore_mem>>) src(%dma_wait3A_406 : memref<128xi32, #tpu.memory_space<hbm>>) dst(%arg9 : memref<128xi32, #tpu.memory_space<vmem>>)
      %dma_start3A_407 = arith.constant 0 : i32
      %dma_start3A_408 = arith.constant 0 : i32
      %dma_start3A_409 = tpu.memref_slice %arg20[%dma_start3A_407, %dma_start3A_408] : memref<10000x64xf32, #tpu.memory_space<vmem_shared>> -> memref<10000x64xf32, #tpu.memory_space<vmem_shared>>
      tpu.enqueue_indirect_dma source(%arg15 : memref<128x64xf32, #tpu.memory_space<vmem>>) target(%dma_start3A_409 : memref<10000x64xf32, #tpu.memory_space<vmem_shared>>) offsets(%arg9 : memref<128xi32, #tpu.memory_space<vmem>>) semaphore(%arg29 : memref<!tpu.dma_semaphore, #tpu.memory_space<semaphore_mem>>) {add = true}
      %dma_wait3A_410 = arith.constant 0 : i32
      %dma_wait3A_411 = arith.constant 0 : i32
      %dma_wait3A_412 = tpu.memref_slice %arg20[%dma_wait3A_410, %dma_wait3A_411] : memref<10000x64xf32, #tpu.memory_space<vmem_shared>> -> memref<10000x64xf32, #tpu.memory_space<vmem_shared>>
      tpu.wait_indirect_dma semaphore(%arg27 : memref<!tpu.dma_semaphore, #tpu.memory_space<semaphore_mem>>) src(%arg13 : memref<128x64xf32, #tpu.memory_space<vmem>>) dst(%dma_wait3A_412 : memref<10000x64xf32, #tpu.memory_space<vmem_shared>>)
      %lt3A = arith.constant 25 : i32
      %lt3A_413 = arith.cmpi slt, %scan3A_285, %lt3A : i32
      %convert_element_type3A_414 = arith.extui %lt3A_413 : i1 to i32
      %cond3A_415 = arith.constant 0 : i32
      %cond3A_416 = arith.cmpi ne, %convert_element_type3A_414, %cond3A_415 : i32
      scf.if %cond3A_416 {
        %add3A_514 = arith.constant 4 : i32
        %add3A_515 = arith.addi %add3A_389, %add3A_514 : i32
        %mul3A_516 = arith.constant 128 : i32
        %mul3A_517 = arith.muli %add3A_515, %mul3A_516 : i32
        %add3A_518 = arith.addi %multiple_of3A, %mul3A_517 : i32
        %multiple_of3A_519 = tpu.assume_multiple %add3A_518, 8 : i32
        %dma_start3A_520 = tpu.memref_slice %arg4[%multiple_of3A_519] : memref<320000xi32, #tpu.memory_space<hbm>> -> memref<128xi32, #tpu.memory_space<hbm>>
        %dma_start3A_521 = tpu.memref_slice %arg4[%multiple_of3A_519] : memref<320000xi32, #tpu.memory_space<hbm>> -> memref<128xi32, #tpu.memory_space<hbm>>
        tpu.enqueue_dma source(%dma_start3A_521 : memref<128xi32, #tpu.memory_space<hbm>>) target(%arg7 : memref<128xi32, #tpu.memory_space<vmem>>) target_semaphore(%arg33 : memref<!tpu.dma_semaphore, #tpu.memory_space<semaphore_mem>>)
        %add3A_522 = arith.constant 4 : i32
        %add3A_523 = arith.addi %add3A_389, %add3A_522 : i32
        %mul3A_524 = arith.constant 128 : i32
        %mul3A_525 = arith.muli %add3A_523, %mul3A_524 : i32
        %multiple_of3A_526 = tpu.assume_multiple %mul3A_525, 8 : i32
        %dma_start3A_527 = tpu.memref_slice %arg6[%multiple_of3A_526] : memref<20000xi32, #tpu.memory_space<vmem>> -> memref<128xi32, #tpu.memory_space<vmem>>
        %dma_start3A_528 = arith.constant 0 : i32
        %dma_start3A_529 = arith.constant 0 : i32
        %dma_start3A_530 = tpu.memref_slice %arg2[%arg0, %dma_start3A_528, %dma_start3A_529] : memref<2x10000x64xf32, #tpu.memory_space<hbm>> -> memref<1x10000x64xf32, #tpu.memory_space<hbm>>
        %dma_start3A_531 = tpu.memref_squeeze %dma_start3A_530 : memref<1x10000x64xf32, #tpu.memory_space<hbm>> -> memref<10000x64xf32, #tpu.memory_space<hbm>>
        %dma_start3A_532 = arith.constant 0 : i32
        %dma_start3A_533 = arith.constant 0 : i32
        %dma_start3A_534 = tpu.memref_slice %dma_start3A_531[%dma_start3A_532, %dma_start3A_533] : memref<10000x64xf32, #tpu.memory_space<hbm>> -> memref<10000x64xf32, #tpu.memory_space<hbm>>
        tpu.enqueue_indirect_dma source(%dma_start3A_534 : memref<10000x64xf32, #tpu.memory_space<hbm>>) target(%arg13 : memref<128x64xf32, #tpu.memory_space<vmem>>) offsets(%dma_start3A_527 : memref<128xi32, #tpu.memory_space<vmem>>) semaphore(%arg21 : memref<!tpu.dma_semaphore, #tpu.memory_space<semaphore_mem>>)
      } else {
      }
      %mul3A_417 = arith.constant 6 : i32
      %mul3A_418 = arith.muli %mul3A_417, %scan3A_285 : i32
      %add3A_419 = arith.constant 3 : i32
      %add3A_420 = arith.addi %mul3A_418, %add3A_419 : i32
      %mul3A_421 = arith.constant 128 : i32
      %mul3A_422 = arith.muli %add3A_420, %mul3A_421 : i32
      %multiple_of3A_423 = tpu.assume_multiple %mul3A_422, 8 : i32
      %dma_wait3A_424 = tpu.memref_slice %arg6[%multiple_of3A_423] : memref<20000xi32, #tpu.memory_space<vmem>> -> memref<128xi32, #tpu.memory_space<vmem>>
      %dma_wait3A_425 = arith.constant 0 : i32
      %dma_wait3A_426 = arith.constant 0 : i32
      %dma_wait3A_427 = tpu.memref_slice %arg2[%arg0, %dma_wait3A_425, %dma_wait3A_426] : memref<2x10000x64xf32, #tpu.memory_space<hbm>> -> memref<1x10000x64xf32, #tpu.memory_space<hbm>>
      %dma_wait3A_428 = tpu.memref_squeeze %dma_wait3A_427 : memref<1x10000x64xf32, #tpu.memory_space<hbm>> -> memref<10000x64xf32, #tpu.memory_space<hbm>>
      %dma_wait3A_429 = arith.constant 0 : i32
      %dma_wait3A_430 = arith.constant 0 : i32
      %dma_wait3A_431 = tpu.memref_slice %dma_wait3A_428[%dma_wait3A_429, %dma_wait3A_430] : memref<10000x64xf32, #tpu.memory_space<hbm>> -> memref<10000x64xf32, #tpu.memory_space<hbm>>
      tpu.wait_indirect_dma semaphore(%arg24 : memref<!tpu.dma_semaphore, #tpu.memory_space<semaphore_mem>>) src(%dma_wait3A_431 : memref<10000x64xf32, #tpu.memory_space<hbm>>) dst(%arg16 : memref<128x64xf32, #tpu.memory_space<vmem>>)
      %mul3A_432 = arith.constant 128 : i32
      %mul3A_433 = arith.muli %add3A_420, %mul3A_432 : i32
      %add3A_434 = arith.addi %multiple_of3A, %mul3A_433 : i32
      %multiple_of3A_435 = tpu.assume_multiple %add3A_434, 8 : i32
      %dma_wait3A_436 = tpu.memref_slice %arg4[%multiple_of3A_435] : memref<320000xi32, #tpu.memory_space<hbm>> -> memref<128xi32, #tpu.memory_space<hbm>>
      %dma_wait3A_437 = tpu.memref_slice %arg4[%multiple_of3A_435] : memref<320000xi32, #tpu.memory_space<hbm>> -> memref<128xi32, #tpu.memory_space<hbm>>
      tpu.wait_dma2 semaphore(%arg36 : memref<!tpu.dma_semaphore, #tpu.memory_space<semaphore_mem>>) src(%dma_wait3A_437 : memref<128xi32, #tpu.memory_space<hbm>>) dst(%arg10 : memref<128xi32, #tpu.memory_space<vmem>>)
      %dma_start3A_438 = arith.constant 0 : i32
      %dma_start3A_439 = arith.constant 0 : i32
      %dma_start3A_440 = tpu.memref_slice %arg20[%dma_start3A_438, %dma_start3A_439] : memref<10000x64xf32, #tpu.memory_space<vmem_shared>> -> memref<10000x64xf32, #tpu.memory_space<vmem_shared>>
      tpu.enqueue_indirect_dma source(%arg16 : memref<128x64xf32, #tpu.memory_space<vmem>>) target(%dma_start3A_440 : memref<10000x64xf32, #tpu.memory_space<vmem_shared>>) offsets(%arg10 : memref<128xi32, #tpu.memory_space<vmem>>) semaphore(%arg30 : memref<!tpu.dma_semaphore, #tpu.memory_space<semaphore_mem>>) {add = true}
      %dma_wait3A_441 = arith.constant 0 : i32
      %dma_wait3A_442 = arith.constant 0 : i32
      %dma_wait3A_443 = tpu.memref_slice %arg20[%dma_wait3A_441, %dma_wait3A_442] : memref<10000x64xf32, #tpu.memory_space<vmem_shared>> -> memref<10000x64xf32, #tpu.memory_space<vmem_shared>>
      tpu.wait_indirect_dma semaphore(%arg28 : memref<!tpu.dma_semaphore, #tpu.memory_space<semaphore_mem>>) src(%arg14 : memref<128x64xf32, #tpu.memory_space<vmem>>) dst(%dma_wait3A_443 : memref<10000x64xf32, #tpu.memory_space<vmem_shared>>)
      %lt3A_444 = arith.constant 25 : i32
      %lt3A_445 = arith.cmpi slt, %scan3A_285, %lt3A_444 : i32
      %convert_element_type3A_446 = arith.extui %lt3A_445 : i1 to i32
      %cond3A_447 = arith.constant 0 : i32
      %cond3A_448 = arith.cmpi ne, %convert_element_type3A_446, %cond3A_447 : i32
      scf.if %cond3A_448 {
        %add3A_514 = arith.constant 4 : i32
        %add3A_515 = arith.addi %add3A_420, %add3A_514 : i32
        %mul3A_516 = arith.constant 128 : i32
        %mul3A_517 = arith.muli %add3A_515, %mul3A_516 : i32
        %add3A_518 = arith.addi %multiple_of3A, %mul3A_517 : i32
        %multiple_of3A_519 = tpu.assume_multiple %add3A_518, 8 : i32
        %dma_start3A_520 = tpu.memref_slice %arg4[%multiple_of3A_519] : memref<320000xi32, #tpu.memory_space<hbm>> -> memref<128xi32, #tpu.memory_space<hbm>>
        %dma_start3A_521 = tpu.memref_slice %arg4[%multiple_of3A_519] : memref<320000xi32, #tpu.memory_space<hbm>> -> memref<128xi32, #tpu.memory_space<hbm>>
        tpu.enqueue_dma source(%dma_start3A_521 : memref<128xi32, #tpu.memory_space<hbm>>) target(%arg8 : memref<128xi32, #tpu.memory_space<vmem>>) target_semaphore(%arg34 : memref<!tpu.dma_semaphore, #tpu.memory_space<semaphore_mem>>)
        %add3A_522 = arith.constant 4 : i32
        %add3A_523 = arith.addi %add3A_420, %add3A_522 : i32
        %mul3A_524 = arith.constant 128 : i32
        %mul3A_525 = arith.muli %add3A_523, %mul3A_524 : i32
        %multiple_of3A_526 = tpu.assume_multiple %mul3A_525, 8 : i32
        %dma_start3A_527 = tpu.memref_slice %arg6[%multiple_of3A_526] : memref<20000xi32, #tpu.memory_space<vmem>> -> memref<128xi32, #tpu.memory_space<vmem>>
        %dma_start3A_528 = arith.constant 0 : i32
        %dma_start3A_529 = arith.constant 0 : i32
        %dma_start3A_530 = tpu.memref_slice %arg2[%arg0, %dma_start3A_528, %dma_start3A_529] : memref<2x10000x64xf32, #tpu.memory_space<hbm>> -> memref<1x10000x64xf32, #tpu.memory_space<hbm>>
        %dma_start3A_531 = tpu.memref_squeeze %dma_start3A_530 : memref<1x10000x64xf32, #tpu.memory_space<hbm>> -> memref<10000x64xf32, #tpu.memory_space<hbm>>
        %dma_start3A_532 = arith.constant 0 : i32
        %dma_start3A_533 = arith.constant 0 : i32
        %dma_start3A_534 = tpu.memref_slice %dma_start3A_531[%dma_start3A_532, %dma_start3A_533] : memref<10000x64xf32, #tpu.memory_space<hbm>> -> memref<10000x64xf32, #tpu.memory_space<hbm>>
        tpu.enqueue_indirect_dma source(%dma_start3A_534 : memref<10000x64xf32, #tpu.memory_space<hbm>>) target(%arg14 : memref<128x64xf32, #tpu.memory_space<vmem>>) offsets(%dma_start3A_527 : memref<128xi32, #tpu.memory_space<vmem>>) semaphore(%arg22 : memref<!tpu.dma_semaphore, #tpu.memory_space<semaphore_mem>>)
      } else {
      }
      %mul3A_449 = arith.constant 6 : i32
      %mul3A_450 = arith.muli %mul3A_449, %scan3A_285 : i32
      %add3A_451 = arith.constant 4 : i32
      %add3A_452 = arith.addi %mul3A_450, %add3A_451 : i32
      %mul3A_453 = arith.constant 128 : i32
      %mul3A_454 = arith.muli %add3A_452, %mul3A_453 : i32
      %multiple_of3A_455 = tpu.assume_multiple %mul3A_454, 8 : i32
      %dma_wait3A_456 = tpu.memref_slice %arg6[%multiple_of3A_455] : memref<20000xi32, #tpu.memory_space<vmem>> -> memref<128xi32, #tpu.memory_space<vmem>>
      %dma_wait3A_457 = arith.constant 0 : i32
      %dma_wait3A_458 = arith.constant 0 : i32
      %dma_wait3A_459 = tpu.memref_slice %arg2[%arg0, %dma_wait3A_457, %dma_wait3A_458] : memref<2x10000x64xf32, #tpu.memory_space<hbm>> -> memref<1x10000x64xf32, #tpu.memory_space<hbm>>
      %dma_wait3A_460 = tpu.memref_squeeze %dma_wait3A_459 : memref<1x10000x64xf32, #tpu.memory_space<hbm>> -> memref<10000x64xf32, #tpu.memory_space<hbm>>
      %dma_wait3A_461 = arith.constant 0 : i32
      %dma_wait3A_462 = arith.constant 0 : i32
      %dma_wait3A_463 = tpu.memref_slice %dma_wait3A_460[%dma_wait3A_461, %dma_wait3A_462] : memref<10000x64xf32, #tpu.memory_space<hbm>> -> memref<10000x64xf32, #tpu.memory_space<hbm>>
      tpu.wait_indirect_dma semaphore(%arg25 : memref<!tpu.dma_semaphore, #tpu.memory_space<semaphore_mem>>) src(%dma_wait3A_463 : memref<10000x64xf32, #tpu.memory_space<hbm>>) dst(%arg17 : memref<128x64xf32, #tpu.memory_space<vmem>>)
      %mul3A_464 = arith.constant 128 : i32
      %mul3A_465 = arith.muli %add3A_452, %mul3A_464 : i32
      %add3A_466 = arith.addi %multiple_of3A, %mul3A_465 : i32
      %multiple_of3A_467 = tpu.assume_multiple %add3A_466, 8 : i32
      %dma_wait3A_468 = tpu.memref_slice %arg4[%multiple_of3A_467] : memref<320000xi32, #tpu.memory_space<hbm>> -> memref<128xi32, #tpu.memory_space<hbm>>
      %dma_wait3A_469 = tpu.memref_slice %arg4[%multiple_of3A_467] : memref<320000xi32, #tpu.memory_space<hbm>> -> memref<128xi32, #tpu.memory_space<hbm>>
      tpu.wait_dma2 semaphore(%arg37 : memref<!tpu.dma_semaphore, #tpu.memory_space<semaphore_mem>>) src(%dma_wait3A_469 : memref<128xi32, #tpu.memory_space<hbm>>) dst(%arg11 : memref<128xi32, #tpu.memory_space<vmem>>)
      %dma_start3A_470 = arith.constant 0 : i32
      %dma_start3A_471 = arith.constant 0 : i32
      %dma_start3A_472 = tpu.memref_slice %arg20[%dma_start3A_470, %dma_start3A_471] : memref<10000x64xf32, #tpu.memory_space<vmem_shared>> -> memref<10000x64xf32, #tpu.memory_space<vmem_shared>>
      tpu.enqueue_indirect_dma source(%arg17 : memref<128x64xf32, #tpu.memory_space<vmem>>) target(%dma_start3A_472 : memref<10000x64xf32, #tpu.memory_space<vmem_shared>>) offsets(%arg11 : memref<128xi32, #tpu.memory_space<vmem>>) semaphore(%arg31 : memref<!tpu.dma_semaphore, #tpu.memory_space<semaphore_mem>>) {add = true}
      %dma_wait3A_473 = arith.constant 0 : i32
      %dma_wait3A_474 = arith.constant 0 : i32
      %dma_wait3A_475 = tpu.memref_slice %arg20[%dma_wait3A_473, %dma_wait3A_474] : memref<10000x64xf32, #tpu.memory_space<vmem_shared>> -> memref<10000x64xf32, #tpu.memory_space<vmem_shared>>
      tpu.wait_indirect_dma semaphore(%arg29 : memref<!tpu.dma_semaphore, #tpu.memory_space<semaphore_mem>>) src(%arg15 : memref<128x64xf32, #tpu.memory_space<vmem>>) dst(%dma_wait3A_475 : memref<10000x64xf32, #tpu.memory_space<vmem_shared>>)
      %lt3A_476 = arith.constant 25 : i32
      %lt3A_477 = arith.cmpi slt, %scan3A_285, %lt3A_476 : i32
      %convert_element_type3A_478 = arith.extui %lt3A_477 : i1 to i32
      %cond3A_479 = arith.constant 0 : i32
      %cond3A_480 = arith.cmpi ne, %convert_element_type3A_478, %cond3A_479 : i32
      scf.if %cond3A_480 {
        %add3A_514 = arith.constant 4 : i32
        %add3A_515 = arith.addi %add3A_452, %add3A_514 : i32
        %mul3A_516 = arith.constant 128 : i32
        %mul3A_517 = arith.muli %add3A_515, %mul3A_516 : i32
        %add3A_518 = arith.addi %multiple_of3A, %mul3A_517 : i32
        %multiple_of3A_519 = tpu.assume_multiple %add3A_518, 8 : i32
        %dma_start3A_520 = tpu.memref_slice %arg4[%multiple_of3A_519] : memref<320000xi32, #tpu.memory_space<hbm>> -> memref<128xi32, #tpu.memory_space<hbm>>
        %dma_start3A_521 = tpu.memref_slice %arg4[%multiple_of3A_519] : memref<320000xi32, #tpu.memory_space<hbm>> -> memref<128xi32, #tpu.memory_space<hbm>>
        tpu.enqueue_dma source(%dma_start3A_521 : memref<128xi32, #tpu.memory_space<hbm>>) target(%arg9 : memref<128xi32, #tpu.memory_space<vmem>>) target_semaphore(%arg35 : memref<!tpu.dma_semaphore, #tpu.memory_space<semaphore_mem>>)
        %add3A_522 = arith.constant 4 : i32
        %add3A_523 = arith.addi %add3A_452, %add3A_522 : i32
        %mul3A_524 = arith.constant 128 : i32
        %mul3A_525 = arith.muli %add3A_523, %mul3A_524 : i32
        %multiple_of3A_526 = tpu.assume_multiple %mul3A_525, 8 : i32
        %dma_start3A_527 = tpu.memref_slice %arg6[%multiple_of3A_526] : memref<20000xi32, #tpu.memory_space<vmem>> -> memref<128xi32, #tpu.memory_space<vmem>>
        %dma_start3A_528 = arith.constant 0 : i32
        %dma_start3A_529 = arith.constant 0 : i32
        %dma_start3A_530 = tpu.memref_slice %arg2[%arg0, %dma_start3A_528, %dma_start3A_529] : memref<2x10000x64xf32, #tpu.memory_space<hbm>> -> memref<1x10000x64xf32, #tpu.memory_space<hbm>>
        %dma_start3A_531 = tpu.memref_squeeze %dma_start3A_530 : memref<1x10000x64xf32, #tpu.memory_space<hbm>> -> memref<10000x64xf32, #tpu.memory_space<hbm>>
        %dma_start3A_532 = arith.constant 0 : i32
        %dma_start3A_533 = arith.constant 0 : i32
        %dma_start3A_534 = tpu.memref_slice %dma_start3A_531[%dma_start3A_532, %dma_start3A_533] : memref<10000x64xf32, #tpu.memory_space<hbm>> -> memref<10000x64xf32, #tpu.memory_space<hbm>>
        tpu.enqueue_indirect_dma source(%dma_start3A_534 : memref<10000x64xf32, #tpu.memory_space<hbm>>) target(%arg15 : memref<128x64xf32, #tpu.memory_space<vmem>>) offsets(%dma_start3A_527 : memref<128xi32, #tpu.memory_space<vmem>>) semaphore(%arg23 : memref<!tpu.dma_semaphore, #tpu.memory_space<semaphore_mem>>)
      } else {
      }
      %mul3A_481 = arith.constant 6 : i32
      %mul3A_482 = arith.muli %mul3A_481, %scan3A_285 : i32
      %add3A_483 = arith.constant 5 : i32
      %add3A_484 = arith.addi %mul3A_482, %add3A_483 : i32
      %mul3A_485 = arith.constant 128 : i32
      %mul3A_486 = arith.muli %add3A_484, %mul3A_485 : i32
      %multiple_of3A_487 = tpu.assume_multiple %mul3A_486, 8 : i32
      %dma_wait3A_488 = tpu.memref_slice %arg6[%multiple_of3A_487] : memref<20000xi32, #tpu.memory_space<vmem>> -> memref<128xi32, #tpu.memory_space<vmem>>
      %dma_wait3A_489 = arith.constant 0 : i32
      %dma_wait3A_490 = arith.constant 0 : i32
      %dma_wait3A_491 = tpu.memref_slice %arg2[%arg0, %dma_wait3A_489, %dma_wait3A_490] : memref<2x10000x64xf32, #tpu.memory_space<hbm>> -> memref<1x10000x64xf32, #tpu.memory_space<hbm>>
      %dma_wait3A_492 = tpu.memref_squeeze %dma_wait3A_491 : memref<1x10000x64xf32, #tpu.memory_space<hbm>> -> memref<10000x64xf32, #tpu.memory_space<hbm>>
      %dma_wait3A_493 = arith.constant 0 : i32
      %dma_wait3A_494 = arith.constant 0 : i32
      %dma_wait3A_495 = tpu.memref_slice %dma_wait3A_492[%dma_wait3A_493, %dma_wait3A_494] : memref<10000x64xf32, #tpu.memory_space<hbm>> -> memref<10000x64xf32, #tpu.memory_space<hbm>>
      tpu.wait_indirect_dma semaphore(%arg26 : memref<!tpu.dma_semaphore, #tpu.memory_space<semaphore_mem>>) src(%dma_wait3A_495 : memref<10000x64xf32, #tpu.memory_space<hbm>>) dst(%arg18 : memref<128x64xf32, #tpu.memory_space<vmem>>)
      %mul3A_496 = arith.constant 128 : i32
      %mul3A_497 = arith.muli %add3A_484, %mul3A_496 : i32
      %add3A_498 = arith.addi %multiple_of3A, %mul3A_497 : i32
      %multiple_of3A_499 = tpu.assume_multiple %add3A_498, 8 : i32
      %dma_wait3A_500 = tpu.memref_slice %arg4[%multiple_of3A_499] : memref<320000xi32, #tpu.memory_space<hbm>> -> memref<128xi32, #tpu.memory_space<hbm>>
      %dma_wait3A_501 = tpu.memref_slice %arg4[%multiple_of3A_499] : memref<320000xi32, #tpu.memory_space<hbm>> -> memref<128xi32, #tpu.memory_space<hbm>>
      tpu.wait_dma2 semaphore(%arg38 : memref<!tpu.dma_semaphore, #tpu.memory_space<semaphore_mem>>) src(%dma_wait3A_501 : memref<128xi32, #tpu.memory_space<hbm>>) dst(%arg12 : memref<128xi32, #tpu.memory_space<vmem>>)
      %dma_start3A_502 = arith.constant 0 : i32
      %dma_start3A_503 = arith.constant 0 : i32
      %dma_start3A_504 = tpu.memref_slice %arg20[%dma_start3A_502, %dma_start3A_503] : memref<10000x64xf32, #tpu.memory_space<vmem_shared>> -> memref<10000x64xf32, #tpu.memory_space<vmem_shared>>
      tpu.enqueue_indirect_dma source(%arg18 : memref<128x64xf32, #tpu.memory_space<vmem>>) target(%dma_start3A_504 : memref<10000x64xf32, #tpu.memory_space<vmem_shared>>) offsets(%arg12 : memref<128xi32, #tpu.memory_space<vmem>>) semaphore(%arg32 : memref<!tpu.dma_semaphore, #tpu.memory_space<semaphore_mem>>) {add = true}
      %dma_wait3A_505 = arith.constant 0 : i32
      %dma_wait3A_506 = arith.constant 0 : i32
      %dma_wait3A_507 = tpu.memref_slice %arg20[%dma_wait3A_505, %dma_wait3A_506] : memref<10000x64xf32, #tpu.memory_space<vmem_shared>> -> memref<10000x64xf32, #tpu.memory_space<vmem_shared>>
      tpu.wait_indirect_dma semaphore(%arg30 : memref<!tpu.dma_semaphore, #tpu.memory_space<semaphore_mem>>) src(%arg16 : memref<128x64xf32, #tpu.memory_space<vmem>>) dst(%dma_wait3A_507 : memref<10000x64xf32, #tpu.memory_space<vmem_shared>>)
      %lt3A_508 = arith.constant 25 : i32
      %lt3A_509 = arith.cmpi slt, %scan3A_285, %lt3A_508 : i32
      %convert_element_type3A_510 = arith.extui %lt3A_509 : i1 to i32
      %cond3A_511 = arith.constant 0 : i32
      %cond3A_512 = arith.cmpi ne, %convert_element_type3A_510, %cond3A_511 : i32
      scf.if %cond3A_512 {
        %add3A_514 = arith.constant 4 : i32
        %add3A_515 = arith.addi %add3A_484, %add3A_514 : i32
        %mul3A_516 = arith.constant 128 : i32
        %mul3A_517 = arith.muli %add3A_515, %mul3A_516 : i32
        %add3A_518 = arith.addi %multiple_of3A, %mul3A_517 : i32
        %multiple_of3A_519 = tpu.assume_multiple %add3A_518, 8 : i32
        %dma_start3A_520 = tpu.memref_slice %arg4[%multiple_of3A_519] : memref<320000xi32, #tpu.memory_space<hbm>> -> memref<128xi32, #tpu.memory_space<hbm>>
        %dma_start3A_521 = tpu.memref_slice %arg4[%multiple_of3A_519] : memref<320000xi32, #tpu.memory_space<hbm>> -> memref<128xi32, #tpu.memory_space<hbm>>
        tpu.enqueue_dma source(%dma_start3A_521 : memref<128xi32, #tpu.memory_space<hbm>>) target(%arg10 : memref<128xi32, #tpu.memory_space<vmem>>) target_semaphore(%arg36 : memref<!tpu.dma_semaphore, #tpu.memory_space<semaphore_mem>>)
        %add3A_522 = arith.constant 4 : i32
        %add3A_523 = arith.addi %add3A_484, %add3A_522 : i32
        %mul3A_524 = arith.constant 128 : i32
        %mul3A_525 = arith.muli %add3A_523, %mul3A_524 : i32
        %multiple_of3A_526 = tpu.assume_multiple %mul3A_525, 8 : i32
        %dma_start3A_527 = tpu.memref_slice %arg6[%multiple_of3A_526] : memref<20000xi32, #tpu.memory_space<vmem>> -> memref<128xi32, #tpu.memory_space<vmem>>
        %dma_start3A_528 = arith.constant 0 : i32
        %dma_start3A_529 = arith.constant 0 : i32
        %dma_start3A_530 = tpu.memref_slice %arg2[%arg0, %dma_start3A_528, %dma_start3A_529] : memref<2x10000x64xf32, #tpu.memory_space<hbm>> -> memref<1x10000x64xf32, #tpu.memory_space<hbm>>
        %dma_start3A_531 = tpu.memref_squeeze %dma_start3A_530 : memref<1x10000x64xf32, #tpu.memory_space<hbm>> -> memref<10000x64xf32, #tpu.memory_space<hbm>>
        %dma_start3A_532 = arith.constant 0 : i32
        %dma_start3A_533 = arith.constant 0 : i32
        %dma_start3A_534 = tpu.memref_slice %dma_start3A_531[%dma_start3A_532, %dma_start3A_533] : memref<10000x64xf32, #tpu.memory_space<hbm>> -> memref<10000x64xf32, #tpu.memory_space<hbm>>
        tpu.enqueue_indirect_dma source(%dma_start3A_534 : memref<10000x64xf32, #tpu.memory_space<hbm>>) target(%arg16 : memref<128x64xf32, #tpu.memory_space<vmem>>) offsets(%dma_start3A_527 : memref<128xi32, #tpu.memory_space<vmem>>) semaphore(%arg24 : memref<!tpu.dma_semaphore, #tpu.memory_space<semaphore_mem>>)
      } else {
      }
      %scan3A_513 = arith.constant 0 : i32
      scf.yield %scan3A_513 : i32
    }
    %scan3A_87 = arith.constant 26 : i32
    %dma_wait3A = arith.constant 0 : i32
    %dma_wait3A_88 = arith.constant 0 : i32
    %dma_wait3A_89 = tpu.memref_slice %arg20[%dma_wait3A, %dma_wait3A_88] : memref<10000x64xf32, #tpu.memory_space<vmem_shared>> -> memref<10000x64xf32, #tpu.memory_space<vmem_shared>>
    tpu.wait_indirect_dma semaphore(%arg31 : memref<!tpu.dma_semaphore, #tpu.memory_space<semaphore_mem>>) src(%arg17 : memref<128x64xf32, #tpu.memory_space<vmem>>) dst(%dma_wait3A_89 : memref<10000x64xf32, #tpu.memory_space<vmem_shared>>)
    %dma_wait3A_90 = arith.constant 0 : i32
    %dma_wait3A_91 = arith.constant 0 : i32
    %dma_wait3A_92 = tpu.memref_slice %arg20[%dma_wait3A_90, %dma_wait3A_91] : memref<10000x64xf32, #tpu.memory_space<vmem_shared>> -> memref<10000x64xf32, #tpu.memory_space<vmem_shared>>
    tpu.wait_indirect_dma semaphore(%arg32 : memref<!tpu.dma_semaphore, #tpu.memory_space<semaphore_mem>>) src(%arg18 : memref<128x64xf32, #tpu.memory_space<vmem>>) dst(%dma_wait3A_92 : memref<10000x64xf32, #tpu.memory_space<vmem_shared>>)
    %add3A_93 = arith.constant 19968 : i32
    %add3A_94 = arith.addi %multiple_of3A, %add3A_93 : i32
    %multiple_of3A_95 = tpu.assume_multiple %add3A_94, 8 : i32
    "tpu.region"() ({
      %run_scoped3A = tpu.sem_alloc : memref<!tpu.dma_semaphore, #tpu.memory_space<semaphore_mem>>
      %dma_start3A_285 = tpu.memref_slice %arg4[%multiple_of3A_95] : memref<320000xi32, #tpu.memory_space<hbm>> -> memref<32xi32, #tpu.memory_space<hbm>>
      %dma_start3A_286 = tpu.memref_slice %arg4[%multiple_of3A_95] : memref<320000xi32, #tpu.memory_space<hbm>> -> memref<32xi32, #tpu.memory_space<hbm>>
      tpu.enqueue_dma source(%dma_start3A_286 : memref<32xi32, #tpu.memory_space<hbm>>) target(%arg19 : memref<32xi32, #tpu.memory_space<vmem>>) target_semaphore(%run_scoped3A : memref<!tpu.dma_semaphore, #tpu.memory_space<semaphore_mem>>)
      %dma_wait3A_287 = tpu.memref_slice %arg4[%multiple_of3A_95] : memref<320000xi32, #tpu.memory_space<hbm>> -> memref<32xi32, #tpu.memory_space<hbm>>
      %dma_wait3A_288 = tpu.memref_slice %arg4[%multiple_of3A_95] : memref<320000xi32, #tpu.memory_space<hbm>> -> memref<32xi32, #tpu.memory_space<hbm>>
      tpu.wait_dma2 semaphore(%run_scoped3A : memref<!tpu.dma_semaphore, #tpu.memory_space<semaphore_mem>>) src(%dma_wait3A_288 : memref<32xi32, #tpu.memory_space<hbm>>) dst(%arg19 : memref<32xi32, #tpu.memory_space<vmem>>)
      tpu.yield
    }) : () -> ()
    %dma_start3A_96 = arith.constant 0 : i32
    %dma_start3A_97 = arith.constant 0 : i32
    %dma_start3A_98 = tpu.memref_slice %arg13[%dma_start3A_96, %dma_start3A_97] : memref<128x64xf32, #tpu.memory_space<vmem>> -> memref<32x64xf32, #tpu.memory_space<vmem>>
    %dma_start3A_99 = arith.constant 19968 : i32
    %dma_start3A_100 = tpu.memref_slice %arg6[%dma_start3A_99] : memref<20000xi32, #tpu.memory_space<vmem>> -> memref<32xi32, #tpu.memory_space<vmem>>
    %dma_start3A_101 = arith.constant 0 : i32
    %dma_start3A_102 = arith.constant 0 : i32
    %dma_start3A_103 = tpu.memref_slice %arg2[%arg0, %dma_start3A_101, %dma_start3A_102] : memref<2x10000x64xf32, #tpu.memory_space<hbm>> -> memref<1x10000x64xf32, #tpu.memory_space<hbm>>
    %dma_start3A_104 = tpu.memref_squeeze %dma_start3A_103 : memref<1x10000x64xf32, #tpu.memory_space<hbm>> -> memref<10000x64xf32, #tpu.memory_space<hbm>>
    %dma_start3A_105 = arith.constant 0 : i32
    %dma_start3A_106 = arith.constant 0 : i32
    %dma_start3A_107 = tpu.memref_slice %dma_start3A_104[%dma_start3A_105, %dma_start3A_106] : memref<10000x64xf32, #tpu.memory_space<hbm>> -> memref<10000x64xf32, #tpu.memory_space<hbm>>
    tpu.enqueue_indirect_dma source(%dma_start3A_107 : memref<10000x64xf32, #tpu.memory_space<hbm>>) target(%dma_start3A_98 : memref<32x64xf32, #tpu.memory_space<vmem>>) offsets(%dma_start3A_100 : memref<32xi32, #tpu.memory_space<vmem>>) semaphore(%arg21 : memref<!tpu.dma_semaphore, #tpu.memory_space<semaphore_mem>>)
    %dma_wait3A_108 = arith.constant 0 : i32
    %dma_wait3A_109 = arith.constant 0 : i32
    %dma_wait3A_110 = tpu.memref_slice %arg13[%dma_wait3A_108, %dma_wait3A_109] : memref<128x64xf32, #tpu.memory_space<vmem>> -> memref<32x64xf32, #tpu.memory_space<vmem>>
    %dma_wait3A_111 = arith.constant 19968 : i32
    %dma_wait3A_112 = tpu.memref_slice %arg6[%dma_wait3A_111] : memref<20000xi32, #tpu.memory_space<vmem>> -> memref<32xi32, #tpu.memory_space<vmem>>
    %dma_wait3A_113 = arith.constant 0 : i32
    %dma_wait3A_114 = arith.constant 0 : i32
    %dma_wait3A_115 = tpu.memref_slice %arg2[%arg0, %dma_wait3A_113, %dma_wait3A_114] : memref<2x10000x64xf32, #tpu.memory_space<hbm>> -> memref<1x10000x64xf32, #tpu.memory_space<hbm>>
    %dma_wait3A_116 = tpu.memref_squeeze %dma_wait3A_115 : memref<1x10000x64xf32, #tpu.memory_space<hbm>> -> memref<10000x64xf32, #tpu.memory_space<hbm>>
    %dma_wait3A_117 = arith.constant 0 : i32
    %dma_wait3A_118 = arith.constant 0 : i32
    %dma_wait3A_119 = tpu.memref_slice %dma_wait3A_116[%dma_wait3A_117, %dma_wait3A_118] : memref<10000x64xf32, #tpu.memory_space<hbm>> -> memref<10000x64xf32, #tpu.memory_space<hbm>>
    tpu.wait_indirect_dma semaphore(%arg21 : memref<!tpu.dma_semaphore, #tpu.memory_space<semaphore_mem>>) src(%dma_wait3A_119 : memref<10000x64xf32, #tpu.memory_space<hbm>>) dst(%dma_wait3A_110 : memref<32x64xf32, #tpu.memory_space<vmem>>)
    "tpu.region"() ({
      %run_scoped3A = tpu.sem_alloc : memref<!tpu.dma_semaphore, #tpu.memory_space<semaphore_mem>>
      %dma_start3A_285 = arith.constant 0 : i32
      %dma_start3A_286 = arith.constant 0 : i32
      %dma_start3A_287 = tpu.memref_slice %arg13[%dma_start3A_285, %dma_start3A_286] : memref<128x64xf32, #tpu.memory_space<vmem>> -> memref<32x64xf32, #tpu.memory_space<vmem>>
      %dma_start3A_288 = arith.constant 0 : i32
      %dma_start3A_289 = arith.constant 0 : i32
      %dma_start3A_290 = tpu.memref_slice %arg20[%dma_start3A_288, %dma_start3A_289] : memref<10000x64xf32, #tpu.memory_space<vmem_shared>> -> memref<10000x64xf32, #tpu.memory_space<vmem_shared>>
      tpu.enqueue_indirect_dma source(%dma_start3A_287 : memref<32x64xf32, #tpu.memory_space<vmem>>) target(%dma_start3A_290 : memref<10000x64xf32, #tpu.memory_space<vmem_shared>>) offsets(%arg19 : memref<32xi32, #tpu.memory_space<vmem>>) semaphore(%run_scoped3A : memref<!tpu.dma_semaphore, #tpu.memory_space<semaphore_mem>>) {add = true}
      %dma_wait3A_291 = arith.constant 0 : i32
      %dma_wait3A_292 = arith.constant 0 : i32
      %dma_wait3A_293 = tpu.memref_slice %arg13[%dma_wait3A_291, %dma_wait3A_292] : memref<128x64xf32, #tpu.memory_space<vmem>> -> memref<32x64xf32, #tpu.memory_space<vmem>>
      %dma_wait3A_294 = arith.constant 0 : i32
      %dma_wait3A_295 = arith.constant 0 : i32
      %dma_wait3A_296 = tpu.memref_slice %arg20[%dma_wait3A_294, %dma_wait3A_295] : memref<10000x64xf32, #tpu.memory_space<vmem_shared>> -> memref<10000x64xf32, #tpu.memory_space<vmem_shared>>
      tpu.wait_indirect_dma semaphore(%run_scoped3A : memref<!tpu.dma_semaphore, #tpu.memory_space<semaphore_mem>>) src(%dma_wait3A_293 : memref<32x64xf32, #tpu.memory_space<vmem>>) dst(%dma_wait3A_296 : memref<10000x64xf32, #tpu.memory_space<vmem_shared>>)
      tpu.yield
    }) : () -> ()
    %barrier3A_120 = arith.constant 0 : index
    tpu.barrier barrier_id(%barrier3A_120)
    %add3A_121 = arith.constant 512 : i32
    %add3A_122 = arith.addi %multiple_of3A_10, %add3A_121 : i32
    %multiple_of3A_123 = tpu.assume_multiple %add3A_122, 8 : i32
    %add3A_124 = arith.constant 0 : i32
    %add3A_125 = arith.addi %multiple_of3A_10, %add3A_124 : i32
    %dma_start3A_126 = arith.constant 0 : i32
    %dma_start3A_127 = tpu.memref_slice %arg20[%add3A_125, %dma_start3A_126] : memref<10000x64xf32, #tpu.memory_space<vmem_shared>> -> memref<128x64xf32, #tpu.memory_space<vmem_shared>>
    %dma_start3A_128 = arith.constant 0 : i32
    %dma_start3A_129 = tpu.memref_slice %arg20[%add3A_125, %dma_start3A_128] : memref<10000x64xf32, #tpu.memory_space<vmem_shared>> -> memref<128x64xf32, #tpu.memory_space<vmem_shared>>
    tpu.enqueue_dma source(%dma_start3A_129 : memref<128x64xf32, #tpu.memory_space<vmem_shared>>) target(%arg13 : memref<128x64xf32, #tpu.memory_space<vmem>>) target_semaphore(%arg21 : memref<!tpu.dma_semaphore, #tpu.memory_space<semaphore_mem>>)
    %add3A_130 = arith.constant 128 : i32
    %add3A_131 = arith.addi %multiple_of3A_10, %add3A_130 : i32
    %dma_start3A_132 = arith.constant 0 : i32
    %dma_start3A_133 = tpu.memref_slice %arg20[%add3A_131, %dma_start3A_132] : memref<10000x64xf32, #tpu.memory_space<vmem_shared>> -> memref<128x64xf32, #tpu.memory_space<vmem_shared>>
    %dma_start3A_134 = arith.constant 0 : i32
    %dma_start3A_135 = tpu.memref_slice %arg20[%add3A_131, %dma_start3A_134] : memref<10000x64xf32, #tpu.memory_space<vmem_shared>> -> memref<128x64xf32, #tpu.memory_space<vmem_shared>>
    tpu.enqueue_dma source(%dma_start3A_135 : memref<128x64xf32, #tpu.memory_space<vmem_shared>>) target(%arg14 : memref<128x64xf32, #tpu.memory_space<vmem>>) target_semaphore(%arg22 : memref<!tpu.dma_semaphore, #tpu.memory_space<semaphore_mem>>)
    %add3A_136 = arith.constant 256 : i32
    %add3A_137 = arith.addi %multiple_of3A_10, %add3A_136 : i32
    %dma_start3A_138 = arith.constant 0 : i32
    %dma_start3A_139 = tpu.memref_slice %arg20[%add3A_137, %dma_start3A_138] : memref<10000x64xf32, #tpu.memory_space<vmem_shared>> -> memref<128x64xf32, #tpu.memory_space<vmem_shared>>
    %dma_start3A_140 = arith.constant 0 : i32
    %dma_start3A_141 = tpu.memref_slice %arg20[%add3A_137, %dma_start3A_140] : memref<10000x64xf32, #tpu.memory_space<vmem_shared>> -> memref<128x64xf32, #tpu.memory_space<vmem_shared>>
    tpu.enqueue_dma source(%dma_start3A_141 : memref<128x64xf32, #tpu.memory_space<vmem_shared>>) target(%arg15 : memref<128x64xf32, #tpu.memory_space<vmem>>) target_semaphore(%arg23 : memref<!tpu.dma_semaphore, #tpu.memory_space<semaphore_mem>>)
    %add3A_142 = arith.constant 384 : i32
    %add3A_143 = arith.addi %multiple_of3A_10, %add3A_142 : i32
    %dma_start3A_144 = arith.constant 0 : i32
    %dma_start3A_145 = tpu.memref_slice %arg20[%add3A_143, %dma_start3A_144] : memref<10000x64xf32, #tpu.memory_space<vmem_shared>> -> memref<128x64xf32, #tpu.memory_space<vmem_shared>>
    %dma_start3A_146 = arith.constant 0 : i32
    %dma_start3A_147 = tpu.memref_slice %arg20[%add3A_143, %dma_start3A_146] : memref<10000x64xf32, #tpu.memory_space<vmem_shared>> -> memref<128x64xf32, #tpu.memory_space<vmem_shared>>
    tpu.enqueue_dma source(%dma_start3A_147 : memref<128x64xf32, #tpu.memory_space<vmem_shared>>) target(%arg16 : memref<128x64xf32, #tpu.memory_space<vmem>>) target_semaphore(%arg24 : memref<!tpu.dma_semaphore, #tpu.memory_space<semaphore_mem>>)
    %dma_start3A_148 = arith.constant 0 : i32
    %dma_start3A_149 = arith.constant 0 : i32
    %dma_start3A_150 = tpu.memref_slice %arg17[%dma_start3A_148, %dma_start3A_149] : memref<128x64xf32, #tpu.memory_space<vmem>> -> memref<112x64xf32, #tpu.memory_space<vmem>>
    %dma_start3A_151 = arith.constant 0 : i32
    %dma_start3A_152 = tpu.memref_slice %arg20[%multiple_of3A_123, %dma_start3A_151] : memref<10000x64xf32, #tpu.memory_space<vmem_shared>> -> memref<112x64xf32, #tpu.memory_space<vmem_shared>>
    %dma_start3A_153 = arith.constant 0 : i32
    %dma_start3A_154 = arith.constant 0 : i32
    %dma_start3A_155 = tpu.memref_slice %arg17[%dma_start3A_153, %dma_start3A_154] : memref<128x64xf32, #tpu.memory_space<vmem>> -> memref<112x64xf32, #tpu.memory_space<vmem>>
    %dma_start3A_156 = arith.constant 0 : i32
    %dma_start3A_157 = tpu.memref_slice %arg20[%multiple_of3A_123, %dma_start3A_156] : memref<10000x64xf32, #tpu.memory_space<vmem_shared>> -> memref<112x64xf32, #tpu.memory_space<vmem_shared>>
    tpu.enqueue_dma source(%dma_start3A_157 : memref<112x64xf32, #tpu.memory_space<vmem_shared>>) target(%dma_start3A_155 : memref<112x64xf32, #tpu.memory_space<vmem>>) target_semaphore(%arg25 : memref<!tpu.dma_semaphore, #tpu.memory_space<semaphore_mem>>)
    %add3A_158 = arith.constant 0 : i32
    %add3A_159 = arith.addi %multiple_of3A_10, %add3A_158 : i32
    %dma_wait3A_160 = arith.constant 0 : i32
    %dma_wait3A_161 = tpu.memref_slice %arg20[%add3A_159, %dma_wait3A_160] : memref<10000x64xf32, #tpu.memory_space<vmem_shared>> -> memref<128x64xf32, #tpu.memory_space<vmem_shared>>
    %dma_wait3A_162 = arith.constant 0 : i32
    %dma_wait3A_163 = tpu.memref_slice %arg20[%add3A_159, %dma_wait3A_162] : memref<10000x64xf32, #tpu.memory_space<vmem_shared>> -> memref<128x64xf32, #tpu.memory_space<vmem_shared>>
    tpu.wait_dma2 semaphore(%arg21 : memref<!tpu.dma_semaphore, #tpu.memory_space<semaphore_mem>>) src(%dma_wait3A_163 : memref<128x64xf32, #tpu.memory_space<vmem_shared>>) dst(%arg13 : memref<128x64xf32, #tpu.memory_space<vmem>>)
    %add3A_164 = arith.constant 0 : i32
    %add3A_165 = arith.addi %multiple_of3A_10, %add3A_164 : i32
    %dma_start3A_166 = arith.constant 0 : i32
    %dma_start3A_167 = tpu.memref_slice %arg5[%arg0, %add3A_165, %dma_start3A_166] : memref<2x10000x64xf32, #tpu.memory_space<hbm>> -> memref<1x128x64xf32, #tpu.memory_space<hbm>>
    %dma_start3A_168 = tpu.memref_squeeze %dma_start3A_167 : memref<1x128x64xf32, #tpu.memory_space<hbm>> -> memref<128x64xf32, #tpu.memory_space<hbm>>
    %dma_start3A_169 = arith.constant 0 : i32
    %dma_start3A_170 = tpu.memref_slice %arg5[%arg0, %add3A_165, %dma_start3A_169] : memref<2x10000x64xf32, #tpu.memory_space<hbm>> -> memref<1x128x64xf32, #tpu.memory_space<hbm>>
    %dma_start3A_171 = tpu.memref_squeeze %dma_start3A_170 : memref<1x128x64xf32, #tpu.memory_space<hbm>> -> memref<128x64xf32, #tpu.memory_space<hbm>>
    tpu.enqueue_dma source(%arg13 : memref<128x64xf32, #tpu.memory_space<vmem>>) target(%dma_start3A_171 : memref<128x64xf32, #tpu.memory_space<hbm>>) target_semaphore(%arg27 : memref<!tpu.dma_semaphore, #tpu.memory_space<semaphore_mem>>)
    %add3A_172 = arith.constant 128 : i32
    %add3A_173 = arith.addi %multiple_of3A_10, %add3A_172 : i32
    %dma_wait3A_174 = arith.constant 0 : i32
    %dma_wait3A_175 = tpu.memref_slice %arg20[%add3A_173, %dma_wait3A_174] : memref<10000x64xf32, #tpu.memory_space<vmem_shared>> -> memref<128x64xf32, #tpu.memory_space<vmem_shared>>
    %dma_wait3A_176 = arith.constant 0 : i32
    %dma_wait3A_177 = tpu.memref_slice %arg20[%add3A_173, %dma_wait3A_176] : memref<10000x64xf32, #tpu.memory_space<vmem_shared>> -> memref<128x64xf32, #tpu.memory_space<vmem_shared>>
    tpu.wait_dma2 semaphore(%arg22 : memref<!tpu.dma_semaphore, #tpu.memory_space<semaphore_mem>>) src(%dma_wait3A_177 : memref<128x64xf32, #tpu.memory_space<vmem_shared>>) dst(%arg14 : memref<128x64xf32, #tpu.memory_space<vmem>>)
    %add3A_178 = arith.constant 128 : i32
    %add3A_179 = arith.addi %multiple_of3A_10, %add3A_178 : i32
    %dma_start3A_180 = arith.constant 0 : i32
    %dma_start3A_181 = tpu.memref_slice %arg5[%arg0, %add3A_179, %dma_start3A_180] : memref<2x10000x64xf32, #tpu.memory_space<hbm>> -> memref<1x128x64xf32, #tpu.memory_space<hbm>>
    %dma_start3A_182 = tpu.memref_squeeze %dma_start3A_181 : memref<1x128x64xf32, #tpu.memory_space<hbm>> -> memref<128x64xf32, #tpu.memory_space<hbm>>
    %dma_start3A_183 = arith.constant 0 : i32
    %dma_start3A_184 = tpu.memref_slice %arg5[%arg0, %add3A_179, %dma_start3A_183] : memref<2x10000x64xf32, #tpu.memory_space<hbm>> -> memref<1x128x64xf32, #tpu.memory_space<hbm>>
    %dma_start3A_185 = tpu.memref_squeeze %dma_start3A_184 : memref<1x128x64xf32, #tpu.memory_space<hbm>> -> memref<128x64xf32, #tpu.memory_space<hbm>>
    tpu.enqueue_dma source(%arg14 : memref<128x64xf32, #tpu.memory_space<vmem>>) target(%dma_start3A_185 : memref<128x64xf32, #tpu.memory_space<hbm>>) target_semaphore(%arg28 : memref<!tpu.dma_semaphore, #tpu.memory_space<semaphore_mem>>)
    %add3A_186 = arith.constant 256 : i32
    %add3A_187 = arith.addi %multiple_of3A_10, %add3A_186 : i32
    %dma_wait3A_188 = arith.constant 0 : i32
    %dma_wait3A_189 = tpu.memref_slice %arg20[%add3A_187, %dma_wait3A_188] : memref<10000x64xf32, #tpu.memory_space<vmem_shared>> -> memref<128x64xf32, #tpu.memory_space<vmem_shared>>
    %dma_wait3A_190 = arith.constant 0 : i32
    %dma_wait3A_191 = tpu.memref_slice %arg20[%add3A_187, %dma_wait3A_190] : memref<10000x64xf32, #tpu.memory_space<vmem_shared>> -> memref<128x64xf32, #tpu.memory_space<vmem_shared>>
    tpu.wait_dma2 semaphore(%arg23 : memref<!tpu.dma_semaphore, #tpu.memory_space<semaphore_mem>>) src(%dma_wait3A_191 : memref<128x64xf32, #tpu.memory_space<vmem_shared>>) dst(%arg15 : memref<128x64xf32, #tpu.memory_space<vmem>>)
    %add3A_192 = arith.constant 256 : i32
    %add3A_193 = arith.addi %multiple_of3A_10, %add3A_192 : i32
    %dma_start3A_194 = arith.constant 0 : i32
    %dma_start3A_195 = tpu.memref_slice %arg5[%arg0, %add3A_193, %dma_start3A_194] : memref<2x10000x64xf32, #tpu.memory_space<hbm>> -> memref<1x128x64xf32, #tpu.memory_space<hbm>>
    %dma_start3A_196 = tpu.memref_squeeze %dma_start3A_195 : memref<1x128x64xf32, #tpu.memory_space<hbm>> -> memref<128x64xf32, #tpu.memory_space<hbm>>
    %dma_start3A_197 = arith.constant 0 : i32
    %dma_start3A_198 = tpu.memref_slice %arg5[%arg0, %add3A_193, %dma_start3A_197] : memref<2x10000x64xf32, #tpu.memory_space<hbm>> -> memref<1x128x64xf32, #tpu.memory_space<hbm>>
    %dma_start3A_199 = tpu.memref_squeeze %dma_start3A_198 : memref<1x128x64xf32, #tpu.memory_space<hbm>> -> memref<128x64xf32, #tpu.memory_space<hbm>>
    tpu.enqueue_dma source(%arg15 : memref<128x64xf32, #tpu.memory_space<vmem>>) target(%dma_start3A_199 : memref<128x64xf32, #tpu.memory_space<hbm>>) target_semaphore(%arg29 : memref<!tpu.dma_semaphore, #tpu.memory_space<semaphore_mem>>)
    %add3A_200 = arith.constant 384 : i32
    %add3A_201 = arith.addi %multiple_of3A_10, %add3A_200 : i32
    %dma_wait3A_202 = arith.constant 0 : i32
    %dma_wait3A_203 = tpu.memref_slice %arg20[%add3A_201, %dma_wait3A_202] : memref<10000x64xf32, #tpu.memory_space<vmem_shared>> -> memref<128x64xf32, #tpu.memory_space<vmem_shared>>
    %dma_wait3A_204 = arith.constant 0 : i32
    %dma_wait3A_205 = tpu.memref_slice %arg20[%add3A_201, %dma_wait3A_204] : memref<10000x64xf32, #tpu.memory_space<vmem_shared>> -> memref<128x64xf32, #tpu.memory_space<vmem_shared>>
    tpu.wait_dma2 semaphore(%arg24 : memref<!tpu.dma_semaphore, #tpu.memory_space<semaphore_mem>>) src(%dma_wait3A_205 : memref<128x64xf32, #tpu.memory_space<vmem_shared>>) dst(%arg16 : memref<128x64xf32, #tpu.memory_space<vmem>>)
    %add3A_206 = arith.constant 384 : i32
    %add3A_207 = arith.addi %multiple_of3A_10, %add3A_206 : i32
    %dma_start3A_208 = arith.constant 0 : i32
    %dma_start3A_209 = tpu.memref_slice %arg5[%arg0, %add3A_207, %dma_start3A_208] : memref<2x10000x64xf32, #tpu.memory_space<hbm>> -> memref<1x128x64xf32, #tpu.memory_space<hbm>>
    %dma_start3A_210 = tpu.memref_squeeze %dma_start3A_209 : memref<1x128x64xf32, #tpu.memory_space<hbm>> -> memref<128x64xf32, #tpu.memory_space<hbm>>
    %dma_start3A_211 = arith.constant 0 : i32
    %dma_start3A_212 = tpu.memref_slice %arg5[%arg0, %add3A_207, %dma_start3A_211] : memref<2x10000x64xf32, #tpu.memory_space<hbm>> -> memref<1x128x64xf32, #tpu.memory_space<hbm>>
    %dma_start3A_213 = tpu.memref_squeeze %dma_start3A_212 : memref<1x128x64xf32, #tpu.memory_space<hbm>> -> memref<128x64xf32, #tpu.memory_space<hbm>>
    tpu.enqueue_dma source(%arg16 : memref<128x64xf32, #tpu.memory_space<vmem>>) target(%dma_start3A_213 : memref<128x64xf32, #tpu.memory_space<hbm>>) target_semaphore(%arg30 : memref<!tpu.dma_semaphore, #tpu.memory_space<semaphore_mem>>)
    %dma_wait3A_214 = arith.constant 0 : i32
    %dma_wait3A_215 = arith.constant 0 : i32
    %dma_wait3A_216 = tpu.memref_slice %arg17[%dma_wait3A_214, %dma_wait3A_215] : memref<128x64xf32, #tpu.memory_space<vmem>> -> memref<112x64xf32, #tpu.memory_space<vmem>>
    %dma_wait3A_217 = arith.constant 0 : i32
    %dma_wait3A_218 = tpu.memref_slice %arg20[%multiple_of3A_123, %dma_wait3A_217] : memref<10000x64xf32, #tpu.memory_space<vmem_shared>> -> memref<112x64xf32, #tpu.memory_space<vmem_shared>>
    %dma_wait3A_219 = arith.constant 0 : i32
    %dma_wait3A_220 = arith.constant 0 : i32
    %dma_wait3A_221 = tpu.memref_slice %arg17[%dma_wait3A_219, %dma_wait3A_220] : memref<128x64xf32, #tpu.memory_space<vmem>> -> memref<112x64xf32, #tpu.memory_space<vmem>>
    %dma_wait3A_222 = arith.constant 0 : i32
    %dma_wait3A_223 = tpu.memref_slice %arg20[%multiple_of3A_123, %dma_wait3A_222] : memref<10000x64xf32, #tpu.memory_space<vmem_shared>> -> memref<112x64xf32, #tpu.memory_space<vmem_shared>>
    tpu.wait_dma2 semaphore(%arg25 : memref<!tpu.dma_semaphore, #tpu.memory_space<semaphore_mem>>) src(%dma_wait3A_223 : memref<112x64xf32, #tpu.memory_space<vmem_shared>>) dst(%dma_wait3A_221 : memref<112x64xf32, #tpu.memory_space<vmem>>)
    %dma_start3A_224 = arith.constant 0 : i32
    %dma_start3A_225 = arith.constant 0 : i32
    %dma_start3A_226 = tpu.memref_slice %arg17[%dma_start3A_224, %dma_start3A_225] : memref<128x64xf32, #tpu.memory_space<vmem>> -> memref<112x64xf32, #tpu.memory_space<vmem>>
    %dma_start3A_227 = arith.constant 0 : i32
    %dma_start3A_228 = tpu.memref_slice %arg5[%arg0, %multiple_of3A_123, %dma_start3A_227] : memref<2x10000x64xf32, #tpu.memory_space<hbm>> -> memref<1x112x64xf32, #tpu.memory_space<hbm>>
    %dma_start3A_229 = tpu.memref_squeeze %dma_start3A_228 : memref<1x112x64xf32, #tpu.memory_space<hbm>> -> memref<112x64xf32, #tpu.memory_space<hbm>>
    %dma_start3A_230 = arith.constant 0 : i32
    %dma_start3A_231 = tpu.memref_slice %arg5[%arg0, %multiple_of3A_123, %dma_start3A_230] : memref<2x10000x64xf32, #tpu.memory_space<hbm>> -> memref<1x112x64xf32, #tpu.memory_space<hbm>>
    %dma_start3A_232 = tpu.memref_squeeze %dma_start3A_231 : memref<1x112x64xf32, #tpu.memory_space<hbm>> -> memref<112x64xf32, #tpu.memory_space<hbm>>
    %dma_start3A_233 = arith.constant 0 : i32
    %dma_start3A_234 = arith.constant 0 : i32
    %dma_start3A_235 = tpu.memref_slice %arg17[%dma_start3A_233, %dma_start3A_234] : memref<128x64xf32, #tpu.memory_space<vmem>> -> memref<112x64xf32, #tpu.memory_space<vmem>>
    tpu.enqueue_dma source(%dma_start3A_235 : memref<112x64xf32, #tpu.memory_space<vmem>>) target(%dma_start3A_232 : memref<112x64xf32, #tpu.memory_space<hbm>>) target_semaphore(%arg31 : memref<!tpu.dma_semaphore, #tpu.memory_space<semaphore_mem>>)
    %eq3A_236 = arith.constant 15 : i32
    %eq3A_237 = arith.cmpi eq, %arg1, %eq3A_236 : i32
    %convert_element_type3A_238 = arith.extui %eq3A_237 : i1 to i32
    %cond3A_239 = arith.constant 0 : i32
    %cond3A_240 = arith.cmpi ne, %convert_element_type3A_238, %cond3A_239 : i32
    scf.if %cond3A_240 {
      "tpu.region"() ({
        %run_scoped3A = tpu.sem_alloc : memref<!tpu.dma_semaphore, #tpu.memory_space<semaphore_mem>>
        %dma_start3A_285 = arith.constant 0 : i32
        %dma_start3A_286 = arith.constant 0 : i32
        %dma_start3A_287 = tpu.memref_slice %arg18[%dma_start3A_285, %dma_start3A_286] : memref<128x64xf32, #tpu.memory_space<vmem>> -> memref<16x64xf32, #tpu.memory_space<vmem>>
        %dma_start3A_288 = arith.constant 9984 : i32
        %dma_start3A_289 = arith.constant 0 : i32
        %dma_start3A_290 = tpu.memref_slice %arg20[%dma_start3A_288, %dma_start3A_289] : memref<10000x64xf32, #tpu.memory_space<vmem_shared>> -> memref<16x64xf32, #tpu.memory_space<vmem_shared>>
        %dma_start3A_291 = arith.constant 0 : i32
        %dma_start3A_292 = arith.constant 0 : i32
        %dma_start3A_293 = tpu.memref_slice %arg18[%dma_start3A_291, %dma_start3A_292] : memref<128x64xf32, #tpu.memory_space<vmem>> -> memref<16x64xf32, #tpu.memory_space<vmem>>
        %dma_start3A_294 = arith.constant 9984 : i32
        %dma_start3A_295 = arith.constant 0 : i32
        %dma_start3A_296 = tpu.memref_slice %arg20[%dma_start3A_294, %dma_start3A_295] : memref<10000x64xf32, #tpu.memory_space<vmem_shared>> -> memref<16x64xf32, #tpu.memory_space<vmem_shared>>
        tpu.enqueue_dma source(%dma_start3A_296 : memref<16x64xf32, #tpu.memory_space<vmem_shared>>) target(%dma_start3A_293 : memref<16x64xf32, #tpu.memory_space<vmem>>) target_semaphore(%run_scoped3A : memref<!tpu.dma_semaphore, #tpu.memory_space<semaphore_mem>>)
        %dma_wait3A_297 = arith.constant 0 : i32
        %dma_wait3A_298 = arith.constant 0 : i32
        %dma_wait3A_299 = tpu.memref_slice %arg18[%dma_wait3A_297, %dma_wait3A_298] : memref<128x64xf32, #tpu.memory_space<vmem>> -> memref<16x64xf32, #tpu.memory_space<vmem>>
        %dma_wait3A_300 = arith.constant 9984 : i32
        %dma_wait3A_301 = arith.constant 0 : i32
        %dma_wait3A_302 = tpu.memref_slice %arg20[%dma_wait3A_300, %dma_wait3A_301] : memref<10000x64xf32, #tpu.memory_space<vmem_shared>> -> memref<16x64xf32, #tpu.memory_space<vmem_shared>>
        %dma_wait3A_303 = arith.constant 0 : i32
        %dma_wait3A_304 = arith.constant 0 : i32
        %dma_wait3A_305 = tpu.memref_slice %arg18[%dma_wait3A_303, %dma_wait3A_304] : memref<128x64xf32, #tpu.memory_space<vmem>> -> memref<16x64xf32, #tpu.memory_space<vmem>>
        %dma_wait3A_306 = arith.constant 9984 : i32
        %dma_wait3A_307 = arith.constant 0 : i32
        %dma_wait3A_308 = tpu.memref_slice %arg20[%dma_wait3A_306, %dma_wait3A_307] : memref<10000x64xf32, #tpu.memory_space<vmem_shared>> -> memref<16x64xf32, #tpu.memory_space<vmem_shared>>
        tpu.wait_dma2 semaphore(%run_scoped3A : memref<!tpu.dma_semaphore, #tpu.memory_space<semaphore_mem>>) src(%dma_wait3A_308 : memref<16x64xf32, #tpu.memory_space<vmem_shared>>) dst(%dma_wait3A_305 : memref<16x64xf32, #tpu.memory_space<vmem>>)
        tpu.yield
      }) : () -> ()
      "tpu.region"() ({
        %run_scoped3A = tpu.sem_alloc : memref<!tpu.dma_semaphore, #tpu.memory_space<semaphore_mem>>
        %dma_start3A_285 = arith.constant 0 : i32
        %dma_start3A_286 = arith.constant 0 : i32
        %dma_start3A_287 = tpu.memref_slice %arg18[%dma_start3A_285, %dma_start3A_286] : memref<128x64xf32, #tpu.memory_space<vmem>> -> memref<16x64xf32, #tpu.memory_space<vmem>>
        %dma_start3A_288 = arith.constant 9984 : i32
        %dma_start3A_289 = arith.constant 0 : i32
        %dma_start3A_290 = tpu.memref_slice %arg5[%arg0, %dma_start3A_288, %dma_start3A_289] : memref<2x10000x64xf32, #tpu.memory_space<hbm>> -> memref<1x16x64xf32, #tpu.memory_space<hbm>>
        %dma_start3A_291 = tpu.memref_squeeze %dma_start3A_290 : memref<1x16x64xf32, #tpu.memory_space<hbm>> -> memref<16x64xf32, #tpu.memory_space<hbm>>
        %dma_start3A_292 = arith.constant 9984 : i32
        %dma_start3A_293 = arith.constant 0 : i32
        %dma_start3A_294 = tpu.memref_slice %arg5[%arg0, %dma_start3A_292, %dma_start3A_293] : memref<2x10000x64xf32, #tpu.memory_space<hbm>> -> memref<1x16x64xf32, #tpu.memory_space<hbm>>
        %dma_start3A_295 = tpu.memref_squeeze %dma_start3A_294 : memref<1x16x64xf32, #tpu.memory_space<hbm>> -> memref<16x64xf32, #tpu.memory_space<hbm>>
        %dma_start3A_296 = arith.constant 0 : i32
        %dma_start3A_297 = arith.constant 0 : i32
        %dma_start3A_298 = tpu.memref_slice %arg18[%dma_start3A_296, %dma_start3A_297] : memref<128x64xf32, #tpu.memory_space<vmem>> -> memref<16x64xf32, #tpu.memory_space<vmem>>
        tpu.enqueue_dma source(%dma_start3A_298 : memref<16x64xf32, #tpu.memory_space<vmem>>) target(%dma_start3A_295 : memref<16x64xf32, #tpu.memory_space<hbm>>) target_semaphore(%run_scoped3A : memref<!tpu.dma_semaphore, #tpu.memory_space<semaphore_mem>>)
        %dma_wait3A_299 = arith.constant 0 : i32
        %dma_wait3A_300 = arith.constant 0 : i32
        %dma_wait3A_301 = tpu.memref_slice %arg18[%dma_wait3A_299, %dma_wait3A_300] : memref<128x64xf32, #tpu.memory_space<vmem>> -> memref<16x64xf32, #tpu.memory_space<vmem>>
        %dma_wait3A_302 = arith.constant 9984 : i32
        %dma_wait3A_303 = arith.constant 0 : i32
        %dma_wait3A_304 = tpu.memref_slice %arg5[%arg0, %dma_wait3A_302, %dma_wait3A_303] : memref<2x10000x64xf32, #tpu.memory_space<hbm>> -> memref<1x16x64xf32, #tpu.memory_space<hbm>>
        %dma_wait3A_305 = tpu.memref_squeeze %dma_wait3A_304 : memref<1x16x64xf32, #tpu.memory_space<hbm>> -> memref<16x64xf32, #tpu.memory_space<hbm>>
        %dma_wait3A_306 = arith.constant 9984 : i32
        %dma_wait3A_307 = arith.constant 0 : i32
        %dma_wait3A_308 = tpu.memref_slice %arg5[%arg0, %dma_wait3A_306, %dma_wait3A_307] : memref<2x10000x64xf32, #tpu.memory_space<hbm>> -> memref<1x16x64xf32, #tpu.memory_space<hbm>>
        %dma_wait3A_309 = tpu.memref_squeeze %dma_wait3A_308 : memref<1x16x64xf32, #tpu.memory_space<hbm>> -> memref<16x64xf32, #tpu.memory_space<hbm>>
        %dma_wait3A_310 = arith.constant 0 : i32
        %dma_wait3A_311 = arith.constant 0 : i32
        %dma_wait3A_312 = tpu.memref_slice %arg18[%dma_wait3A_310, %dma_wait3A_311] : memref<128x64xf32, #tpu.memory_space<vmem>> -> memref<16x64xf32, #tpu.memory_space<vmem>>
        tpu.wait_dma2 semaphore(%run_scoped3A : memref<!tpu.dma_semaphore, #tpu.memory_space<semaphore_mem>>) src(%dma_wait3A_312 : memref<16x64xf32, #tpu.memory_space<vmem>>) dst(%dma_wait3A_309 : memref<16x64xf32, #tpu.memory_space<hbm>>)
        tpu.yield
      }) : () -> ()
    } else {
    }
    %add3A_241 = arith.constant 0 : i32
    %add3A_242 = arith.addi %multiple_of3A_10, %add3A_241 : i32
    %dma_wait3A_243 = arith.constant 0 : i32
    %dma_wait3A_244 = tpu.memref_slice %arg5[%arg0, %add3A_242, %dma_wait3A_243] : memref<2x10000x64xf32, #tpu.memory_space<hbm>> -> memref<1x128x64xf32, #tpu.memory_space<hbm>>
    %dma_wait3A_245 = tpu.memref_squeeze %dma_wait3A_244 : memref<1x128x64xf32, #tpu.memory_space<hbm>> -> memref<128x64xf32, #tpu.memory_space<hbm>>
    %dma_wait3A_246 = arith.constant 0 : i32
    %dma_wait3A_247 = tpu.memref_slice %arg5[%arg0, %add3A_242, %dma_wait3A_246] : memref<2x10000x64xf32, #tpu.memory_space<hbm>> -> memref<1x128x64xf32, #tpu.memory_space<hbm>>
    %dma_wait3A_248 = tpu.memref_squeeze %dma_wait3A_247 : memref<1x128x64xf32, #tpu.memory_space<hbm>> -> memref<128x64xf32, #tpu.memory_space<hbm>>
    tpu.wait_dma2 semaphore(%arg27 : memref<!tpu.dma_semaphore, #tpu.memory_space<semaphore_mem>>) src(%arg13 : memref<128x64xf32, #tpu.memory_space<vmem>>) dst(%dma_wait3A_248 : memref<128x64xf32, #tpu.memory_space<hbm>>)
    %add3A_249 = arith.constant 128 : i32
    %add3A_250 = arith.addi %multiple_of3A_10, %add3A_249 : i32
    %dma_wait3A_251 = arith.constant 0 : i32
    %dma_wait3A_252 = tpu.memref_slice %arg5[%arg0, %add3A_250, %dma_wait3A_251] : memref<2x10000x64xf32, #tpu.memory_space<hbm>> -> memref<1x128x64xf32, #tpu.memory_space<hbm>>
    %dma_wait3A_253 = tpu.memref_squeeze %dma_wait3A_252 : memref<1x128x64xf32, #tpu.memory_space<hbm>> -> memref<128x64xf32, #tpu.memory_space<hbm>>
    %dma_wait3A_254 = arith.constant 0 : i32
    %dma_wait3A_255 = tpu.memref_slice %arg5[%arg0, %add3A_250, %dma_wait3A_254] : memref<2x10000x64xf32, #tpu.memory_space<hbm>> -> memref<1x128x64xf32, #tpu.memory_space<hbm>>
    %dma_wait3A_256 = tpu.memref_squeeze %dma_wait3A_255 : memref<1x128x64xf32, #tpu.memory_space<hbm>> -> memref<128x64xf32, #tpu.memory_space<hbm>>
    tpu.wait_dma2 semaphore(%arg28 : memref<!tpu.dma_semaphore, #tpu.memory_space<semaphore_mem>>) src(%arg14 : memref<128x64xf32, #tpu.memory_space<vmem>>) dst(%dma_wait3A_256 : memref<128x64xf32, #tpu.memory_space<hbm>>)
    %add3A_257 = arith.constant 256 : i32
    %add3A_258 = arith.addi %multiple_of3A_10, %add3A_257 : i32
    %dma_wait3A_259 = arith.constant 0 : i32
    %dma_wait3A_260 = tpu.memref_slice %arg5[%arg0, %add3A_258, %dma_wait3A_259] : memref<2x10000x64xf32, #tpu.memory_space<hbm>> -> memref<1x128x64xf32, #tpu.memory_space<hbm>>
    %dma_wait3A_261 = tpu.memref_squeeze %dma_wait3A_260 : memref<1x128x64xf32, #tpu.memory_space<hbm>> -> memref<128x64xf32, #tpu.memory_space<hbm>>
    %dma_wait3A_262 = arith.constant 0 : i32
    %dma_wait3A_263 = tpu.memref_slice %arg5[%arg0, %add3A_258, %dma_wait3A_262] : memref<2x10000x64xf32, #tpu.memory_space<hbm>> -> memref<1x128x64xf32, #tpu.memory_space<hbm>>
    %dma_wait3A_264 = tpu.memref_squeeze %dma_wait3A_263 : memref<1x128x64xf32, #tpu.memory_space<hbm>> -> memref<128x64xf32, #tpu.memory_space<hbm>>
    tpu.wait_dma2 semaphore(%arg29 : memref<!tpu.dma_semaphore, #tpu.memory_space<semaphore_mem>>) src(%arg15 : memref<128x64xf32, #tpu.memory_space<vmem>>) dst(%dma_wait3A_264 : memref<128x64xf32, #tpu.memory_space<hbm>>)
    %add3A_265 = arith.constant 384 : i32
    %add3A_266 = arith.addi %multiple_of3A_10, %add3A_265 : i32
    %dma_wait3A_267 = arith.constant 0 : i32
    %dma_wait3A_268 = tpu.memref_slice %arg5[%arg0, %add3A_266, %dma_wait3A_267] : memref<2x10000x64xf32, #tpu.memory_space<hbm>> -> memref<1x128x64xf32, #tpu.memory_space<hbm>>
    %dma_wait3A_269 = tpu.memref_squeeze %dma_wait3A_268 : memref<1x128x64xf32, #tpu.memory_space<hbm>> -> memref<128x64xf32, #tpu.memory_space<hbm>>
    %dma_wait3A_270 = arith.constant 0 : i32
    %dma_wait3A_271 = tpu.memref_slice %arg5[%arg0, %add3A_266, %dma_wait3A_270] : memref<2x10000x64xf32, #tpu.memory_space<hbm>> -> memref<1x128x64xf32, #tpu.memory_space<hbm>>
    %dma_wait3A_272 = tpu.memref_squeeze %dma_wait3A_271 : memref<1x128x64xf32, #tpu.memory_space<hbm>> -> memref<128x64xf32, #tpu.memory_space<hbm>>
    tpu.wait_dma2 semaphore(%arg30 : memref<!tpu.dma_semaphore, #tpu.memory_space<semaphore_mem>>) src(%arg16 : memref<128x64xf32, #tpu.memory_space<vmem>>) dst(%dma_wait3A_272 : memref<128x64xf32, #tpu.memory_space<hbm>>)
    %dma_wait3A_273 = arith.constant 0 : i32
    %dma_wait3A_274 = arith.constant 0 : i32
    %dma_wait3A_275 = tpu.memref_slice %arg17[%dma_wait3A_273, %dma_wait3A_274] : memref<128x64xf32, #tpu.memory_space<vmem>> -> memref<112x64xf32, #tpu.memory_space<vmem>>
    %dma_wait3A_276 = arith.constant 0 : i32
    %dma_wait3A_277 = tpu.memref_slice %arg5[%arg0, %multiple_of3A_123, %dma_wait3A_276] : memref<2x10000x64xf32, #tpu.memory_space<hbm>> -> memref<1x112x64xf32, #tpu.memory_space<hbm>>
    %dma_wait3A_278 = tpu.memref_squeeze %dma_wait3A_277 : memref<1x112x64xf32, #tpu.memory_space<hbm>> -> memref<112x64xf32, #tpu.memory_space<hbm>>
    %dma_wait3A_279 = arith.constant 0 : i32
    %dma_wait3A_280 = tpu.memref_slice %arg5[%arg0, %multiple_of3A_123, %dma_wait3A_279] : memref<2x10000x64xf32, #tpu.memory_space<hbm>> -> memref<1x112x64xf32, #tpu.memory_space<hbm>>
    %dma_wait3A_281 = tpu.memref_squeeze %dma_wait3A_280 : memref<1x112x64xf32, #tpu.memory_space<hbm>> -> memref<112x64xf32, #tpu.memory_space<hbm>>
    %dma_wait3A_282 = arith.constant 0 : i32
    %dma_wait3A_283 = arith.constant 0 : i32
    %dma_wait3A_284 = tpu.memref_slice %arg17[%dma_wait3A_282, %dma_wait3A_283] : memref<128x64xf32, #tpu.memory_space<vmem>> -> memref<112x64xf32, #tpu.memory_space<vmem>>
    tpu.wait_dma2 semaphore(%arg31 : memref<!tpu.dma_semaphore, #tpu.memory_space<semaphore_mem>>) src(%dma_wait3A_284 : memref<112x64xf32, #tpu.memory_space<vmem>>) dst(%dma_wait3A_281 : memref<112x64xf32, #tpu.memory_space<hbm>>)
    return
  }
}

module attributes {stable_mosaic.version = 14 : i64} {
  func.func @body(%arg0: i32, %arg1: memref<2000x2xf32, #tpu.memory_space<vmem>>, %arg2: memref<2000x128xf32, #tpu.memory_space<vmem>>, %arg3: memref<128x128xf32, #tpu.memory_space<vmem>>, %arg4: memref<2x2000x64xf32, #tpu.memory_space<vmem>>, %arg5: memref<2000x1xf32, #tpu.memory_space<vmem>>) attributes {dimension_semantics = [#tpu.dimension_semantics<arbitrary>], iteration_bounds = array<i64: 5>, scalar_prefetch = 0 : i64, scratch_operands = 0 : i64, tpu.core_type = #tpu.core_type<tc>, window_params = [{transform_indices = @transform_0, window_bounds = array<i64: 2000, 2>}, {transform_indices = @transform_1, window_bounds = array<i64: 2000, 128>}, {pipeline_mode = #tpu.pipeline_mode<synchronous>, transform_indices = @transform_2, window_bounds = array<i64: 128, 128>}, {transform_indices = @transform_3, window_bounds = array<i64: 2, 2000, 64>}, {transform_indices = @transform_4, window_bounds = array<i64: 2000, 1>}]} {
    %get3A = arith.constant 0 : index
    %get3A_0 = arith.constant 0 : index
    %get3A_1 = vector.load %arg1[%get3A, %get3A_0] : memref<2000x2xf32, #tpu.memory_space<vmem>>, vector<2000x1xf32>
    %get3A_2 = arith.constant 0 : index
    %get3A_3 = arith.constant 1 : index
    %get3A_4 = vector.load %arg1[%get3A_2, %get3A_3] : memref<2000x2xf32, #tpu.memory_space<vmem>>, vector<2000x1xf32>
    %add3A = arith.addf %get3A_1, %get3A_4 : vector<2000x1xf32>
    %add3A_5 = arith.constant 1.000000e+00 : f32
    %add3A_6 = vector.broadcast %add3A_5 : f32 to vector<2000x1xf32>
    %add3A_7 = arith.addf %add3A, %add3A_6 : vector<2000x1xf32>
    %rsqrt3A = math.rsqrt %add3A_7 : vector<2000x1xf32>
    %swap3A = arith.constant 0 : index
    %swap3A_8 = arith.constant 0 : index
    %swap3A_9 = vector.load %arg5[%swap3A, %swap3A_8] : memref<2000x1xf32, #tpu.memory_space<vmem>>, vector<2000x1xf32>
    tpu.vector_store %arg5[%swap3A, %swap3A_8], %rsqrt3A {strides = array<i32>} : memref<2000x1xf32, #tpu.memory_space<vmem>>, vector<2000x1xf32>,
    %get3A_10 = arith.constant 0 : index
    %get3A_11 = arith.constant 0 : index
    %get3A_12 = vector.load %arg2[%get3A_10, %get3A_11] : memref<2000x128xf32, #tpu.memory_space<vmem>>, vector<2000x128xf32>
    %get3A_13 = arith.constant 0 : index
    %get3A_14 = arith.constant 0 : index
    %get3A_15 = vector.load %arg3[%get3A_13, %get3A_14] : memref<128x128xf32, #tpu.memory_space<vmem>>, vector<128x128xf32>
    %dot_general3A = arith.constant dense<0.000000e+00> : vector<2000x128xf32>
    %dot_general3A_16 = tpu.matmul %get3A_12, %get3A_15, %dot_general3A {dimension_numbers = #tpu.dot_dimension_numbers<[1], [0], [0], [1], [0, 0, 1, 1], [], []>, transpose_lhs_hint = false} : vector<2000x128xf32>, vector<128x128xf32>, vector<2000x128xf32> -> vector<2000x128xf32>
    %mul3A = vector.broadcast %rsqrt3A : vector<2000x1xf32> to vector<2000x128xf32>
    %mul3A_17 = arith.mulf %mul3A, %dot_general3A_16 : vector<2000x128xf32>
    %slice3A = vector.extract_strided_slice %mul3A_17 {offsets = [0, 0], sizes = [2000, 64], strides = [1, 1]} : vector<2000x128xf32> to vector<2000x64xf32>
    %swap3A_18 = arith.constant 0 : index
    %swap3A_19 = arith.constant 0 : index
    %swap3A_20 = arith.constant 0 : index
    %swap3A_21 = vector.load %arg4[%swap3A_18, %swap3A_19, %swap3A_20] : memref<2x2000x64xf32, #tpu.memory_space<vmem>>, vector<1x2000x64xf32>
    %swap3A_22 = vector.shape_cast %swap3A_21 : vector<1x2000x64xf32> to vector<2000x64xf32>
    %swap3A_23 = vector.shape_cast %slice3A : vector<2000x64xf32> to vector<1x2000x64xf32>
    tpu.vector_store %arg4[%swap3A_18, %swap3A_19, %swap3A_20], %swap3A_23 {strides = array<i32>} : memref<2x2000x64xf32, #tpu.memory_space<vmem>>, vector<1x2000x64xf32>,
    %slice3A_24 = vector.extract_strided_slice %mul3A_17 {offsets = [0, 64], sizes = [2000, 64], strides = [1, 1]} : vector<2000x128xf32> to vector<2000x64xf32>
    %swap3A_25 = arith.constant 1 : index
    %swap3A_26 = arith.constant 0 : index
    %swap3A_27 = arith.constant 0 : index
    %swap3A_28 = vector.load %arg4[%swap3A_25, %swap3A_26, %swap3A_27] : memref<2x2000x64xf32, #tpu.memory_space<vmem>>, vector<1x2000x64xf32>
    %swap3A_29 = vector.shape_cast %swap3A_28 : vector<1x2000x64xf32> to vector<2000x64xf32>
    %swap3A_30 = vector.shape_cast %slice3A_24 : vector<2000x64xf32> to vector<1x2000x64xf32>
    tpu.vector_store %arg4[%swap3A_25, %swap3A_26, %swap3A_27], %swap3A_30 {strides = array<i32>} : memref<2x2000x64xf32, #tpu.memory_space<vmem>>, vector<1x2000x64xf32>,
    return
  }
  func.func @transform_0(%arg0: i32) -> (i32, i32) {
    %c0_i32 = arith.constant 0 : i32
    %c0_i32_0 = arith.constant 0 : i32
    return %arg0, %c0_i32 : i32, i32
  }
  func.func @transform_1(%arg0: i32) -> (i32, i32) {
    %c0_i32 = arith.constant 0 : i32
    %c0_i32_0 = arith.constant 0 : i32
    return %arg0, %c0_i32 : i32, i32
  }
  func.func @transform_2(%arg0: i32) -> (i32, i32) {
    %c0_i32 = arith.constant 0 : i32
    %c0_i32_0 = arith.constant 0 : i32
    %c0_i32_1 = arith.constant 0 : i32
    return %c0_i32, %c0_i32_0 : i32, i32
  }
  func.func @transform_3(%arg0: i32) -> (i32, i32, i32) {
    %c0_i32 = arith.constant 0 : i32
    %c0_i32_0 = arith.constant 0 : i32
    %c0_i32_1 = arith.constant 0 : i32
    return %c0_i32, %arg0, %c0_i32_0 : i32, i32, i32
  }
  func.func @transform_4(%arg0: i32) -> (i32, i32) {
    %c0_i32 = arith.constant 0 : i32
    %c0_i32_0 = arith.constant 0 : i32
    return %arg0, %c0_i32 : i32, i32
  }
}

module attributes {stable_mosaic.version = 14 : i64} {
  func.func @body(%arg0: i32, %arg1: memref<2x2000x64xf32, #tpu.memory_space<vmem>>, %arg2: memref<2x2000x64xf32, #tpu.memory_space<vmem>>, %arg3: memref<2000x1xf32, #tpu.memory_space<vmem>>, %arg4: memref<1x128xf32, #tpu.memory_space<vmem>>, %arg5: memref<128x128xf32, #tpu.memory_space<vmem>>, %arg6: memref<2x2000x64xf32, #tpu.memory_space<vmem>>) attributes {dimension_semantics = [#tpu.dimension_semantics<arbitrary>], iteration_bounds = array<i64: 5>, scalar_prefetch = 0 : i64, scratch_operands = 0 : i64, tpu.core_type = #tpu.core_type<tc>, window_params = [{transform_indices = @transform_0, window_bounds = array<i64: 2, 2000, 64>}, {transform_indices = @transform_1, window_bounds = array<i64: 2, 2000, 64>}, {transform_indices = @transform_2, window_bounds = array<i64: 2000, 1>}, {pipeline_mode = #tpu.pipeline_mode<synchronous>, transform_indices = @transform_3, window_bounds = array<i64: 1, 128>}, {pipeline_mode = #tpu.pipeline_mode<synchronous>, transform_indices = @transform_4, window_bounds = array<i64: 128, 128>}, {transform_indices = @transform_5, window_bounds = array<i64: 2, 2000, 64>}]} {
    %get3A = arith.constant 0 : index
    %get3A_0 = arith.constant 0 : index
    %get3A_1 = arith.constant 0 : index
    %get3A_2 = vector.load %arg1[%get3A, %get3A_0, %get3A_1] : memref<2x2000x64xf32, #tpu.memory_space<vmem>>, vector<1x2000x64xf32>
    %get3A_3 = vector.shape_cast %get3A_2 : vector<1x2000x64xf32> to vector<2000x64xf32>
    %get3A_4 = arith.constant 0 : index
    %get3A_5 = arith.constant 0 : index
    %get3A_6 = arith.constant 0 : index
    %get3A_7 = vector.load %arg2[%get3A_4, %get3A_5, %get3A_6] : memref<2x2000x64xf32, #tpu.memory_space<vmem>>, vector<1x2000x64xf32>
    %get3A_8 = vector.shape_cast %get3A_7 : vector<1x2000x64xf32> to vector<2000x64xf32>
    %add3A = arith.addf %get3A_3, %get3A_8 : vector<2000x64xf32>
    %get3A_9 = arith.constant 1 : index
    %get3A_10 = arith.constant 0 : index
    %get3A_11 = arith.constant 0 : index
    %get3A_12 = vector.load %arg1[%get3A_9, %get3A_10, %get3A_11] : memref<2x2000x64xf32, #tpu.memory_space<vmem>>, vector<1x2000x64xf32>
    %get3A_13 = vector.shape_cast %get3A_12 : vector<1x2000x64xf32> to vector<2000x64xf32>
    %get3A_14 = arith.constant 1 : index
    %get3A_15 = arith.constant 0 : index
    %get3A_16 = arith.constant 0 : index
    %get3A_17 = vector.load %arg2[%get3A_14, %get3A_15, %get3A_16] : memref<2x2000x64xf32, #tpu.memory_space<vmem>>, vector<1x2000x64xf32>
    %get3A_18 = vector.shape_cast %get3A_17 : vector<1x2000x64xf32> to vector<2000x64xf32>
    %add3A_19 = arith.addf %get3A_13, %get3A_18 : vector<2000x64xf32>
    %concatenate3A = tpu.concatenate %add3A, %add3A_19 in 1 : vector<2000x64xf32>, vector<2000x64xf32> -> vector<2000x128xf32>
    %get3A_20 = arith.constant 0 : index
    %get3A_21 = arith.constant 0 : index
    %get3A_22 = vector.load %arg3[%get3A_20, %get3A_21] : memref<2000x1xf32, #tpu.memory_space<vmem>>, vector<2000x1xf32>
    %mul3A = vector.broadcast %get3A_22 : vector<2000x1xf32> to vector<2000x128xf32>
    %mul3A_23 = arith.mulf %mul3A, %concatenate3A : vector<2000x128xf32>
    %get3A_24 = arith.constant 0 : index
    %get3A_25 = arith.constant 0 : index
    %get3A_26 = vector.load %arg4[%get3A_24, %get3A_25] : memref<1x128xf32, #tpu.memory_space<vmem>>, vector<1x128xf32>
    %add3A_27 = vector.broadcast %get3A_26 : vector<1x128xf32> to vector<2000x128xf32>
    %add3A_28 = arith.addf %mul3A_23, %add3A_27 : vector<2000x128xf32>
    %max3A = arith.constant 0.000000e+00 : f32
    %max3A_29 = vector.broadcast %max3A : f32 to vector<2000x128xf32>
    %max3A_30 = arith.maximumf %add3A_28, %max3A_29 : vector<2000x128xf32>
    %get3A_31 = arith.constant 0 : index
    %get3A_32 = arith.constant 0 : index
    %get3A_33 = vector.load %arg3[%get3A_31, %get3A_32] : memref<2000x1xf32, #tpu.memory_space<vmem>>, vector<2000x1xf32>
    %get3A_34 = arith.constant 0 : index
    %get3A_35 = arith.constant 0 : index
    %get3A_36 = vector.load %arg5[%get3A_34, %get3A_35] : memref<128x128xf32, #tpu.memory_space<vmem>>, vector<128x128xf32>
    %dot_general3A = arith.constant dense<0.000000e+00> : vector<2000x128xf32>
    %dot_general3A_37 = tpu.matmul %max3A_30, %get3A_36, %dot_general3A {dimension_numbers = #tpu.dot_dimension_numbers<[1], [0], [0], [1], [0, 0, 1, 1], [], []>, transpose_lhs_hint = false} : vector<2000x128xf32>, vector<128x128xf32>, vector<2000x128xf32> -> vector<2000x128xf32>
    %mul3A_38 = vector.broadcast %get3A_33 : vector<2000x1xf32> to vector<2000x128xf32>
    %mul3A_39 = arith.mulf %mul3A_38, %dot_general3A_37 : vector<2000x128xf32>
    %slice3A = vector.extract_strided_slice %mul3A_39 {offsets = [0, 0], sizes = [2000, 64], strides = [1, 1]} : vector<2000x128xf32> to vector<2000x64xf32>
    %swap3A = arith.constant 0 : index
    %swap3A_40 = arith.constant 0 : index
    %swap3A_41 = arith.constant 0 : index
    %swap3A_42 = vector.load %arg6[%swap3A, %swap3A_40, %swap3A_41] : memref<2x2000x64xf32, #tpu.memory_space<vmem>>, vector<1x2000x64xf32>
    %swap3A_43 = vector.shape_cast %swap3A_42 : vector<1x2000x64xf32> to vector<2000x64xf32>
    %swap3A_44 = vector.shape_cast %slice3A : vector<2000x64xf32> to vector<1x2000x64xf32>
    tpu.vector_store %arg6[%swap3A, %swap3A_40, %swap3A_41], %swap3A_44 {strides = array<i32>} : memref<2x2000x64xf32, #tpu.memory_space<vmem>>, vector<1x2000x64xf32>,
    %slice3A_45 = vector.extract_strided_slice %mul3A_39 {offsets = [0, 64], sizes = [2000, 64], strides = [1, 1]} : vector<2000x128xf32> to vector<2000x64xf32>
    %swap3A_46 = arith.constant 1 : index
    %swap3A_47 = arith.constant 0 : index
    %swap3A_48 = arith.constant 0 : index
    %swap3A_49 = vector.load %arg6[%swap3A_46, %swap3A_47, %swap3A_48] : memref<2x2000x64xf32, #tpu.memory_space<vmem>>, vector<1x2000x64xf32>
    %swap3A_50 = vector.shape_cast %swap3A_49 : vector<1x2000x64xf32> to vector<2000x64xf32>
    %swap3A_51 = vector.shape_cast %slice3A_45 : vector<2000x64xf32> to vector<1x2000x64xf32>
    tpu.vector_store %arg6[%swap3A_46, %swap3A_47, %swap3A_48], %swap3A_51 {strides = array<i32>} : memref<2x2000x64xf32, #tpu.memory_space<vmem>>, vector<1x2000x64xf32>,
    return
  }
  func.func @transform_0(%arg0: i32) -> (i32, i32, i32) {
    %c0_i32 = arith.constant 0 : i32
    %c0_i32_0 = arith.constant 0 : i32
    %c0_i32_1 = arith.constant 0 : i32
    return %c0_i32, %arg0, %c0_i32_0 : i32, i32, i32
  }
  func.func @transform_1(%arg0: i32) -> (i32, i32, i32) {
    %c0_i32 = arith.constant 0 : i32
    %c0_i32_0 = arith.constant 0 : i32
    %c0_i32_1 = arith.constant 0 : i32
    return %c0_i32, %arg0, %c0_i32_0 : i32, i32, i32
  }
  func.func @transform_2(%arg0: i32) -> (i32, i32) {
    %c0_i32 = arith.constant 0 : i32
    %c0_i32_0 = arith.constant 0 : i32
    return %arg0, %c0_i32 : i32, i32
  }
  func.func @transform_3(%arg0: i32) -> (i32, i32) {
    %c0_i32 = arith.constant 0 : i32
    %c0_i32_0 = arith.constant 0 : i32
    %c0_i32_1 = arith.constant 0 : i32
    return %c0_i32, %c0_i32_0 : i32, i32
  }
  func.func @transform_4(%arg0: i32) -> (i32, i32) {
    %c0_i32 = arith.constant 0 : i32
    %c0_i32_0 = arith.constant 0 : i32
    %c0_i32_1 = arith.constant 0 : i32
    return %c0_i32, %c0_i32_0 : i32, i32
  }
  func.func @transform_5(%arg0: i32) -> (i32, i32, i32) {
    %c0_i32 = arith.constant 0 : i32
    %c0_i32_0 = arith.constant 0 : i32
    %c0_i32_1 = arith.constant 0 : i32
    return %c0_i32, %arg0, %c0_i32_0 : i32, i32, i32
  }
}

module attributes {stable_mosaic.version = 14 : i64} {
  func.func @body(%arg0: i32, %arg1: memref<2x2000x64xf32, #tpu.memory_space<vmem>>, %arg2: memref<2x2000x64xf32, #tpu.memory_space<vmem>>, %arg3: memref<2000x1xf32, #tpu.memory_space<vmem>>, %arg4: memref<1x128xf32, #tpu.memory_space<vmem>>, %arg5: memref<2000x128xf32, #tpu.memory_space<vmem>>) attributes {dimension_semantics = [#tpu.dimension_semantics<arbitrary>], iteration_bounds = array<i64: 5>, scalar_prefetch = 0 : i64, scratch_operands = 0 : i64, tpu.core_type = #tpu.core_type<tc>, window_params = [{transform_indices = @transform_0, window_bounds = array<i64: 2, 2000, 64>}, {transform_indices = @transform_1, window_bounds = array<i64: 2, 2000, 64>}, {transform_indices = @transform_2, window_bounds = array<i64: 2000, 1>}, {pipeline_mode = #tpu.pipeline_mode<synchronous>, transform_indices = @transform_3, window_bounds = array<i64: 1, 128>}, {transform_indices = @transform_4, window_bounds = array<i64: 2000, 128>}]} {
    %get3A = arith.constant 0 : index
    %get3A_0 = arith.constant 0 : index
    %get3A_1 = arith.constant 0 : index
    %get3A_2 = vector.load %arg1[%get3A, %get3A_0, %get3A_1] : memref<2x2000x64xf32, #tpu.memory_space<vmem>>, vector<1x2000x64xf32>
    %get3A_3 = vector.shape_cast %get3A_2 : vector<1x2000x64xf32> to vector<2000x64xf32>
    %get3A_4 = arith.constant 0 : index
    %get3A_5 = arith.constant 0 : index
    %get3A_6 = arith.constant 0 : index
    %get3A_7 = vector.load %arg2[%get3A_4, %get3A_5, %get3A_6] : memref<2x2000x64xf32, #tpu.memory_space<vmem>>, vector<1x2000x64xf32>
    %get3A_8 = vector.shape_cast %get3A_7 : vector<1x2000x64xf32> to vector<2000x64xf32>
    %add3A = arith.addf %get3A_3, %get3A_8 : vector<2000x64xf32>
    %get3A_9 = arith.constant 1 : index
    %get3A_10 = arith.constant 0 : index
    %get3A_11 = arith.constant 0 : index
    %get3A_12 = vector.load %arg1[%get3A_9, %get3A_10, %get3A_11] : memref<2x2000x64xf32, #tpu.memory_space<vmem>>, vector<1x2000x64xf32>
    %get3A_13 = vector.shape_cast %get3A_12 : vector<1x2000x64xf32> to vector<2000x64xf32>
    %get3A_14 = arith.constant 1 : index
    %get3A_15 = arith.constant 0 : index
    %get3A_16 = arith.constant 0 : index
    %get3A_17 = vector.load %arg2[%get3A_14, %get3A_15, %get3A_16] : memref<2x2000x64xf32, #tpu.memory_space<vmem>>, vector<1x2000x64xf32>
    %get3A_18 = vector.shape_cast %get3A_17 : vector<1x2000x64xf32> to vector<2000x64xf32>
    %add3A_19 = arith.addf %get3A_13, %get3A_18 : vector<2000x64xf32>
    %concatenate3A = tpu.concatenate %add3A, %add3A_19 in 1 : vector<2000x64xf32>, vector<2000x64xf32> -> vector<2000x128xf32>
    %get3A_20 = arith.constant 0 : index
    %get3A_21 = arith.constant 0 : index
    %get3A_22 = vector.load %arg3[%get3A_20, %get3A_21] : memref<2000x1xf32, #tpu.memory_space<vmem>>, vector<2000x1xf32>
    %mul3A = vector.broadcast %get3A_22 : vector<2000x1xf32> to vector<2000x128xf32>
    %mul3A_23 = arith.mulf %mul3A, %concatenate3A : vector<2000x128xf32>
    %get3A_24 = arith.constant 0 : index
    %get3A_25 = arith.constant 0 : index
    %get3A_26 = vector.load %arg4[%get3A_24, %get3A_25] : memref<1x128xf32, #tpu.memory_space<vmem>>, vector<1x128xf32>
    %add3A_27 = vector.broadcast %get3A_26 : vector<1x128xf32> to vector<2000x128xf32>
    %add3A_28 = arith.addf %mul3A_23, %add3A_27 : vector<2000x128xf32>
    %reduce_max3A = arith.constant dense<0xFF800000> : vector<2000xf32>
    %reduce_max3A_29 = vector.multi_reduction <maximumf>, %add3A_28, %reduce_max3A [1] : vector<2000x128xf32> to vector<2000xf32>
    %broadcast_in_dim3A = vector.shape_cast %reduce_max3A_29 : vector<2000xf32> to vector<2000x1xf32>
    %sub3A = vector.broadcast %broadcast_in_dim3A : vector<2000x1xf32> to vector<2000x128xf32>
    %sub3A_30 = arith.subf %add3A_28, %sub3A : vector<2000x128xf32>
    %exp3A = math.exp %sub3A_30 : vector<2000x128xf32>
    %sub3A_31 = vector.broadcast %broadcast_in_dim3A : vector<2000x1xf32> to vector<2000x128xf32>
    %sub3A_32 = arith.subf %add3A_28, %sub3A_31 : vector<2000x128xf32>
    %reduce_sum3A = arith.constant dense<0.000000e+00> : vector<2000xf32>
    %reduce_sum3A_33 = vector.multi_reduction <add>, %exp3A, %reduce_sum3A [1] : vector<2000x128xf32> to vector<2000xf32>
    %broadcast_in_dim3A_34 = vector.shape_cast %reduce_sum3A_33 : vector<2000xf32> to vector<2000x1xf32>
    %log3A = math.log %broadcast_in_dim3A_34 : vector<2000x1xf32>
    %sub3A_35 = vector.broadcast %log3A : vector<2000x1xf32> to vector<2000x128xf32>
    %sub3A_36 = arith.subf %sub3A_32, %sub3A_35 : vector<2000x128xf32>
    %swap3A = arith.constant 0 : index
    %swap3A_37 = arith.constant 0 : index
    %swap3A_38 = vector.load %arg5[%swap3A, %swap3A_37] : memref<2000x128xf32, #tpu.memory_space<vmem>>, vector<2000x128xf32>
    tpu.vector_store %arg5[%swap3A, %swap3A_37], %sub3A_36 {strides = array<i32>} : memref<2000x128xf32, #tpu.memory_space<vmem>>, vector<2000x128xf32>,
    return
  }
  func.func @transform_0(%arg0: i32) -> (i32, i32, i32) {
    %c0_i32 = arith.constant 0 : i32
    %c0_i32_0 = arith.constant 0 : i32
    %c0_i32_1 = arith.constant 0 : i32
    return %c0_i32, %arg0, %c0_i32_0 : i32, i32, i32
  }
  func.func @transform_1(%arg0: i32) -> (i32, i32, i32) {
    %c0_i32 = arith.constant 0 : i32
    %c0_i32_0 = arith.constant 0 : i32
    %c0_i32_1 = arith.constant 0 : i32
    return %c0_i32, %arg0, %c0_i32_0 : i32, i32, i32
  }
  func.func @transform_2(%arg0: i32) -> (i32, i32) {
    %c0_i32 = arith.constant 0 : i32
    %c0_i32_0 = arith.constant 0 : i32
    return %arg0, %c0_i32 : i32, i32
  }
  func.func @transform_3(%arg0: i32) -> (i32, i32) {
    %c0_i32 = arith.constant 0 : i32
    %c0_i32_0 = arith.constant 0 : i32
    %c0_i32_1 = arith.constant 0 : i32
    return %c0_i32, %c0_i32_0 : i32, i32
  }
  func.func @transform_4(%arg0: i32) -> (i32, i32) {
    %c0_i32 = arith.constant 0 : i32
    %c0_i32_0 = arith.constant 0 : i32
    return %arg0, %c0_i32 : i32, i32
  }
}

</mosaic_0001>

<sc_bundles>
// kernel: kernel.11.cloned.1.call-start
scs
__scs_entry_jumppad:
0x0: {  	(pc) =	sbr.rel $0x88, $3  }
0x1: {  	(tag) =	ssettag $0x0;
	lr =	simm.s32 $0x1  }
0x2: {  	[smem:$0x3F9B] =	sst lr;
	_ =	strace $0xD0000000  }
0x3: {  	_ = 	snop  }
0x4: {  	_ = 	snop  }
0x5: {  	_ = 	snop  }
0x6: {  	_ = 	snop  }
0x7: {  	_ = 	snop  }
__scs_overlays_trampoline_lowered:
0x8: {  	[smem:$0x3FAA] =	sst s0  }
0x9: {  	[smem:$0x3FAB] =	sst s1  }
0xa: {  	[smem:$0x3FAC] =	sst s2  }
0xb: {  	[smem:$0x3FAD] =	sst s3  }
0xc: {  	[smem:$0x3FAE] =	sst s4  }
0xd: {  	[smem:$0x3FAF] =	sst s5  }
0xe: {  	[smem:$0x3FB0] =	sst s6  }
0xf: {  	[smem:$0x3FB1] =	sst s7  }
0x10: {  	[smem:$0x3FB2] =	sst s8  }
0x11: {  	[smem:$0x3FB3] =	sst s9;
	s0 =	simm.s32 @!p0 $0x0  }
0x12: {  	s1 =	sld [smem:$0x3F99];
	s0 =	simm.s32 @p0 $0x1  }
0x13: {  	[smem:$0x3FB4] =	sst s0;
	s0 =	simm.s32 @!p1 $0x0  }
0x14: {  	s2 =	sld [smem:$0x3F98];
	s0 =	simm.s32 @p1 $0x1  }
0x15: {  	[smem:$0x3FB5] =	sst s0;
	s0 =	simm.s32 @!p2 $0x0  }
0x16: {  	s3 =	sld [smem:$0x3FDB];
	s0 =	simm.s32 @p2 $0x1  }
0x17: {  	s4 =	simm.s32 $0x1BF5;
	[smem:$0x3FB7] =	sst s0  }
0x18: {  	s0 =	sld [smem:$0x3F9A];
	_ =	swait.ge [sflag:s4], $0x0  }
0x19: {  	s7 =	sld [smem:$0x3F9B]  }
0x1a: {  	s8 =	sadd.s32 $0xFFFFE003, lr  }
0x1b: {  	s9 =	sadd.s32 $0xFFFFFEF7, lr;
	s5 =	simm.s32 $0xFFFFFFFF;
	p2 =	slt.u32 s8, $0xFFFFF086  }
0x1c: {  	p1 =	slt.u32 s9, $0xF7A;
	s5 =	simm.s32 @!p2 $0x0  }
0x1d: {  	s5 =	simm.s32 @p1 $0x1;
	p0 =	seq.s32 s7, s2  }
0x1e: {  	s7 =	smul.u32 @!p0 $0xF7A, s2;
	p2 =	seq.s32 @!p0 s5, $0x0  }
0x1f: {  	s9 =	smul.u32 $0xF7A, s1;
	s8 =	simm.s32 @!p0 $0x1BF5;
	p2 =	por !p2, p0  }
0x20: {  	[sflag:s8] =	ssyncset.s32 @!p0 $0xFFFFF086;
	s6 =	sadd.s32 @!p0 s3, s7;
	s7 =	simm.s32 @!p0 $0x108  }
0x21: {  	s3 =	sadd.s32 s3, s9;
	s6 =	sadd.s32 @!p0 $0x88, s6;
	s7 =	simm.s32 @p2 $0x1082  }
0x22: {  	[simem:s7], [sflag:s8] =	dma.local @!p0 [hbm:s6], $0xF7A  }
0x23: {  	s9 =	sor.u32 $0xD0000000, s2;
	s6 =	simm.s32 $0x108;
	_ =	swait.ge @!p0 [sflag:s8], $0x0  }
0x24: {  	s3 =	sadd.s32 $0x88, s3;
	s6 =	simm.s32 @!p1 $0x1082;
	[sflag:s4] =	ssyncset.s32 $0xFFFFF086  }
0x25: {  	[simem:s6], [sflag:s4] =	dma.local [hbm:s3], $0xF7A  }
0x26: {  	[smem:$0x3F9B] =	sst s1;
	(tag) =	ssettag s2;
	_ =	strace s9  }
0x27: {  	s1 =	sld [smem:$0x3FAB]  }
0x28: {  	s2 =	sld [smem:$0x3FAC]  }
0x29: {  	s4 =	sld [smem:$0x3FAE]  }
0x2a: {  	p0 =	seq.s32 s5, $0x0;
	s5 =	sld [smem:$0x3FAF]  }
0x2b: {  	s6 =	sld [smem:$0x3FB0]  }
0x2c: {  	s7 =	sld [smem:$0x3FB1]  }
0x2d: {  	s3 =	simm.s32 $0x108;
	s8 =	sld [smem:$0x3FB2]  }
0x2e: {  	s3 =	simm.s32 @!p0 $0x1082;
	s9 =	sld [smem:$0x3FB3]  }
0x2f: {  	lr =	sadd.s32 s0, s3;
	s0 =	sld [smem:$0x3FAA]  }
0x30: {  	s3 =	sld [smem:$0x3FAD]  }
0x31: {  	[smem:$0x3FB6] =	sst s10  }
0x32: {  	s10 =	sld [smem:$0x3FB4];
	_ =	sdelay $0x3  }
0x33: {  	p0 =	seq.s32 s10, $0x1;
	s10 =	sld [smem:$0x3FB6];
	_ =	sdelay $0x3  }
0x34: {  	[smem:$0x3FB6] =	sst s10  }
0x35: {  	s10 =	sld [smem:$0x3FB5];
	_ =	sdelay $0x3  }
0x36: {  	p1 =	seq.s32 s10, $0x1;
	s10 =	sld [smem:$0x3FB6];
	_ =	sdelay $0x3  }
0x37: {  	[smem:$0x3FB6] =	sst s10  }
0x38: {  	s10 =	sld [smem:$0x3FB7]  }
0x39: {  	_ = 	snop;
	(pc) =	sbr.ind lr, $3  }
0x3a: {  	_ = 	snop  }
0x3b: {  	_ = 	snop  }
0x3c: {  	p2 =	seq.s32 s10, $0x1;
	s10 =	sld [smem:$0x3FB6]  }
0x3d: {  	_ =	shalt  }
0x3e: {  	_ =	shalt  }
0x3f: {  	_ =	shalt  }
0x40: {  	_ =	shalt  }
0x41: {  	_ =	shalt  }
0x42: {  	_ =	shalt  }
0x43: {  	_ =	shalt  }
0x44: {  	_ =	shalt  }
0x45: {  	_ =	shalt  }
0x46: {  	_ =	shalt  }
0x47: {  	_ =	shalt  }
0x48: {  	_ =	shalt  }
0x49: {  	_ =	shalt  }
0x4a: {  	_ =	shalt  }
0x4b: {  	_ =	shalt  }
0x4c: {  	_ =	shalt  }
0x4d: {  	_ =	shalt  }
0x4e: {  	_ =	shalt  }
0x4f: {  	_ =	shalt  }
0x50: {  	_ =	shalt  }
0x51: {  	_ =	shalt  }
0x52: {  	_ =	shalt  }
0x53: {  	_ =	shalt  }
0x54: {  	_ =	shalt  }
0x55: {  	_ =	shalt  }
0x56: {  	_ =	shalt  }
0x57: {  	_ =	shalt  }
0x58: {  	_ =	shalt  }
0x59: {  	_ =	shalt  }
0x5a: {  	_ =	shalt  }
0x5b: {  	_ =	shalt  }
0x5c: {  	_ =	shalt  }
0x5d: {  	_ =	shalt  }
0x5e: {  	_ =	shalt  }
0x5f: {  	_ =	shalt  }
0x60: {  	_ =	shalt  }
0x61: {  	_ =	shalt  }
0x62: {  	_ =	shalt  }
0x63: {  	_ =	shalt  }
0x64: {  	_ =	shalt  }
0x65: {  	_ =	shalt  }
0x66: {  	_ =	shalt  }
0x67: {  	_ =	shalt  }
0x68: {  	_ =	shalt  }
0x69: {  	_ =	shalt  }
0x6a: {  	_ =	shalt  }
0x6b: {  	_ =	shalt  }
0x6c: {  	_ =	shalt  }
0x6d: {  	_ =	shalt  }
0x6e: {  	_ =	shalt  }
0x6f: {  	_ =	shalt  }
0x70: {  	_ =	shalt  }
0x71: {  	_ =	shalt  }
0x72: {  	_ =	shalt  }
0x73: {  	_ =	shalt  }
0x74: {  	_ =	shalt  }
0x75: {  	_ =	shalt  }
0x76: {  	_ =	shalt  }
0x77: {  	_ =	shalt  }
0x78: {  	_ =	shalt  }
0x79: {  	_ =	shalt  }
0x7a: {  	_ =	shalt  }
0x7b: {  	_ =	shalt  }
0x7c: {  	_ =	shalt  }
0x7d: {  	_ =	shalt  }
0x7e: {  	_ =	shalt  }
0x7f: {  	_ =	shalt  }
0x80: {  	_ =	shalt  }
0x81: {  	_ =	shalt  }
0x82: {  	_ =	shalt  }
0x83: {  	_ =	shalt  }
0x84: {  	_ =	shalt  }
0x85: {  	_ =	shalt  }
0x86: {  	_ =	shalt  }
0x87: {  	_ =	shalt  }
.Lfunc_end0:
.L_simem_size_0:
called_computation.1_lowered:
.L_overlay_start_0:
0x88: {  	s2 =	sld [smem:$0x3FD9]  }
0x89: {  	s3 =	sld [smem:$0x3FFE];
	_ =	sdelay $0x1  }
0x8a: {  	s1 =	srdreg.scid  }
0x8b: {  	s0 =	sand.u32 $0x1, s1  }
0x8c: {  	s17 =	sshll.u32 s0, $0xA;
	s2 =	sadd.s32 s3, s2  }
0x8d: {  	s2 =	sadd.s32 s2, s17  }
0x8e: {  	[smem:$0x3FC2] =	sst s2  }
0x8f: {  	_ = 	snop  }
0x90: {  	s2 =	sld [smem:$0x3FD0];
	(tm) =	ssettm $0x1  }
0x91: {  	s18 =	sld [smem:$0x3FFB];
	_ =	sdelay $0x3  }
0x92: {  	_ =	strace s18  }
0x93: {  	s3 =	sld [smem:$0x3FFC];
	_ =	sdelay $0x3  }
0x94: {  	_ =	strace s3  }
0x95: {  	s3 =	sld [smem:$0x3FFD];
	_ =	sdelay $0x3  }
0x96: {  	_ =	strace s3  }
0x97: {  	_ =	strace $0x8FFFFFFF  }
0x98: {  	s19 =	sld [smem:$0x3FDB];
	_ =	sdelay $0x1  }
0x99: {  	s4 =	simm.s32 $_scs_section_size  }
0x9a: {  	s5 =	simm.s32 $_size__tile_overlayer_lowered;
	s6 =	simm.s32 $_tile_overlayer_lowered  }
0x9b: {  	s22 =	simm.s32 $0x1BFF;
	s21 =	sshll.u32 s6, $0x1;
	s3 =	sadd.s32 s4, s19  }
0x9c: {  	s7 =	simm.s32 $0x0;
	s20 =	sshll.u32 s5, $0x1;
	s5 =	sadd.s32 s21, s3  }
0x9d: {  	[timem:s7], [sflag:s22] =	dma.local [hbm:s5], s20  }
0x9e: {  	_ =	swait.ge [sflag:s22], s20  }
0x9f: {  	s4 =	ssub.s32 $0x0, s20;
	[sflag:s22] =	ssyncset.done $0x0  }
0xa0: {  	[sflag:s22] =	ssyncadd.s32 s4;
	_ =	sdelay $0x1  }
0xa1: {  	s23 =	simm.s32 $0x1B8B  }
0xa2: {  	_ =	swait.ge [sflag:s23], $0x1  }
0xa3: {  	[sflag:s23] =	ssyncset.done $0x0  }
0xa4: {  	s25 =	simm.s32 $0x1B8E;
	s24 =	sld [smem:$0x3FFE];
	[sflag:s23] =	ssyncadd.s32 $0xFFFFFFFF  }
0xa5: {  	s26 =	simm.s32 $execute0_lowered;
	[smem:$0x3FD2] =	sst s25  }
0xa6: {  	s5 =	sshll.u32 s26, $0x1;
	_ =	strace $0x80000049;
	[dreg:$0x1] =	wrdreg $0xFFFFFFFF  }
0xa7: {  	s28 =	simm.s32 $_size_execute0_lowered;
	s3 =	sadd.s32 s3, s5;
	[dreg:$0x0] =	wrdreg $0x0  }
0xa8: {  	s5 =	sshll.u32 s28, $0x1;
	[dreg:$0x2] =	wrdreg s3  }
0xa9: {  	[dreg:$0x3] =	wrdreg s5  }
0xaa: {  	[dreg:$0x4] =	wrdreg $0xC0  }
0xab: {  	_ =	task [dreg:s7], $0x5FFFF  }
0xac: {  	[dreg:$0x1] =	wrdreg $0xFFFFFFFF  }
0xad: {  	[dreg:$0x0] =	wrdreg $0x60  }
0xae: {  	[dreg:$0x2] =	wrdreg s2  }
0xaf: {  	[dreg:$0x3] =	wrdreg s24  }
0xb0: {  	[dreg:$0x4] =	wrdreg $0x111400  }
0xb1: {  	[dreg:$0x5] =	wrdreg $0x9  }
0xb2: {  	_ =	task.clear_ibuf [dreg:s7], $0x6FFFF;
	_ =	strace $0x90000049  }
0xb3: {  	s29 =	simm.s32 $0x9;
	_ =	strace $0x8000004B  }
0xb4: {  	_ =	swait.ge [sflag:s29], $0x1  }
0xb5: {  	[sflag:s29] =	ssyncadd.s32 $0xFFFFFFFF  }
0xb6: {  	_ =	strace $0x9000004B  }
0xb7: {  	_ =	sfence  }
0xb8: {  	s30 =	sld [smem:$0x0];
	_ =	sdelay $0x2  }
0xb9: {  	s31 =	sshll.u32 s1, $0xD;
	s1 =	sshrl.u32 s1, $0x2  }
0xba: {  	s3 =	sand.u32 $0x4000, s31;
	s1 =	sadd.s32 s1, s30  }
0xbb: {  	s0 =	sor.u32 s3, s0;
	s1 =	sshll.u32 s1, $0x11  }
0xbc: {  	s0 =	sor.u32 s1, s0  }
0xbd: {  	s0 =	sadd.s32 $0x8F2B, s0  }
0xbe: {  	[sflag:s0] =	ssyncadd.remote.s32 $0x1  }
0xbf: {  	_ =	sfence.sel $0xFFFF  }
0xc0: {  	[dreg:$0x0] =	wrdreg $0xFFFFFFFF;
	(pc) =	sbr.abs _section_cstart, $3  }
0xc1: {  	[dreg:$0x1] =	wrdreg $0xFFFFFFFF  }
0xc2: {  	_ =	task.clear_ibuf [dreg:s7], $0x2FFFF;
	_ =	strace $0x9FFFFFFF  }
0xc3: {  	(tm) =	ssettm $0x7FFFFFFF  }
tec
execute0_lowered:
.L_overlay_start_1:
0x0: {  	(tag) =	ssettag $0x1  }
0x1: {  	s0 =	rddreg [dreg:$0x0]  }
0x2: {  	s1 =	rddreg [dreg:$0x1]  }
0x3: {  	s2 =	rddreg [dreg:$0x2]  }
0x4: {  	s3 =	simm.s32 $0x0;
	s16 =	stileid.u32;
	s5 =	srdreg.scid  }
0x5: {  	s29 =	simm.s32 $0x80;
	[smem:$0x7FF] =	sst s3;
	s4 =	smul.u32 $0x4E20, s16  }
0x6: {  	s5 =	sand.u32 $0x1, s5;
	s6 =	smul.u32 $0x9C00, s16;
	s8 =	sadd.s32 $0xB600, s1  }
0x7: {  	s21 =	sadd.s32 $0x9C000, s2;
	p0 =	sne.s32 s16, $0xF;
	_ =	strace $0x8000004A  }
0x8: {  	s9 =	ssub.s32 $0x2, s5;
	s5 =	smul.u32 $0x9C400, s5;
	[dreg:$0x9] =	wrdreg s21  }
0x9: {  	s21 =	smul.u32 $0x9C4, s16;
	s4 =	sshrl.u32 s4, $0x3;
	s10 =	sshrl.u32 s9, $0x1  }
0xa: {  	s11 =	sadd.s32 $0x2000, s6;
	s25 =	sadd.s32 s6, s2;
	s20 =	sadd.s32 $0x4000, s6  }
0xb: {  	s13 =	sadd.s32 $0x6000, s6;
	s14 =	sadd.s32 $0x8000, s6;
	s7 =	sadd.s32 s4, s1  }
0xc: {  	s1 =	sadd.s32 $0x63600, s1;
	s9 =	ssub.s32 s9, s10;
	s28 =	sadd.s32 s11, s2  }
0xd: {  	s30 =	sadd.s32 s20, s2;
	s31 =	sadd.s32 s13, s2;
	s12 =	sadd.s32 s14, s2  }
0xe: {  	s15 =	sshrl.u32 s5, $0x3;
	s24 =	sadd.s32 s6, s5;
	s26 =	sadd.s32 s5, s11  }
0xf: {  	s10 =	sadd.s32 s5, s20;
	s17 =	sadd.s32 s5, s13;
	[dreg:$0x4] =	wrdreg s25  }
0x10: {  	s19 =	sadd.s32 s5, s14;
	s14 =	simm.s32 $0x1;
	[dreg:$0x8] =	wrdreg s12  }
0x11: {  	s5 =	simm.s32 $0x9;
	s7 =	sadd.s32 $0x1800, s7;
	[dreg:$0x5] =	wrdreg s28  }
0x12: {  	s12 =	sadd.s32 s0, s15;
	s0 =	sshrl.u32 s24, $0x3;
	[dreg:$0x6] =	wrdreg s30  }
0x13: {  	s6 =	sshrl.u32 s26, $0x3;
	s11 =	sshrl.u32 s10, $0x3;
	[dreg:$0x7] =	wrdreg s31  }
0x14: {  	s18 =	sshrl.u32 s17, $0x3;
	s24 =	smax.u32 s9, $0x1;
	[dreg:$0xa] =	wrdreg s7  }
0x15: {  	s20 =	sshrl.u32 s19, $0x3;
	s0 =	sadd.s32 s1, s0;
	[dreg:$0x16] =	wrdreg s24  }
0x16: {  	s26 =	sadd.s32 s21, s8;
	s7 =	sadd.s32 s8, s4;
	[dreg:$0xf] =	wrdreg s0  }
0x17: {  	s19 =	simm.s32 $0xE;
	s22 =	sadd.s32 $0x10, s7;
	[dreg:$0xb] =	wrdreg s7  }
0x18: {  	s17 =	simm.s32 $0x5020;
	s23 =	sadd.s32 $0x20, s7;
	[dreg:$0xc] =	wrdreg s22  }
0x19: {  	s24 =	simm.s32 $0x7;
	s4 =	sadd.s32 $0x30, s7;
	[dreg:$0xd] =	wrdreg s23  }
0x1a: {  	s8 =	simm.s32 $0xA;
	s0 =	sadd.s32 s1, s6;
	[dreg:$0xe] =	wrdreg s4  }
0x1b: {  	s6 =	simm.s32 $0x6;
	[dreg:$0x10] =	wrdreg s0;
	s0 =	sadd.s32 s1, s11  }
0x1c: {  	s22 =	sadd.s32 s1, s15;
	s23 =	sadd.s32 $0x9C0, s7;
	s15 =	simm.s32 $0xD  }
0x1d: {  	s11 =	simm.s32 $0x5;
	s4 =	simm.s32 $0x11;
	[dreg:$0x11] =	wrdreg s0  }
.Ltmp0:
0x1e: {  	s0 =	sadd.s32 s1, s18;
	[dreg:$0x14] =	wrdreg s23;
	(pc) =	sbr.rel .LBB2_1-.Ltmp0, $4  }
0x1f: {  	s7 =	simm.s32 $0x12;
	[dreg:$0x12] =	wrdreg s0;
	s0 =	sadd.s32 s1, s20  }
0x20: {  	s18 =	simm.s32 $0x2;
	[dreg:$0x13] =	wrdreg s0;
	s0 =	sadd.s32 $0x13800, s22  }
0x21: {  	s23 =	simm.s32 $0xF;
	[dreg:$0x15] =	wrdreg s0;
	s0 =	sadd.s32 $0x90, s26  }
0x22: {  	v0 =	vimm.f32 $0.0e+00;
	s22 =	simm.s32 $0x3;
	[dreg:$0x17] =	wrdreg s0;
	s0 =	simm.s32 $0x0  }
.LBB2_6:
0x23: {  	_ =	swait.ge [sflag:s6], $0x2000  }
0x24: {  	[sflag:s6] =	ssyncset.done $0x0  }
0x25: {  	[sflag:s6] =	ssyncadd.s32 $0xFFFFE000  }
0x26: {  	_ =	swait.ge [sflag:s7], $0x80  }
0x27: {  	[sflag:s7] =	ssyncset.done $0x0  }
0x28: {  	[sflag:s7] =	ssyncadd.s32 $0xFFFFFF80  }
0x29: {  	[spmem:s2] =	stream.indirect.scatter.add.f32 [tilespmem:s21], [sflag:$0xC], $0x40, s16, s29, $0xb8;
	[tilespmem:$0x1AD80] =	vst v63  }
0x2a: {  	_ =	swait.ge [sflag:s8], $0x2000  }
0x2b: {  	[sflag:s8] =	ssyncset.done $0x0  }
0x2c: {  	s16 =	simm.s32 $0xB;
	[sflag:s8] =	ssyncadd.s32 $0xFFFFE000  }
0x2d: {  	_ =	swait.ge [sflag:s16], $0x2000  }
0x2e: {  	[sflag:s16] =	ssyncset.done $0x0  }
0x2f: {  	s0 =	simm.s32 $0xC;
	[sflag:s16] =	ssyncadd.s32 $0xFFFFE000  }
0x30: {  	_ =	swait.ge [sflag:s0], $0x2000  }
0x31: {  	s1 =	simm.s32 $0x11120;
	[sflag:s0] =	ssyncset.done $0x0  }
0x32: {  	s26 =	simm.s32 $0x13;
	s9 =	rddreg [dreg:$0x14];
	[sflag:s0] =	ssyncadd.s32 $0xFFFFE000  }
0x33: {  	[tilespmem:s1], [sflag:$0x13] =	stream.linear.gather [hbm4b:s9+s3], $0x20, $0x38;
	[tilespmem:$0x1AD80] =	vst v63  }
0x34: {  	_ =	swait.ge [sflag:s26], $0x20  }
0x35: {  	s10 =	simm.s32 $0x20;
	[sflag:s26] =	ssyncset.done $0x0  }
0x36: {  	s13 =	simm.s32 $0x4E00;
	s0 =	simm.s32 $0x5120;
	[sflag:s26] =	ssyncadd.s32 $0xFFFFFFE0  }
0x37: {  	[tilespmem:s0], [sflag:$0x1] =	stream.indirect.gather [hbm4b:s12+s10], $0x40, s13, s10, $0xb8;
	[tilespmem:$0x1AD80] =	vst v63  }
0x38: {  	_ =	swait.ge [sflag:s14], $0x800  }
0x39: {  	[sflag:s14] =	ssyncset.done $0x0  }
0x3a: {  	[sflag:s14] =	ssyncadd.s32 $0xFFFFF800  }
0x3b: {  	[spmem:s2] =	stream.indirect.scatter.add.f32 [tilespmem:s0], [sflag:$0x13], $0x40, s1, s10, $0xb8;
	[tilespmem:$0x1AD80] =	vst v63  }
0x3c: {  	_ =	swait.ge [sflag:s26], $0x800  }
0x3d: {  	[sflag:s26] =	ssyncset.done $0x0  }
0x3e: {  	[sflag:s26] =	ssyncadd.s32 $0xFFFFF800  }
0x3f: {  	[bflag:$0x0] =	sbarrier.arrive $0xFFFF  }
0x40: {  	s25 =	rddreg [dreg:$0x4]  }
0x41: {  	[tilespmem:s0], [sflag:$0x1] =	stream.linear.gather [spmem:s25], $0x2000, $0x38;
	[tilespmem:$0x1AD80] =	vst v63  }
0x42: {  	s10 =	simm.s32 $0x7120;
	s28 =	rddreg [dreg:$0x5]  }
0x43: {  	[tilespmem:s10], [sflag:$0x2] =	stream.linear.gather [spmem:s28], $0x2000, $0x38;
	[tilespmem:$0x1AD80] =	vst v63  }
0x44: {  	s30 =	rddreg [dreg:$0x6]  }
0x45: {  	[tilespmem:s20], [sflag:$0x3] =	stream.linear.gather [spmem:s30], $0x2000, $0x38;
	[tilespmem:$0x1AD80] =	vst v63  }
0x46: {  	s1 =	simm.s32 $0xB120;
	s31 =	rddreg [dreg:$0x7]  }
0x47: {  	[tilespmem:s1], [sflag:$0x4] =	stream.linear.gather [spmem:s31], $0x2000, $0x38;
	[tilespmem:$0x1AD80] =	vst v63  }
0x48: {  	s13 =	simm.s32 $0xD120;
	s21 =	rddreg [dreg:$0x8]  }
0x49: {  	[tilespmem:s13], [sflag:$0x5] =	stream.linear.gather [spmem:s21], $0x1C00, $0x38;
	[tilespmem:$0x1AD80] =	vst v63  }
0x4a: {  	_ =	swait.ge [sflag:s14], $0x2000  }
0x4b: {  	[sflag:s14] =	ssyncset.done $0x0  }
0x4c: {  	s26 =	rddreg [dreg:$0xf];
	[sflag:s14] =	ssyncadd.s32 $0xFFFFE000  }
0x4d: {  	[hbm4b:s26+s3] =	stream.linear.scatter [tilespmem:s0], [sflag:$0x7], $0x2000, $0x38;
	[tilespmem:$0x1AD80] =	vst v63  }
0x4e: {  	_ =	swait.ge [sflag:s18], $0x2000  }
0x4f: {  	[sflag:s18] =	ssyncset.done $0x0  }
0x50: {  	s0 =	rddreg [dreg:$0x10];
	[sflag:s18] =	ssyncadd.s32 $0xFFFFE000  }
0x51: {  	[hbm4b:s0+s3] =	stream.linear.scatter [tilespmem:s10], [sflag:$0x8], $0x2000, $0x38;
	[tilespmem:$0x1AD80] =	vst v63  }
0x52: {  	_ =	swait.ge [sflag:s22], $0x2000  }
0x53: {  	[sflag:s22] =	ssyncset.done $0x0  }
0x54: {  	s26 =	simm.s32 $0x4;
	s21 =	rddreg [dreg:$0x11];
	[sflag:s22] =	ssyncadd.s32 $0xFFFFE000  }
0x55: {  	[hbm4b:s21+s3] =	stream.linear.scatter [tilespmem:s20], [sflag:$0x9], $0x2000, $0x38;
	[tilespmem:$0x1AD80] =	vst v63  }
0x56: {  	_ =	swait.ge [sflag:s26], $0x2000  }
0x57: {  	[sflag:s26] =	ssyncset.done $0x0  }
0x58: {  	s0 =	rddreg [dreg:$0x12];
	[sflag:s26] =	ssyncadd.s32 $0xFFFFE000  }
0x59: {  	[hbm4b:s0+s3] =	stream.linear.scatter [tilespmem:s1], [sflag:$0xA], $0x2000, $0x38;
	[tilespmem:$0x1AD80] =	vst v63  }
0x5a: {  	_ =	swait.ge [sflag:s11], $0x1C00  }
0x5b: {  	[sflag:s11] =	ssyncset.done $0x0  }
0x5c: {  	s10 =	rddreg [dreg:$0x13];
	[sflag:s11] =	ssyncadd.s32 $0xFFFFE400  }
0x5d: {  	[hbm4b:s10+s3] =	stream.linear.scatter [tilespmem:s13], [sflag:$0xB], $0x1C00, $0x38;
	[tilespmem:$0x1AD80] =	vst v63  }
0x5e: {  	s9 =	simm.s32 @!p0 $0xF120;
	s10 =	rddreg [dreg:$0x9]  }
0x5f: {  	[tilespmem:s9], [sflag:$0x13] =	stream.linear.gather @!p0 [spmem:s10], $0x400, $0x38;
	[tilespmem:$0x1AD80] =	vst v63  }
0x60: {  	s10 =	simm.s32 @!p0 $0x13  }
0x61: {  	_ =	swait.ge @!p0 [sflag:s10], $0x400  }
0x62: {  	[sflag:s10] =	ssyncset.done @!p0 $0x0  }
0x63: {  	s13 =	simm.s32 @!p0 $0x0;
	s26 =	rddreg [dreg:$0x15];
	[sflag:s10] =	ssyncadd.s32 @!p0 $0xFFFFFC00  }
0x64: {  	[hbm4b:s26+s13] =	stream.linear.scatter @!p0 [tilespmem:s9], [sflag:$0x13], $0x400, $0x38;
	[tilespmem:$0x1AD80] =	vst v63  }
0x65: {  	_ =	swait.ge @!p0 [sflag:s10], $0x400  }
0x66: {  	[sflag:s10] =	ssyncset.done @!p0 $0x0  }
0x67: {  	[sflag:s10] =	ssyncadd.s32 @!p0 $0xFFFFFC00  }
0x68: {  	_ =	swait.ge [sflag:s24], $0x2000  }
0x69: {  	[sflag:s24] =	ssyncset.done $0x0  }
0x6a: {  	s20 =	simm.s32 $0x8;
	[sflag:s24] =	ssyncadd.s32 $0xFFFFE000  }
0x6b: {  	_ =	swait.ge [sflag:s20], $0x2000  }
0x6c: {  	[sflag:s20] =	ssyncset.done $0x0  }
0x6d: {  	[sflag:s20] =	ssyncadd.s32 $0xFFFFE000  }
0x6e: {  	_ =	swait.ge [sflag:s5], $0x2000  }
0x6f: {  	[sflag:s5] =	ssyncset.done $0x0  }
0x70: {  	[sflag:s5] =	ssyncadd.s32 $0xFFFFE000  }
0x71: {  	_ =	swait.ge [sflag:s8], $0x2000  }
0x72: {  	[sflag:s8] =	ssyncset.done $0x0  }
0x73: {  	[sflag:s8] =	ssyncadd.s32 $0xFFFFE000  }
0x74: {  	_ =	swait.ge [sflag:s16], $0x1C00  }
0x75: {  	s21 =	rddreg [dreg:$0x18]  }
0x76: {  	s26 =	rddreg [dreg:$0x16];
	s0 =	sadd.s32 $0x1, s21  }
0x77: {  	p1 =	sne.s32 s0, s26  }
.Ltmp1:
0x78: {  	_ = 	snop;
	(pc) =	sbr.rel @!p1 .LBB2_7-.Ltmp1, $3  }
0x79: {  	_ =	sdelay $0x1  }
0x7a: {  	[sflag:s16] =	ssyncset.done $0x0  }
0x7b: {  	[sflag:s16] =	ssyncadd.s32 $0xFFFFE400  }
.LBB2_1:
0x7c: {  	[dreg:$0x18] =	wrdreg s0;
	s10 =	simm.s32 $0x100;
	s9 =	simm.s32 $0x0  }
.LBB2_2:
0x7d: {  	p1 =	sne.s32 s10, $0x7F00;
	[tilespmem:s9+$0x5150] =	vst v0;
	s26 =	smov.u32 s10;
	s10 =	sadd.s32 $0x100, s10  }
.Ltmp2:
0x7e: {  	[tilespmem:s9+$0x5140] =	vst v0;
	(pc) =	sbr.rel @p1 .LBB2_2-.Ltmp2, $3  }
0x7f: {  	[tilespmem:s9+$0x5120] =	vst v0  }
0x80: {  	[tilespmem:s9+$0x5130] =	vst v0;
	_ =	sdelay $0x1  }
0x81: {  	s9 =	sshra.s32 s26, $0x2  }
0x82: {  	[tilespmem:s9+$0x5150] =	vst v0  }
0x83: {  	[tilespmem:s9+$0x5140] =	vst v0  }
0x84: {  	[tilespmem:s9+$0x5120] =	vst v0  }
0x85: {  	[tilespmem:s9+$0x5130] =	vst v0;
	s13 =	simm.s32 $0x5120;
	s0 =	simm.s32 $0x13  }
0x86: {  	[spmem:s25] =	stream.linear.scatter [tilespmem:s13], [sflag:$0x13], $0x2000, $0x38;
	[tilespmem:$0x1AD80] =	vst v63  }
0x87: {  	_ =	swait.ge [sflag:s0], $0x2000  }
0x88: {  	[sflag:s0] =	ssyncset.done $0x0  }
0x89: {  	[sflag:s0] =	ssyncadd.s32 $0xFFFFE000  }
0x8a: {  	[spmem:s28] =	stream.linear.scatter [tilespmem:s13], [sflag:$0x13], $0x2000, $0x38;
	[tilespmem:$0x1AD80] =	vst v63  }
0x8b: {  	_ =	swait.ge [sflag:s0], $0x2000  }
0x8c: {  	[sflag:s0] =	ssyncset.done $0x0  }
0x8d: {  	[sflag:s0] =	ssyncadd.s32 $0xFFFFE000  }
0x8e: {  	[spmem:s30] =	stream.linear.scatter [tilespmem:s13], [sflag:$0x13], $0x2000, $0x38;
	[tilespmem:$0x1AD80] =	vst v63  }
0x8f: {  	_ =	swait.ge [sflag:s0], $0x2000  }
0x90: {  	[sflag:s0] =	ssyncset.done $0x0  }
0x91: {  	[sflag:s0] =	ssyncadd.s32 $0xFFFFE000  }
0x92: {  	[spmem:s31] =	stream.linear.scatter [tilespmem:s13], [sflag:$0x13], $0x2000, $0x38;
	[tilespmem:$0x1AD80] =	vst v63  }
0x93: {  	_ =	swait.ge [sflag:s0], $0x2000  }
0x94: {  	[sflag:s0] =	ssyncset.done $0x0  }
0x95: {  	s26 =	rddreg [dreg:$0x8];
	[sflag:s0] =	ssyncadd.s32 $0xFFFFE000  }
0x96: {  	[spmem:s26] =	stream.linear.scatter [tilespmem:s13], [sflag:$0x13], $0x1C00, $0x38;
	[tilespmem:$0x1AD80] =	vst v63  }
0x97: {  	_ =	swait.ge [sflag:s0], $0x1C00  }
0x98: {  	[sflag:s0] =	ssyncset.done $0x0  }
0x99: {  	s9 =	simm.s32 @!p0 $0x5120;
	s10 =	rddreg [dreg:$0x9];
	[sflag:s0] =	ssyncadd.s32 $0xFFFFE400  }
0x9a: {  	[spmem:s10] =	stream.linear.scatter @!p0 [tilespmem:s9], [sflag:$0x13], $0x400, $0x38;
	[tilespmem:$0x1AD80] =	vst v63  }
0x9b: {  	s9 =	simm.s32 @!p0 $0x13  }
0x9c: {  	_ =	swait.ge @!p0 [sflag:s9], $0x400  }
0x9d: {  	[sflag:s9] =	ssyncset.done @!p0 $0x0  }
0x9e: {  	s28 =	rddreg [dreg:$0xa];
	[sflag:s9] =	ssyncadd.s32 @!p0 $0xFFFFFC00;
	s9 =	simm.s32 $0x0  }
0x9f: {  	[tilespmem:s9], [sflag:$0x13] =	stream.linear.gather [hbm4b:s28+s9], $0x4E20, $0x38;
	[tilespmem:$0x1AD80] =	vst v63  }
0xa0: {  	_ =	swait.ge [sflag:s0], $0x4E20  }
0xa1: {  	[sflag:s0] =	ssyncset.done $0x0  }
0xa2: {  	[sflag:s0] =	ssyncadd.s32 $0xFFFFB1E0  }
0xa3: {  	[bflag:$0x0] =	sbarrier.arrive $0xFFFF  }
0xa4: {  	s31 =	simm.s32 $0x4E20;
	s30 =	rddreg [dreg:$0xb]  }
0xa5: {  	[tilespmem:s31], [sflag:$0xD] =	stream.linear.gather [hbm4b:s30+s9], $0x80, $0x38;
	[tilespmem:$0x1AD80] =	vst v63  }
0xa6: {  	_ = 	snop  }
0xa7: {  	[tilespmem:s13], [sflag:$0x1] =	stream.indirect.gather [hbm4b:s12+s29], $0x40, s9, s29, $0xb8;
	[tilespmem:$0x1AD80] =	vst v63  }
0xa8: {  	s1 =	simm.s32 $0x4EA0;
	s0 =	rddreg [dreg:$0xc]  }
0xa9: {  	[tilespmem:s1], [sflag:$0xE] =	stream.linear.gather [hbm4b:s0+s9], $0x80, $0x38;
	[tilespmem:$0x1AD80] =	vst v63  }
0xaa: {  	s16 =	simm.s32 $0x7120  }
0xab: {  	[tilespmem:s16], [sflag:$0x2] =	stream.indirect.gather [hbm4b:s12+s29], $0x40, s29, s29, $0xb8;
	[tilespmem:$0x1AD80] =	vst v63  }
0xac: {  	s21 =	simm.s32 $0x9120;
	s25 =	simm.s32 $0x4F20;
	s20 =	rddreg [dreg:$0xd]  }
0xad: {  	[tilespmem:s25], [sflag:$0xF] =	stream.linear.gather [hbm4b:s20+s9], $0x80, $0x38;
	[tilespmem:$0x1AD80] =	vst v63  }
0xae: {  	s28 =	simm.s32 $0x4FA0;
	s26 =	rddreg [dreg:$0xe];
	s1 =	simm.s32 $0x100  }
0xaf: {  	[tilespmem:s21], [sflag:$0x3] =	stream.indirect.gather [hbm4b:s12+s29], $0x40, s1, s29, $0xb8;
	[tilespmem:$0x1AD80] =	vst v63  }
0xb0: {  	s30 =	simm.s32 $0x180;
	s31 =	simm.s32 $0xB120;
	s16 =	simm.s32 $0x50A0  }
0xb1: {  	[tilespmem:s28], [sflag:$0x10] =	stream.linear.gather [hbm4b:s26+s9], $0x80, $0x38;
	[tilespmem:$0x1AD80] =	vst v63  }
0xb2: {  	s1 =	simm.s32 $0x9120;
	s21 =	simm.s32 $0xF120;
	s26 =	rddreg [dreg:$0x17]  }
0xb3: {  	[tilespmem:s31], [sflag:$0x4] =	stream.indirect.gather [hbm4b:s12+s29], $0x40, s30, s29, $0xb8;
	[tilespmem:$0x1AD80] =	vst v63  }
.LBB2_4:
0xb4: {  	_ =	swait.ge [sflag:s14], $0x2000  }
0xb5: {  	[sflag:s14] =	ssyncset.done $0x0  }
0xb6: {  	[sflag:s14] =	ssyncadd.s32 $0xFFFFE000  }
0xb7: {  	_ =	swait.ge [sflag:s15], $0x80  }
0xb8: {  	s10 =	simm.s32 $0x4E20;
	[sflag:s15] =	ssyncset.done $0x0  }
0xb9: {  	s0 =	simm.s32 $0x5120;
	p1 =	seq.s32 s9, $0x0;
	[sflag:s15] =	ssyncadd.s32 $0xFFFFFF80  }
0xba: {  	[spmem:s2] =	stream.indirect.scatter.add.f32 [tilespmem:s0], [sflag:$0x7], $0x40, s10, s29, $0xb8;
	[tilespmem:$0x1AD80] =	vst v63  }
0xbb: {  	s10 =	simm.s32 @!p1 $0xB  }
0xbc: {  	_ =	swait.ge @!p1 [sflag:s10], $0x2000  }
0xbd: {  	[sflag:s10] =	ssyncset.done @!p1 $0x0  }
0xbe: {  	s28 =	sadd.s32 $0xFFFFFFB0, s26;
	[sflag:s10] =	ssyncadd.s32 @!p1 $0xFFFFE000;
	s10 =	sshra.s32 s9, $0x2  }
0xbf: {  	[tilespmem:s17], [sflag:$0x11] =	stream.linear.gather [hbm4b:s28+s3], $0x80, $0x38;
	[tilespmem:$0x1AD80] =	vst v63  }
0xc0: {  	s0 =	simm.s32 $0xD120;
	s28 =	sadd.s32 $0x200, s10  }
0xc1: {  	[tilespmem:s0], [sflag:$0x5] =	stream.indirect.gather [hbm4b:s12+s29], $0x40, s28, s29, $0xb8;
	[tilespmem:$0x1AD80] =	vst v63  }
0xc2: {  	_ =	swait.ge [sflag:s18], $0x2000  }
0xc3: {  	[sflag:s18] =	ssyncset.done $0x0  }
0xc4: {  	[sflag:s18] =	ssyncadd.s32 $0xFFFFE000  }
0xc5: {  	_ =	swait.ge [sflag:s19], $0x80  }
0xc6: {  	s13 =	simm.s32 $0x4EA0;
	[sflag:s19] =	ssyncset.done $0x0  }
0xc7: {  	s20 =	simm.s32 $0x7120;
	s28 =	simm.s32 @!p1 $0xC;
	[sflag:s19] =	ssyncadd.s32 $0xFFFFFF80  }
0xc8: {  	[spmem:s2] =	stream.indirect.scatter.add.f32 [tilespmem:s20], [sflag:$0x8], $0x40, s13, s29, $0xb8;
	[tilespmem:$0x1AD80] =	vst v63  }
0xc9: {  	_ =	swait.ge @!p1 [sflag:s28], $0x2000  }
0xca: {  	[sflag:s28] =	ssyncset.done @!p1 $0x0  }
0xcb: {  	s30 =	sadd.s32 $0xFFFFFFC0, s26;
	[sflag:s28] =	ssyncadd.s32 @!p1 $0xFFFFE000  }
0xcc: {  	[tilespmem:s16], [sflag:$0x12] =	stream.linear.gather [hbm4b:s30+s3], $0x80, $0x38;
	[tilespmem:$0x1AD80] =	vst v63  }
0xcd: {  	s31 =	sadd.s32 $0x280, s10  }
0xce: {  	[tilespmem:s21], [sflag:$0x6] =	stream.indirect.gather [hbm4b:s12+s29], $0x40, s31, s29, $0xb8;
	[tilespmem:$0x1AD80] =	vst v63  }
0xcf: {  	_ =	swait.ge [sflag:s22], $0x2000  }
0xd0: {  	[sflag:s22] =	ssyncset.done $0x0  }
0xd1: {  	[sflag:s22] =	ssyncadd.s32 $0xFFFFE000  }
0xd2: {  	_ =	swait.ge [sflag:s23], $0x80  }
0xd3: {  	[sflag:s23] =	ssyncset.done $0x0  }
0xd4: {  	[sflag:s23] =	ssyncadd.s32 $0xFFFFFF80  }
0xd5: {  	[spmem:s2] =	stream.indirect.scatter.add.f32 [tilespmem:s1], [sflag:$0x9], $0x40, s25, s29, $0xb8;
	[tilespmem:$0x1AD80] =	vst v63  }
0xd6: {  	_ =	swait.ge [sflag:s24], $0x2000  }
0xd7: {  	p1 =	seq.s32 s9, $0x12C00;
	[sflag:s24] =	ssyncset.done $0x0  }
0xd8: {  	s28 =	simm.s32 @p1 $0x4;
	[sflag:s24] =	ssyncadd.s32 $0xFFFFE000  }
0xd9: {  	_ =	swait.ge @p1 [sflag:s28], $0x2000  }
0xda: {  	[sflag:s28] =	ssyncset.done @p1 $0x0  }
0xdb: {  	[sflag:s28] =	ssyncadd.s32 @p1 $0xFFFFE000;
	s28 =	simm.s32 @p1 $0x10  }
0xdc: {  	_ =	swait.ge @p1 [sflag:s28], $0x80  }
0xdd: {  	s30 =	simm.s32 @p1 $0x4FA0;
	[sflag:s28] =	ssyncset.done @p1 $0x0  }
0xde: {  	s13 =	simm.s32 @p1 $0xB120;
	[sflag:s28] =	ssyncadd.s32 @p1 $0xFFFFFF80;
	s28 =	simm.s32 @p1 $0x80  }
0xdf: {  	[spmem:s2] =	stream.indirect.scatter.add.f32 @p1 [tilespmem:s13], [sflag:$0xA], $0x40, s30, s28, $0xb8;
	[tilespmem:$0x1AD80] =	vst v63  }
0xe0: {  	s13 =	simm.s32 @p1 $0x8  }
0xe1: {  	_ =	swait.ge @p1 [sflag:s13], $0x2000  }
0xe2: {  	s28 =	simm.s32 @!p1 $0x0;
	[sflag:s13] =	ssyncset.done @p1 $0x0  }
0xe3: {  	s30 =	simm.s32 @!p1 $0x4E20;
	[sflag:s13] =	ssyncadd.s32 @p1 $0xFFFFE000;
	s13 =	sadd.s32 @!p1 $0xFFFFFFD0, s26  }
0xe4: {  	[tilespmem:s30], [sflag:$0xD] =	stream.linear.gather @!p1 [hbm4b:s13+s28], $0x80, $0x38;
	[tilespmem:$0x1AD80] =	vst v63  }
0xe5: {  	s13 =	sshra.s32 @!p1 s9, $0x2  }
0xe6: {  	s31 =	simm.s32 @!p1 $0x80;
	s25 =	simm.s32 @!p1 $0x5120;
	s30 =	sadd.s32 @!p1 $0x300, s13  }
0xe7: {  	[tilespmem:s25], [sflag:$0x1] =	stream.indirect.gather @!p1 [hbm4b:s12+s31], $0x40, s30, s31, $0xb8;
	[tilespmem:$0x1AD80] =	vst v63  }
0xe8: {  	s25 =	simm.s32 @!p1 $0x4  }
0xe9: {  	_ =	swait.ge @!p1 [sflag:s25], $0x2000  }
0xea: {  	[sflag:s25] =	ssyncset.done @!p1 $0x0  }
0xeb: {  	[sflag:s25] =	ssyncadd.s32 @!p1 $0xFFFFE000;
	s25 =	simm.s32 @!p1 $0x10  }
0xec: {  	_ =	swait.ge @!p1 [sflag:s25], $0x80  }
0xed: {  	[sflag:s25] =	ssyncset.done @!p1 $0x0  }
0xee: {  	s30 =	simm.s32 @!p1 $0xB120;
	[sflag:s25] =	ssyncadd.s32 @!p1 $0xFFFFFF80;
	s25 =	simm.s32 @!p1 $0x4FA0  }
0xef: {  	[spmem:s2] =	stream.indirect.scatter.add.f32 @!p1 [tilespmem:s30], [sflag:$0xA], $0x40, s25, s31, $0xb8;
	[tilespmem:$0x1AD80] =	vst v63  }
0xf0: {  	s25 =	simm.s32 @!p1 $0x8  }
0xf1: {  	_ =	swait.ge @!p1 [sflag:s25], $0x2000  }
0xf2: {  	[sflag:s25] =	ssyncset.done @!p1 $0x0  }
0xf3: {  	s30 =	simm.s32 @!p1 $0x4EA0;
	[sflag:s25] =	ssyncadd.s32 @!p1 $0xFFFFE000;
	s25 =	sadd.s32 @!p1 $0xFFFFFFE0, s26  }
0xf4: {  	[tilespmem:s30], [sflag:$0xE] =	stream.linear.gather @!p1 [hbm4b:s25+s28], $0x80, $0x38;
	[tilespmem:$0x1AD80] =	vst v63  }
0xf5: {  	s13 =	sadd.s32 @!p1 $0x380, s13;
	s25 =	simm.s32 @!p1 $0x7120  }
0xf6: {  	[tilespmem:s25], [sflag:$0x2] =	stream.indirect.gather @!p1 [hbm4b:s12+s31], $0x40, s13, s31, $0xb8;
	[tilespmem:$0x1AD80] =	vst v63  }
0xf7: {  	_ =	swait.ge [sflag:s11], $0x2000  }
0xf8: {  	[sflag:s11] =	ssyncset.done $0x0  }
0xf9: {  	[sflag:s11] =	ssyncadd.s32 $0xFFFFE000  }
0xfa: {  	_ =	swait.ge [sflag:s4], $0x80  }
0xfb: {  	[sflag:s4] =	ssyncset.done $0x0  }
.Ltmp3:
0xfc: {  	[sflag:s4] =	ssyncadd.s32 $0xFFFFFF80;
	(pc) =	sbr.rel @p1 .LBB2_6-.Ltmp3, $4  }
0xfd: {  	[spmem:s2] =	stream.indirect.scatter.add.f32 [tilespmem:s0], [sflag:$0xB], $0x40, s17, s29, $0xb8;
	[tilespmem:$0x1AD80] =	vst v63  }
0xfe: {  	_ =	swait.ge [sflag:s5], $0x2000  }
0xff: {  	s20 =	simm.s32 $0x9120;
	s16 =	simm.s32 $0x50A0;
	[sflag:s5] =	ssyncset.done $0x0  }
0x100: {  	s21 =	simm.s32 $0xF120;
	s1 =	simm.s32 $0x4F20;
	[sflag:s5] =	ssyncadd.s32 $0xFFFFE000  }
0x101: {  	s13 =	sadd.s32 $0xFFFFFFF0, s26  }
0x102: {  	[tilespmem:s1], [sflag:$0xF] =	stream.linear.gather [hbm4b:s13+s3], $0x80, $0x38;
	[tilespmem:$0x1AD80] =	vst v63  }
0x103: {  	s28 =	sadd.s32 $0x400, s10  }
0x104: {  	[tilespmem:s20], [sflag:$0x3] =	stream.indirect.gather [hbm4b:s12+s29], $0x40, s28, s29, $0xb8;
	[tilespmem:$0x1AD80] =	vst v63  }
0x105: {  	_ =	swait.ge [sflag:s6], $0x2000  }
0x106: {  	[sflag:s6] =	ssyncset.done $0x0  }
0x107: {  	[sflag:s6] =	ssyncadd.s32 $0xFFFFE000  }
0x108: {  	_ =	swait.ge [sflag:s7], $0x80  }
0x109: {  	[sflag:s7] =	ssyncset.done $0x0  }
0x10a: {  	s30 =	simm.s32 $0x4FA0;
	[sflag:s7] =	ssyncadd.s32 $0xFFFFFF80  }
0x10b: {  	[spmem:s2] =	stream.indirect.scatter.add.f32 [tilespmem:s21], [sflag:$0xC], $0x40, s16, s29, $0xb8;
	[tilespmem:$0x1AD80] =	vst v63  }
0x10c: {  	s31 =	sadd.s32 $0x480, s10;
	s0 =	simm.s32 $0xB120;
	_ =	swait.ge [sflag:s8], $0x2000  }
.Ltmp4:
0x10d: {  	s9 =	sadd.s32 $0xC00, s9;
	[sflag:s8] =	ssyncset.done $0x0;
	(pc) =	sbr.rel .LBB2_4-.Ltmp4, $4  }
0x10e: {  	s25 =	simm.s32 $0x4F20;
	s1 =	simm.s32 $0x9120;
	[sflag:s8] =	ssyncadd.s32 $0xFFFFE000  }
0x10f: {  	[tilespmem:s30], [sflag:$0x10] =	stream.linear.gather [hbm4b:s26+s3], $0x80, $0x38;
	[tilespmem:$0x1AD80] =	vst v63  }
0x110: {  	s16 =	simm.s32 $0x50A0;
	s21 =	simm.s32 $0xF120;
	s26 =	sadd.s32 $0x60, s26  }
0x111: {  	[tilespmem:s0], [sflag:$0x4] =	stream.indirect.gather [hbm4b:s12+s29], $0x40, s31, s29, $0xb8;
	[tilespmem:$0x1AD80] =	vst v63  }
.LBB2_7:
0x112: {  	_ =	sfence.sel $0x180000  }
0x113: {  	[bflag:$0x0] =	sbarrier.arrive $0xFFFF  }
0x114: {  	_ =	strace $0x9000004A  }
0x115: {  	s0 =	stileid.u32;
	[bflag:$0x2] =	sbarrier.arrive $0xFFFF  }
0x116: {  	p0 =	sne.s32 s0, $0x0;
	s0 =	rddreg [dreg:$0x3]  }
0x117: {  	s0 =	sadd.s32 @!p0 $0x100000, s0  }
0x118: {  	[sflag:s0] =	ssyncadd.tile.s32 @!p0 $0x1;
	_ =	shalt  }
.Lfunc_end2:
_tile_overlayer_lowered:
.L_overlay_start_2:
0x119: {  	(tag) =	ssettag $0x2  }
0x11a: {  	s0 =	rddreg [dreg:$0x0];
	s2 =	stileid.u32  }
0x11b: {  	s1 =	rddreg [dreg:$0x1];
	p0 =	sne.s32 s2, $0x0  }
0x11c: {  	s3 =	rddreg [dreg:$0x2];
	[bflag:$0x3] =	sbarrier.arrive $0xFFFF;
	s2 =	simm.s32 @!p0 $0x1C13  }
0x11d: {  	[timem:s3], [sflag:s2] =	dma.local @!p0 [hbm:s0], s1  }
0x11e: {  	s0 =	simm.s32 @!p0 $0x13  }
0x11f: {  	_ =	swait.ge @!p0 [sflag:s0], s1  }
0x120: {  	s1 =	ssub.s32 @!p0 $0x0, s1;
	[sflag:s0] =	ssyncset.done @!p0 $0x0  }
0x121: {  	[sflag:s0] =	ssyncadd.s32 @!p0 s1  }
0x122: {  	[bflag:$0x3] =	sbarrier.arrive $0xFFFF  }
0x123: {  	_ =	shalt  }

// kernel: kernel.14.cloned.1.call-start
scs
__scs_entry_jumppad:
0x0: {  	(pc) =	sbr.rel $0x88, $3  }
0x1: {  	(tag) =	ssettag $0x0;
	lr =	simm.s32 $0x1  }
0x2: {  	[smem:$0x3F9B] =	sst lr;
	_ =	strace $0xD0000000  }
0x3: {  	_ = 	snop  }
0x4: {  	_ = 	snop  }
0x5: {  	_ = 	snop  }
0x6: {  	_ = 	snop  }
0x7: {  	_ = 	snop  }
__scs_overlays_trampoline_lowered:
0x8: {  	[smem:$0x3FAA] =	sst s0  }
0x9: {  	[smem:$0x3FAB] =	sst s1  }
0xa: {  	[smem:$0x3FAC] =	sst s2  }
0xb: {  	[smem:$0x3FAD] =	sst s3  }
0xc: {  	[smem:$0x3FAE] =	sst s4  }
0xd: {  	[smem:$0x3FAF] =	sst s5  }
0xe: {  	[smem:$0x3FB0] =	sst s6  }
0xf: {  	[smem:$0x3FB1] =	sst s7  }
0x10: {  	[smem:$0x3FB2] =	sst s8  }
0x11: {  	[smem:$0x3FB3] =	sst s9;
	s0 =	simm.s32 @!p0 $0x0  }
0x12: {  	s1 =	sld [smem:$0x3F99];
	s0 =	simm.s32 @p0 $0x1  }
0x13: {  	[smem:$0x3FB4] =	sst s0;
	s0 =	simm.s32 @!p1 $0x0  }
0x14: {  	s2 =	sld [smem:$0x3F98];
	s0 =	simm.s32 @p1 $0x1  }
0x15: {  	[smem:$0x3FB5] =	sst s0;
	s0 =	simm.s32 @!p2 $0x0  }
0x16: {  	s3 =	sld [smem:$0x3FDB];
	s0 =	simm.s32 @p2 $0x1  }
0x17: {  	s4 =	simm.s32 $0x1BF5;
	[smem:$0x3FB7] =	sst s0  }
0x18: {  	s0 =	sld [smem:$0x3F9A];
	_ =	swait.ge [sflag:s4], $0x0  }
0x19: {  	s7 =	sld [smem:$0x3F9B]  }
0x1a: {  	s8 =	sadd.s32 $0xFFFFE003, lr  }
0x1b: {  	s9 =	sadd.s32 $0xFFFFFEF7, lr;
	s5 =	simm.s32 $0xFFFFFFFF;
	p2 =	slt.u32 s8, $0xFFFFF086  }
0x1c: {  	p1 =	slt.u32 s9, $0xF7A;
	s5 =	simm.s32 @!p2 $0x0  }
0x1d: {  	s5 =	simm.s32 @p1 $0x1;
	p0 =	seq.s32 s7, s2  }
0x1e: {  	s7 =	smul.u32 @!p0 $0xF7A, s2;
	p2 =	seq.s32 @!p0 s5, $0x0  }
0x1f: {  	s9 =	smul.u32 $0xF7A, s1;
	s8 =	simm.s32 @!p0 $0x1BF5;
	p2 =	por !p2, p0  }
0x20: {  	[sflag:s8] =	ssyncset.s32 @!p0 $0xFFFFF086;
	s6 =	sadd.s32 @!p0 s3, s7;
	s7 =	simm.s32 @!p0 $0x108  }
0x21: {  	s3 =	sadd.s32 s3, s9;
	s6 =	sadd.s32 @!p0 $0x88, s6;
	s7 =	simm.s32 @p2 $0x1082  }
0x22: {  	[simem:s7], [sflag:s8] =	dma.local @!p0 [hbm:s6], $0xF7A  }
0x23: {  	s9 =	sor.u32 $0xD0000000, s2;
	s6 =	simm.s32 $0x108;
	_ =	swait.ge @!p0 [sflag:s8], $0x0  }
0x24: {  	s3 =	sadd.s32 $0x88, s3;
	s6 =	simm.s32 @!p1 $0x1082;
	[sflag:s4] =	ssyncset.s32 $0xFFFFF086  }
0x25: {  	[simem:s6], [sflag:s4] =	dma.local [hbm:s3], $0xF7A  }
0x26: {  	[smem:$0x3F9B] =	sst s1;
	(tag) =	ssettag s2;
	_ =	strace s9  }
0x27: {  	s1 =	sld [smem:$0x3FAB]  }
0x28: {  	s2 =	sld [smem:$0x3FAC]  }
0x29: {  	s4 =	sld [smem:$0x3FAE]  }
0x2a: {  	p0 =	seq.s32 s5, $0x0;
	s5 =	sld [smem:$0x3FAF]  }
0x2b: {  	s6 =	sld [smem:$0x3FB0]  }
0x2c: {  	s7 =	sld [smem:$0x3FB1]  }
0x2d: {  	s3 =	simm.s32 $0x108;
	s8 =	sld [smem:$0x3FB2]  }
0x2e: {  	s3 =	simm.s32 @!p0 $0x1082;
	s9 =	sld [smem:$0x3FB3]  }
0x2f: {  	lr =	sadd.s32 s0, s3;
	s0 =	sld [smem:$0x3FAA]  }
0x30: {  	s3 =	sld [smem:$0x3FAD]  }
0x31: {  	[smem:$0x3FB6] =	sst s10  }
0x32: {  	s10 =	sld [smem:$0x3FB4];
	_ =	sdelay $0x3  }
0x33: {  	p0 =	seq.s32 s10, $0x1;
	s10 =	sld [smem:$0x3FB6];
	_ =	sdelay $0x3  }
0x34: {  	[smem:$0x3FB6] =	sst s10  }
0x35: {  	s10 =	sld [smem:$0x3FB5];
	_ =	sdelay $0x3  }
0x36: {  	p1 =	seq.s32 s10, $0x1;
	s10 =	sld [smem:$0x3FB6];
	_ =	sdelay $0x3  }
0x37: {  	[smem:$0x3FB6] =	sst s10  }
0x38: {  	s10 =	sld [smem:$0x3FB7]  }
0x39: {  	_ = 	snop;
	(pc) =	sbr.ind lr, $3  }
0x3a: {  	_ = 	snop  }
0x3b: {  	_ = 	snop  }
0x3c: {  	p2 =	seq.s32 s10, $0x1;
	s10 =	sld [smem:$0x3FB6]  }
0x3d: {  	_ =	shalt  }
0x3e: {  	_ =	shalt  }
0x3f: {  	_ =	shalt  }
0x40: {  	_ =	shalt  }
0x41: {  	_ =	shalt  }
0x42: {  	_ =	shalt  }
0x43: {  	_ =	shalt  }
0x44: {  	_ =	shalt  }
0x45: {  	_ =	shalt  }
0x46: {  	_ =	shalt  }
0x47: {  	_ =	shalt  }
0x48: {  	_ =	shalt  }
0x49: {  	_ =	shalt  }
0x4a: {  	_ =	shalt  }
0x4b: {  	_ =	shalt  }
0x4c: {  	_ =	shalt  }
0x4d: {  	_ =	shalt  }
0x4e: {  	_ =	shalt  }
0x4f: {  	_ =	shalt  }
0x50: {  	_ =	shalt  }
0x51: {  	_ =	shalt  }
0x52: {  	_ =	shalt  }
0x53: {  	_ =	shalt  }
0x54: {  	_ =	shalt  }
0x55: {  	_ =	shalt  }
0x56: {  	_ =	shalt  }
0x57: {  	_ =	shalt  }
0x58: {  	_ =	shalt  }
0x59: {  	_ =	shalt  }
0x5a: {  	_ =	shalt  }
0x5b: {  	_ =	shalt  }
0x5c: {  	_ =	shalt  }
0x5d: {  	_ =	shalt  }
0x5e: {  	_ =	shalt  }
0x5f: {  	_ =	shalt  }
0x60: {  	_ =	shalt  }
0x61: {  	_ =	shalt  }
0x62: {  	_ =	shalt  }
0x63: {  	_ =	shalt  }
0x64: {  	_ =	shalt  }
0x65: {  	_ =	shalt  }
0x66: {  	_ =	shalt  }
0x67: {  	_ =	shalt  }
0x68: {  	_ =	shalt  }
0x69: {  	_ =	shalt  }
0x6a: {  	_ =	shalt  }
0x6b: {  	_ =	shalt  }
0x6c: {  	_ =	shalt  }
0x6d: {  	_ =	shalt  }
0x6e: {  	_ =	shalt  }
0x6f: {  	_ =	shalt  }
0x70: {  	_ =	shalt  }
0x71: {  	_ =	shalt  }
0x72: {  	_ =	shalt  }
0x73: {  	_ =	shalt  }
0x74: {  	_ =	shalt  }
0x75: {  	_ =	shalt  }
0x76: {  	_ =	shalt  }
0x77: {  	_ =	shalt  }
0x78: {  	_ =	shalt  }
0x79: {  	_ =	shalt  }
0x7a: {  	_ =	shalt  }
0x7b: {  	_ =	shalt  }
0x7c: {  	_ =	shalt  }
0x7d: {  	_ =	shalt  }
0x7e: {  	_ =	shalt  }
0x7f: {  	_ =	shalt  }
0x80: {  	_ =	shalt  }
0x81: {  	_ =	shalt  }
0x82: {  	_ =	shalt  }
0x83: {  	_ =	shalt  }
0x84: {  	_ =	shalt  }
0x85: {  	_ =	shalt  }
0x86: {  	_ =	shalt  }
0x87: {  	_ =	shalt  }
.Lfunc_end0:
.L_simem_size_0:
called_computation.2_lowered:
.L_overlay_start_0:
0x88: {  	s2 =	sld [smem:$0x3FD9]  }
0x89: {  	s3 =	sld [smem:$0x3FFE];
	_ =	sdelay $0x1  }
0x8a: {  	s1 =	srdreg.scid  }
0x8b: {  	s0 =	sand.u32 $0x1, s1  }
0x8c: {  	s17 =	sshll.u32 s0, $0xA;
	s2 =	sadd.s32 s3, s2  }
0x8d: {  	s2 =	sadd.s32 s2, s17  }
0x8e: {  	[smem:$0x3FC2] =	sst s2  }
0x8f: {  	_ = 	snop  }
0x90: {  	s2 =	sld [smem:$0x3FD0];
	(tm) =	ssettm $0x1  }
0x91: {  	s18 =	sld [smem:$0x3FFB];
	_ =	sdelay $0x3  }
0x92: {  	_ =	strace s18  }
0x93: {  	s3 =	sld [smem:$0x3FFC];
	_ =	sdelay $0x3  }
0x94: {  	_ =	strace s3  }
0x95: {  	s3 =	sld [smem:$0x3FFD];
	_ =	sdelay $0x3  }
0x96: {  	_ =	strace s3  }
0x97: {  	_ =	strace $0x8FFFFFFF  }
0x98: {  	s19 =	sld [smem:$0x3FDB];
	_ =	sdelay $0x1  }
0x99: {  	s4 =	simm.s32 $_scs_section_size  }
0x9a: {  	s5 =	simm.s32 $_size__tile_overlayer_lowered;
	s6 =	simm.s32 $_tile_overlayer_lowered  }
0x9b: {  	s22 =	simm.s32 $0x1BFF;
	s21 =	sshll.u32 s6, $0x1;
	s3 =	sadd.s32 s4, s19  }
0x9c: {  	s7 =	simm.s32 $0x0;
	s20 =	sshll.u32 s5, $0x1;
	s5 =	sadd.s32 s21, s3  }
0x9d: {  	[timem:s7], [sflag:s22] =	dma.local [hbm:s5], s20  }
0x9e: {  	_ =	swait.ge [sflag:s22], s20  }
0x9f: {  	s4 =	ssub.s32 $0x0, s20;
	[sflag:s22] =	ssyncset.done $0x0  }
0xa0: {  	[sflag:s22] =	ssyncadd.s32 s4;
	_ =	sdelay $0x1  }
0xa1: {  	s23 =	simm.s32 $0x1B8B  }
0xa2: {  	_ =	swait.ge [sflag:s23], $0x1  }
0xa3: {  	[sflag:s23] =	ssyncset.done $0x0  }
0xa4: {  	s25 =	simm.s32 $0x1B8E;
	s24 =	sld [smem:$0x3FFE];
	[sflag:s23] =	ssyncadd.s32 $0xFFFFFFFF  }
0xa5: {  	s26 =	simm.s32 $execute0_lowered;
	[smem:$0x3FD2] =	sst s25  }
0xa6: {  	s5 =	sshll.u32 s26, $0x1;
	_ =	strace $0x8000004C;
	[dreg:$0x1] =	wrdreg $0xFFFFFFFF  }
0xa7: {  	s28 =	simm.s32 $_size_execute0_lowered;
	s3 =	sadd.s32 s3, s5;
	[dreg:$0x0] =	wrdreg $0x0  }
0xa8: {  	s5 =	sshll.u32 s28, $0x1;
	[dreg:$0x2] =	wrdreg s3  }
0xa9: {  	[dreg:$0x3] =	wrdreg s5  }
0xaa: {  	[dreg:$0x4] =	wrdreg $0xC0  }
0xab: {  	_ =	task [dreg:s7], $0x5FFFF  }
0xac: {  	[dreg:$0x1] =	wrdreg $0xFFFFFFFF  }
0xad: {  	[dreg:$0x0] =	wrdreg $0x60  }
0xae: {  	[dreg:$0x2] =	wrdreg s2  }
0xaf: {  	[dreg:$0x3] =	wrdreg s24  }
0xb0: {  	[dreg:$0x4] =	wrdreg $0x111400  }
0xb1: {  	[dreg:$0x5] =	wrdreg $0x9  }
0xb2: {  	_ =	task.clear_ibuf [dreg:s7], $0x6FFFF;
	_ =	strace $0x9000004C  }
0xb3: {  	s29 =	simm.s32 $0x9;
	_ =	strace $0x8000004E  }
0xb4: {  	_ =	swait.ge [sflag:s29], $0x1  }
0xb5: {  	[sflag:s29] =	ssyncadd.s32 $0xFFFFFFFF  }
0xb6: {  	_ =	strace $0x9000004E  }
0xb7: {  	_ =	sfence  }
0xb8: {  	s30 =	sld [smem:$0x0];
	_ =	sdelay $0x2  }
0xb9: {  	s31 =	sshll.u32 s1, $0xD;
	s1 =	sshrl.u32 s1, $0x2  }
0xba: {  	s3 =	sand.u32 $0x4000, s31;
	s1 =	sadd.s32 s1, s30  }
0xbb: {  	s0 =	sor.u32 s3, s0;
	s1 =	sshll.u32 s1, $0x11  }
0xbc: {  	s0 =	sor.u32 s1, s0  }
0xbd: {  	s0 =	sadd.s32 $0x8F2B, s0  }
0xbe: {  	[sflag:s0] =	ssyncadd.remote.s32 $0x1  }
0xbf: {  	_ =	sfence.sel $0xFFFF  }
0xc0: {  	[dreg:$0x0] =	wrdreg $0xFFFFFFFF;
	(pc) =	sbr.abs _section_cstart, $3  }
0xc1: {  	[dreg:$0x1] =	wrdreg $0xFFFFFFFF  }
0xc2: {  	_ =	task.clear_ibuf [dreg:s7], $0x2FFFF;
	_ =	strace $0x9FFFFFFF  }
0xc3: {  	(tm) =	ssettm $0x7FFFFFFF  }
tec
execute0_lowered:
.L_overlay_start_1:
0x0: {  	(tag) =	ssettag $0x1  }
0x1: {  	s0 =	rddreg [dreg:$0x0]  }
0x2: {  	s1 =	rddreg [dreg:$0x1]  }
0x3: {  	s2 =	rddreg [dreg:$0x2]  }
0x4: {  	s3 =	simm.s32 $0x0;
	s16 =	stileid.u32;
	s5 =	srdreg.scid  }
0x5: {  	s29 =	simm.s32 $0x80;
	[smem:$0x7FF] =	sst s3;
	s4 =	smul.u32 $0x4E20, s16  }
0x6: {  	s5 =	sand.u32 $0x1, s5;
	s6 =	smul.u32 $0x9C00, s16;
	s8 =	sadd.s32 $0xB600, s1  }
0x7: {  	s21 =	sadd.s32 $0x9C000, s2;
	p0 =	sne.s32 s16, $0xF;
	_ =	strace $0x8000004D  }
0x8: {  	s9 =	ssub.s32 $0x2, s5;
	s5 =	smul.u32 $0x9C400, s5;
	[dreg:$0x9] =	wrdreg s21  }
0x9: {  	s21 =	smul.u32 $0x9C4, s16;
	s4 =	sshrl.u32 s4, $0x3;
	s10 =	sshrl.u32 s9, $0x1  }
0xa: {  	s11 =	sadd.s32 $0x2000, s6;
	s25 =	sadd.s32 s6, s2;
	s20 =	sadd.s32 $0x4000, s6  }
0xb: {  	s13 =	sadd.s32 $0x6000, s6;
	s14 =	sadd.s32 $0x8000, s6;
	s7 =	sadd.s32 s4, s1  }
0xc: {  	s1 =	sadd.s32 $0x63600, s1;
	s9 =	ssub.s32 s9, s10;
	s28 =	sadd.s32 s11, s2  }
0xd: {  	s30 =	sadd.s32 s20, s2;
	s31 =	sadd.s32 s13, s2;
	s12 =	sadd.s32 s14, s2  }
0xe: {  	s15 =	sshrl.u32 s5, $0x3;
	s24 =	sadd.s32 s6, s5;
	s26 =	sadd.s32 s5, s11  }
0xf: {  	s10 =	sadd.s32 s5, s20;
	s17 =	sadd.s32 s5, s13;
	[dreg:$0x4] =	wrdreg s25  }
0x10: {  	s19 =	sadd.s32 s5, s14;
	s14 =	simm.s32 $0x1;
	[dreg:$0x8] =	wrdreg s12  }
0x11: {  	s5 =	simm.s32 $0x9;
	s7 =	sadd.s32 $0x1800, s7;
	[dreg:$0x5] =	wrdreg s28  }
0x12: {  	s12 =	sadd.s32 s0, s15;
	s0 =	sshrl.u32 s24, $0x3;
	[dreg:$0x6] =	wrdreg s30  }
0x13: {  	s6 =	sshrl.u32 s26, $0x3;
	s11 =	sshrl.u32 s10, $0x3;
	[dreg:$0x7] =	wrdreg s31  }
0x14: {  	s18 =	sshrl.u32 s17, $0x3;
	s24 =	smax.u32 s9, $0x1;
	[dreg:$0xa] =	wrdreg s7  }
0x15: {  	s20 =	sshrl.u32 s19, $0x3;
	s0 =	sadd.s32 s1, s0;
	[dreg:$0x16] =	wrdreg s24  }
0x16: {  	s26 =	sadd.s32 s21, s8;
	s7 =	sadd.s32 s8, s4;
	[dreg:$0xf] =	wrdreg s0  }
0x17: {  	s19 =	simm.s32 $0xE;
	s22 =	sadd.s32 $0x10, s7;
	[dreg:$0xb] =	wrdreg s7  }
0x18: {  	s17 =	simm.s32 $0x5020;
	s23 =	sadd.s32 $0x20, s7;
	[dreg:$0xc] =	wrdreg s22  }
0x19: {  	s24 =	simm.s32 $0x7;
	s4 =	sadd.s32 $0x30, s7;
	[dreg:$0xd] =	wrdreg s23  }
0x1a: {  	s8 =	simm.s32 $0xA;
	s0 =	sadd.s32 s1, s6;
	[dreg:$0xe] =	wrdreg s4  }
0x1b: {  	s6 =	simm.s32 $0x6;
	[dreg:$0x10] =	wrdreg s0;
	s0 =	sadd.s32 s1, s11  }
0x1c: {  	s22 =	sadd.s32 s1, s15;
	s23 =	sadd.s32 $0x9C0, s7;
	s15 =	simm.s32 $0xD  }
0x1d: {  	s11 =	simm.s32 $0x5;
	s4 =	simm.s32 $0x11;
	[dreg:$0x11] =	wrdreg s0  }
.Ltmp0:
0x1e: {  	s0 =	sadd.s32 s1, s18;
	[dreg:$0x14] =	wrdreg s23;
	(pc) =	sbr.rel .LBB2_1-.Ltmp0, $4  }
0x1f: {  	s7 =	simm.s32 $0x12;
	[dreg:$0x12] =	wrdreg s0;
	s0 =	sadd.s32 s1, s20  }
0x20: {  	s18 =	simm.s32 $0x2;
	[dreg:$0x13] =	wrdreg s0;
	s0 =	sadd.s32 $0x13800, s22  }
0x21: {  	s23 =	simm.s32 $0xF;
	[dreg:$0x15] =	wrdreg s0;
	s0 =	sadd.s32 $0x90, s26  }
0x22: {  	v0 =	vimm.f32 $0.0e+00;
	s22 =	simm.s32 $0x3;
	[dreg:$0x17] =	wrdreg s0;
	s0 =	simm.s32 $0x0  }
.LBB2_6:
0x23: {  	_ =	swait.ge [sflag:s6], $0x2000  }
0x24: {  	[sflag:s6] =	ssyncset.done $0x0  }
0x25: {  	[sflag:s6] =	ssyncadd.s32 $0xFFFFE000  }
0x26: {  	_ =	swait.ge [sflag:s7], $0x80  }
0x27: {  	[sflag:s7] =	ssyncset.done $0x0  }
0x28: {  	[sflag:s7] =	ssyncadd.s32 $0xFFFFFF80  }
0x29: {  	[spmem:s2] =	stream.indirect.scatter.add.f32 [tilespmem:s21], [sflag:$0xC], $0x40, s16, s29, $0xb8;
	[tilespmem:$0x1AD80] =	vst v63  }
0x2a: {  	_ =	swait.ge [sflag:s8], $0x2000  }
0x2b: {  	[sflag:s8] =	ssyncset.done $0x0  }
0x2c: {  	s16 =	simm.s32 $0xB;
	[sflag:s8] =	ssyncadd.s32 $0xFFFFE000  }
0x2d: {  	_ =	swait.ge [sflag:s16], $0x2000  }
0x2e: {  	[sflag:s16] =	ssyncset.done $0x0  }
0x2f: {  	s0 =	simm.s32 $0xC;
	[sflag:s16] =	ssyncadd.s32 $0xFFFFE000  }
0x30: {  	_ =	swait.ge [sflag:s0], $0x2000  }
0x31: {  	s1 =	simm.s32 $0x11120;
	[sflag:s0] =	ssyncset.done $0x0  }
0x32: {  	s26 =	simm.s32 $0x13;
	s9 =	rddreg [dreg:$0x14];
	[sflag:s0] =	ssyncadd.s32 $0xFFFFE000  }
0x33: {  	[tilespmem:s1], [sflag:$0x13] =	stream.linear.gather [hbm4b:s9+s3], $0x20, $0x38;
	[tilespmem:$0x1AD80] =	vst v63  }
0x34: {  	_ =	swait.ge [sflag:s26], $0x20  }
0x35: {  	s10 =	simm.s32 $0x20;
	[sflag:s26] =	ssyncset.done $0x0  }
0x36: {  	s13 =	simm.s32 $0x4E00;
	s0 =	simm.s32 $0x5120;
	[sflag:s26] =	ssyncadd.s32 $0xFFFFFFE0  }
0x37: {  	[tilespmem:s0], [sflag:$0x1] =	stream.indirect.gather [hbm4b:s12+s10], $0x40, s13, s10, $0xb8;
	[tilespmem:$0x1AD80] =	vst v63  }
0x38: {  	_ =	swait.ge [sflag:s14], $0x800  }
0x39: {  	[sflag:s14] =	ssyncset.done $0x0  }
0x3a: {  	[sflag:s14] =	ssyncadd.s32 $0xFFFFF800  }
0x3b: {  	[spmem:s2] =	stream.indirect.scatter.add.f32 [tilespmem:s0], [sflag:$0x13], $0x40, s1, s10, $0xb8;
	[tilespmem:$0x1AD80] =	vst v63  }
0x3c: {  	_ =	swait.ge [sflag:s26], $0x800  }
0x3d: {  	[sflag:s26] =	ssyncset.done $0x0  }
0x3e: {  	[sflag:s26] =	ssyncadd.s32 $0xFFFFF800  }
0x3f: {  	[bflag:$0x0] =	sbarrier.arrive $0xFFFF  }
0x40: {  	s25 =	rddreg [dreg:$0x4]  }
0x41: {  	[tilespmem:s0], [sflag:$0x1] =	stream.linear.gather [spmem:s25], $0x2000, $0x38;
	[tilespmem:$0x1AD80] =	vst v63  }
0x42: {  	s10 =	simm.s32 $0x7120;
	s28 =	rddreg [dreg:$0x5]  }
0x43: {  	[tilespmem:s10], [sflag:$0x2] =	stream.linear.gather [spmem:s28], $0x2000, $0x38;
	[tilespmem:$0x1AD80] =	vst v63  }
0x44: {  	s30 =	rddreg [dreg:$0x6]  }
0x45: {  	[tilespmem:s20], [sflag:$0x3] =	stream.linear.gather [spmem:s30], $0x2000, $0x38;
	[tilespmem:$0x1AD80] =	vst v63  }
0x46: {  	s1 =	simm.s32 $0xB120;
	s31 =	rddreg [dreg:$0x7]  }
0x47: {  	[tilespmem:s1], [sflag:$0x4] =	stream.linear.gather [spmem:s31], $0x2000, $0x38;
	[tilespmem:$0x1AD80] =	vst v63  }
0x48: {  	s13 =	simm.s32 $0xD120;
	s21 =	rddreg [dreg:$0x8]  }
0x49: {  	[tilespmem:s13], [sflag:$0x5] =	stream.linear.gather [spmem:s21], $0x1C00, $0x38;
	[tilespmem:$0x1AD80] =	vst v63  }
0x4a: {  	_ =	swait.ge [sflag:s14], $0x2000  }
0x4b: {  	[sflag:s14] =	ssyncset.done $0x0  }
0x4c: {  	s26 =	rddreg [dreg:$0xf];
	[sflag:s14] =	ssyncadd.s32 $0xFFFFE000  }
0x4d: {  	[hbm4b:s26+s3] =	stream.linear.scatter [tilespmem:s0], [sflag:$0x7], $0x2000, $0x38;
	[tilespmem:$0x1AD80] =	vst v63  }
0x4e: {  	_ =	swait.ge [sflag:s18], $0x2000  }
0x4f: {  	[sflag:s18] =	ssyncset.done $0x0  }
0x50: {  	s0 =	rddreg [dreg:$0x10];
	[sflag:s18] =	ssyncadd.s32 $0xFFFFE000  }
0x51: {  	[hbm4b:s0+s3] =	stream.linear.scatter [tilespmem:s10], [sflag:$0x8], $0x2000, $0x38;
	[tilespmem:$0x1AD80] =	vst v63  }
0x52: {  	_ =	swait.ge [sflag:s22], $0x2000  }
0x53: {  	[sflag:s22] =	ssyncset.done $0x0  }
0x54: {  	s26 =	simm.s32 $0x4;
	s21 =	rddreg [dreg:$0x11];
	[sflag:s22] =	ssyncadd.s32 $0xFFFFE000  }
0x55: {  	[hbm4b:s21+s3] =	stream.linear.scatter [tilespmem:s20], [sflag:$0x9], $0x2000, $0x38;
	[tilespmem:$0x1AD80] =	vst v63  }
0x56: {  	_ =	swait.ge [sflag:s26], $0x2000  }
0x57: {  	[sflag:s26] =	ssyncset.done $0x0  }
0x58: {  	s0 =	rddreg [dreg:$0x12];
	[sflag:s26] =	ssyncadd.s32 $0xFFFFE000  }
0x59: {  	[hbm4b:s0+s3] =	stream.linear.scatter [tilespmem:s1], [sflag:$0xA], $0x2000, $0x38;
	[tilespmem:$0x1AD80] =	vst v63  }
0x5a: {  	_ =	swait.ge [sflag:s11], $0x1C00  }
0x5b: {  	[sflag:s11] =	ssyncset.done $0x0  }
0x5c: {  	s10 =	rddreg [dreg:$0x13];
	[sflag:s11] =	ssyncadd.s32 $0xFFFFE400  }
0x5d: {  	[hbm4b:s10+s3] =	stream.linear.scatter [tilespmem:s13], [sflag:$0xB], $0x1C00, $0x38;
	[tilespmem:$0x1AD80] =	vst v63  }
0x5e: {  	s9 =	simm.s32 @!p0 $0xF120;
	s10 =	rddreg [dreg:$0x9]  }
0x5f: {  	[tilespmem:s9], [sflag:$0x13] =	stream.linear.gather @!p0 [spmem:s10], $0x400, $0x38;
	[tilespmem:$0x1AD80] =	vst v63  }
0x60: {  	s10 =	simm.s32 @!p0 $0x13  }
0x61: {  	_ =	swait.ge @!p0 [sflag:s10], $0x400  }
0x62: {  	[sflag:s10] =	ssyncset.done @!p0 $0x0  }
0x63: {  	s13 =	simm.s32 @!p0 $0x0;
	s26 =	rddreg [dreg:$0x15];
	[sflag:s10] =	ssyncadd.s32 @!p0 $0xFFFFFC00  }
0x64: {  	[hbm4b:s26+s13] =	stream.linear.scatter @!p0 [tilespmem:s9], [sflag:$0x13], $0x400, $0x38;
	[tilespmem:$0x1AD80] =	vst v63  }
0x65: {  	_ =	swait.ge @!p0 [sflag:s10], $0x400  }
0x66: {  	[sflag:s10] =	ssyncset.done @!p0 $0x0  }
0x67: {  	[sflag:s10] =	ssyncadd.s32 @!p0 $0xFFFFFC00  }
0x68: {  	_ =	swait.ge [sflag:s24], $0x2000  }
0x69: {  	[sflag:s24] =	ssyncset.done $0x0  }
0x6a: {  	s20 =	simm.s32 $0x8;
	[sflag:s24] =	ssyncadd.s32 $0xFFFFE000  }
0x6b: {  	_ =	swait.ge [sflag:s20], $0x2000  }
0x6c: {  	[sflag:s20] =	ssyncset.done $0x0  }
0x6d: {  	[sflag:s20] =	ssyncadd.s32 $0xFFFFE000  }
0x6e: {  	_ =	swait.ge [sflag:s5], $0x2000  }
0x6f: {  	[sflag:s5] =	ssyncset.done $0x0  }
0x70: {  	[sflag:s5] =	ssyncadd.s32 $0xFFFFE000  }
0x71: {  	_ =	swait.ge [sflag:s8], $0x2000  }
0x72: {  	[sflag:s8] =	ssyncset.done $0x0  }
0x73: {  	[sflag:s8] =	ssyncadd.s32 $0xFFFFE000  }
0x74: {  	_ =	swait.ge [sflag:s16], $0x1C00  }
0x75: {  	s21 =	rddreg [dreg:$0x18]  }
0x76: {  	s26 =	rddreg [dreg:$0x16];
	s0 =	sadd.s32 $0x1, s21  }
0x77: {  	p1 =	sne.s32 s0, s26  }
.Ltmp1:
0x78: {  	_ = 	snop;
	(pc) =	sbr.rel @!p1 .LBB2_7-.Ltmp1, $3  }
0x79: {  	_ =	sdelay $0x1  }
0x7a: {  	[sflag:s16] =	ssyncset.done $0x0  }
0x7b: {  	[sflag:s16] =	ssyncadd.s32 $0xFFFFE400  }
.LBB2_1:
0x7c: {  	[dreg:$0x18] =	wrdreg s0;
	s10 =	simm.s32 $0x100;
	s9 =	simm.s32 $0x0  }
.LBB2_2:
0x7d: {  	p1 =	sne.s32 s10, $0x7F00;
	[tilespmem:s9+$0x5150] =	vst v0;
	s26 =	smov.u32 s10;
	s10 =	sadd.s32 $0x100, s10  }
.Ltmp2:
0x7e: {  	[tilespmem:s9+$0x5140] =	vst v0;
	(pc) =	sbr.rel @p1 .LBB2_2-.Ltmp2, $3  }
0x7f: {  	[tilespmem:s9+$0x5120] =	vst v0  }
0x80: {  	[tilespmem:s9+$0x5130] =	vst v0;
	_ =	sdelay $0x1  }
0x81: {  	s9 =	sshra.s32 s26, $0x2  }
0x82: {  	[tilespmem:s9+$0x5150] =	vst v0  }
0x83: {  	[tilespmem:s9+$0x5140] =	vst v0  }
0x84: {  	[tilespmem:s9+$0x5120] =	vst v0  }
0x85: {  	[tilespmem:s9+$0x5130] =	vst v0;
	s13 =	simm.s32 $0x5120;
	s0 =	simm.s32 $0x13  }
0x86: {  	[spmem:s25] =	stream.linear.scatter [tilespmem:s13], [sflag:$0x13], $0x2000, $0x38;
	[tilespmem:$0x1AD80] =	vst v63  }
0x87: {  	_ =	swait.ge [sflag:s0], $0x2000  }
0x88: {  	[sflag:s0] =	ssyncset.done $0x0  }
0x89: {  	[sflag:s0] =	ssyncadd.s32 $0xFFFFE000  }
0x8a: {  	[spmem:s28] =	stream.linear.scatter [tilespmem:s13], [sflag:$0x13], $0x2000, $0x38;
	[tilespmem:$0x1AD80] =	vst v63  }
0x8b: {  	_ =	swait.ge [sflag:s0], $0x2000  }
0x8c: {  	[sflag:s0] =	ssyncset.done $0x0  }
0x8d: {  	[sflag:s0] =	ssyncadd.s32 $0xFFFFE000  }
0x8e: {  	[spmem:s30] =	stream.linear.scatter [tilespmem:s13], [sflag:$0x13], $0x2000, $0x38;
	[tilespmem:$0x1AD80] =	vst v63  }
0x8f: {  	_ =	swait.ge [sflag:s0], $0x2000  }
0x90: {  	[sflag:s0] =	ssyncset.done $0x0  }
0x91: {  	[sflag:s0] =	ssyncadd.s32 $0xFFFFE000  }
0x92: {  	[spmem:s31] =	stream.linear.scatter [tilespmem:s13], [sflag:$0x13], $0x2000, $0x38;
	[tilespmem:$0x1AD80] =	vst v63  }
0x93: {  	_ =	swait.ge [sflag:s0], $0x2000  }
0x94: {  	[sflag:s0] =	ssyncset.done $0x0  }
0x95: {  	s26 =	rddreg [dreg:$0x8];
	[sflag:s0] =	ssyncadd.s32 $0xFFFFE000  }
0x96: {  	[spmem:s26] =	stream.linear.scatter [tilespmem:s13], [sflag:$0x13], $0x1C00, $0x38;
	[tilespmem:$0x1AD80] =	vst v63  }
0x97: {  	_ =	swait.ge [sflag:s0], $0x1C00  }
0x98: {  	[sflag:s0] =	ssyncset.done $0x0  }
0x99: {  	s9 =	simm.s32 @!p0 $0x5120;
	s10 =	rddreg [dreg:$0x9];
	[sflag:s0] =	ssyncadd.s32 $0xFFFFE400  }
0x9a: {  	[spmem:s10] =	stream.linear.scatter @!p0 [tilespmem:s9], [sflag:$0x13], $0x400, $0x38;
	[tilespmem:$0x1AD80] =	vst v63  }
0x9b: {  	s9 =	simm.s32 @!p0 $0x13  }
0x9c: {  	_ =	swait.ge @!p0 [sflag:s9], $0x400  }
0x9d: {  	[sflag:s9] =	ssyncset.done @!p0 $0x0  }
0x9e: {  	s28 =	rddreg [dreg:$0xa];
	[sflag:s9] =	ssyncadd.s32 @!p0 $0xFFFFFC00;
	s9 =	simm.s32 $0x0  }
0x9f: {  	[tilespmem:s9], [sflag:$0x13] =	stream.linear.gather [hbm4b:s28+s9], $0x4E20, $0x38;
	[tilespmem:$0x1AD80] =	vst v63  }
0xa0: {  	_ =	swait.ge [sflag:s0], $0x4E20  }
0xa1: {  	[sflag:s0] =	ssyncset.done $0x0  }
0xa2: {  	[sflag:s0] =	ssyncadd.s32 $0xFFFFB1E0  }
0xa3: {  	[bflag:$0x0] =	sbarrier.arrive $0xFFFF  }
0xa4: {  	s31 =	simm.s32 $0x4E20;
	s30 =	rddreg [dreg:$0xb]  }
0xa5: {  	[tilespmem:s31], [sflag:$0xD] =	stream.linear.gather [hbm4b:s30+s9], $0x80, $0x38;
	[tilespmem:$0x1AD80] =	vst v63  }
0xa6: {  	_ = 	snop  }
0xa7: {  	[tilespmem:s13], [sflag:$0x1] =	stream.indirect.gather [hbm4b:s12+s29], $0x40, s9, s29, $0xb8;
	[tilespmem:$0x1AD80] =	vst v63  }
0xa8: {  	s1 =	simm.s32 $0x4EA0;
	s0 =	rddreg [dreg:$0xc]  }
0xa9: {  	[tilespmem:s1], [sflag:$0xE] =	stream.linear.gather [hbm4b:s0+s9], $0x80, $0x38;
	[tilespmem:$0x1AD80] =	vst v63  }
0xaa: {  	s16 =	simm.s32 $0x7120  }
0xab: {  	[tilespmem:s16], [sflag:$0x2] =	stream.indirect.gather [hbm4b:s12+s29], $0x40, s29, s29, $0xb8;
	[tilespmem:$0x1AD80] =	vst v63  }
0xac: {  	s21 =	simm.s32 $0x9120;
	s25 =	simm.s32 $0x4F20;
	s20 =	rddreg [dreg:$0xd]  }
0xad: {  	[tilespmem:s25], [sflag:$0xF] =	stream.linear.gather [hbm4b:s20+s9], $0x80, $0x38;
	[tilespmem:$0x1AD80] =	vst v63  }
0xae: {  	s28 =	simm.s32 $0x4FA0;
	s26 =	rddreg [dreg:$0xe];
	s1 =	simm.s32 $0x100  }
0xaf: {  	[tilespmem:s21], [sflag:$0x3] =	stream.indirect.gather [hbm4b:s12+s29], $0x40, s1, s29, $0xb8;
	[tilespmem:$0x1AD80] =	vst v63  }
0xb0: {  	s30 =	simm.s32 $0x180;
	s31 =	simm.s32 $0xB120;
	s16 =	simm.s32 $0x50A0  }
0xb1: {  	[tilespmem:s28], [sflag:$0x10] =	stream.linear.gather [hbm4b:s26+s9], $0x80, $0x38;
	[tilespmem:$0x1AD80] =	vst v63  }
0xb2: {  	s1 =	simm.s32 $0x9120;
	s21 =	simm.s32 $0xF120;
	s26 =	rddreg [dreg:$0x17]  }
0xb3: {  	[tilespmem:s31], [sflag:$0x4] =	stream.indirect.gather [hbm4b:s12+s29], $0x40, s30, s29, $0xb8;
	[tilespmem:$0x1AD80] =	vst v63  }
.LBB2_4:
0xb4: {  	_ =	swait.ge [sflag:s14], $0x2000  }
0xb5: {  	[sflag:s14] =	ssyncset.done $0x0  }
0xb6: {  	[sflag:s14] =	ssyncadd.s32 $0xFFFFE000  }
0xb7: {  	_ =	swait.ge [sflag:s15], $0x80  }
0xb8: {  	s10 =	simm.s32 $0x4E20;
	[sflag:s15] =	ssyncset.done $0x0  }
0xb9: {  	s0 =	simm.s32 $0x5120;
	p1 =	seq.s32 s9, $0x0;
	[sflag:s15] =	ssyncadd.s32 $0xFFFFFF80  }
0xba: {  	[spmem:s2] =	stream.indirect.scatter.add.f32 [tilespmem:s0], [sflag:$0x7], $0x40, s10, s29, $0xb8;
	[tilespmem:$0x1AD80] =	vst v63  }
0xbb: {  	s10 =	simm.s32 @!p1 $0xB  }
0xbc: {  	_ =	swait.ge @!p1 [sflag:s10], $0x2000  }
0xbd: {  	[sflag:s10] =	ssyncset.done @!p1 $0x0  }
0xbe: {  	s28 =	sadd.s32 $0xFFFFFFB0, s26;
	[sflag:s10] =	ssyncadd.s32 @!p1 $0xFFFFE000;
	s10 =	sshra.s32 s9, $0x2  }
0xbf: {  	[tilespmem:s17], [sflag:$0x11] =	stream.linear.gather [hbm4b:s28+s3], $0x80, $0x38;
	[tilespmem:$0x1AD80] =	vst v63  }
0xc0: {  	s0 =	simm.s32 $0xD120;
	s28 =	sadd.s32 $0x200, s10  }
0xc1: {  	[tilespmem:s0], [sflag:$0x5] =	stream.indirect.gather [hbm4b:s12+s29], $0x40, s28, s29, $0xb8;
	[tilespmem:$0x1AD80] =	vst v63  }
0xc2: {  	_ =	swait.ge [sflag:s18], $0x2000  }
0xc3: {  	[sflag:s18] =	ssyncset.done $0x0  }
0xc4: {  	[sflag:s18] =	ssyncadd.s32 $0xFFFFE000  }
0xc5: {  	_ =	swait.ge [sflag:s19], $0x80  }
0xc6: {  	s13 =	simm.s32 $0x4EA0;
	[sflag:s19] =	ssyncset.done $0x0  }
0xc7: {  	s20 =	simm.s32 $0x7120;
	s28 =	simm.s32 @!p1 $0xC;
	[sflag:s19] =	ssyncadd.s32 $0xFFFFFF80  }
0xc8: {  	[spmem:s2] =	stream.indirect.scatter.add.f32 [tilespmem:s20], [sflag:$0x8], $0x40, s13, s29, $0xb8;
	[tilespmem:$0x1AD80] =	vst v63  }
0xc9: {  	_ =	swait.ge @!p1 [sflag:s28], $0x2000  }
0xca: {  	[sflag:s28] =	ssyncset.done @!p1 $0x0  }
0xcb: {  	s30 =	sadd.s32 $0xFFFFFFC0, s26;
	[sflag:s28] =	ssyncadd.s32 @!p1 $0xFFFFE000  }
0xcc: {  	[tilespmem:s16], [sflag:$0x12] =	stream.linear.gather [hbm4b:s30+s3], $0x80, $0x38;
	[tilespmem:$0x1AD80] =	vst v63  }
0xcd: {  	s31 =	sadd.s32 $0x280, s10  }
0xce: {  	[tilespmem:s21], [sflag:$0x6] =	stream.indirect.gather [hbm4b:s12+s29], $0x40, s31, s29, $0xb8;
	[tilespmem:$0x1AD80] =	vst v63  }
0xcf: {  	_ =	swait.ge [sflag:s22], $0x2000  }
0xd0: {  	[sflag:s22] =	ssyncset.done $0x0  }
0xd1: {  	[sflag:s22] =	ssyncadd.s32 $0xFFFFE000  }
0xd2: {  	_ =	swait.ge [sflag:s23], $0x80  }
0xd3: {  	[sflag:s23] =	ssyncset.done $0x0  }
0xd4: {  	[sflag:s23] =	ssyncadd.s32 $0xFFFFFF80  }
0xd5: {  	[spmem:s2] =	stream.indirect.scatter.add.f32 [tilespmem:s1], [sflag:$0x9], $0x40, s25, s29, $0xb8;
	[tilespmem:$0x1AD80] =	vst v63  }
0xd6: {  	_ =	swait.ge [sflag:s24], $0x2000  }
0xd7: {  	p1 =	seq.s32 s9, $0x12C00;
	[sflag:s24] =	ssyncset.done $0x0  }
0xd8: {  	s28 =	simm.s32 @p1 $0x4;
	[sflag:s24] =	ssyncadd.s32 $0xFFFFE000  }
0xd9: {  	_ =	swait.ge @p1 [sflag:s28], $0x2000  }
0xda: {  	[sflag:s28] =	ssyncset.done @p1 $0x0  }
0xdb: {  	[sflag:s28] =	ssyncadd.s32 @p1 $0xFFFFE000;
	s28 =	simm.s32 @p1 $0x10  }
0xdc: {  	_ =	swait.ge @p1 [sflag:s28], $0x80  }
0xdd: {  	s30 =	simm.s32 @p1 $0x4FA0;
	[sflag:s28] =	ssyncset.done @p1 $0x0  }
0xde: {  	s13 =	simm.s32 @p1 $0xB120;
	[sflag:s28] =	ssyncadd.s32 @p1 $0xFFFFFF80;
	s28 =	simm.s32 @p1 $0x80  }
0xdf: {  	[spmem:s2] =	stream.indirect.scatter.add.f32 @p1 [tilespmem:s13], [sflag:$0xA], $0x40, s30, s28, $0xb8;
	[tilespmem:$0x1AD80] =	vst v63  }
0xe0: {  	s13 =	simm.s32 @p1 $0x8  }
0xe1: {  	_ =	swait.ge @p1 [sflag:s13], $0x2000  }
0xe2: {  	s28 =	simm.s32 @!p1 $0x0;
	[sflag:s13] =	ssyncset.done @p1 $0x0  }
0xe3: {  	s30 =	simm.s32 @!p1 $0x4E20;
	[sflag:s13] =	ssyncadd.s32 @p1 $0xFFFFE000;
	s13 =	sadd.s32 @!p1 $0xFFFFFFD0, s26  }
0xe4: {  	[tilespmem:s30], [sflag:$0xD] =	stream.linear.gather @!p1 [hbm4b:s13+s28], $0x80, $0x38;
	[tilespmem:$0x1AD80] =	vst v63  }
0xe5: {  	s13 =	sshra.s32 @!p1 s9, $0x2  }
0xe6: {  	s31 =	simm.s32 @!p1 $0x80;
	s25 =	simm.s32 @!p1 $0x5120;
	s30 =	sadd.s32 @!p1 $0x300, s13  }
0xe7: {  	[tilespmem:s25], [sflag:$0x1] =	stream.indirect.gather @!p1 [hbm4b:s12+s31], $0x40, s30, s31, $0xb8;
	[tilespmem:$0x1AD80] =	vst v63  }
0xe8: {  	s25 =	simm.s32 @!p1 $0x4  }
0xe9: {  	_ =	swait.ge @!p1 [sflag:s25], $0x2000  }
0xea: {  	[sflag:s25] =	ssyncset.done @!p1 $0x0  }
0xeb: {  	[sflag:s25] =	ssyncadd.s32 @!p1 $0xFFFFE000;
	s25 =	simm.s32 @!p1 $0x10  }
0xec: {  	_ =	swait.ge @!p1 [sflag:s25], $0x80  }
0xed: {  	[sflag:s25] =	ssyncset.done @!p1 $0x0  }
0xee: {  	s30 =	simm.s32 @!p1 $0xB120;
	[sflag:s25] =	ssyncadd.s32 @!p1 $0xFFFFFF80;
	s25 =	simm.s32 @!p1 $0x4FA0  }
0xef: {  	[spmem:s2] =	stream.indirect.scatter.add.f32 @!p1 [tilespmem:s30], [sflag:$0xA], $0x40, s25, s31, $0xb8;
	[tilespmem:$0x1AD80] =	vst v63  }
0xf0: {  	s25 =	simm.s32 @!p1 $0x8  }
0xf1: {  	_ =	swait.ge @!p1 [sflag:s25], $0x2000  }
0xf2: {  	[sflag:s25] =	ssyncset.done @!p1 $0x0  }
0xf3: {  	s30 =	simm.s32 @!p1 $0x4EA0;
	[sflag:s25] =	ssyncadd.s32 @!p1 $0xFFFFE000;
	s25 =	sadd.s32 @!p1 $0xFFFFFFE0, s26  }
0xf4: {  	[tilespmem:s30], [sflag:$0xE] =	stream.linear.gather @!p1 [hbm4b:s25+s28], $0x80, $0x38;
	[tilespmem:$0x1AD80] =	vst v63  }
0xf5: {  	s13 =	sadd.s32 @!p1 $0x380, s13;
	s25 =	simm.s32 @!p1 $0x7120  }
0xf6: {  	[tilespmem:s25], [sflag:$0x2] =	stream.indirect.gather @!p1 [hbm4b:s12+s31], $0x40, s13, s31, $0xb8;
	[tilespmem:$0x1AD80] =	vst v63  }
0xf7: {  	_ =	swait.ge [sflag:s11], $0x2000  }
0xf8: {  	[sflag:s11] =	ssyncset.done $0x0  }
0xf9: {  	[sflag:s11] =	ssyncadd.s32 $0xFFFFE000  }
0xfa: {  	_ =	swait.ge [sflag:s4], $0x80  }
0xfb: {  	[sflag:s4] =	ssyncset.done $0x0  }
.Ltmp3:
0xfc: {  	[sflag:s4] =	ssyncadd.s32 $0xFFFFFF80;
	(pc) =	sbr.rel @p1 .LBB2_6-.Ltmp3, $4  }
0xfd: {  	[spmem:s2] =	stream.indirect.scatter.add.f32 [tilespmem:s0], [sflag:$0xB], $0x40, s17, s29, $0xb8;
	[tilespmem:$0x1AD80] =	vst v63  }
0xfe: {  	_ =	swait.ge [sflag:s5], $0x2000  }
0xff: {  	s20 =	simm.s32 $0x9120;
	s16 =	simm.s32 $0x50A0;
	[sflag:s5] =	ssyncset.done $0x0  }
0x100: {  	s21 =	simm.s32 $0xF120;
	s1 =	simm.s32 $0x4F20;
	[sflag:s5] =	ssyncadd.s32 $0xFFFFE000  }
0x101: {  	s13 =	sadd.s32 $0xFFFFFFF0, s26  }
0x102: {  	[tilespmem:s1], [sflag:$0xF] =	stream.linear.gather [hbm4b:s13+s3], $0x80, $0x38;
	[tilespmem:$0x1AD80] =	vst v63  }
0x103: {  	s28 =	sadd.s32 $0x400, s10  }
0x104: {  	[tilespmem:s20], [sflag:$0x3] =	stream.indirect.gather [hbm4b:s12+s29], $0x40, s28, s29, $0xb8;
	[tilespmem:$0x1AD80] =	vst v63  }
0x105: {  	_ =	swait.ge [sflag:s6], $0x2000  }
0x106: {  	[sflag:s6] =	ssyncset.done $0x0  }
0x107: {  	[sflag:s6] =	ssyncadd.s32 $0xFFFFE000  }
0x108: {  	_ =	swait.ge [sflag:s7], $0x80  }
0x109: {  	[sflag:s7] =	ssyncset.done $0x0  }
0x10a: {  	s30 =	simm.s32 $0x4FA0;
	[sflag:s7] =	ssyncadd.s32 $0xFFFFFF80  }
0x10b: {  	[spmem:s2] =	stream.indirect.scatter.add.f32 [tilespmem:s21], [sflag:$0xC], $0x40, s16, s29, $0xb8;
	[tilespmem:$0x1AD80] =	vst v63  }
0x10c: {  	s31 =	sadd.s32 $0x480, s10;
	s0 =	simm.s32 $0xB120;
	_ =	swait.ge [sflag:s8], $0x2000  }
.Ltmp4:
0x10d: {  	s9 =	sadd.s32 $0xC00, s9;
	[sflag:s8] =	ssyncset.done $0x0;
	(pc) =	sbr.rel .LBB2_4-.Ltmp4, $4  }
0x10e: {  	s25 =	simm.s32 $0x4F20;
	s1 =	simm.s32 $0x9120;
	[sflag:s8] =	ssyncadd.s32 $0xFFFFE000  }
0x10f: {  	[tilespmem:s30], [sflag:$0x10] =	stream.linear.gather [hbm4b:s26+s3], $0x80, $0x38;
	[tilespmem:$0x1AD80] =	vst v63  }
0x110: {  	s16 =	simm.s32 $0x50A0;
	s21 =	simm.s32 $0xF120;
	s26 =	sadd.s32 $0x60, s26  }
0x111: {  	[tilespmem:s0], [sflag:$0x4] =	stream.indirect.gather [hbm4b:s12+s29], $0x40, s31, s29, $0xb8;
	[tilespmem:$0x1AD80] =	vst v63  }
.LBB2_7:
0x112: {  	_ =	sfence.sel $0x180000  }
0x113: {  	[bflag:$0x0] =	sbarrier.arrive $0xFFFF  }
0x114: {  	_ =	strace $0x9000004D  }
0x115: {  	s0 =	stileid.u32;
	[bflag:$0x2] =	sbarrier.arrive $0xFFFF  }
0x116: {  	p0 =	sne.s32 s0, $0x0;
	s0 =	rddreg [dreg:$0x3]  }
0x117: {  	s0 =	sadd.s32 @!p0 $0x100000, s0  }
0x118: {  	[sflag:s0] =	ssyncadd.tile.s32 @!p0 $0x1;
	_ =	shalt  }
.Lfunc_end2:
_tile_overlayer_lowered:
.L_overlay_start_2:
0x119: {  	(tag) =	ssettag $0x2  }
0x11a: {  	s0 =	rddreg [dreg:$0x0];
	s2 =	stileid.u32  }
0x11b: {  	s1 =	rddreg [dreg:$0x1];
	p0 =	sne.s32 s2, $0x0  }
0x11c: {  	s3 =	rddreg [dreg:$0x2];
	[bflag:$0x3] =	sbarrier.arrive $0xFFFF;
	s2 =	simm.s32 @!p0 $0x1C13  }
0x11d: {  	[timem:s3], [sflag:s2] =	dma.local @!p0 [hbm:s0], s1  }
0x11e: {  	s0 =	simm.s32 @!p0 $0x13  }
0x11f: {  	_ =	swait.ge @!p0 [sflag:s0], s1  }
0x120: {  	s1 =	ssub.s32 @!p0 $0x0, s1;
	[sflag:s0] =	ssyncset.done @!p0 $0x0  }
0x121: {  	[sflag:s0] =	ssyncadd.s32 @!p0 s1  }
0x122: {  	[bflag:$0x3] =	sbarrier.arrive $0xFFFF  }
0x123: {  	_ =	shalt  }

// kernel: kernel.8.cloned.1.call-start
scs
__scs_entry_jumppad:
0x0: {  	(pc) =	sbr.rel $0x88, $3  }
0x1: {  	(tag) =	ssettag $0x0;
	lr =	simm.s32 $0x1  }
0x2: {  	[smem:$0x3F9B] =	sst lr;
	_ =	strace $0xD0000000  }
0x3: {  	_ = 	snop  }
0x4: {  	_ = 	snop  }
0x5: {  	_ = 	snop  }
0x6: {  	_ = 	snop  }
0x7: {  	_ = 	snop  }
__scs_overlays_trampoline_lowered:
0x8: {  	[smem:$0x3FAA] =	sst s0  }
0x9: {  	[smem:$0x3FAB] =	sst s1  }
0xa: {  	[smem:$0x3FAC] =	sst s2  }
0xb: {  	[smem:$0x3FAD] =	sst s3  }
0xc: {  	[smem:$0x3FAE] =	sst s4  }
0xd: {  	[smem:$0x3FAF] =	sst s5  }
0xe: {  	[smem:$0x3FB0] =	sst s6  }
0xf: {  	[smem:$0x3FB1] =	sst s7  }
0x10: {  	[smem:$0x3FB2] =	sst s8  }
0x11: {  	[smem:$0x3FB3] =	sst s9;
	s0 =	simm.s32 @!p0 $0x0  }
0x12: {  	s1 =	sld [smem:$0x3F99];
	s0 =	simm.s32 @p0 $0x1  }
0x13: {  	[smem:$0x3FB4] =	sst s0;
	s0 =	simm.s32 @!p1 $0x0  }
0x14: {  	s2 =	sld [smem:$0x3F98];
	s0 =	simm.s32 @p1 $0x1  }
0x15: {  	[smem:$0x3FB5] =	sst s0;
	s0 =	simm.s32 @!p2 $0x0  }
0x16: {  	s3 =	sld [smem:$0x3FDB];
	s0 =	simm.s32 @p2 $0x1  }
0x17: {  	s4 =	simm.s32 $0x1BF5;
	[smem:$0x3FB7] =	sst s0  }
0x18: {  	s0 =	sld [smem:$0x3F9A];
	_ =	swait.ge [sflag:s4], $0x0  }
0x19: {  	s7 =	sld [smem:$0x3F9B]  }
0x1a: {  	s8 =	sadd.s32 $0xFFFFE003, lr  }
0x1b: {  	s9 =	sadd.s32 $0xFFFFFEF7, lr;
	s5 =	simm.s32 $0xFFFFFFFF;
	p2 =	slt.u32 s8, $0xFFFFF086  }
0x1c: {  	p1 =	slt.u32 s9, $0xF7A;
	s5 =	simm.s32 @!p2 $0x0  }
0x1d: {  	s5 =	simm.s32 @p1 $0x1;
	p0 =	seq.s32 s7, s2  }
0x1e: {  	s7 =	smul.u32 @!p0 $0xF7A, s2;
	p2 =	seq.s32 @!p0 s5, $0x0  }
0x1f: {  	s9 =	smul.u32 $0xF7A, s1;
	s8 =	simm.s32 @!p0 $0x1BF5;
	p2 =	por !p2, p0  }
0x20: {  	[sflag:s8] =	ssyncset.s32 @!p0 $0xFFFFF086;
	s6 =	sadd.s32 @!p0 s3, s7;
	s7 =	simm.s32 @!p0 $0x108  }
0x21: {  	s3 =	sadd.s32 s3, s9;
	s6 =	sadd.s32 @!p0 $0x88, s6;
	s7 =	simm.s32 @p2 $0x1082  }
0x22: {  	[simem:s7], [sflag:s8] =	dma.local @!p0 [hbm:s6], $0xF7A  }
0x23: {  	s9 =	sor.u32 $0xD0000000, s2;
	s6 =	simm.s32 $0x108;
	_ =	swait.ge @!p0 [sflag:s8], $0x0  }
0x24: {  	s3 =	sadd.s32 $0x88, s3;
	s6 =	simm.s32 @!p1 $0x1082;
	[sflag:s4] =	ssyncset.s32 $0xFFFFF086  }
0x25: {  	[simem:s6], [sflag:s4] =	dma.local [hbm:s3], $0xF7A  }
0x26: {  	[smem:$0x3F9B] =	sst s1;
	(tag) =	ssettag s2;
	_ =	strace s9  }
0x27: {  	s1 =	sld [smem:$0x3FAB]  }
0x28: {  	s2 =	sld [smem:$0x3FAC]  }
0x29: {  	s4 =	sld [smem:$0x3FAE]  }
0x2a: {  	p0 =	seq.s32 s5, $0x0;
	s5 =	sld [smem:$0x3FAF]  }
0x2b: {  	s6 =	sld [smem:$0x3FB0]  }
0x2c: {  	s7 =	sld [smem:$0x3FB1]  }
0x2d: {  	s3 =	simm.s32 $0x108;
	s8 =	sld [smem:$0x3FB2]  }
0x2e: {  	s3 =	simm.s32 @!p0 $0x1082;
	s9 =	sld [smem:$0x3FB3]  }
0x2f: {  	lr =	sadd.s32 s0, s3;
	s0 =	sld [smem:$0x3FAA]  }
0x30: {  	s3 =	sld [smem:$0x3FAD]  }
0x31: {  	[smem:$0x3FB6] =	sst s10  }
0x32: {  	s10 =	sld [smem:$0x3FB4];
	_ =	sdelay $0x3  }
0x33: {  	p0 =	seq.s32 s10, $0x1;
	s10 =	sld [smem:$0x3FB6];
	_ =	sdelay $0x3  }
0x34: {  	[smem:$0x3FB6] =	sst s10  }
0x35: {  	s10 =	sld [smem:$0x3FB5];
	_ =	sdelay $0x3  }
0x36: {  	p1 =	seq.s32 s10, $0x1;
	s10 =	sld [smem:$0x3FB6];
	_ =	sdelay $0x3  }
0x37: {  	[smem:$0x3FB6] =	sst s10  }
0x38: {  	s10 =	sld [smem:$0x3FB7]  }
0x39: {  	_ = 	snop;
	(pc) =	sbr.ind lr, $3  }
0x3a: {  	_ = 	snop  }
0x3b: {  	_ = 	snop  }
0x3c: {  	p2 =	seq.s32 s10, $0x1;
	s10 =	sld [smem:$0x3FB6]  }
0x3d: {  	_ =	shalt  }
0x3e: {  	_ =	shalt  }
0x3f: {  	_ =	shalt  }
0x40: {  	_ =	shalt  }
0x41: {  	_ =	shalt  }
0x42: {  	_ =	shalt  }
0x43: {  	_ =	shalt  }
0x44: {  	_ =	shalt  }
0x45: {  	_ =	shalt  }
0x46: {  	_ =	shalt  }
0x47: {  	_ =	shalt  }
0x48: {  	_ =	shalt  }
0x49: {  	_ =	shalt  }
0x4a: {  	_ =	shalt  }
0x4b: {  	_ =	shalt  }
0x4c: {  	_ =	shalt  }
0x4d: {  	_ =	shalt  }
0x4e: {  	_ =	shalt  }
0x4f: {  	_ =	shalt  }
0x50: {  	_ =	shalt  }
0x51: {  	_ =	shalt  }
0x52: {  	_ =	shalt  }
0x53: {  	_ =	shalt  }
0x54: {  	_ =	shalt  }
0x55: {  	_ =	shalt  }
0x56: {  	_ =	shalt  }
0x57: {  	_ =	shalt  }
0x58: {  	_ =	shalt  }
0x59: {  	_ =	shalt  }
0x5a: {  	_ =	shalt  }
0x5b: {  	_ =	shalt  }
0x5c: {  	_ =	shalt  }
0x5d: {  	_ =	shalt  }
0x5e: {  	_ =	shalt  }
0x5f: {  	_ =	shalt  }
0x60: {  	_ =	shalt  }
0x61: {  	_ =	shalt  }
0x62: {  	_ =	shalt  }
0x63: {  	_ =	shalt  }
0x64: {  	_ =	shalt  }
0x65: {  	_ =	shalt  }
0x66: {  	_ =	shalt  }
0x67: {  	_ =	shalt  }
0x68: {  	_ =	shalt  }
0x69: {  	_ =	shalt  }
0x6a: {  	_ =	shalt  }
0x6b: {  	_ =	shalt  }
0x6c: {  	_ =	shalt  }
0x6d: {  	_ =	shalt  }
0x6e: {  	_ =	shalt  }
0x6f: {  	_ =	shalt  }
0x70: {  	_ =	shalt  }
0x71: {  	_ =	shalt  }
0x72: {  	_ =	shalt  }
0x73: {  	_ =	shalt  }
0x74: {  	_ =	shalt  }
0x75: {  	_ =	shalt  }
0x76: {  	_ =	shalt  }
0x77: {  	_ =	shalt  }
0x78: {  	_ =	shalt  }
0x79: {  	_ =	shalt  }
0x7a: {  	_ =	shalt  }
0x7b: {  	_ =	shalt  }
0x7c: {  	_ =	shalt  }
0x7d: {  	_ =	shalt  }
0x7e: {  	_ =	shalt  }
0x7f: {  	_ =	shalt  }
0x80: {  	_ =	shalt  }
0x81: {  	_ =	shalt  }
0x82: {  	_ =	shalt  }
0x83: {  	_ =	shalt  }
0x84: {  	_ =	shalt  }
0x85: {  	_ =	shalt  }
0x86: {  	_ =	shalt  }
0x87: {  	_ =	shalt  }
.Lfunc_end0:
.L_simem_size_0:
called_computation_lowered:
.L_overlay_start_0:
0x88: {  	s2 =	sld [smem:$0x3FD9]  }
0x89: {  	s3 =	sld [smem:$0x3FFE];
	_ =	sdelay $0x1  }
0x8a: {  	s1 =	srdreg.scid  }
0x8b: {  	s0 =	sand.u32 $0x1, s1  }
0x8c: {  	s17 =	sshll.u32 s0, $0xA;
	s2 =	sadd.s32 s3, s2  }
0x8d: {  	s2 =	sadd.s32 s2, s17  }
0x8e: {  	[smem:$0x3FC2] =	sst s2  }
0x8f: {  	_ = 	snop  }
0x90: {  	s2 =	sld [smem:$0x3FD0];
	(tm) =	ssettm $0x1  }
0x91: {  	s18 =	sld [smem:$0x3FFB];
	_ =	sdelay $0x3  }
0x92: {  	_ =	strace s18  }
0x93: {  	s3 =	sld [smem:$0x3FFC];
	_ =	sdelay $0x3  }
0x94: {  	_ =	strace s3  }
0x95: {  	s3 =	sld [smem:$0x3FFD];
	_ =	sdelay $0x3  }
0x96: {  	_ =	strace s3  }
0x97: {  	_ =	strace $0x8FFFFFFF  }
0x98: {  	s19 =	sld [smem:$0x3FDB];
	_ =	sdelay $0x1  }
0x99: {  	s4 =	simm.s32 $_scs_section_size  }
0x9a: {  	s5 =	simm.s32 $_size__tile_overlayer_lowered;
	s6 =	simm.s32 $_tile_overlayer_lowered  }
0x9b: {  	s22 =	simm.s32 $0x1BFF;
	s21 =	sshll.u32 s6, $0x1;
	s3 =	sadd.s32 s4, s19  }
0x9c: {  	s7 =	simm.s32 $0x0;
	s20 =	sshll.u32 s5, $0x1;
	s5 =	sadd.s32 s21, s3  }
0x9d: {  	[timem:s7], [sflag:s22] =	dma.local [hbm:s5], s20  }
0x9e: {  	_ =	swait.ge [sflag:s22], s20  }
0x9f: {  	s4 =	ssub.s32 $0x0, s20;
	[sflag:s22] =	ssyncset.done $0x0  }
0xa0: {  	[sflag:s22] =	ssyncadd.s32 s4;
	_ =	sdelay $0x1  }
0xa1: {  	s23 =	simm.s32 $0x1B8B  }
0xa2: {  	_ =	swait.ge [sflag:s23], $0x1  }
0xa3: {  	[sflag:s23] =	ssyncset.done $0x0  }
0xa4: {  	s25 =	simm.s32 $0x1B8E;
	s24 =	sld [smem:$0x3FFE];
	[sflag:s23] =	ssyncadd.s32 $0xFFFFFFFF  }
0xa5: {  	s26 =	simm.s32 $execute0_lowered;
	[smem:$0x3FD2] =	sst s25  }
0xa6: {  	s5 =	sshll.u32 s26, $0x1;
	_ =	strace $0x80000046;
	[dreg:$0x1] =	wrdreg $0xFFFFFFFF  }
0xa7: {  	s28 =	simm.s32 $_size_execute0_lowered;
	s3 =	sadd.s32 s3, s5;
	[dreg:$0x0] =	wrdreg $0x0  }
0xa8: {  	s5 =	sshll.u32 s28, $0x1;
	[dreg:$0x2] =	wrdreg s3  }
0xa9: {  	[dreg:$0x3] =	wrdreg s5  }
0xaa: {  	[dreg:$0x4] =	wrdreg $0xC0  }
0xab: {  	_ =	task [dreg:s7], $0x5FFFF  }
0xac: {  	[dreg:$0x1] =	wrdreg $0xFFFFFFFF  }
0xad: {  	[dreg:$0x0] =	wrdreg $0x60  }
0xae: {  	[dreg:$0x2] =	wrdreg s24  }
0xaf: {  	[dreg:$0x3] =	wrdreg s2  }
0xb0: {  	[dreg:$0x4] =	wrdreg $0x6800  }
0xb1: {  	[dreg:$0x5] =	wrdreg $0x9  }
0xb2: {  	_ =	task.clear_ibuf [dreg:s7], $0x6FFFF;
	_ =	strace $0x90000046  }
0xb3: {  	s29 =	simm.s32 $0x9;
	_ =	strace $0x80000048  }
0xb4: {  	_ =	swait.ge [sflag:s29], $0x1  }
0xb5: {  	[sflag:s29] =	ssyncadd.s32 $0xFFFFFFFF  }
0xb6: {  	_ =	strace $0x90000048  }
0xb7: {  	_ =	sfence  }
0xb8: {  	s30 =	sld [smem:$0x0];
	_ =	sdelay $0x2  }
0xb9: {  	s31 =	sshll.u32 s1, $0xD;
	s1 =	sshrl.u32 s1, $0x2  }
0xba: {  	s3 =	sand.u32 $0x4000, s31;
	s1 =	sadd.s32 s1, s30  }
0xbb: {  	s0 =	sor.u32 s3, s0;
	s1 =	sshll.u32 s1, $0x11  }
0xbc: {  	s0 =	sor.u32 s1, s0  }
0xbd: {  	s0 =	sadd.s32 $0x8F2B, s0  }
0xbe: {  	[sflag:s0] =	ssyncadd.remote.s32 $0x1  }
0xbf: {  	_ =	sfence.sel $0xFFFF  }
0xc0: {  	[dreg:$0x0] =	wrdreg $0xFFFFFFFF;
	(pc) =	sbr.abs _section_cstart, $3  }
0xc1: {  	[dreg:$0x1] =	wrdreg $0xFFFFFFFF  }
0xc2: {  	_ =	task.clear_ibuf [dreg:s7], $0x2FFFF;
	_ =	strace $0x9FFFFFFF  }
0xc3: {  	(tm) =	ssettm $0x7FFFFFFF  }
tec
execute0_lowered:
.L_overlay_start_1:
0x0: {  	(tag) =	ssettag $0x1  }
0x1: {  	s0 =	rddreg [dreg:$0x0]  }
0x2: {  	s1 =	srdreg.scid;
	s7 =	rddreg [dreg:$0x1]  }
0x3: {  	s11 =	stileid.u32;
	s2 =	rddreg [dreg:$0x2]  }
0x4: {  	s28 =	simm.s32 $0x380;
	s29 =	simm.s32 $0x200;
	s30 =	simm.s32 $0x8  }
0x5: {  	s31 =	simm.s32 $0x280;
	s1 =	sand.u32 $0x1, s1;
	s8 =	smul.u32 $0x270, s11  }
0x6: {  	s3 =	sshll.u32 s11, $0x1;
	s14 =	sadd.s32 $0x2700, s2;
	s10 =	smul.u32 $0x4E20, s11  }
0x7: {  	p0 =	sne.s32 s11, $0xF;
	s11 =	simm.s32 $0x4;
	s4 =	sor.u32 s1, s3  }
0x8: {  	s3 =	simm.s32 $0x0;
	s5 =	ssub.s32 $0x2, s1;
	s1 =	smul.u32 $0x2710, s1  }
0x9: {  	s6 =	smul.u32 $0x2710, s4;
	[smem:$0x7FF] =	sst s3;
	s4 =	sadd.s32 $0xB600, s0  }
0xa: {  	s26 =	sshrl.u32 s5, $0x1;
	s13 =	sadd.s32 s8, s2;
	_ =	strace $0x80000047  }
0xb: {  	s0 =	ssub.s32 s5, s26;
	s8 =	sadd.s32 s8, s1;
	s17 =	sshrl.u32 s1, $0x3  }
0xc: {  	s1 =	sadd.s32 s1, s10;
	s10 =	simm.s32 $0xC;
	[dreg:$0x4] =	wrdreg s14  }
0xd: {  	s9 =	sshrl.u32 s6, $0x3;
	s8 =	sshrl.u32 s8, $0x3;
	s0 =	smax.u32 s0, $0x1  }
0xe: {  	s20 =	sadd.s32 $0x480, s1;
	s21 =	sadd.s32 $0x400, s1;
	s22 =	sadd.s32 $0x380, s1  }
0xf: {  	s24 =	sadd.s32 $0x280, s1;
	s25 =	sadd.s32 $0x200, s1;
	s1 =	sadd.s32 $0x300, s1  }
0x10: {  	s9 =	sadd.s32 s4, s9;
	s18 =	sadd.s32 s7, s8;
	[dreg:$0xc] =	wrdreg s0  }
0x11: {  	s0 =	sshrl.u32 s20, $0x3;
	s23 =	sshrl.u32 s22, $0x3;
	[dreg:$0xd] =	wrdreg s1  }
0x12: {  	s26 =	sshrl.u32 s25, $0x3;
	s22 =	simm.s32 $0xD;
	s25 =	simm.s32 $0x180  }
0x13: {  	s1 =	simm.s32 $0x9;
	s8 =	simm.s32 $0xB;
	s12 =	sadd.s32 $0x10, s9  }
0x14: {  	s15 =	sadd.s32 $0x20, s9;
	s16 =	sadd.s32 $0x30, s9;
	[dreg:$0x5] =	wrdreg s9  }
0x15: {  	s5 =	sadd.s32 $0x4E0, s9;
	s9 =	sadd.s32 s7, s17;
	[dreg:$0xa] =	wrdreg s18  }
0x16: {  	s7 =	sshrl.u32 s21, $0x3;
	s17 =	sadd.s32 s23, s4;
	[dreg:$0x6] =	wrdreg s12  }
0x17: {  	s20 =	sadd.s32 s26, s4;
	s21 =	simm.s32 $0x400;
	[dreg:$0x7] =	wrdreg s15  }
.Ltmp0:
0x18: {  	s23 =	simm.s32 $0x80;
	[dreg:$0x8] =	wrdreg s16;
	(pc) =	sbr.rel .LBB2_1-.Ltmp0, $4  }
0x19: {  	s26 =	simm.s32 $0x7;
	s18 =	simm.s32 $0x0;
	[dreg:$0x9] =	wrdreg s5  }
0x1a: {  	s19 =	sadd.s32 $0x4E0, s9;
	s15 =	sadd.s32 s0, s4;
	s16 =	sadd.s32 s7, s4  }
0x1b: {  	s0 =	sshrl.u32 s24, $0x3;
	s24 =	simm.s32 $0x100;
	s9 =	simm.s32 $0x3  }
0x1c: {  	v0 =	vimm.f32 $1.000000000e+00;
	v1 =	vimm.f32 $0.0e+00;
	[dreg:$0xb] =	wrdreg s19;
	s19 =	sadd.s32 s0, s4;
	s0 =	simm.s32 $0x1  }
.LBB2_4:
0x1d: {  	_ =	swait.ge [sflag:s10], $0x80  }
0x1e: {  	[sflag:s10] =	ssyncset.done $0x0  }
0x1f: {  	[sflag:s10] =	ssyncadd.s32 $0xFFFFFF80  }
0x20: {  	[spmem:s2] =	stream.indirect.scatter.add.f32 [tilespmem:s28], [sflag:$0x6], $0x1, s31, s23, $0xb8;
	[tilespmem:$0x8F8] =	vst v63  }
0x21: {  	_ =	swait.ge [sflag:s11], $0x80  }
0x22: {  	[sflag:s11] =	ssyncset.done $0x0  }
0x23: {  	s5 =	simm.s32 $0x5;
	[sflag:s11] =	ssyncadd.s32 $0xFFFFFF80  }
0x24: {  	_ =	swait.ge [sflag:s5], $0x80  }
0x25: {  	[sflag:s5] =	ssyncset.done $0x0  }
0x26: {  	s13 =	simm.s32 $0x6;
	[sflag:s5] =	ssyncadd.s32 $0xFFFFFF80  }
0x27: {  	_ =	swait.ge [sflag:s13], $0x80  }
0x28: {  	[sflag:s13] =	ssyncset.done $0x0  }
0x29: {  	s7 =	simm.s32 $0x300;
	s14 =	rddreg [dreg:$0x9];
	[sflag:s13] =	ssyncadd.s32 $0xFFFFFF80  }
0x2a: {  	[tilespmem:s7], [sflag:$0xD] =	stream.linear.gather [hbm4b:s14+s3], $0x10, $0x38;
	[tilespmem:$0x8F8] =	vst v63  }
0x2b: {  	_ =	swait.ge [sflag:s22], $0x10  }
0x2c: {  	[sflag:s22] =	ssyncset.done $0x0  }
0x2d: {  	s21 =	simm.s32 $0x10;
	[sflag:s22] =	ssyncadd.s32 $0xFFFFFFF0  }
0x2e: {  	[spmem:s2] =	stream.indirect.scatter.add.f32 [tilespmem:s28], [sflag:$0xD], $0x1, s7, s21, $0xb8;
	[tilespmem:$0x8F8] =	vst v63  }
0x2f: {  	_ =	swait.ge [sflag:s22], $0x10  }
0x30: {  	[sflag:s22] =	ssyncset.done $0x0  }
0x31: {  	[sflag:s22] =	ssyncadd.s32 $0xFFFFFFF0  }
0x32: {  	s21 =	simm.s32 $0x400;
	[bflag:$0x0] =	sbarrier.arrive $0xFFFF  }
0x33: {  	[tilespmem:s21], [sflag:$0xD] =	stream.linear.gather [spmem:s6], $0x270, $0x38;
	[tilespmem:$0x8F8] =	vst v63  }
0x34: {  	_ =	swait.ge [sflag:s22], $0x270  }
0x35: {  	[sflag:s22] =	ssyncset.done $0x0  }
0x36: {  	s7 =	rddreg [dreg:$0xa];
	[sflag:s22] =	ssyncadd.s32 $0xFFFFFD90  }
0x37: {  	[hbm4b:s7+s3] =	stream.linear.scatter [tilespmem:s21], [sflag:$0xD], $0x270, $0x38;
	[tilespmem:$0x8F8] =	vst v63  }
0x38: {  	_ =	swait.ge [sflag:s22], $0x270  }
0x39: {  	s5 =	simm.s32 @!p0 $0x380;
	[sflag:s22] =	ssyncset.done $0x0  }
0x3a: {  	s7 =	simm.s32 @!p0 $0xD;
	s14 =	rddreg [dreg:$0x4];
	[sflag:s22] =	ssyncadd.s32 $0xFFFFFD90  }
0x3b: {  	[tilespmem:s5], [sflag:$0xD] =	stream.linear.gather @!p0 [spmem:s14], $0x10, $0x38;
	[tilespmem:$0x8F8] =	vst v63  }
0x3c: {  	_ =	swait.ge @!p0 [sflag:s7], $0x10  }
0x3d: {  	s12 =	simm.s32 @!p0 $0x0;
	[sflag:s7] =	ssyncset.done @!p0 $0x0  }
0x3e: {  	s13 =	smov.u32 s6;
	s6 =	rddreg [dreg:$0xb];
	[sflag:s7] =	ssyncadd.s32 @!p0 $0xFFFFFFF0  }
0x3f: {  	[hbm4b:s6+s12] =	stream.linear.scatter @!p0 [tilespmem:s5], [sflag:$0xD], $0x10, $0x38;
	[tilespmem:$0x8F8] =	vst v63  }
0x40: {  	_ =	swait.ge @!p0 [sflag:s7], $0x10  }
0x41: {  	s18 =	sadd.s32 $0x1, s18;
	s12 =	rddreg [dreg:$0xc]  }
0x42: {  	p1 =	sne.s32 s18, s12  }
.Ltmp1:
0x43: {  	_ = 	snop;
	(pc) =	sbr.rel @!p1 .LBB2_5-.Ltmp1, $3  }
0x44: {  	_ =	sdelay $0x1  }
0x45: {  	[sflag:s7] =	ssyncset.done @!p0 $0x0  }
0x46: {  	[sflag:s7] =	ssyncadd.s32 @!p0 $0xFFFFFFF0  }
.LBB2_1:
0x47: {  	[tilespmem:$0x380] =	vst v0  }
0x48: {  	[tilespmem:$0x390] =	vst v0  }
0x49: {  	[tilespmem:$0x3A0] =	vst v0  }
0x4a: {  	[tilespmem:$0x3B0] =	vst v0  }
0x4b: {  	[tilespmem:$0x3C0] =	vst v0  }
0x4c: {  	[tilespmem:$0x3D0] =	vst v0  }
0x4d: {  	[tilespmem:$0x3E0] =	vst v0  }
0x4e: {  	[tilespmem:$0x3F0] =	vst v0  }
0x4f: {  	[tilespmem:$0x400] =	vst v1  }
0x50: {  	[tilespmem:$0x410] =	vst v1  }
0x51: {  	[tilespmem:$0x420] =	vst v1  }
0x52: {  	[tilespmem:$0x430] =	vst v1  }
0x53: {  	[tilespmem:$0x440] =	vst v1  }
0x54: {  	[tilespmem:$0x450] =	vst v1  }
0x55: {  	[tilespmem:$0x460] =	vst v1  }
0x56: {  	[tilespmem:$0x470] =	vst v1  }
0x57: {  	[tilespmem:$0x480] =	vst v1  }
0x58: {  	[tilespmem:$0x490] =	vst v1  }
0x59: {  	[tilespmem:$0x4A0] =	vst v1  }
0x5a: {  	[tilespmem:$0x4B0] =	vst v1  }
0x5b: {  	[tilespmem:$0x4C0] =	vst v1  }
0x5c: {  	[tilespmem:$0x4D0] =	vst v1  }
0x5d: {  	[tilespmem:$0x4E0] =	vst v1  }
0x5e: {  	[tilespmem:$0x4F0] =	vst v1  }
0x5f: {  	[tilespmem:$0x500] =	vst v1  }
0x60: {  	[tilespmem:$0x510] =	vst v1  }
0x61: {  	[tilespmem:$0x520] =	vst v1  }
0x62: {  	[tilespmem:$0x530] =	vst v1  }
0x63: {  	[tilespmem:$0x540] =	vst v1  }
0x64: {  	[tilespmem:$0x550] =	vst v1  }
0x65: {  	[tilespmem:$0x560] =	vst v1  }
0x66: {  	[tilespmem:$0x570] =	vst v1  }
0x67: {  	[tilespmem:$0x580] =	vst v1  }
0x68: {  	[tilespmem:$0x590] =	vst v1  }
0x69: {  	[tilespmem:$0x5A0] =	vst v1  }
0x6a: {  	[tilespmem:$0x5B0] =	vst v1  }
0x6b: {  	[tilespmem:$0x5C0] =	vst v1  }
0x6c: {  	[tilespmem:$0x5D0] =	vst v1  }
0x6d: {  	[tilespmem:$0x5E0] =	vst v1  }
0x6e: {  	[tilespmem:$0x5F0] =	vst v1  }
0x6f: {  	[tilespmem:$0x600] =	vst v1  }
0x70: {  	[tilespmem:$0x610] =	vst v1  }
0x71: {  	[tilespmem:$0x620] =	vst v1  }
0x72: {  	[tilespmem:$0x630] =	vst v1  }
0x73: {  	[tilespmem:$0x640] =	vst v1  }
0x74: {  	[tilespmem:$0x650] =	vst v1  }
0x75: {  	[tilespmem:$0x660] =	vst v1  }
0x76: {  	[spmem:s13] =	stream.linear.scatter [tilespmem:s21], [sflag:$0xD], $0x270, $0x38;
	[tilespmem:$0x8F8] =	vst v63  }
0x77: {  	_ =	swait.ge [sflag:s22], $0x270  }
0x78: {  	[sflag:s22] =	ssyncset.done $0x0  }
0x79: {  	s7 =	simm.s32 @!p0 $0x400;
	[sflag:s22] =	ssyncadd.s32 $0xFFFFFD90  }
0x7a: {  	[spmem:s14] =	stream.linear.scatter @!p0 [tilespmem:s7], [sflag:$0xD], $0x10, $0x38;
	[tilespmem:$0x8F8] =	vst v63  }
0x7b: {  	s7 =	simm.s32 @!p0 $0xD  }
0x7c: {  	_ =	swait.ge @!p0 [sflag:s7], $0x10  }
0x7d: {  	[sflag:s7] =	ssyncset.done @!p0 $0x0  }
0x7e: {  	[sflag:s7] =	ssyncadd.s32 @!p0 $0xFFFFFFF0  }
0x7f: {  	[bflag:$0x0] =	sbarrier.arrive $0xFFFF  }
0x80: {  	s5 =	rddreg [dreg:$0x5]  }
0x81: {  	s6 =	smov.u32 s13;
	s13 =	rddreg [dreg:$0x6]  }
0x82: {  	[tilespmem:s3], [sflag:$0x7] =	stream.linear.gather [hbm4b:s5+s3], $0x80, $0x38;
	[tilespmem:$0x8F8] =	vst v63  }
0x83: {  	s14 =	rddreg [dreg:$0x7]  }
0x84: {  	[tilespmem:s23], [sflag:$0x8] =	stream.linear.gather [hbm4b:s13+s3], $0x80, $0x38;
	[tilespmem:$0x8F8] =	vst v63  }
0x85: {  	s21 =	rddreg [dreg:$0x8]  }
0x86: {  	[tilespmem:s24], [sflag:$0x9] =	stream.linear.gather [hbm4b:s14+s3], $0x80, $0x38;
	[tilespmem:$0x8F8] =	vst v63  }
0x87: {  	s7 =	rddreg [dreg:$0xd];
	s14 =	simm.s32 $0x0  }
0x88: {  	[tilespmem:s25], [sflag:$0xA] =	stream.linear.gather [hbm4b:s21+s3], $0x80, $0x38;
	[tilespmem:$0x8F8] =	vst v63  }
.LBB2_2:
0x89: {  	_ =	swait.ge [sflag:s26], $0x80  }
0x8a: {  	p1 =	seq.s32 s14, $0x0;
	[sflag:s26] =	ssyncset.done $0x0  }
0x8b: {  	s21 =	simm.s32 @!p1 $0x5;
	[sflag:s26] =	ssyncadd.s32 $0xFFFFFF80  }
0x8c: {  	[spmem:s2] =	stream.indirect.scatter.add.f32 [tilespmem:s28], [sflag:$0x1], $0x1, s3, s23, $0xb8;
	[tilespmem:$0x8F8] =	vst v63  }
0x8d: {  	_ =	swait.ge @!p1 [sflag:s21], $0x80  }
0x8e: {  	[sflag:s21] =	ssyncset.done @!p1 $0x0  }
0x8f: {  	s12 =	sadd.s32 s14, s20;
	[sflag:s21] =	ssyncadd.s32 @!p1 $0xFFFFFF80  }
0x90: {  	[tilespmem:s29], [sflag:$0xB] =	stream.linear.gather [hbm4b:s12+s3], $0x80, $0x38;
	[tilespmem:$0x8F8] =	vst v63  }
0x91: {  	_ =	swait.ge [sflag:s30], $0x80  }
0x92: {  	[sflag:s30] =	ssyncset.done $0x0  }
0x93: {  	s21 =	simm.s32 @!p1 $0x6;
	[sflag:s30] =	ssyncadd.s32 $0xFFFFFF80  }
0x94: {  	[spmem:s2] =	stream.indirect.scatter.add.f32 [tilespmem:s28], [sflag:$0x2], $0x1, s23, s23, $0xb8;
	[tilespmem:$0x8F8] =	vst v63  }
0x95: {  	_ =	swait.ge @!p1 [sflag:s21], $0x80  }
0x96: {  	[sflag:s21] =	ssyncset.done @!p1 $0x0  }
0x97: {  	s13 =	sadd.s32 s14, s19;
	[sflag:s21] =	ssyncadd.s32 @!p1 $0xFFFFFF80  }
0x98: {  	[tilespmem:s31], [sflag:$0xC] =	stream.linear.gather [hbm4b:s13+s3], $0x80, $0x38;
	[tilespmem:$0x8F8] =	vst v63  }
0x99: {  	_ =	swait.ge [sflag:s1], $0x80  }
0x9a: {  	[sflag:s1] =	ssyncset.done $0x0  }
0x9b: {  	[sflag:s1] =	ssyncadd.s32 $0xFFFFFF80  }
0x9c: {  	[spmem:s2] =	stream.indirect.scatter.add.f32 [tilespmem:s28], [sflag:$0x3], $0x1, s24, s23, $0xb8;
	[tilespmem:$0x8F8] =	vst v63  }
0x9d: {  	_ =	swait.ge [sflag:s0], $0x80  }
0x9e: {  	p1 =	seq.s32 s14, $0x480;
	[sflag:s0] =	ssyncset.done $0x0  }
0x9f: {  	s21 =	simm.s32 @p1 $0xA;
	[sflag:s0] =	ssyncadd.s32 $0xFFFFFF80  }
0xa0: {  	_ =	swait.ge @p1 [sflag:s21], $0x80  }
0xa1: {  	s12 =	simm.s32 @p1 $0x180;
	[sflag:s21] =	ssyncset.done @p1 $0x0  }
0xa2: {  	s13 =	simm.s32 @p1 $0x380;
	[sflag:s21] =	ssyncadd.s32 @p1 $0xFFFFFF80;
	s21 =	simm.s32 @p1 $0x80  }
0xa3: {  	[spmem:s2] =	stream.indirect.scatter.add.f32 @p1 [tilespmem:s13], [sflag:$0x4], $0x1, s12, s21, $0xb8;
	[tilespmem:$0x8F8] =	vst v63  }
0xa4: {  	s12 =	simm.s32 @p1 $0x2  }
0xa5: {  	_ =	swait.ge @p1 [sflag:s12], $0x80  }
0xa6: {  	s13 =	sshrl.u32 @!p1 s7, $0x3;
	[sflag:s12] =	ssyncset.done @p1 $0x0  }
0xa7: {  	[sflag:s12] =	ssyncadd.s32 @p1 $0xFFFFFF80;
	s12 =	sadd.s32 @!p1 s4, s13;
	s13 =	simm.s32 @!p1 $0x0  }
0xa8: {  	[tilespmem:s13], [sflag:$0x7] =	stream.linear.gather @!p1 [hbm4b:s12+s13], $0x80, $0x38;
	[tilespmem:$0x8F8] =	vst v63  }
0xa9: {  	s12 =	simm.s32 @!p1 $0xA  }
0xaa: {  	_ =	swait.ge @!p1 [sflag:s12], $0x80  }
0xab: {  	s5 =	simm.s32 @!p1 $0x380;
	[sflag:s12] =	ssyncset.done @!p1 $0x0  }
0xac: {  	s21 =	simm.s32 @!p1 $0x180;
	[sflag:s12] =	ssyncadd.s32 @!p1 $0xFFFFFF80;
	s12 =	simm.s32 @!p1 $0x80  }
0xad: {  	[spmem:s2] =	stream.indirect.scatter.add.f32 @!p1 [tilespmem:s5], [sflag:$0x4], $0x1, s21, s12, $0xb8;
	[tilespmem:$0x8F8] =	vst v63  }
0xae: {  	s5 =	simm.s32 @!p1 $0x2  }
0xaf: {  	_ =	swait.ge @!p1 [sflag:s5], $0x80  }
0xb0: {  	[sflag:s5] =	ssyncset.done @!p1 $0x0  }
0xb1: {  	[sflag:s5] =	ssyncadd.s32 @!p1 $0xFFFFFF80;
	s5 =	sadd.s32 @!p1 s14, s17  }
0xb2: {  	[tilespmem:s12], [sflag:$0x8] =	stream.linear.gather @!p1 [hbm4b:s5+s13], $0x80, $0x38;
	[tilespmem:$0x8F8] =	vst v63  }
0xb3: {  	_ =	swait.ge [sflag:s8], $0x80  }
0xb4: {  	[sflag:s8] =	ssyncset.done $0x0  }
.Ltmp2:
0xb5: {  	[sflag:s8] =	ssyncadd.s32 $0xFFFFFF80;
	(pc) =	sbr.rel @p1 .LBB2_4-.Ltmp2, $4  }
0xb6: {  	[spmem:s2] =	stream.indirect.scatter.add.f32 [tilespmem:s28], [sflag:$0x5], $0x1, s29, s23, $0xb8;
	[tilespmem:$0x8F8] =	vst v63  }
0xb7: {  	_ =	swait.ge [sflag:s9], $0x80  }
0xb8: {  	[sflag:s9] =	ssyncset.done $0x0  }
0xb9: {  	[sflag:s9] =	ssyncadd.s32 $0xFFFFFF80  }
0xba: {  	s5 =	sadd.s32 s14, s16  }
0xbb: {  	[tilespmem:s24], [sflag:$0x9] =	stream.linear.gather [hbm4b:s5+s3], $0x80, $0x38;
	[tilespmem:$0x8F8] =	vst v63  }
0xbc: {  	_ =	swait.ge [sflag:s10], $0x80  }
0xbd: {  	[sflag:s10] =	ssyncset.done $0x0  }
0xbe: {  	[sflag:s10] =	ssyncadd.s32 $0xFFFFFF80  }
0xbf: {  	[spmem:s2] =	stream.indirect.scatter.add.f32 [tilespmem:s28], [sflag:$0x6], $0x1, s31, s23, $0xb8;
	[tilespmem:$0x8F8] =	vst v63  }
.Ltmp3:
0xc0: {  	_ = 	snop;
	(pc) =	sbr.rel .LBB2_2-.Ltmp3, $4  }
0xc1: {  	_ =	swait.ge [sflag:s11], $0x80  }
0xc2: {  	s21 =	sadd.s32 s14, s15;
	[sflag:s11] =	ssyncset.done $0x0  }
0xc3: {  	s14 =	sadd.s32 $0x60, s14;
	s7 =	sadd.s32 $0x300, s7;
	[sflag:s11] =	ssyncadd.s32 $0xFFFFFF80  }
0xc4: {  	[tilespmem:s25], [sflag:$0xA] =	stream.linear.gather [hbm4b:s21+s3], $0x80, $0x38;
	[tilespmem:$0x8F8] =	vst v63  }
.LBB2_5:
0xc5: {  	_ =	sfence.sel $0x180000  }
0xc6: {  	[bflag:$0x0] =	sbarrier.arrive $0xFFFF  }
0xc7: {  	_ =	strace $0x90000047  }
0xc8: {  	s0 =	stileid.u32;
	[bflag:$0x2] =	sbarrier.arrive $0xFFFF  }
0xc9: {  	p0 =	sne.s32 s0, $0x0;
	s0 =	rddreg [dreg:$0x3]  }
0xca: {  	s0 =	sadd.s32 @!p0 $0x100000, s0  }
0xcb: {  	[sflag:s0] =	ssyncadd.tile.s32 @!p0 $0x1;
	_ =	shalt  }
.Lfunc_end2:
_tile_overlayer_lowered:
.L_overlay_start_2:
0xcc: {  	(tag) =	ssettag $0x2  }
0xcd: {  	s0 =	rddreg [dreg:$0x0];
	s2 =	stileid.u32  }
0xce: {  	s1 =	rddreg [dreg:$0x1];
	p0 =	sne.s32 s2, $0x0  }
0xcf: {  	s3 =	rddreg [dreg:$0x2];
	[bflag:$0x3] =	sbarrier.arrive $0xFFFF;
	s2 =	simm.s32 @!p0 $0x1C0D  }
0xd0: {  	[timem:s3], [sflag:s2] =	dma.local @!p0 [hbm:s0], s1  }
0xd1: {  	s0 =	simm.s32 @!p0 $0xD  }
0xd2: {  	_ =	swait.ge @!p0 [sflag:s0], s1  }
0xd3: {  	s1 =	ssub.s32 @!p0 $0x0, s1;
	[sflag:s0] =	ssyncset.done @!p0 $0x0  }
0xd4: {  	[sflag:s0] =	ssyncadd.s32 @!p0 s1  }
0xd5: {  	[bflag:$0x3] =	sbarrier.arrive $0xFFFF  }
0xd6: {  	_ =	shalt  }

</sc_bundles>
